<compile_context>
chip_gen: v7x
topology: tpu7x:2x2x1
jax: 0.10.2.dev20260603
libtpu: 0.0.44.dev20260713+nightly
codegen_flags: <defaults>
</compile_context>

<pallas_src>
import jax
import jax.numpy as jnp
from jax import lax
from jax.experimental import pallas as pl
from jax.experimental.pallas import tpu as pltpu
from jax.experimental.pallas import tpu_sc as plsc

N_NODE = 16384
N_EDGE = 4096
D = 32
LANES = 128

_NC = 2
_NS = 16
_NW = _NC * _NS

_NODE_PER_W = N_NODE // _NW
_EDGE_PER_W = N_EDGE // _NW


def _slab_gather(idx_v, tabT, rowbuf_v, n, slabs_v, gsem):

    rows = lax.iota(jnp.int32, 16)

    def _fire(vec, l, bank):
        idx = vec[l]
        lane0 = pl.multiple_of((idx >> 7) << 7, LANES)
        pltpu.async_copy(tabT.at[:, pl.ds(lane0, LANES)],
                         slabs_v.at[pl.ds((bank * 4 + l % 4) * D, D)], gsem)

    def _wait_bank(bank):
        for l in range(4):
            pltpu.make_async_copy(
                tabT.at[:, pl.ds(0, LANES)],
                slabs_v.at[pl.ds((bank * 4 + l) * D, D)], gsem).wait()

    def _extract(vec, l, bank, slot):
        base_r = (bank * 4 + l % 4) * D
        c = (rows & 0) + (vec[l] & (LANES - 1))
        lo = plsc.load_gather(slabs_v, [rows + base_r, c])
        hi = plsc.load_gather(slabs_v, [rows + (base_r + 16), c])
        row = rowbuf_v.at[slot]
        row[pl.ds(0, 16)] = lo
        row[pl.ds(16, 16)] = hi

    def _chunk(g, _):
        vec = idx_v[pl.ds(g * 16, 16)]
        for l in range(4):
            _fire(vec, l, 0)
        for l in range(4, 8):
            _fire(vec, l, 1)
        _wait_bank(0)
        for l in range(4):
            _extract(vec, l, 0, g * 16 + l)
        for l in range(8, 12):
            _fire(vec, l, 0)
        _wait_bank(1)
        for l in range(4, 8):
            _extract(vec, l, 1, g * 16 + l)
        for l in range(12, 16):
            _fire(vec, l, 1)
        _wait_bank(0)
        for l in range(8, 12):
            _extract(vec, l, 0, g * 16 + l)
        _wait_bank(1)
        for l in range(12, 16):
            _extract(vec, l, 1, g * 16 + l)
        return _

    lax.fori_loop(0, n // 16, _chunk, 0)


N_HALF = N_NODE // 2
_HALF_PER_W = N_HALF // _NW


def _gather_a_body(node_idx, edge_idx, node_tabT, edge_tabT,
                   node_out, edge_out,
                   nidx_v, eidx_v, nrow_v, erow_v, slabs_v, gsem):
    wid = lax.axis_index("s") * _NC + lax.axis_index("c")
    nbase = wid * _HALF_PER_W
    ebase = wid * _EDGE_PER_W

    pltpu.sync_copy(node_idx.at[pl.ds(nbase, _HALF_PER_W)], nidx_v)
    pltpu.sync_copy(edge_idx.at[pl.ds(ebase, _EDGE_PER_W)], eidx_v)

    _slab_gather(eidx_v, edge_tabT, erow_v, _EDGE_PER_W, slabs_v, gsem)
    pltpu.sync_copy(erow_v, edge_out.at[pl.ds(ebase, _EDGE_PER_W)])

    _slab_gather(nidx_v, node_tabT, nrow_v, _HALF_PER_W, slabs_v, gsem)
    pltpu.sync_copy(nrow_v, node_out.at[pl.ds(nbase, _HALF_PER_W)])


def _gather_b_body(node_idx, node_tabT, node_out,
                   nidx_v, nrow_v, slabs_v, gsem):
    wid = lax.axis_index("s") * _NC + lax.axis_index("c")
    nbase = wid * _HALF_PER_W

    pltpu.sync_copy(node_idx.at[pl.ds(nbase, _HALF_PER_W)], nidx_v)
    _slab_gather(nidx_v, node_tabT, nrow_v, _HALF_PER_W, slabs_v, gsem)
    pltpu.sync_copy(nrow_v, node_out.at[pl.ds(nbase, _HALF_PER_W)])


_gather_a = pl.kernel(
    _gather_a_body,
    out_type=(
        jax.ShapeDtypeStruct((N_HALF, D), jnp.float32),
        jax.ShapeDtypeStruct((N_EDGE, D), jnp.float32),
    ),
    mesh=plsc.VectorSubcoreMesh(core_axis_name="c", subcore_axis_name="s"),
    compiler_params=pltpu.CompilerParams(needs_layout_passes=False),
    scratch_types=[
        pltpu.VMEM((_HALF_PER_W,), jnp.int32),
        pltpu.VMEM((_EDGE_PER_W,), jnp.int32),
        pltpu.VMEM((_HALF_PER_W, D), jnp.float32),
        pltpu.VMEM((_EDGE_PER_W, D), jnp.float32),
        pltpu.VMEM((8 * D, LANES), jnp.float32),
        pltpu.SemaphoreType.DMA,
    ],
)

_gather_b = pl.kernel(
    _gather_b_body,
    out_type=jax.ShapeDtypeStruct((N_HALF, D), jnp.float32),
    mesh=plsc.VectorSubcoreMesh(core_axis_name="c", subcore_axis_name="s"),
    compiler_params=pltpu.CompilerParams(needs_layout_passes=False),
    scratch_types=[
        pltpu.VMEM((_HALF_PER_W,), jnp.int32),
        pltpu.VMEM((_HALF_PER_W, D), jnp.float32),
        pltpu.VMEM((8 * D, LANES), jnp.float32),
        pltpu.SemaphoreType.DMA,
    ],
)


M_BLK = 512


def _mm_body(node_ref, edge_ref, out_ref, j_ref):
    i = pl.program_id(0)
    out_ref[...] = lax.dot_general(
        node_ref[...], edge_ref[...],
        (((1,), (1,)), ((), ())),
        preferred_element_type=jnp.float32,
    )

    @pl.when(i == 0)
    def _():
        j_ref[...] = jnp.sum(edge_ref[...], axis=0, keepdims=True) * (1.0 / N_EDGE)


_matmul_a = pl.pallas_call(
    _mm_body,
    grid=(N_HALF // M_BLK,),
    in_specs=[
        pl.BlockSpec((M_BLK, D), lambda i: (i, 0)),
        pl.BlockSpec((N_EDGE, D), lambda i: (0, 0)),
    ],
    out_specs=[
        pl.BlockSpec((M_BLK, N_EDGE), lambda i: (i, 0)),
        pl.BlockSpec((1, D), lambda i: (0, 0)),
    ],
    out_shape=[
        jax.ShapeDtypeStruct((N_NODE, N_EDGE), jnp.float32),
        jax.ShapeDtypeStruct((1, D), jnp.float32),
    ],
)


def _mm_b_body(node_ref, edge_ref, prev_ref, out_ref):
    out_ref[...] = lax.dot_general(
        node_ref[...], edge_ref[...],
        (((1,), (1,)), ((), ())),
        preferred_element_type=jnp.float32,
    )


_matmul_b = pl.pallas_call(
    _mm_b_body,
    grid=(N_HALF // M_BLK,),
    in_specs=[
        pl.BlockSpec((M_BLK, D), lambda i: (i, 0)),
        pl.BlockSpec((N_EDGE, D), lambda i: (0, 0)),
        pl.BlockSpec(memory_space=pltpu.MemorySpace.HBM),
    ],
    out_specs=pl.BlockSpec((M_BLK, N_EDGE),
                           lambda i: (i + N_HALF // M_BLK, 0)),
    out_shape=jax.ShapeDtypeStruct((N_NODE, N_EDGE), jnp.float32),
    input_output_aliases={2: 0},
)


def kernel(node_labels, hyperedge_labels, embedding, edge_embedding):
    node_tabT = embedding.T
    edge_tabT = edge_embedding.T
    nodes_a, edge_embeds = _gather_a(node_labels[:N_HALF], hyperedge_labels,
                                     node_tabT, edge_tabT)
    nodes_b = _gather_b(node_labels[N_HALF:], node_tabT)
    out1, j2d = _matmul_a(nodes_a, edge_embeds)
    recon_logits = _matmul_b(nodes_b, edge_embeds, out1)
    return recon_logits, j2d.reshape(D)

# --- scband reference (transcript-rebuilt; emitter-appended) ---
"""Pipeline reference for scband-hypergraph-autoencoder-46136538694350 (READ-ONLY COPY).

The authoritative reference and input builder live on the scoring server;
editing this copy changes nothing except your own understanding.
"""

import jax, jax.numpy as jnp
import numpy as np

NUM_NODE_LABELS = 1000000
NUM_EDGE_LABELS = 100000
EMBED_DIM = 32


def setup_inputs(seed: int = 0) -> dict:
    key = jax.random.key(seed)
    k1, k2, k3, k4 = jax.random.split(key, 4)
    node_labels = jax.random.randint(k1, (16384,), 0, NUM_NODE_LABELS, dtype=jnp.int64 if jax.config.jax_enable_x64 else jnp.int32).astype(jnp.int32)
    hyperedge_labels = jax.random.randint(k2, (4096,), 0, NUM_EDGE_LABELS, dtype=jnp.int32)
    embedding = jax.random.normal(k3, (NUM_NODE_LABELS, EMBED_DIM), dtype=jnp.float32)
    edge_embedding = jax.random.normal(k4, (NUM_EDGE_LABELS, EMBED_DIM), dtype=jnp.float32)
    return {
        "node_labels": node_labels,
        "hyperedge_labels": hyperedge_labels,
        "embedding": embedding,
        "edge_embedding": edge_embedding,
    }


def reference(node_labels, hyperedge_labels, embedding, edge_embedding):
    # node_embeds = self.embedding(node_labels)
    node_embeds = jnp.take(embedding, node_labels, axis=0)
    # edge_embeds = self.edge_embedding(hyperedge_labels)
    edge_embeds = jnp.take(edge_embedding, hyperedge_labels, axis=0)
    # edge_rep = edge_embeds.mean(dim=0)
    edge_rep = edge_embeds.mean(axis=0)
    j = edge_rep
    # recon_logits = node_embeds @ edge_embeds.T
    recon_logits = jnp.matmul(node_embeds, edge_embeds.T)
    return (recon_logits, j)

if __name__ == "__main__":
    import jax
    _d = setup_inputs()
    print(jax.jit(kernel)(*tuple(_d.values())))

</pallas_src>

<mosaic_0001>
#map = affine_map<(d0, d1) -> (0)>
#map1 = affine_map<(d0, d1) -> (0, 0)>
module attributes {stable_mosaic.version = 14 : i64} {
  func.func @_gather_a_body(%arg0: i32, %arg1: i32, %arg2: memref<8192xi32, #tpu.memory_space<hbm>>, %arg3: memref<4096xi32, #tpu.memory_space<hbm>>, %arg4: memref<32x1000000xf32, #tpu.memory_space<hbm>>, %arg5: memref<32x100000xf32, #tpu.memory_space<hbm>>, %arg6: memref<8192x32xf32, #tpu.memory_space<hbm>>, %arg7: memref<4096x32xf32, #tpu.memory_space<hbm>>, %arg8: memref<256xi32, #tpu.memory_space<vmem>>, %arg9: memref<128xi32, #tpu.memory_space<vmem>>, %arg10: memref<256x32xf32, #tpu.memory_space<vmem>>, %arg11: memref<128x32xf32, #tpu.memory_space<vmem>>, %arg12: memref<256x128xf32, #tpu.memory_space<vmem>>, %arg13: memref<!tpu.dma_semaphore, #tpu.memory_space<semaphore_mem>>) attributes {dimension_semantics = [#tpu.dimension_semantics<core_parallel>, #tpu.dimension_semantics<subcore_parallel>], iteration_bounds = array<i64: 2, 16>, scalar_prefetch = 0 : i64, scratch_operands = 6 : i64, tpu.core_type = #tpu.core_type<sc_vector_subcore>, window_params = [{transform_indices = #map}, {transform_indices = #map}, {transform_indices = #map1}, {transform_indices = #map1}, {transform_indices = #map1}, {transform_indices = #map1}]} {
    %mul3A = arith.constant 2 : i32
    %mul3A_0 = arith.muli %arg1, %mul3A : i32
    %add3A = arith.addi %mul3A_0, %arg0 : i32
    %mul3A_1 = arith.constant 256 : i32
    %mul3A_2 = arith.muli %add3A, %mul3A_1 : i32
    %mul3A_3 = arith.constant 128 : i32
    %mul3A_4 = arith.muli %add3A, %mul3A_3 : i32
    "tpu.region"() ({
      %run_scoped3A = tpu.sem_alloc : memref<!tpu.dma_semaphore, #tpu.memory_space<semaphore_mem>>
      %dma_start3A = tpu.memref_slice %arg2[%mul3A_2] : memref<8192xi32, #tpu.memory_space<hbm>> -> memref<256xi32, #tpu.memory_space<hbm>>
      %dma_start3A_17 = tpu.memref_slice %arg2[%mul3A_2] : memref<8192xi32, #tpu.memory_space<hbm>> -> memref<256xi32, #tpu.memory_space<hbm>>
      tpu.enqueue_dma source(%dma_start3A_17 : memref<256xi32, #tpu.memory_space<hbm>>) target(%arg8 : memref<256xi32, #tpu.memory_space<vmem>>) target_semaphore(%run_scoped3A : memref<!tpu.dma_semaphore, #tpu.memory_space<semaphore_mem>>)
      %dma_wait3A = tpu.memref_slice %arg2[%mul3A_2] : memref<8192xi32, #tpu.memory_space<hbm>> -> memref<256xi32, #tpu.memory_space<hbm>>
      %dma_wait3A_18 = tpu.memref_slice %arg2[%mul3A_2] : memref<8192xi32, #tpu.memory_space<hbm>> -> memref<256xi32, #tpu.memory_space<hbm>>
      tpu.wait_dma2 semaphore(%run_scoped3A : memref<!tpu.dma_semaphore, #tpu.memory_space<semaphore_mem>>) src(%dma_wait3A_18 : memref<256xi32, #tpu.memory_space<hbm>>) dst(%arg8 : memref<256xi32, #tpu.memory_space<vmem>>)
      tpu.yield
    }) : () -> ()
    "tpu.region"() ({
      %run_scoped3A = tpu.sem_alloc : memref<!tpu.dma_semaphore, #tpu.memory_space<semaphore_mem>>
      %dma_start3A = tpu.memref_slice %arg3[%mul3A_4] : memref<4096xi32, #tpu.memory_space<hbm>> -> memref<128xi32, #tpu.memory_space<hbm>>
      %dma_start3A_17 = tpu.memref_slice %arg3[%mul3A_4] : memref<4096xi32, #tpu.memory_space<hbm>> -> memref<128xi32, #tpu.memory_space<hbm>>
      tpu.enqueue_dma source(%dma_start3A_17 : memref<128xi32, #tpu.memory_space<hbm>>) target(%arg9 : memref<128xi32, #tpu.memory_space<vmem>>) target_semaphore(%run_scoped3A : memref<!tpu.dma_semaphore, #tpu.memory_space<semaphore_mem>>)
      %dma_wait3A = tpu.memref_slice %arg3[%mul3A_4] : memref<4096xi32, #tpu.memory_space<hbm>> -> memref<128xi32, #tpu.memory_space<hbm>>
      %dma_wait3A_18 = tpu.memref_slice %arg3[%mul3A_4] : memref<4096xi32, #tpu.memory_space<hbm>> -> memref<128xi32, #tpu.memory_space<hbm>>
      tpu.wait_dma2 semaphore(%run_scoped3A : memref<!tpu.dma_semaphore, #tpu.memory_space<semaphore_mem>>) src(%dma_wait3A_18 : memref<128xi32, #tpu.memory_space<hbm>>) dst(%arg9 : memref<128xi32, #tpu.memory_space<vmem>>)
      tpu.yield
    }) : () -> ()
    %iota3A = tpu.iota {dimensions = array<i32: 0>} : vector<16xi32>
    %scan3A = arith.constant 0 : i32
    %scan3A_5 = arith.constant 0 : i32
    %scan3A_6 = arith.constant 8 : i32
    %scan3A_7 = arith.addi %scan3A_5, %scan3A_6 : i32
    %scan3A_8 = arith.constant 1 : i32
    scf.for %scan3A_17 = %scan3A_5 to %scan3A_7 step %scan3A_8  : i32 {
      %mul3A_18 = arith.constant 16 : i32
      %mul3A_19 = arith.muli %scan3A_17, %mul3A_18 : i32
      %get3A = arith.index_cast %mul3A_19 : i32 to index
      %get3A_20 = tpu.vector_load %arg9[%get3A] {strides = array<i32>} : memref<128xi32, #tpu.memory_space<vmem>>, vector<16xi32>,
      %slice3A = vector.extract_strided_slice %get3A_20 {offsets = [0], sizes = [1], strides = [1]} : vector<16xi32> to vector<1xi32>
      %squeeze3A = vector.extract %slice3A[0] : i32 from vector<1xi32>
      %shift_right_arithmetic3A = arith.constant 7 : i32
      %shift_right_arithmetic3A_21 = arith.shrsi %squeeze3A, %shift_right_arithmetic3A : i32
      %shift_left3A = arith.constant 7 : i32
      %shift_left3A_22 = arith.shli %shift_right_arithmetic3A_21, %shift_left3A : i32
      %multiple_of3A = tpu.assume_multiple %shift_left3A_22, 128 : i32
      %dma_start3A = arith.constant 0 : i32
      %dma_start3A_23 = arith.constant 0 : i32
      %dma_start3A_24 = tpu.memref_slice %arg12[%dma_start3A, %dma_start3A_23] : memref<256x128xf32, #tpu.memory_space<vmem>> -> memref<32x128xf32, #tpu.memory_space<vmem>>
      %dma_start3A_25 = arith.constant 0 : i32
      %dma_start3A_26 = tpu.memref_slice %arg5[%dma_start3A_25, %multiple_of3A] : memref<32x100000xf32, #tpu.memory_space<hbm>> -> memref<32x128xf32, #tpu.memory_space<hbm>>
      %dma_start3A_27 = arith.constant 0 : i32
      %dma_start3A_28 = arith.constant 0 : i32
      %dma_start3A_29 = tpu.memref_slice %arg12[%dma_start3A_27, %dma_start3A_28] : memref<256x128xf32, #tpu.memory_space<vmem>> -> memref<32x128xf32, #tpu.memory_space<vmem>>
      %dma_start3A_30 = arith.constant 0 : i32
      %dma_start3A_31 = tpu.memref_slice %arg5[%dma_start3A_30, %multiple_of3A] : memref<32x100000xf32, #tpu.memory_space<hbm>> -> memref<32x128xf32, #tpu.memory_space<hbm>>
      tpu.enqueue_dma source(%dma_start3A_31 : memref<32x128xf32, #tpu.memory_space<hbm>>) target(%dma_start3A_29 : memref<32x128xf32, #tpu.memory_space<vmem>>) target_semaphore(%arg13 : memref<!tpu.dma_semaphore, #tpu.memory_space<semaphore_mem>>)
      %slice3A_32 = vector.extract_strided_slice %get3A_20 {offsets = [1], sizes = [1], strides = [1]} : vector<16xi32> to vector<1xi32>
      %squeeze3A_33 = vector.extract %slice3A_32[0] : i32 from vector<1xi32>
      %shift_right_arithmetic3A_34 = arith.constant 7 : i32
      %shift_right_arithmetic3A_35 = arith.shrsi %squeeze3A_33, %shift_right_arithmetic3A_34 : i32
      %shift_left3A_36 = arith.constant 7 : i32
      %shift_left3A_37 = arith.shli %shift_right_arithmetic3A_35, %shift_left3A_36 : i32
      %multiple_of3A_38 = tpu.assume_multiple %shift_left3A_37, 128 : i32
      %dma_start3A_39 = arith.constant 32 : i32
      %dma_start3A_40 = arith.constant 0 : i32
      %dma_start3A_41 = tpu.memref_slice %arg12[%dma_start3A_39, %dma_start3A_40] : memref<256x128xf32, #tpu.memory_space<vmem>> -> memref<32x128xf32, #tpu.memory_space<vmem>>
      %dma_start3A_42 = arith.constant 0 : i32
      %dma_start3A_43 = tpu.memref_slice %arg5[%dma_start3A_42, %multiple_of3A_38] : memref<32x100000xf32, #tpu.memory_space<hbm>> -> memref<32x128xf32, #tpu.memory_space<hbm>>
      %dma_start3A_44 = arith.constant 32 : i32
      %dma_start3A_45 = arith.constant 0 : i32
      %dma_start3A_46 = tpu.memref_slice %arg12[%dma_start3A_44, %dma_start3A_45] : memref<256x128xf32, #tpu.memory_space<vmem>> -> memref<32x128xf32, #tpu.memory_space<vmem>>
      %dma_start3A_47 = arith.constant 0 : i32
      %dma_start3A_48 = tpu.memref_slice %arg5[%dma_start3A_47, %multiple_of3A_38] : memref<32x100000xf32, #tpu.memory_space<hbm>> -> memref<32x128xf32, #tpu.memory_space<hbm>>
      tpu.enqueue_dma source(%dma_start3A_48 : memref<32x128xf32, #tpu.memory_space<hbm>>) target(%dma_start3A_46 : memref<32x128xf32, #tpu.memory_space<vmem>>) target_semaphore(%arg13 : memref<!tpu.dma_semaphore, #tpu.memory_space<semaphore_mem>>)
      %slice3A_49 = vector.extract_strided_slice %get3A_20 {offsets = [2], sizes = [1], strides = [1]} : vector<16xi32> to vector<1xi32>
      %squeeze3A_50 = vector.extract %slice3A_49[0] : i32 from vector<1xi32>
      %shift_right_arithmetic3A_51 = arith.constant 7 : i32
      %shift_right_arithmetic3A_52 = arith.shrsi %squeeze3A_50, %shift_right_arithmetic3A_51 : i32
      %shift_left3A_53 = arith.constant 7 : i32
      %shift_left3A_54 = arith.shli %shift_right_arithmetic3A_52, %shift_left3A_53 : i32
      %multiple_of3A_55 = tpu.assume_multiple %shift_left3A_54, 128 : i32
      %dma_start3A_56 = arith.constant 64 : i32
      %dma_start3A_57 = arith.constant 0 : i32
      %dma_start3A_58 = tpu.memref_slice %arg12[%dma_start3A_56, %dma_start3A_57] : memref<256x128xf32, #tpu.memory_space<vmem>> -> memref<32x128xf32, #tpu.memory_space<vmem>>
      %dma_start3A_59 = arith.constant 0 : i32
      %dma_start3A_60 = tpu.memref_slice %arg5[%dma_start3A_59, %multiple_of3A_55] : memref<32x100000xf32, #tpu.memory_space<hbm>> -> memref<32x128xf32, #tpu.memory_space<hbm>>
      %dma_start3A_61 = arith.constant 64 : i32
      %dma_start3A_62 = arith.constant 0 : i32
      %dma_start3A_63 = tpu.memref_slice %arg12[%dma_start3A_61, %dma_start3A_62] : memref<256x128xf32, #tpu.memory_space<vmem>> -> memref<32x128xf32, #tpu.memory_space<vmem>>
      %dma_start3A_64 = arith.constant 0 : i32
      %dma_start3A_65 = tpu.memref_slice %arg5[%dma_start3A_64, %multiple_of3A_55] : memref<32x100000xf32, #tpu.memory_space<hbm>> -> memref<32x128xf32, #tpu.memory_space<hbm>>
      tpu.enqueue_dma source(%dma_start3A_65 : memref<32x128xf32, #tpu.memory_space<hbm>>) target(%dma_start3A_63 : memref<32x128xf32, #tpu.memory_space<vmem>>) target_semaphore(%arg13 : memref<!tpu.dma_semaphore, #tpu.memory_space<semaphore_mem>>)
      %slice3A_66 = vector.extract_strided_slice %get3A_20 {offsets = [3], sizes = [1], strides = [1]} : vector<16xi32> to vector<1xi32>
      %squeeze3A_67 = vector.extract %slice3A_66[0] : i32 from vector<1xi32>
      %shift_right_arithmetic3A_68 = arith.constant 7 : i32
      %shift_right_arithmetic3A_69 = arith.shrsi %squeeze3A_67, %shift_right_arithmetic3A_68 : i32
      %shift_left3A_70 = arith.constant 7 : i32
      %shift_left3A_71 = arith.shli %shift_right_arithmetic3A_69, %shift_left3A_70 : i32
      %multiple_of3A_72 = tpu.assume_multiple %shift_left3A_71, 128 : i32
      %dma_start3A_73 = arith.constant 96 : i32
      %dma_start3A_74 = arith.constant 0 : i32
      %dma_start3A_75 = tpu.memref_slice %arg12[%dma_start3A_73, %dma_start3A_74] : memref<256x128xf32, #tpu.memory_space<vmem>> -> memref<32x128xf32, #tpu.memory_space<vmem>>
      %dma_start3A_76 = arith.constant 0 : i32
      %dma_start3A_77 = tpu.memref_slice %arg5[%dma_start3A_76, %multiple_of3A_72] : memref<32x100000xf32, #tpu.memory_space<hbm>> -> memref<32x128xf32, #tpu.memory_space<hbm>>
      %dma_start3A_78 = arith.constant 96 : i32
      %dma_start3A_79 = arith.constant 0 : i32
      %dma_start3A_80 = tpu.memref_slice %arg12[%dma_start3A_78, %dma_start3A_79] : memref<256x128xf32, #tpu.memory_space<vmem>> -> memref<32x128xf32, #tpu.memory_space<vmem>>
      %dma_start3A_81 = arith.constant 0 : i32
      %dma_start3A_82 = tpu.memref_slice %arg5[%dma_start3A_81, %multiple_of3A_72] : memref<32x100000xf32, #tpu.memory_space<hbm>> -> memref<32x128xf32, #tpu.memory_space<hbm>>
      tpu.enqueue_dma source(%dma_start3A_82 : memref<32x128xf32, #tpu.memory_space<hbm>>) target(%dma_start3A_80 : memref<32x128xf32, #tpu.memory_space<vmem>>) target_semaphore(%arg13 : memref<!tpu.dma_semaphore, #tpu.memory_space<semaphore_mem>>)
      %slice3A_83 = vector.extract_strided_slice %get3A_20 {offsets = [4], sizes = [1], strides = [1]} : vector<16xi32> to vector<1xi32>
      %squeeze3A_84 = vector.extract %slice3A_83[0] : i32 from vector<1xi32>
      %shift_right_arithmetic3A_85 = arith.constant 7 : i32
      %shift_right_arithmetic3A_86 = arith.shrsi %squeeze3A_84, %shift_right_arithmetic3A_85 : i32
      %shift_left3A_87 = arith.constant 7 : i32
      %shift_left3A_88 = arith.shli %shift_right_arithmetic3A_86, %shift_left3A_87 : i32
      %multiple_of3A_89 = tpu.assume_multiple %shift_left3A_88, 128 : i32
      %dma_start3A_90 = arith.constant 128 : i32
      %dma_start3A_91 = arith.constant 0 : i32
      %dma_start3A_92 = tpu.memref_slice %arg12[%dma_start3A_90, %dma_start3A_91] : memref<256x128xf32, #tpu.memory_space<vmem>> -> memref<32x128xf32, #tpu.memory_space<vmem>>
      %dma_start3A_93 = arith.constant 0 : i32
      %dma_start3A_94 = tpu.memref_slice %arg5[%dma_start3A_93, %multiple_of3A_89] : memref<32x100000xf32, #tpu.memory_space<hbm>> -> memref<32x128xf32, #tpu.memory_space<hbm>>
      %dma_start3A_95 = arith.constant 128 : i32
      %dma_start3A_96 = arith.constant 0 : i32
      %dma_start3A_97 = tpu.memref_slice %arg12[%dma_start3A_95, %dma_start3A_96] : memref<256x128xf32, #tpu.memory_space<vmem>> -> memref<32x128xf32, #tpu.memory_space<vmem>>
      %dma_start3A_98 = arith.constant 0 : i32
      %dma_start3A_99 = tpu.memref_slice %arg5[%dma_start3A_98, %multiple_of3A_89] : memref<32x100000xf32, #tpu.memory_space<hbm>> -> memref<32x128xf32, #tpu.memory_space<hbm>>
      tpu.enqueue_dma source(%dma_start3A_99 : memref<32x128xf32, #tpu.memory_space<hbm>>) target(%dma_start3A_97 : memref<32x128xf32, #tpu.memory_space<vmem>>) target_semaphore(%arg13 : memref<!tpu.dma_semaphore, #tpu.memory_space<semaphore_mem>>)
      %slice3A_100 = vector.extract_strided_slice %get3A_20 {offsets = [5], sizes = [1], strides = [1]} : vector<16xi32> to vector<1xi32>
      %squeeze3A_101 = vector.extract %slice3A_100[0] : i32 from vector<1xi32>
      %shift_right_arithmetic3A_102 = arith.constant 7 : i32
      %shift_right_arithmetic3A_103 = arith.shrsi %squeeze3A_101, %shift_right_arithmetic3A_102 : i32
      %shift_left3A_104 = arith.constant 7 : i32
      %shift_left3A_105 = arith.shli %shift_right_arithmetic3A_103, %shift_left3A_104 : i32
      %multiple_of3A_106 = tpu.assume_multiple %shift_left3A_105, 128 : i32
      %dma_start3A_107 = arith.constant 160 : i32
      %dma_start3A_108 = arith.constant 0 : i32
      %dma_start3A_109 = tpu.memref_slice %arg12[%dma_start3A_107, %dma_start3A_108] : memref<256x128xf32, #tpu.memory_space<vmem>> -> memref<32x128xf32, #tpu.memory_space<vmem>>
      %dma_start3A_110 = arith.constant 0 : i32
      %dma_start3A_111 = tpu.memref_slice %arg5[%dma_start3A_110, %multiple_of3A_106] : memref<32x100000xf32, #tpu.memory_space<hbm>> -> memref<32x128xf32, #tpu.memory_space<hbm>>
      %dma_start3A_112 = arith.constant 160 : i32
      %dma_start3A_113 = arith.constant 0 : i32
      %dma_start3A_114 = tpu.memref_slice %arg12[%dma_start3A_112, %dma_start3A_113] : memref<256x128xf32, #tpu.memory_space<vmem>> -> memref<32x128xf32, #tpu.memory_space<vmem>>
      %dma_start3A_115 = arith.constant 0 : i32
      %dma_start3A_116 = tpu.memref_slice %arg5[%dma_start3A_115, %multiple_of3A_106] : memref<32x100000xf32, #tpu.memory_space<hbm>> -> memref<32x128xf32, #tpu.memory_space<hbm>>
      tpu.enqueue_dma source(%dma_start3A_116 : memref<32x128xf32, #tpu.memory_space<hbm>>) target(%dma_start3A_114 : memref<32x128xf32, #tpu.memory_space<vmem>>) target_semaphore(%arg13 : memref<!tpu.dma_semaphore, #tpu.memory_space<semaphore_mem>>)
      %slice3A_117 = vector.extract_strided_slice %get3A_20 {offsets = [6], sizes = [1], strides = [1]} : vector<16xi32> to vector<1xi32>
      %squeeze3A_118 = vector.extract %slice3A_117[0] : i32 from vector<1xi32>
      %shift_right_arithmetic3A_119 = arith.constant 7 : i32
      %shift_right_arithmetic3A_120 = arith.shrsi %squeeze3A_118, %shift_right_arithmetic3A_119 : i32
      %shift_left3A_121 = arith.constant 7 : i32
      %shift_left3A_122 = arith.shli %shift_right_arithmetic3A_120, %shift_left3A_121 : i32
      %multiple_of3A_123 = tpu.assume_multiple %shift_left3A_122, 128 : i32
      %dma_start3A_124 = arith.constant 192 : i32
      %dma_start3A_125 = arith.constant 0 : i32
      %dma_start3A_126 = tpu.memref_slice %arg12[%dma_start3A_124, %dma_start3A_125] : memref<256x128xf32, #tpu.memory_space<vmem>> -> memref<32x128xf32, #tpu.memory_space<vmem>>
      %dma_start3A_127 = arith.constant 0 : i32
      %dma_start3A_128 = tpu.memref_slice %arg5[%dma_start3A_127, %multiple_of3A_123] : memref<32x100000xf32, #tpu.memory_space<hbm>> -> memref<32x128xf32, #tpu.memory_space<hbm>>
      %dma_start3A_129 = arith.constant 192 : i32
      %dma_start3A_130 = arith.constant 0 : i32
      %dma_start3A_131 = tpu.memref_slice %arg12[%dma_start3A_129, %dma_start3A_130] : memref<256x128xf32, #tpu.memory_space<vmem>> -> memref<32x128xf32, #tpu.memory_space<vmem>>
      %dma_start3A_132 = arith.constant 0 : i32
      %dma_start3A_133 = tpu.memref_slice %arg5[%dma_start3A_132, %multiple_of3A_123] : memref<32x100000xf32, #tpu.memory_space<hbm>> -> memref<32x128xf32, #tpu.memory_space<hbm>>
      tpu.enqueue_dma source(%dma_start3A_133 : memref<32x128xf32, #tpu.memory_space<hbm>>) target(%dma_start3A_131 : memref<32x128xf32, #tpu.memory_space<vmem>>) target_semaphore(%arg13 : memref<!tpu.dma_semaphore, #tpu.memory_space<semaphore_mem>>)
      %slice3A_134 = vector.extract_strided_slice %get3A_20 {offsets = [7], sizes = [1], strides = [1]} : vector<16xi32> to vector<1xi32>
      %squeeze3A_135 = vector.extract %slice3A_134[0] : i32 from vector<1xi32>
      %shift_right_arithmetic3A_136 = arith.constant 7 : i32
      %shift_right_arithmetic3A_137 = arith.shrsi %squeeze3A_135, %shift_right_arithmetic3A_136 : i32
      %shift_left3A_138 = arith.constant 7 : i32
      %shift_left3A_139 = arith.shli %shift_right_arithmetic3A_137, %shift_left3A_138 : i32
      %multiple_of3A_140 = tpu.assume_multiple %shift_left3A_139, 128 : i32
      %dma_start3A_141 = arith.constant 224 : i32
      %dma_start3A_142 = arith.constant 0 : i32
      %dma_start3A_143 = tpu.memref_slice %arg12[%dma_start3A_141, %dma_start3A_142] : memref<256x128xf32, #tpu.memory_space<vmem>> -> memref<32x128xf32, #tpu.memory_space<vmem>>
      %dma_start3A_144 = arith.constant 0 : i32
      %dma_start3A_145 = tpu.memref_slice %arg5[%dma_start3A_144, %multiple_of3A_140] : memref<32x100000xf32, #tpu.memory_space<hbm>> -> memref<32x128xf32, #tpu.memory_space<hbm>>
      %dma_start3A_146 = arith.constant 224 : i32
      %dma_start3A_147 = arith.constant 0 : i32
      %dma_start3A_148 = tpu.memref_slice %arg12[%dma_start3A_146, %dma_start3A_147] : memref<256x128xf32, #tpu.memory_space<vmem>> -> memref<32x128xf32, #tpu.memory_space<vmem>>
      %dma_start3A_149 = arith.constant 0 : i32
      %dma_start3A_150 = tpu.memref_slice %arg5[%dma_start3A_149, %multiple_of3A_140] : memref<32x100000xf32, #tpu.memory_space<hbm>> -> memref<32x128xf32, #tpu.memory_space<hbm>>
      tpu.enqueue_dma source(%dma_start3A_150 : memref<32x128xf32, #tpu.memory_space<hbm>>) target(%dma_start3A_148 : memref<32x128xf32, #tpu.memory_space<vmem>>) target_semaphore(%arg13 : memref<!tpu.dma_semaphore, #tpu.memory_space<semaphore_mem>>)
      %dma_wait3A = arith.constant 0 : i32
      %dma_wait3A_151 = arith.constant 0 : i32
      %dma_wait3A_152 = tpu.memref_slice %arg12[%dma_wait3A, %dma_wait3A_151] : memref<256x128xf32, #tpu.memory_space<vmem>> -> memref<32x128xf32, #tpu.memory_space<vmem>>
      %dma_wait3A_153 = arith.constant 0 : i32
      %dma_wait3A_154 = arith.constant 0 : i32
      %dma_wait3A_155 = tpu.memref_slice %arg5[%dma_wait3A_153, %dma_wait3A_154] : memref<32x100000xf32, #tpu.memory_space<hbm>> -> memref<32x128xf32, #tpu.memory_space<hbm>>
      %dma_wait3A_156 = arith.constant 0 : i32
      %dma_wait3A_157 = arith.constant 0 : i32
      %dma_wait3A_158 = tpu.memref_slice %arg12[%dma_wait3A_156, %dma_wait3A_157] : memref<256x128xf32, #tpu.memory_space<vmem>> -> memref<32x128xf32, #tpu.memory_space<vmem>>
      %dma_wait3A_159 = arith.constant 0 : i32
      %dma_wait3A_160 = arith.constant 0 : i32
      %dma_wait3A_161 = tpu.memref_slice %arg5[%dma_wait3A_159, %dma_wait3A_160] : memref<32x100000xf32, #tpu.memory_space<hbm>> -> memref<32x128xf32, #tpu.memory_space<hbm>>
      tpu.wait_dma2 semaphore(%arg13 : memref<!tpu.dma_semaphore, #tpu.memory_space<semaphore_mem>>) src(%dma_wait3A_161 : memref<32x128xf32, #tpu.memory_space<hbm>>) dst(%dma_wait3A_158 : memref<32x128xf32, #tpu.memory_space<vmem>>)
      %dma_wait3A_162 = arith.constant 32 : i32
      %dma_wait3A_163 = arith.constant 0 : i32
      %dma_wait3A_164 = tpu.memref_slice %arg12[%dma_wait3A_162, %dma_wait3A_163] : memref<256x128xf32, #tpu.memory_space<vmem>> -> memref<32x128xf32, #tpu.memory_space<vmem>>
      %dma_wait3A_165 = arith.constant 0 : i32
      %dma_wait3A_166 = arith.constant 0 : i32
      %dma_wait3A_167 = tpu.memref_slice %arg5[%dma_wait3A_165, %dma_wait3A_166] : memref<32x100000xf32, #tpu.memory_space<hbm>> -> memref<32x128xf32, #tpu.memory_space<hbm>>
      %dma_wait3A_168 = arith.constant 32 : i32
      %dma_wait3A_169 = arith.constant 0 : i32
      %dma_wait3A_170 = tpu.memref_slice %arg12[%dma_wait3A_168, %dma_wait3A_169] : memref<256x128xf32, #tpu.memory_space<vmem>> -> memref<32x128xf32, #tpu.memory_space<vmem>>
      %dma_wait3A_171 = arith.constant 0 : i32
      %dma_wait3A_172 = arith.constant 0 : i32
      %dma_wait3A_173 = tpu.memref_slice %arg5[%dma_wait3A_171, %dma_wait3A_172] : memref<32x100000xf32, #tpu.memory_space<hbm>> -> memref<32x128xf32, #tpu.memory_space<hbm>>
      tpu.wait_dma2 semaphore(%arg13 : memref<!tpu.dma_semaphore, #tpu.memory_space<semaphore_mem>>) src(%dma_wait3A_173 : memref<32x128xf32, #tpu.memory_space<hbm>>) dst(%dma_wait3A_170 : memref<32x128xf32, #tpu.memory_space<vmem>>)
      %dma_wait3A_174 = arith.constant 64 : i32
      %dma_wait3A_175 = arith.constant 0 : i32
      %dma_wait3A_176 = tpu.memref_slice %arg12[%dma_wait3A_174, %dma_wait3A_175] : memref<256x128xf32, #tpu.memory_space<vmem>> -> memref<32x128xf32, #tpu.memory_space<vmem>>
      %dma_wait3A_177 = arith.constant 0 : i32
      %dma_wait3A_178 = arith.constant 0 : i32
      %dma_wait3A_179 = tpu.memref_slice %arg5[%dma_wait3A_177, %dma_wait3A_178] : memref<32x100000xf32, #tpu.memory_space<hbm>> -> memref<32x128xf32, #tpu.memory_space<hbm>>
      %dma_wait3A_180 = arith.constant 64 : i32
      %dma_wait3A_181 = arith.constant 0 : i32
      %dma_wait3A_182 = tpu.memref_slice %arg12[%dma_wait3A_180, %dma_wait3A_181] : memref<256x128xf32, #tpu.memory_space<vmem>> -> memref<32x128xf32, #tpu.memory_space<vmem>>
      %dma_wait3A_183 = arith.constant 0 : i32
      %dma_wait3A_184 = arith.constant 0 : i32
      %dma_wait3A_185 = tpu.memref_slice %arg5[%dma_wait3A_183, %dma_wait3A_184] : memref<32x100000xf32, #tpu.memory_space<hbm>> -> memref<32x128xf32, #tpu.memory_space<hbm>>
      tpu.wait_dma2 semaphore(%arg13 : memref<!tpu.dma_semaphore, #tpu.memory_space<semaphore_mem>>) src(%dma_wait3A_185 : memref<32x128xf32, #tpu.memory_space<hbm>>) dst(%dma_wait3A_182 : memref<32x128xf32, #tpu.memory_space<vmem>>)
      %dma_wait3A_186 = arith.constant 96 : i32
      %dma_wait3A_187 = arith.constant 0 : i32
      %dma_wait3A_188 = tpu.memref_slice %arg12[%dma_wait3A_186, %dma_wait3A_187] : memref<256x128xf32, #tpu.memory_space<vmem>> -> memref<32x128xf32, #tpu.memory_space<vmem>>
      %dma_wait3A_189 = arith.constant 0 : i32
      %dma_wait3A_190 = arith.constant 0 : i32
      %dma_wait3A_191 = tpu.memref_slice %arg5[%dma_wait3A_189, %dma_wait3A_190] : memref<32x100000xf32, #tpu.memory_space<hbm>> -> memref<32x128xf32, #tpu.memory_space<hbm>>
      %dma_wait3A_192 = arith.constant 96 : i32
      %dma_wait3A_193 = arith.constant 0 : i32
      %dma_wait3A_194 = tpu.memref_slice %arg12[%dma_wait3A_192, %dma_wait3A_193] : memref<256x128xf32, #tpu.memory_space<vmem>> -> memref<32x128xf32, #tpu.memory_space<vmem>>
      %dma_wait3A_195 = arith.constant 0 : i32
      %dma_wait3A_196 = arith.constant 0 : i32
      %dma_wait3A_197 = tpu.memref_slice %arg5[%dma_wait3A_195, %dma_wait3A_196] : memref<32x100000xf32, #tpu.memory_space<hbm>> -> memref<32x128xf32, #tpu.memory_space<hbm>>
      tpu.wait_dma2 semaphore(%arg13 : memref<!tpu.dma_semaphore, #tpu.memory_space<semaphore_mem>>) src(%dma_wait3A_197 : memref<32x128xf32, #tpu.memory_space<hbm>>) dst(%dma_wait3A_194 : memref<32x128xf32, #tpu.memory_space<vmem>>)
      %mul3A_198 = arith.constant 16 : i32
      %mul3A_199 = arith.muli %scan3A_17, %mul3A_198 : i32
      %add3A_200 = arith.constant 0 : i32
      %add3A_201 = arith.addi %mul3A_199, %add3A_200 : i32
      %and3A = arith.constant 0 : i32
      %and3A_202 = vector.broadcast %and3A : i32 to vector<16xi32>
      %and3A_203 = arith.andi %iota3A, %and3A_202 : vector<16xi32>
      %slice3A_204 = vector.extract_strided_slice %get3A_20 {offsets = [0], sizes = [1], strides = [1]} : vector<16xi32> to vector<1xi32>
      %squeeze3A_205 = vector.extract %slice3A_204[0] : i32 from vector<1xi32>
      %and3A_206 = arith.constant 127 : i32
      %and3A_207 = arith.andi %squeeze3A_205, %and3A_206 : i32
      %add3A_208 = vector.broadcast %and3A_207 : i32 to vector<16xi32>
      %add3A_209 = arith.addi %and3A_203, %add3A_208 : vector<16xi32>
      %add3A_210 = arith.constant 0 : i32
      %add3A_211 = vector.broadcast %add3A_210 : i32 to vector<16xi32>
      %add3A_212 = arith.addi %iota3A, %add3A_211 : vector<16xi32>
      %gather3A = tpu.vector_load_idx %arg12[%add3A_212, %add3A_209] : memref<256x128xf32, #tpu.memory_space<vmem>>[vector<16xi32>, vector<16xi32>], vector<16xf32>,
      %add3A_213 = arith.constant 16 : i32
      %add3A_214 = vector.broadcast %add3A_213 : i32 to vector<16xi32>
      %add3A_215 = arith.addi %iota3A, %add3A_214 : vector<16xi32>
      %gather3A_216 = tpu.vector_load_idx %arg12[%add3A_215, %add3A_209] : memref<256x128xf32, #tpu.memory_space<vmem>>[vector<16xi32>, vector<16xi32>], vector<16xf32>,
      %swap3A = arith.constant 0 : i32
      %swap3A_217 = tpu.memref_slice %arg11[%add3A_201, %swap3A] : memref<128x32xf32, #tpu.memory_space<vmem>> -> memref<1x32xf32, #tpu.memory_space<vmem>>
      %swap3A_218 = tpu.memref_squeeze %swap3A_217 : memref<1x32xf32, #tpu.memory_space<vmem>> -> memref<32xf32, #tpu.memory_space<vmem>>
      %swap3A_219 = arith.constant 0 : index
      %swap3A_220 = tpu.vector_load %swap3A_218[%swap3A_219] {strides = array<i32>} : memref<32xf32, #tpu.memory_space<vmem>>, vector<16xf32>,
      tpu.vector_store %swap3A_218[%swap3A_219], %gather3A {strides = array<i32>} : memref<32xf32, #tpu.memory_space<vmem>>, vector<16xf32>,
      %swap3A_221 = arith.constant 0 : i32
      %swap3A_222 = tpu.memref_slice %arg11[%add3A_201, %swap3A_221] : memref<128x32xf32, #tpu.memory_space<vmem>> -> memref<1x32xf32, #tpu.memory_space<vmem>>
      %swap3A_223 = tpu.memref_squeeze %swap3A_222 : memref<1x32xf32, #tpu.memory_space<vmem>> -> memref<32xf32, #tpu.memory_space<vmem>>
      %swap3A_224 = arith.constant 16 : index
      %swap3A_225 = tpu.vector_load %swap3A_223[%swap3A_224] {strides = array<i32>} : memref<32xf32, #tpu.memory_space<vmem>>, vector<16xf32>,
      tpu.vector_store %swap3A_223[%swap3A_224], %gather3A_216 {strides = array<i32>} : memref<32xf32, #tpu.memory_space<vmem>>, vector<16xf32>,
      %mul3A_226 = arith.constant 16 : i32
      %mul3A_227 = arith.muli %scan3A_17, %mul3A_226 : i32
      %add3A_228 = arith.constant 1 : i32
      %add3A_229 = arith.addi %mul3A_227, %add3A_228 : i32
      %and3A_230 = arith.constant 0 : i32
      %and3A_231 = vector.broadcast %and3A_230 : i32 to vector<16xi32>
      %and3A_232 = arith.andi %iota3A, %and3A_231 : vector<16xi32>
      %slice3A_233 = vector.extract_strided_slice %get3A_20 {offsets = [1], sizes = [1], strides = [1]} : vector<16xi32> to vector<1xi32>
      %squeeze3A_234 = vector.extract %slice3A_233[0] : i32 from vector<1xi32>
      %and3A_235 = arith.constant 127 : i32
      %and3A_236 = arith.andi %squeeze3A_234, %and3A_235 : i32
      %add3A_237 = vector.broadcast %and3A_236 : i32 to vector<16xi32>
      %add3A_238 = arith.addi %and3A_232, %add3A_237 : vector<16xi32>
      %add3A_239 = arith.constant 32 : i32
      %add3A_240 = vector.broadcast %add3A_239 : i32 to vector<16xi32>
      %add3A_241 = arith.addi %iota3A, %add3A_240 : vector<16xi32>
      %gather3A_242 = tpu.vector_load_idx %arg12[%add3A_241, %add3A_238] : memref<256x128xf32, #tpu.memory_space<vmem>>[vector<16xi32>, vector<16xi32>], vector<16xf32>,
      %add3A_243 = arith.constant 48 : i32
      %add3A_244 = vector.broadcast %add3A_243 : i32 to vector<16xi32>
      %add3A_245 = arith.addi %iota3A, %add3A_244 : vector<16xi32>
      %gather3A_246 = tpu.vector_load_idx %arg12[%add3A_245, %add3A_238] : memref<256x128xf32, #tpu.memory_space<vmem>>[vector<16xi32>, vector<16xi32>], vector<16xf32>,
      %swap3A_247 = arith.constant 0 : i32
      %swap3A_248 = tpu.memref_slice %arg11[%add3A_229, %swap3A_247] : memref<128x32xf32, #tpu.memory_space<vmem>> -> memref<1x32xf32, #tpu.memory_space<vmem>>
      %swap3A_249 = tpu.memref_squeeze %swap3A_248 : memref<1x32xf32, #tpu.memory_space<vmem>> -> memref<32xf32, #tpu.memory_space<vmem>>
      %swap3A_250 = arith.constant 0 : index
      %swap3A_251 = tpu.vector_load %swap3A_249[%swap3A_250] {strides = array<i32>} : memref<32xf32, #tpu.memory_space<vmem>>, vector<16xf32>,
      tpu.vector_store %swap3A_249[%swap3A_250], %gather3A_242 {strides = array<i32>} : memref<32xf32, #tpu.memory_space<vmem>>, vector<16xf32>,
      %swap3A_252 = arith.constant 0 : i32
      %swap3A_253 = tpu.memref_slice %arg11[%add3A_229, %swap3A_252] : memref<128x32xf32, #tpu.memory_space<vmem>> -> memref<1x32xf32, #tpu.memory_space<vmem>>
      %swap3A_254 = tpu.memref_squeeze %swap3A_253 : memref<1x32xf32, #tpu.memory_space<vmem>> -> memref<32xf32, #tpu.memory_space<vmem>>
      %swap3A_255 = arith.constant 16 : index
      %swap3A_256 = tpu.vector_load %swap3A_254[%swap3A_255] {strides = array<i32>} : memref<32xf32, #tpu.memory_space<vmem>>, vector<16xf32>,
      tpu.vector_store %swap3A_254[%swap3A_255], %gather3A_246 {strides = array<i32>} : memref<32xf32, #tpu.memory_space<vmem>>, vector<16xf32>,
      %mul3A_257 = arith.constant 16 : i32
      %mul3A_258 = arith.muli %scan3A_17, %mul3A_257 : i32
      %add3A_259 = arith.constant 2 : i32
      %add3A_260 = arith.addi %mul3A_258, %add3A_259 : i32
      %and3A_261 = arith.constant 0 : i32
      %and3A_262 = vector.broadcast %and3A_261 : i32 to vector<16xi32>
      %and3A_263 = arith.andi %iota3A, %and3A_262 : vector<16xi32>
      %slice3A_264 = vector.extract_strided_slice %get3A_20 {offsets = [2], sizes = [1], strides = [1]} : vector<16xi32> to vector<1xi32>
      %squeeze3A_265 = vector.extract %slice3A_264[0] : i32 from vector<1xi32>
      %and3A_266 = arith.constant 127 : i32
      %and3A_267 = arith.andi %squeeze3A_265, %and3A_266 : i32
      %add3A_268 = vector.broadcast %and3A_267 : i32 to vector<16xi32>
      %add3A_269 = arith.addi %and3A_263, %add3A_268 : vector<16xi32>
      %add3A_270 = arith.constant 64 : i32
      %add3A_271 = vector.broadcast %add3A_270 : i32 to vector<16xi32>
      %add3A_272 = arith.addi %iota3A, %add3A_271 : vector<16xi32>
      %gather3A_273 = tpu.vector_load_idx %arg12[%add3A_272, %add3A_269] : memref<256x128xf32, #tpu.memory_space<vmem>>[vector<16xi32>, vector<16xi32>], vector<16xf32>,
      %add3A_274 = arith.constant 80 : i32
      %add3A_275 = vector.broadcast %add3A_274 : i32 to vector<16xi32>
      %add3A_276 = arith.addi %iota3A, %add3A_275 : vector<16xi32>
      %gather3A_277 = tpu.vector_load_idx %arg12[%add3A_276, %add3A_269] : memref<256x128xf32, #tpu.memory_space<vmem>>[vector<16xi32>, vector<16xi32>], vector<16xf32>,
      %swap3A_278 = arith.constant 0 : i32
      %swap3A_279 = tpu.memref_slice %arg11[%add3A_260, %swap3A_278] : memref<128x32xf32, #tpu.memory_space<vmem>> -> memref<1x32xf32, #tpu.memory_space<vmem>>
      %swap3A_280 = tpu.memref_squeeze %swap3A_279 : memref<1x32xf32, #tpu.memory_space<vmem>> -> memref<32xf32, #tpu.memory_space<vmem>>
      %swap3A_281 = arith.constant 0 : index
      %swap3A_282 = tpu.vector_load %swap3A_280[%swap3A_281] {strides = array<i32>} : memref<32xf32, #tpu.memory_space<vmem>>, vector<16xf32>,
      tpu.vector_store %swap3A_280[%swap3A_281], %gather3A_273 {strides = array<i32>} : memref<32xf32, #tpu.memory_space<vmem>>, vector<16xf32>,
      %swap3A_283 = arith.constant 0 : i32
      %swap3A_284 = tpu.memref_slice %arg11[%add3A_260, %swap3A_283] : memref<128x32xf32, #tpu.memory_space<vmem>> -> memref<1x32xf32, #tpu.memory_space<vmem>>
      %swap3A_285 = tpu.memref_squeeze %swap3A_284 : memref<1x32xf32, #tpu.memory_space<vmem>> -> memref<32xf32, #tpu.memory_space<vmem>>
      %swap3A_286 = arith.constant 16 : index
      %swap3A_287 = tpu.vector_load %swap3A_285[%swap3A_286] {strides = array<i32>} : memref<32xf32, #tpu.memory_space<vmem>>, vector<16xf32>,
      tpu.vector_store %swap3A_285[%swap3A_286], %gather3A_277 {strides = array<i32>} : memref<32xf32, #tpu.memory_space<vmem>>, vector<16xf32>,
      %mul3A_288 = arith.constant 16 : i32
      %mul3A_289 = arith.muli %scan3A_17, %mul3A_288 : i32
      %add3A_290 = arith.constant 3 : i32
      %add3A_291 = arith.addi %mul3A_289, %add3A_290 : i32
      %and3A_292 = arith.constant 0 : i32
      %and3A_293 = vector.broadcast %and3A_292 : i32 to vector<16xi32>
      %and3A_294 = arith.andi %iota3A, %and3A_293 : vector<16xi32>
      %slice3A_295 = vector.extract_strided_slice %get3A_20 {offsets = [3], sizes = [1], strides = [1]} : vector<16xi32> to vector<1xi32>
      %squeeze3A_296 = vector.extract %slice3A_295[0] : i32 from vector<1xi32>
      %and3A_297 = arith.constant 127 : i32
      %and3A_298 = arith.andi %squeeze3A_296, %and3A_297 : i32
      %add3A_299 = vector.broadcast %and3A_298 : i32 to vector<16xi32>
      %add3A_300 = arith.addi %and3A_294, %add3A_299 : vector<16xi32>
      %add3A_301 = arith.constant 96 : i32
      %add3A_302 = vector.broadcast %add3A_301 : i32 to vector<16xi32>
      %add3A_303 = arith.addi %iota3A, %add3A_302 : vector<16xi32>
      %gather3A_304 = tpu.vector_load_idx %arg12[%add3A_303, %add3A_300] : memref<256x128xf32, #tpu.memory_space<vmem>>[vector<16xi32>, vector<16xi32>], vector<16xf32>,
      %add3A_305 = arith.constant 112 : i32
      %add3A_306 = vector.broadcast %add3A_305 : i32 to vector<16xi32>
      %add3A_307 = arith.addi %iota3A, %add3A_306 : vector<16xi32>
      %gather3A_308 = tpu.vector_load_idx %arg12[%add3A_307, %add3A_300] : memref<256x128xf32, #tpu.memory_space<vmem>>[vector<16xi32>, vector<16xi32>], vector<16xf32>,
      %swap3A_309 = arith.constant 0 : i32
      %swap3A_310 = tpu.memref_slice %arg11[%add3A_291, %swap3A_309] : memref<128x32xf32, #tpu.memory_space<vmem>> -> memref<1x32xf32, #tpu.memory_space<vmem>>
      %swap3A_311 = tpu.memref_squeeze %swap3A_310 : memref<1x32xf32, #tpu.memory_space<vmem>> -> memref<32xf32, #tpu.memory_space<vmem>>
      %swap3A_312 = arith.constant 0 : index
      %swap3A_313 = tpu.vector_load %swap3A_311[%swap3A_312] {strides = array<i32>} : memref<32xf32, #tpu.memory_space<vmem>>, vector<16xf32>,
      tpu.vector_store %swap3A_311[%swap3A_312], %gather3A_304 {strides = array<i32>} : memref<32xf32, #tpu.memory_space<vmem>>, vector<16xf32>,
      %swap3A_314 = arith.constant 0 : i32
      %swap3A_315 = tpu.memref_slice %arg11[%add3A_291, %swap3A_314] : memref<128x32xf32, #tpu.memory_space<vmem>> -> memref<1x32xf32, #tpu.memory_space<vmem>>
      %swap3A_316 = tpu.memref_squeeze %swap3A_315 : memref<1x32xf32, #tpu.memory_space<vmem>> -> memref<32xf32, #tpu.memory_space<vmem>>
      %swap3A_317 = arith.constant 16 : index
      %swap3A_318 = tpu.vector_load %swap3A_316[%swap3A_317] {strides = array<i32>} : memref<32xf32, #tpu.memory_space<vmem>>, vector<16xf32>,
      tpu.vector_store %swap3A_316[%swap3A_317], %gather3A_308 {strides = array<i32>} : memref<32xf32, #tpu.memory_space<vmem>>, vector<16xf32>,
      %slice3A_319 = vector.extract_strided_slice %get3A_20 {offsets = [8], sizes = [1], strides = [1]} : vector<16xi32> to vector<1xi32>
      %squeeze3A_320 = vector.extract %slice3A_319[0] : i32 from vector<1xi32>
      %shift_right_arithmetic3A_321 = arith.constant 7 : i32
      %shift_right_arithmetic3A_322 = arith.shrsi %squeeze3A_320, %shift_right_arithmetic3A_321 : i32
      %shift_left3A_323 = arith.constant 7 : i32
      %shift_left3A_324 = arith.shli %shift_right_arithmetic3A_322, %shift_left3A_323 : i32
      %multiple_of3A_325 = tpu.assume_multiple %shift_left3A_324, 128 : i32
      %dma_start3A_326 = arith.constant 0 : i32
      %dma_start3A_327 = arith.constant 0 : i32
      %dma_start3A_328 = tpu.memref_slice %arg12[%dma_start3A_326, %dma_start3A_327] : memref<256x128xf32, #tpu.memory_space<vmem>> -> memref<32x128xf32, #tpu.memory_space<vmem>>
      %dma_start3A_329 = arith.constant 0 : i32
      %dma_start3A_330 = tpu.memref_slice %arg5[%dma_start3A_329, %multiple_of3A_325] : memref<32x100000xf32, #tpu.memory_space<hbm>> -> memref<32x128xf32, #tpu.memory_space<hbm>>
      %dma_start3A_331 = arith.constant 0 : i32
      %dma_start3A_332 = arith.constant 0 : i32
      %dma_start3A_333 = tpu.memref_slice %arg12[%dma_start3A_331, %dma_start3A_332] : memref<256x128xf32, #tpu.memory_space<vmem>> -> memref<32x128xf32, #tpu.memory_space<vmem>>
      %dma_start3A_334 = arith.constant 0 : i32
      %dma_start3A_335 = tpu.memref_slice %arg5[%dma_start3A_334, %multiple_of3A_325] : memref<32x100000xf32, #tpu.memory_space<hbm>> -> memref<32x128xf32, #tpu.memory_space<hbm>>
      tpu.enqueue_dma source(%dma_start3A_335 : memref<32x128xf32, #tpu.memory_space<hbm>>) target(%dma_start3A_333 : memref<32x128xf32, #tpu.memory_space<vmem>>) target_semaphore(%arg13 : memref<!tpu.dma_semaphore, #tpu.memory_space<semaphore_mem>>)
      %slice3A_336 = vector.extract_strided_slice %get3A_20 {offsets = [9], sizes = [1], strides = [1]} : vector<16xi32> to vector<1xi32>
      %squeeze3A_337 = vector.extract %slice3A_336[0] : i32 from vector<1xi32>
      %shift_right_arithmetic3A_338 = arith.constant 7 : i32
      %shift_right_arithmetic3A_339 = arith.shrsi %squeeze3A_337, %shift_right_arithmetic3A_338 : i32
      %shift_left3A_340 = arith.constant 7 : i32
      %shift_left3A_341 = arith.shli %shift_right_arithmetic3A_339, %shift_left3A_340 : i32
      %multiple_of3A_342 = tpu.assume_multiple %shift_left3A_341, 128 : i32
      %dma_start3A_343 = arith.constant 32 : i32
      %dma_start3A_344 = arith.constant 0 : i32
      %dma_start3A_345 = tpu.memref_slice %arg12[%dma_start3A_343, %dma_start3A_344] : memref<256x128xf32, #tpu.memory_space<vmem>> -> memref<32x128xf32, #tpu.memory_space<vmem>>
      %dma_start3A_346 = arith.constant 0 : i32
      %dma_start3A_347 = tpu.memref_slice %arg5[%dma_start3A_346, %multiple_of3A_342] : memref<32x100000xf32, #tpu.memory_space<hbm>> -> memref<32x128xf32, #tpu.memory_space<hbm>>
      %dma_start3A_348 = arith.constant 32 : i32
      %dma_start3A_349 = arith.constant 0 : i32
      %dma_start3A_350 = tpu.memref_slice %arg12[%dma_start3A_348, %dma_start3A_349] : memref<256x128xf32, #tpu.memory_space<vmem>> -> memref<32x128xf32, #tpu.memory_space<vmem>>
      %dma_start3A_351 = arith.constant 0 : i32
      %dma_start3A_352 = tpu.memref_slice %arg5[%dma_start3A_351, %multiple_of3A_342] : memref<32x100000xf32, #tpu.memory_space<hbm>> -> memref<32x128xf32, #tpu.memory_space<hbm>>
      tpu.enqueue_dma source(%dma_start3A_352 : memref<32x128xf32, #tpu.memory_space<hbm>>) target(%dma_start3A_350 : memref<32x128xf32, #tpu.memory_space<vmem>>) target_semaphore(%arg13 : memref<!tpu.dma_semaphore, #tpu.memory_space<semaphore_mem>>)
      %slice3A_353 = vector.extract_strided_slice %get3A_20 {offsets = [10], sizes = [1], strides = [1]} : vector<16xi32> to vector<1xi32>
      %squeeze3A_354 = vector.extract %slice3A_353[0] : i32 from vector<1xi32>
      %shift_right_arithmetic3A_355 = arith.constant 7 : i32
      %shift_right_arithmetic3A_356 = arith.shrsi %squeeze3A_354, %shift_right_arithmetic3A_355 : i32
      %shift_left3A_357 = arith.constant 7 : i32
      %shift_left3A_358 = arith.shli %shift_right_arithmetic3A_356, %shift_left3A_357 : i32
      %multiple_of3A_359 = tpu.assume_multiple %shift_left3A_358, 128 : i32
      %dma_start3A_360 = arith.constant 64 : i32
      %dma_start3A_361 = arith.constant 0 : i32
      %dma_start3A_362 = tpu.memref_slice %arg12[%dma_start3A_360, %dma_start3A_361] : memref<256x128xf32, #tpu.memory_space<vmem>> -> memref<32x128xf32, #tpu.memory_space<vmem>>
      %dma_start3A_363 = arith.constant 0 : i32
      %dma_start3A_364 = tpu.memref_slice %arg5[%dma_start3A_363, %multiple_of3A_359] : memref<32x100000xf32, #tpu.memory_space<hbm>> -> memref<32x128xf32, #tpu.memory_space<hbm>>
      %dma_start3A_365 = arith.constant 64 : i32
      %dma_start3A_366 = arith.constant 0 : i32
      %dma_start3A_367 = tpu.memref_slice %arg12[%dma_start3A_365, %dma_start3A_366] : memref<256x128xf32, #tpu.memory_space<vmem>> -> memref<32x128xf32, #tpu.memory_space<vmem>>
      %dma_start3A_368 = arith.constant 0 : i32
      %dma_start3A_369 = tpu.memref_slice %arg5[%dma_start3A_368, %multiple_of3A_359] : memref<32x100000xf32, #tpu.memory_space<hbm>> -> memref<32x128xf32, #tpu.memory_space<hbm>>
      tpu.enqueue_dma source(%dma_start3A_369 : memref<32x128xf32, #tpu.memory_space<hbm>>) target(%dma_start3A_367 : memref<32x128xf32, #tpu.memory_space<vmem>>) target_semaphore(%arg13 : memref<!tpu.dma_semaphore, #tpu.memory_space<semaphore_mem>>)
      %slice3A_370 = vector.extract_strided_slice %get3A_20 {offsets = [11], sizes = [1], strides = [1]} : vector<16xi32> to vector<1xi32>
      %squeeze3A_371 = vector.extract %slice3A_370[0] : i32 from vector<1xi32>
      %shift_right_arithmetic3A_372 = arith.constant 7 : i32
      %shift_right_arithmetic3A_373 = arith.shrsi %squeeze3A_371, %shift_right_arithmetic3A_372 : i32
      %shift_left3A_374 = arith.constant 7 : i32
      %shift_left3A_375 = arith.shli %shift_right_arithmetic3A_373, %shift_left3A_374 : i32
      %multiple_of3A_376 = tpu.assume_multiple %shift_left3A_375, 128 : i32
      %dma_start3A_377 = arith.constant 96 : i32
      %dma_start3A_378 = arith.constant 0 : i32
      %dma_start3A_379 = tpu.memref_slice %arg12[%dma_start3A_377, %dma_start3A_378] : memref<256x128xf32, #tpu.memory_space<vmem>> -> memref<32x128xf32, #tpu.memory_space<vmem>>
      %dma_start3A_380 = arith.constant 0 : i32
      %dma_start3A_381 = tpu.memref_slice %arg5[%dma_start3A_380, %multiple_of3A_376] : memref<32x100000xf32, #tpu.memory_space<hbm>> -> memref<32x128xf32, #tpu.memory_space<hbm>>
      %dma_start3A_382 = arith.constant 96 : i32
      %dma_start3A_383 = arith.constant 0 : i32
      %dma_start3A_384 = tpu.memref_slice %arg12[%dma_start3A_382, %dma_start3A_383] : memref<256x128xf32, #tpu.memory_space<vmem>> -> memref<32x128xf32, #tpu.memory_space<vmem>>
      %dma_start3A_385 = arith.constant 0 : i32
      %dma_start3A_386 = tpu.memref_slice %arg5[%dma_start3A_385, %multiple_of3A_376] : memref<32x100000xf32, #tpu.memory_space<hbm>> -> memref<32x128xf32, #tpu.memory_space<hbm>>
      tpu.enqueue_dma source(%dma_start3A_386 : memref<32x128xf32, #tpu.memory_space<hbm>>) target(%dma_start3A_384 : memref<32x128xf32, #tpu.memory_space<vmem>>) target_semaphore(%arg13 : memref<!tpu.dma_semaphore, #tpu.memory_space<semaphore_mem>>)
      %dma_wait3A_387 = arith.constant 128 : i32
      %dma_wait3A_388 = arith.constant 0 : i32
      %dma_wait3A_389 = tpu.memref_slice %arg12[%dma_wait3A_387, %dma_wait3A_388] : memref<256x128xf32, #tpu.memory_space<vmem>> -> memref<32x128xf32, #tpu.memory_space<vmem>>
      %dma_wait3A_390 = arith.constant 0 : i32
      %dma_wait3A_391 = arith.constant 0 : i32
      %dma_wait3A_392 = tpu.memref_slice %arg5[%dma_wait3A_390, %dma_wait3A_391] : memref<32x100000xf32, #tpu.memory_space<hbm>> -> memref<32x128xf32, #tpu.memory_space<hbm>>
      %dma_wait3A_393 = arith.constant 128 : i32
      %dma_wait3A_394 = arith.constant 0 : i32
      %dma_wait3A_395 = tpu.memref_slice %arg12[%dma_wait3A_393, %dma_wait3A_394] : memref<256x128xf32, #tpu.memory_space<vmem>> -> memref<32x128xf32, #tpu.memory_space<vmem>>
      %dma_wait3A_396 = arith.constant 0 : i32
      %dma_wait3A_397 = arith.constant 0 : i32
      %dma_wait3A_398 = tpu.memref_slice %arg5[%dma_wait3A_396, %dma_wait3A_397] : memref<32x100000xf32, #tpu.memory_space<hbm>> -> memref<32x128xf32, #tpu.memory_space<hbm>>
      tpu.wait_dma2 semaphore(%arg13 : memref<!tpu.dma_semaphore, #tpu.memory_space<semaphore_mem>>) src(%dma_wait3A_398 : memref<32x128xf32, #tpu.memory_space<hbm>>) dst(%dma_wait3A_395 : memref<32x128xf32, #tpu.memory_space<vmem>>)
      %dma_wait3A_399 = arith.constant 160 : i32
      %dma_wait3A_400 = arith.constant 0 : i32
      %dma_wait3A_401 = tpu.memref_slice %arg12[%dma_wait3A_399, %dma_wait3A_400] : memref<256x128xf32, #tpu.memory_space<vmem>> -> memref<32x128xf32, #tpu.memory_space<vmem>>
      %dma_wait3A_402 = arith.constant 0 : i32
      %dma_wait3A_403 = arith.constant 0 : i32
      %dma_wait3A_404 = tpu.memref_slice %arg5[%dma_wait3A_402, %dma_wait3A_403] : memref<32x100000xf32, #tpu.memory_space<hbm>> -> memref<32x128xf32, #tpu.memory_space<hbm>>
      %dma_wait3A_405 = arith.constant 160 : i32
      %dma_wait3A_406 = arith.constant 0 : i32
      %dma_wait3A_407 = tpu.memref_slice %arg12[%dma_wait3A_405, %dma_wait3A_406] : memref<256x128xf32, #tpu.memory_space<vmem>> -> memref<32x128xf32, #tpu.memory_space<vmem>>
      %dma_wait3A_408 = arith.constant 0 : i32
      %dma_wait3A_409 = arith.constant 0 : i32
      %dma_wait3A_410 = tpu.memref_slice %arg5[%dma_wait3A_408, %dma_wait3A_409] : memref<32x100000xf32, #tpu.memory_space<hbm>> -> memref<32x128xf32, #tpu.memory_space<hbm>>
      tpu.wait_dma2 semaphore(%arg13 : memref<!tpu.dma_semaphore, #tpu.memory_space<semaphore_mem>>) src(%dma_wait3A_410 : memref<32x128xf32, #tpu.memory_space<hbm>>) dst(%dma_wait3A_407 : memref<32x128xf32, #tpu.memory_space<vmem>>)
      %dma_wait3A_411 = arith.constant 192 : i32
      %dma_wait3A_412 = arith.constant 0 : i32
      %dma_wait3A_413 = tpu.memref_slice %arg12[%dma_wait3A_411, %dma_wait3A_412] : memref<256x128xf32, #tpu.memory_space<vmem>> -> memref<32x128xf32, #tpu.memory_space<vmem>>
      %dma_wait3A_414 = arith.constant 0 : i32
      %dma_wait3A_415 = arith.constant 0 : i32
      %dma_wait3A_416 = tpu.memref_slice %arg5[%dma_wait3A_414, %dma_wait3A_415] : memref<32x100000xf32, #tpu.memory_space<hbm>> -> memref<32x128xf32, #tpu.memory_space<hbm>>
      %dma_wait3A_417 = arith.constant 192 : i32
      %dma_wait3A_418 = arith.constant 0 : i32
      %dma_wait3A_419 = tpu.memref_slice %arg12[%dma_wait3A_417, %dma_wait3A_418] : memref<256x128xf32, #tpu.memory_space<vmem>> -> memref<32x128xf32, #tpu.memory_space<vmem>>
      %dma_wait3A_420 = arith.constant 0 : i32
      %dma_wait3A_421 = arith.constant 0 : i32
      %dma_wait3A_422 = tpu.memref_slice %arg5[%dma_wait3A_420, %dma_wait3A_421] : memref<32x100000xf32, #tpu.memory_space<hbm>> -> memref<32x128xf32, #tpu.memory_space<hbm>>
      tpu.wait_dma2 semaphore(%arg13 : memref<!tpu.dma_semaphore, #tpu.memory_space<semaphore_mem>>) src(%dma_wait3A_422 : memref<32x128xf32, #tpu.memory_space<hbm>>) dst(%dma_wait3A_419 : memref<32x128xf32, #tpu.memory_space<vmem>>)
      %dma_wait3A_423 = arith.constant 224 : i32
      %dma_wait3A_424 = arith.constant 0 : i32
      %dma_wait3A_425 = tpu.memref_slice %arg12[%dma_wait3A_423, %dma_wait3A_424] : memref<256x128xf32, #tpu.memory_space<vmem>> -> memref<32x128xf32, #tpu.memory_space<vmem>>
      %dma_wait3A_426 = arith.constant 0 : i32
      %dma_wait3A_427 = arith.constant 0 : i32
      %dma_wait3A_428 = tpu.memref_slice %arg5[%dma_wait3A_426, %dma_wait3A_427] : memref<32x100000xf32, #tpu.memory_space<hbm>> -> memref<32x128xf32, #tpu.memory_space<hbm>>
      %dma_wait3A_429 = arith.constant 224 : i32
      %dma_wait3A_430 = arith.constant 0 : i32
      %dma_wait3A_431 = tpu.memref_slice %arg12[%dma_wait3A_429, %dma_wait3A_430] : memref<256x128xf32, #tpu.memory_space<vmem>> -> memref<32x128xf32, #tpu.memory_space<vmem>>
      %dma_wait3A_432 = arith.constant 0 : i32
      %dma_wait3A_433 = arith.constant 0 : i32
      %dma_wait3A_434 = tpu.memref_slice %arg5[%dma_wait3A_432, %dma_wait3A_433] : memref<32x100000xf32, #tpu.memory_space<hbm>> -> memref<32x128xf32, #tpu.memory_space<hbm>>
      tpu.wait_dma2 semaphore(%arg13 : memref<!tpu.dma_semaphore, #tpu.memory_space<semaphore_mem>>) src(%dma_wait3A_434 : memref<32x128xf32, #tpu.memory_space<hbm>>) dst(%dma_wait3A_431 : memref<32x128xf32, #tpu.memory_space<vmem>>)
      %mul3A_435 = arith.constant 16 : i32
      %mul3A_436 = arith.muli %scan3A_17, %mul3A_435 : i32
      %add3A_437 = arith.constant 4 : i32
      %add3A_438 = arith.addi %mul3A_436, %add3A_437 : i32
      %and3A_439 = arith.constant 0 : i32
      %and3A_440 = vector.broadcast %and3A_439 : i32 to vector<16xi32>
      %and3A_441 = arith.andi %iota3A, %and3A_440 : vector<16xi32>
      %slice3A_442 = vector.extract_strided_slice %get3A_20 {offsets = [4], sizes = [1], strides = [1]} : vector<16xi32> to vector<1xi32>
      %squeeze3A_443 = vector.extract %slice3A_442[0] : i32 from vector<1xi32>
      %and3A_444 = arith.constant 127 : i32
      %and3A_445 = arith.andi %squeeze3A_443, %and3A_444 : i32
      %add3A_446 = vector.broadcast %and3A_445 : i32 to vector<16xi32>
      %add3A_447 = arith.addi %and3A_441, %add3A_446 : vector<16xi32>
      %add3A_448 = arith.constant 128 : i32
      %add3A_449 = vector.broadcast %add3A_448 : i32 to vector<16xi32>
      %add3A_450 = arith.addi %iota3A, %add3A_449 : vector<16xi32>
      %gather3A_451 = tpu.vector_load_idx %arg12[%add3A_450, %add3A_447] : memref<256x128xf32, #tpu.memory_space<vmem>>[vector<16xi32>, vector<16xi32>], vector<16xf32>,
      %add3A_452 = arith.constant 144 : i32
      %add3A_453 = vector.broadcast %add3A_452 : i32 to vector<16xi32>
      %add3A_454 = arith.addi %iota3A, %add3A_453 : vector<16xi32>
      %gather3A_455 = tpu.vector_load_idx %arg12[%add3A_454, %add3A_447] : memref<256x128xf32, #tpu.memory_space<vmem>>[vector<16xi32>, vector<16xi32>], vector<16xf32>,
      %swap3A_456 = arith.constant 0 : i32
      %swap3A_457 = tpu.memref_slice %arg11[%add3A_438, %swap3A_456] : memref<128x32xf32, #tpu.memory_space<vmem>> -> memref<1x32xf32, #tpu.memory_space<vmem>>
      %swap3A_458 = tpu.memref_squeeze %swap3A_457 : memref<1x32xf32, #tpu.memory_space<vmem>> -> memref<32xf32, #tpu.memory_space<vmem>>
      %swap3A_459 = arith.constant 0 : index
      %swap3A_460 = tpu.vector_load %swap3A_458[%swap3A_459] {strides = array<i32>} : memref<32xf32, #tpu.memory_space<vmem>>, vector<16xf32>,
      tpu.vector_store %swap3A_458[%swap3A_459], %gather3A_451 {strides = array<i32>} : memref<32xf32, #tpu.memory_space<vmem>>, vector<16xf32>,
      %swap3A_461 = arith.constant 0 : i32
      %swap3A_462 = tpu.memref_slice %arg11[%add3A_438, %swap3A_461] : memref<128x32xf32, #tpu.memory_space<vmem>> -> memref<1x32xf32, #tpu.memory_space<vmem>>
      %swap3A_463 = tpu.memref_squeeze %swap3A_462 : memref<1x32xf32, #tpu.memory_space<vmem>> -> memref<32xf32, #tpu.memory_space<vmem>>
      %swap3A_464 = arith.constant 16 : index
      %swap3A_465 = tpu.vector_load %swap3A_463[%swap3A_464] {strides = array<i32>} : memref<32xf32, #tpu.memory_space<vmem>>, vector<16xf32>,
      tpu.vector_store %swap3A_463[%swap3A_464], %gather3A_455 {strides = array<i32>} : memref<32xf32, #tpu.memory_space<vmem>>, vector<16xf32>,
      %mul3A_466 = arith.constant 16 : i32
      %mul3A_467 = arith.muli %scan3A_17, %mul3A_466 : i32
      %add3A_468 = arith.constant 5 : i32
      %add3A_469 = arith.addi %mul3A_467, %add3A_468 : i32
      %and3A_470 = arith.constant 0 : i32
      %and3A_471 = vector.broadcast %and3A_470 : i32 to vector<16xi32>
      %and3A_472 = arith.andi %iota3A, %and3A_471 : vector<16xi32>
      %slice3A_473 = vector.extract_strided_slice %get3A_20 {offsets = [5], sizes = [1], strides = [1]} : vector<16xi32> to vector<1xi32>
      %squeeze3A_474 = vector.extract %slice3A_473[0] : i32 from vector<1xi32>
      %and3A_475 = arith.constant 127 : i32
      %and3A_476 = arith.andi %squeeze3A_474, %and3A_475 : i32
      %add3A_477 = vector.broadcast %and3A_476 : i32 to vector<16xi32>
      %add3A_478 = arith.addi %and3A_472, %add3A_477 : vector<16xi32>
      %add3A_479 = arith.constant 160 : i32
      %add3A_480 = vector.broadcast %add3A_479 : i32 to vector<16xi32>
      %add3A_481 = arith.addi %iota3A, %add3A_480 : vector<16xi32>
      %gather3A_482 = tpu.vector_load_idx %arg12[%add3A_481, %add3A_478] : memref<256x128xf32, #tpu.memory_space<vmem>>[vector<16xi32>, vector<16xi32>], vector<16xf32>,
      %add3A_483 = arith.constant 176 : i32
      %add3A_484 = vector.broadcast %add3A_483 : i32 to vector<16xi32>
      %add3A_485 = arith.addi %iota3A, %add3A_484 : vector<16xi32>
      %gather3A_486 = tpu.vector_load_idx %arg12[%add3A_485, %add3A_478] : memref<256x128xf32, #tpu.memory_space<vmem>>[vector<16xi32>, vector<16xi32>], vector<16xf32>,
      %swap3A_487 = arith.constant 0 : i32
      %swap3A_488 = tpu.memref_slice %arg11[%add3A_469, %swap3A_487] : memref<128x32xf32, #tpu.memory_space<vmem>> -> memref<1x32xf32, #tpu.memory_space<vmem>>
      %swap3A_489 = tpu.memref_squeeze %swap3A_488 : memref<1x32xf32, #tpu.memory_space<vmem>> -> memref<32xf32, #tpu.memory_space<vmem>>
      %swap3A_490 = arith.constant 0 : index
      %swap3A_491 = tpu.vector_load %swap3A_489[%swap3A_490] {strides = array<i32>} : memref<32xf32, #tpu.memory_space<vmem>>, vector<16xf32>,
      tpu.vector_store %swap3A_489[%swap3A_490], %gather3A_482 {strides = array<i32>} : memref<32xf32, #tpu.memory_space<vmem>>, vector<16xf32>,
      %swap3A_492 = arith.constant 0 : i32
      %swap3A_493 = tpu.memref_slice %arg11[%add3A_469, %swap3A_492] : memref<128x32xf32, #tpu.memory_space<vmem>> -> memref<1x32xf32, #tpu.memory_space<vmem>>
      %swap3A_494 = tpu.memref_squeeze %swap3A_493 : memref<1x32xf32, #tpu.memory_space<vmem>> -> memref<32xf32, #tpu.memory_space<vmem>>
      %swap3A_495 = arith.constant 16 : index
      %swap3A_496 = tpu.vector_load %swap3A_494[%swap3A_495] {strides = array<i32>} : memref<32xf32, #tpu.memory_space<vmem>>, vector<16xf32>,
      tpu.vector_store %swap3A_494[%swap3A_495], %gather3A_486 {strides = array<i32>} : memref<32xf32, #tpu.memory_space<vmem>>, vector<16xf32>,
      %mul3A_497 = arith.constant 16 : i32
      %mul3A_498 = arith.muli %scan3A_17, %mul3A_497 : i32
      %add3A_499 = arith.constant 6 : i32
      %add3A_500 = arith.addi %mul3A_498, %add3A_499 : i32
      %and3A_501 = arith.constant 0 : i32
      %and3A_502 = vector.broadcast %and3A_501 : i32 to vector<16xi32>
      %and3A_503 = arith.andi %iota3A, %and3A_502 : vector<16xi32>
      %slice3A_504 = vector.extract_strided_slice %get3A_20 {offsets = [6], sizes = [1], strides = [1]} : vector<16xi32> to vector<1xi32>
      %squeeze3A_505 = vector.extract %slice3A_504[0] : i32 from vector<1xi32>
      %and3A_506 = arith.constant 127 : i32
      %and3A_507 = arith.andi %squeeze3A_505, %and3A_506 : i32
      %add3A_508 = vector.broadcast %and3A_507 : i32 to vector<16xi32>
      %add3A_509 = arith.addi %and3A_503, %add3A_508 : vector<16xi32>
      %add3A_510 = arith.constant 192 : i32
      %add3A_511 = vector.broadcast %add3A_510 : i32 to vector<16xi32>
      %add3A_512 = arith.addi %iota3A, %add3A_511 : vector<16xi32>
      %gather3A_513 = tpu.vector_load_idx %arg12[%add3A_512, %add3A_509] : memref<256x128xf32, #tpu.memory_space<vmem>>[vector<16xi32>, vector<16xi32>], vector<16xf32>,
      %add3A_514 = arith.constant 208 : i32
      %add3A_515 = vector.broadcast %add3A_514 : i32 to vector<16xi32>
      %add3A_516 = arith.addi %iota3A, %add3A_515 : vector<16xi32>
      %gather3A_517 = tpu.vector_load_idx %arg12[%add3A_516, %add3A_509] : memref<256x128xf32, #tpu.memory_space<vmem>>[vector<16xi32>, vector<16xi32>], vector<16xf32>,
      %swap3A_518 = arith.constant 0 : i32
      %swap3A_519 = tpu.memref_slice %arg11[%add3A_500, %swap3A_518] : memref<128x32xf32, #tpu.memory_space<vmem>> -> memref<1x32xf32, #tpu.memory_space<vmem>>
      %swap3A_520 = tpu.memref_squeeze %swap3A_519 : memref<1x32xf32, #tpu.memory_space<vmem>> -> memref<32xf32, #tpu.memory_space<vmem>>
      %swap3A_521 = arith.constant 0 : index
      %swap3A_522 = tpu.vector_load %swap3A_520[%swap3A_521] {strides = array<i32>} : memref<32xf32, #tpu.memory_space<vmem>>, vector<16xf32>,
      tpu.vector_store %swap3A_520[%swap3A_521], %gather3A_513 {strides = array<i32>} : memref<32xf32, #tpu.memory_space<vmem>>, vector<16xf32>,
      %swap3A_523 = arith.constant 0 : i32
      %swap3A_524 = tpu.memref_slice %arg11[%add3A_500, %swap3A_523] : memref<128x32xf32, #tpu.memory_space<vmem>> -> memref<1x32xf32, #tpu.memory_space<vmem>>
      %swap3A_525 = tpu.memref_squeeze %swap3A_524 : memref<1x32xf32, #tpu.memory_space<vmem>> -> memref<32xf32, #tpu.memory_space<vmem>>
      %swap3A_526 = arith.constant 16 : index
      %swap3A_527 = tpu.vector_load %swap3A_525[%swap3A_526] {strides = array<i32>} : memref<32xf32, #tpu.memory_space<vmem>>, vector<16xf32>,
      tpu.vector_store %swap3A_525[%swap3A_526], %gather3A_517 {strides = array<i32>} : memref<32xf32, #tpu.memory_space<vmem>>, vector<16xf32>,
      %mul3A_528 = arith.constant 16 : i32
      %mul3A_529 = arith.muli %scan3A_17, %mul3A_528 : i32
      %add3A_530 = arith.constant 7 : i32
      %add3A_531 = arith.addi %mul3A_529, %add3A_530 : i32
      %and3A_532 = arith.constant 0 : i32
      %and3A_533 = vector.broadcast %and3A_532 : i32 to vector<16xi32>
      %and3A_534 = arith.andi %iota3A, %and3A_533 : vector<16xi32>
      %slice3A_535 = vector.extract_strided_slice %get3A_20 {offsets = [7], sizes = [1], strides = [1]} : vector<16xi32> to vector<1xi32>
      %squeeze3A_536 = vector.extract %slice3A_535[0] : i32 from vector<1xi32>
      %and3A_537 = arith.constant 127 : i32
      %and3A_538 = arith.andi %squeeze3A_536, %and3A_537 : i32
      %add3A_539 = vector.broadcast %and3A_538 : i32 to vector<16xi32>
      %add3A_540 = arith.addi %and3A_534, %add3A_539 : vector<16xi32>
      %add3A_541 = arith.constant 224 : i32
      %add3A_542 = vector.broadcast %add3A_541 : i32 to vector<16xi32>
      %add3A_543 = arith.addi %iota3A, %add3A_542 : vector<16xi32>
      %gather3A_544 = tpu.vector_load_idx %arg12[%add3A_543, %add3A_540] : memref<256x128xf32, #tpu.memory_space<vmem>>[vector<16xi32>, vector<16xi32>], vector<16xf32>,
      %add3A_545 = arith.constant 240 : i32
      %add3A_546 = vector.broadcast %add3A_545 : i32 to vector<16xi32>
      %add3A_547 = arith.addi %iota3A, %add3A_546 : vector<16xi32>
      %gather3A_548 = tpu.vector_load_idx %arg12[%add3A_547, %add3A_540] : memref<256x128xf32, #tpu.memory_space<vmem>>[vector<16xi32>, vector<16xi32>], vector<16xf32>,
      %swap3A_549 = arith.constant 0 : i32
      %swap3A_550 = tpu.memref_slice %arg11[%add3A_531, %swap3A_549] : memref<128x32xf32, #tpu.memory_space<vmem>> -> memref<1x32xf32, #tpu.memory_space<vmem>>
      %swap3A_551 = tpu.memref_squeeze %swap3A_550 : memref<1x32xf32, #tpu.memory_space<vmem>> -> memref<32xf32, #tpu.memory_space<vmem>>
      %swap3A_552 = arith.constant 0 : index
      %swap3A_553 = tpu.vector_load %swap3A_551[%swap3A_552] {strides = array<i32>} : memref<32xf32, #tpu.memory_space<vmem>>, vector<16xf32>,
      tpu.vector_store %swap3A_551[%swap3A_552], %gather3A_544 {strides = array<i32>} : memref<32xf32, #tpu.memory_space<vmem>>, vector<16xf32>,
      %swap3A_554 = arith.constant 0 : i32
      %swap3A_555 = tpu.memref_slice %arg11[%add3A_531, %swap3A_554] : memref<128x32xf32, #tpu.memory_space<vmem>> -> memref<1x32xf32, #tpu.memory_space<vmem>>
      %swap3A_556 = tpu.memref_squeeze %swap3A_555 : memref<1x32xf32, #tpu.memory_space<vmem>> -> memref<32xf32, #tpu.memory_space<vmem>>
      %swap3A_557 = arith.constant 16 : index
      %swap3A_558 = tpu.vector_load %swap3A_556[%swap3A_557] {strides = array<i32>} : memref<32xf32, #tpu.memory_space<vmem>>, vector<16xf32>,
      tpu.vector_store %swap3A_556[%swap3A_557], %gather3A_548 {strides = array<i32>} : memref<32xf32, #tpu.memory_space<vmem>>, vector<16xf32>,
      %slice3A_559 = vector.extract_strided_slice %get3A_20 {offsets = [12], sizes = [1], strides = [1]} : vector<16xi32> to vector<1xi32>
      %squeeze3A_560 = vector.extract %slice3A_559[0] : i32 from vector<1xi32>
      %shift_right_arithmetic3A_561 = arith.constant 7 : i32
      %shift_right_arithmetic3A_562 = arith.shrsi %squeeze3A_560, %shift_right_arithmetic3A_561 : i32
      %shift_left3A_563 = arith.constant 7 : i32
      %shift_left3A_564 = arith.shli %shift_right_arithmetic3A_562, %shift_left3A_563 : i32
      %multiple_of3A_565 = tpu.assume_multiple %shift_left3A_564, 128 : i32
      %dma_start3A_566 = arith.constant 128 : i32
      %dma_start3A_567 = arith.constant 0 : i32
      %dma_start3A_568 = tpu.memref_slice %arg12[%dma_start3A_566, %dma_start3A_567] : memref<256x128xf32, #tpu.memory_space<vmem>> -> memref<32x128xf32, #tpu.memory_space<vmem>>
      %dma_start3A_569 = arith.constant 0 : i32
      %dma_start3A_570 = tpu.memref_slice %arg5[%dma_start3A_569, %multiple_of3A_565] : memref<32x100000xf32, #tpu.memory_space<hbm>> -> memref<32x128xf32, #tpu.memory_space<hbm>>
      %dma_start3A_571 = arith.constant 128 : i32
      %dma_start3A_572 = arith.constant 0 : i32
      %dma_start3A_573 = tpu.memref_slice %arg12[%dma_start3A_571, %dma_start3A_572] : memref<256x128xf32, #tpu.memory_space<vmem>> -> memref<32x128xf32, #tpu.memory_space<vmem>>
      %dma_start3A_574 = arith.constant 0 : i32
      %dma_start3A_575 = tpu.memref_slice %arg5[%dma_start3A_574, %multiple_of3A_565] : memref<32x100000xf32, #tpu.memory_space<hbm>> -> memref<32x128xf32, #tpu.memory_space<hbm>>
      tpu.enqueue_dma source(%dma_start3A_575 : memref<32x128xf32, #tpu.memory_space<hbm>>) target(%dma_start3A_573 : memref<32x128xf32, #tpu.memory_space<vmem>>) target_semaphore(%arg13 : memref<!tpu.dma_semaphore, #tpu.memory_space<semaphore_mem>>)
      %slice3A_576 = vector.extract_strided_slice %get3A_20 {offsets = [13], sizes = [1], strides = [1]} : vector<16xi32> to vector<1xi32>
      %squeeze3A_577 = vector.extract %slice3A_576[0] : i32 from vector<1xi32>
      %shift_right_arithmetic3A_578 = arith.constant 7 : i32
      %shift_right_arithmetic3A_579 = arith.shrsi %squeeze3A_577, %shift_right_arithmetic3A_578 : i32
      %shift_left3A_580 = arith.constant 7 : i32
      %shift_left3A_581 = arith.shli %shift_right_arithmetic3A_579, %shift_left3A_580 : i32
      %multiple_of3A_582 = tpu.assume_multiple %shift_left3A_581, 128 : i32
      %dma_start3A_583 = arith.constant 160 : i32
      %dma_start3A_584 = arith.constant 0 : i32
      %dma_start3A_585 = tpu.memref_slice %arg12[%dma_start3A_583, %dma_start3A_584] : memref<256x128xf32, #tpu.memory_space<vmem>> -> memref<32x128xf32, #tpu.memory_space<vmem>>
      %dma_start3A_586 = arith.constant 0 : i32
      %dma_start3A_587 = tpu.memref_slice %arg5[%dma_start3A_586, %multiple_of3A_582] : memref<32x100000xf32, #tpu.memory_space<hbm>> -> memref<32x128xf32, #tpu.memory_space<hbm>>
      %dma_start3A_588 = arith.constant 160 : i32
      %dma_start3A_589 = arith.constant 0 : i32
      %dma_start3A_590 = tpu.memref_slice %arg12[%dma_start3A_588, %dma_start3A_589] : memref<256x128xf32, #tpu.memory_space<vmem>> -> memref<32x128xf32, #tpu.memory_space<vmem>>
      %dma_start3A_591 = arith.constant 0 : i32
      %dma_start3A_592 = tpu.memref_slice %arg5[%dma_start3A_591, %multiple_of3A_582] : memref<32x100000xf32, #tpu.memory_space<hbm>> -> memref<32x128xf32, #tpu.memory_space<hbm>>
      tpu.enqueue_dma source(%dma_start3A_592 : memref<32x128xf32, #tpu.memory_space<hbm>>) target(%dma_start3A_590 : memref<32x128xf32, #tpu.memory_space<vmem>>) target_semaphore(%arg13 : memref<!tpu.dma_semaphore, #tpu.memory_space<semaphore_mem>>)
      %slice3A_593 = vector.extract_strided_slice %get3A_20 {offsets = [14], sizes = [1], strides = [1]} : vector<16xi32> to vector<1xi32>
      %squeeze3A_594 = vector.extract %slice3A_593[0] : i32 from vector<1xi32>
      %shift_right_arithmetic3A_595 = arith.constant 7 : i32
      %shift_right_arithmetic3A_596 = arith.shrsi %squeeze3A_594, %shift_right_arithmetic3A_595 : i32
      %shift_left3A_597 = arith.constant 7 : i32
      %shift_left3A_598 = arith.shli %shift_right_arithmetic3A_596, %shift_left3A_597 : i32
      %multiple_of3A_599 = tpu.assume_multiple %shift_left3A_598, 128 : i32
      %dma_start3A_600 = arith.constant 192 : i32
      %dma_start3A_601 = arith.constant 0 : i32
      %dma_start3A_602 = tpu.memref_slice %arg12[%dma_start3A_600, %dma_start3A_601] : memref<256x128xf32, #tpu.memory_space<vmem>> -> memref<32x128xf32, #tpu.memory_space<vmem>>
      %dma_start3A_603 = arith.constant 0 : i32
      %dma_start3A_604 = tpu.memref_slice %arg5[%dma_start3A_603, %multiple_of3A_599] : memref<32x100000xf32, #tpu.memory_space<hbm>> -> memref<32x128xf32, #tpu.memory_space<hbm>>
      %dma_start3A_605 = arith.constant 192 : i32
      %dma_start3A_606 = arith.constant 0 : i32
      %dma_start3A_607 = tpu.memref_slice %arg12[%dma_start3A_605, %dma_start3A_606] : memref<256x128xf32, #tpu.memory_space<vmem>> -> memref<32x128xf32, #tpu.memory_space<vmem>>
      %dma_start3A_608 = arith.constant 0 : i32
      %dma_start3A_609 = tpu.memref_slice %arg5[%dma_start3A_608, %multiple_of3A_599] : memref<32x100000xf32, #tpu.memory_space<hbm>> -> memref<32x128xf32, #tpu.memory_space<hbm>>
      tpu.enqueue_dma source(%dma_start3A_609 : memref<32x128xf32, #tpu.memory_space<hbm>>) target(%dma_start3A_607 : memref<32x128xf32, #tpu.memory_space<vmem>>) target_semaphore(%arg13 : memref<!tpu.dma_semaphore, #tpu.memory_space<semaphore_mem>>)
      %slice3A_610 = vector.extract_strided_slice %get3A_20 {offsets = [15], sizes = [1], strides = [1]} : vector<16xi32> to vector<1xi32>
      %squeeze3A_611 = vector.extract %slice3A_610[0] : i32 from vector<1xi32>
      %shift_right_arithmetic3A_612 = arith.constant 7 : i32
      %shift_right_arithmetic3A_613 = arith.shrsi %squeeze3A_611, %shift_right_arithmetic3A_612 : i32
      %shift_left3A_614 = arith.constant 7 : i32
      %shift_left3A_615 = arith.shli %shift_right_arithmetic3A_613, %shift_left3A_614 : i32
      %multiple_of3A_616 = tpu.assume_multiple %shift_left3A_615, 128 : i32
      %dma_start3A_617 = arith.constant 224 : i32
      %dma_start3A_618 = arith.constant 0 : i32
      %dma_start3A_619 = tpu.memref_slice %arg12[%dma_start3A_617, %dma_start3A_618] : memref<256x128xf32, #tpu.memory_space<vmem>> -> memref<32x128xf32, #tpu.memory_space<vmem>>
      %dma_start3A_620 = arith.constant 0 : i32
      %dma_start3A_621 = tpu.memref_slice %arg5[%dma_start3A_620, %multiple_of3A_616] : memref<32x100000xf32, #tpu.memory_space<hbm>> -> memref<32x128xf32, #tpu.memory_space<hbm>>
      %dma_start3A_622 = arith.constant 224 : i32
      %dma_start3A_623 = arith.constant 0 : i32
      %dma_start3A_624 = tpu.memref_slice %arg12[%dma_start3A_622, %dma_start3A_623] : memref<256x128xf32, #tpu.memory_space<vmem>> -> memref<32x128xf32, #tpu.memory_space<vmem>>
      %dma_start3A_625 = arith.constant 0 : i32
      %dma_start3A_626 = tpu.memref_slice %arg5[%dma_start3A_625, %multiple_of3A_616] : memref<32x100000xf32, #tpu.memory_space<hbm>> -> memref<32x128xf32, #tpu.memory_space<hbm>>
      tpu.enqueue_dma source(%dma_start3A_626 : memref<32x128xf32, #tpu.memory_space<hbm>>) target(%dma_start3A_624 : memref<32x128xf32, #tpu.memory_space<vmem>>) target_semaphore(%arg13 : memref<!tpu.dma_semaphore, #tpu.memory_space<semaphore_mem>>)
      %dma_wait3A_627 = arith.constant 0 : i32
      %dma_wait3A_628 = arith.constant 0 : i32
      %dma_wait3A_629 = tpu.memref_slice %arg12[%dma_wait3A_627, %dma_wait3A_628] : memref<256x128xf32, #tpu.memory_space<vmem>> -> memref<32x128xf32, #tpu.memory_space<vmem>>
      %dma_wait3A_630 = arith.constant 0 : i32
      %dma_wait3A_631 = arith.constant 0 : i32
      %dma_wait3A_632 = tpu.memref_slice %arg5[%dma_wait3A_630, %dma_wait3A_631] : memref<32x100000xf32, #tpu.memory_space<hbm>> -> memref<32x128xf32, #tpu.memory_space<hbm>>
      %dma_wait3A_633 = arith.constant 0 : i32
      %dma_wait3A_634 = arith.constant 0 : i32
      %dma_wait3A_635 = tpu.memref_slice %arg12[%dma_wait3A_633, %dma_wait3A_634] : memref<256x128xf32, #tpu.memory_space<vmem>> -> memref<32x128xf32, #tpu.memory_space<vmem>>
      %dma_wait3A_636 = arith.constant 0 : i32
      %dma_wait3A_637 = arith.constant 0 : i32
      %dma_wait3A_638 = tpu.memref_slice %arg5[%dma_wait3A_636, %dma_wait3A_637] : memref<32x100000xf32, #tpu.memory_space<hbm>> -> memref<32x128xf32, #tpu.memory_space<hbm>>
      tpu.wait_dma2 semaphore(%arg13 : memref<!tpu.dma_semaphore, #tpu.memory_space<semaphore_mem>>) src(%dma_wait3A_638 : memref<32x128xf32, #tpu.memory_space<hbm>>) dst(%dma_wait3A_635 : memref<32x128xf32, #tpu.memory_space<vmem>>)
      %dma_wait3A_639 = arith.constant 32 : i32
      %dma_wait3A_640 = arith.constant 0 : i32
      %dma_wait3A_641 = tpu.memref_slice %arg12[%dma_wait3A_639, %dma_wait3A_640] : memref<256x128xf32, #tpu.memory_space<vmem>> -> memref<32x128xf32, #tpu.memory_space<vmem>>
      %dma_wait3A_642 = arith.constant 0 : i32
      %dma_wait3A_643 = arith.constant 0 : i32
      %dma_wait3A_644 = tpu.memref_slice %arg5[%dma_wait3A_642, %dma_wait3A_643] : memref<32x100000xf32, #tpu.memory_space<hbm>> -> memref<32x128xf32, #tpu.memory_space<hbm>>
      %dma_wait3A_645 = arith.constant 32 : i32
      %dma_wait3A_646 = arith.constant 0 : i32
      %dma_wait3A_647 = tpu.memref_slice %arg12[%dma_wait3A_645, %dma_wait3A_646] : memref<256x128xf32, #tpu.memory_space<vmem>> -> memref<32x128xf32, #tpu.memory_space<vmem>>
      %dma_wait3A_648 = arith.constant 0 : i32
      %dma_wait3A_649 = arith.constant 0 : i32
      %dma_wait3A_650 = tpu.memref_slice %arg5[%dma_wait3A_648, %dma_wait3A_649] : memref<32x100000xf32, #tpu.memory_space<hbm>> -> memref<32x128xf32, #tpu.memory_space<hbm>>
      tpu.wait_dma2 semaphore(%arg13 : memref<!tpu.dma_semaphore, #tpu.memory_space<semaphore_mem>>) src(%dma_wait3A_650 : memref<32x128xf32, #tpu.memory_space<hbm>>) dst(%dma_wait3A_647 : memref<32x128xf32, #tpu.memory_space<vmem>>)
      %dma_wait3A_651 = arith.constant 64 : i32
      %dma_wait3A_652 = arith.constant 0 : i32
      %dma_wait3A_653 = tpu.memref_slice %arg12[%dma_wait3A_651, %dma_wait3A_652] : memref<256x128xf32, #tpu.memory_space<vmem>> -> memref<32x128xf32, #tpu.memory_space<vmem>>
      %dma_wait3A_654 = arith.constant 0 : i32
      %dma_wait3A_655 = arith.constant 0 : i32
      %dma_wait3A_656 = tpu.memref_slice %arg5[%dma_wait3A_654, %dma_wait3A_655] : memref<32x100000xf32, #tpu.memory_space<hbm>> -> memref<32x128xf32, #tpu.memory_space<hbm>>
      %dma_wait3A_657 = arith.constant 64 : i32
      %dma_wait3A_658 = arith.constant 0 : i32
      %dma_wait3A_659 = tpu.memref_slice %arg12[%dma_wait3A_657, %dma_wait3A_658] : memref<256x128xf32, #tpu.memory_space<vmem>> -> memref<32x128xf32, #tpu.memory_space<vmem>>
      %dma_wait3A_660 = arith.constant 0 : i32
      %dma_wait3A_661 = arith.constant 0 : i32
      %dma_wait3A_662 = tpu.memref_slice %arg5[%dma_wait3A_660, %dma_wait3A_661] : memref<32x100000xf32, #tpu.memory_space<hbm>> -> memref<32x128xf32, #tpu.memory_space<hbm>>
      tpu.wait_dma2 semaphore(%arg13 : memref<!tpu.dma_semaphore, #tpu.memory_space<semaphore_mem>>) src(%dma_wait3A_662 : memref<32x128xf32, #tpu.memory_space<hbm>>) dst(%dma_wait3A_659 : memref<32x128xf32, #tpu.memory_space<vmem>>)
      %dma_wait3A_663 = arith.constant 96 : i32
      %dma_wait3A_664 = arith.constant 0 : i32
      %dma_wait3A_665 = tpu.memref_slice %arg12[%dma_wait3A_663, %dma_wait3A_664] : memref<256x128xf32, #tpu.memory_space<vmem>> -> memref<32x128xf32, #tpu.memory_space<vmem>>
      %dma_wait3A_666 = arith.constant 0 : i32
      %dma_wait3A_667 = arith.constant 0 : i32
      %dma_wait3A_668 = tpu.memref_slice %arg5[%dma_wait3A_666, %dma_wait3A_667] : memref<32x100000xf32, #tpu.memory_space<hbm>> -> memref<32x128xf32, #tpu.memory_space<hbm>>
      %dma_wait3A_669 = arith.constant 96 : i32
      %dma_wait3A_670 = arith.constant 0 : i32
      %dma_wait3A_671 = tpu.memref_slice %arg12[%dma_wait3A_669, %dma_wait3A_670] : memref<256x128xf32, #tpu.memory_space<vmem>> -> memref<32x128xf32, #tpu.memory_space<vmem>>
      %dma_wait3A_672 = arith.constant 0 : i32
      %dma_wait3A_673 = arith.constant 0 : i32
      %dma_wait3A_674 = tpu.memref_slice %arg5[%dma_wait3A_672, %dma_wait3A_673] : memref<32x100000xf32, #tpu.memory_space<hbm>> -> memref<32x128xf32, #tpu.memory_space<hbm>>
      tpu.wait_dma2 semaphore(%arg13 : memref<!tpu.dma_semaphore, #tpu.memory_space<semaphore_mem>>) src(%dma_wait3A_674 : memref<32x128xf32, #tpu.memory_space<hbm>>) dst(%dma_wait3A_671 : memref<32x128xf32, #tpu.memory_space<vmem>>)
      %mul3A_675 = arith.constant 16 : i32
      %mul3A_676 = arith.muli %scan3A_17, %mul3A_675 : i32
      %add3A_677 = arith.constant 8 : i32
      %add3A_678 = arith.addi %mul3A_676, %add3A_677 : i32
      %and3A_679 = arith.constant 0 : i32
      %and3A_680 = vector.broadcast %and3A_679 : i32 to vector<16xi32>
      %and3A_681 = arith.andi %iota3A, %and3A_680 : vector<16xi32>
      %slice3A_682 = vector.extract_strided_slice %get3A_20 {offsets = [8], sizes = [1], strides = [1]} : vector<16xi32> to vector<1xi32>
      %squeeze3A_683 = vector.extract %slice3A_682[0] : i32 from vector<1xi32>
      %and3A_684 = arith.constant 127 : i32
      %and3A_685 = arith.andi %squeeze3A_683, %and3A_684 : i32
      %add3A_686 = vector.broadcast %and3A_685 : i32 to vector<16xi32>
      %add3A_687 = arith.addi %and3A_681, %add3A_686 : vector<16xi32>
      %add3A_688 = arith.constant 0 : i32
      %add3A_689 = vector.broadcast %add3A_688 : i32 to vector<16xi32>
      %add3A_690 = arith.addi %iota3A, %add3A_689 : vector<16xi32>
      %gather3A_691 = tpu.vector_load_idx %arg12[%add3A_690, %add3A_687] : memref<256x128xf32, #tpu.memory_space<vmem>>[vector<16xi32>, vector<16xi32>], vector<16xf32>,
      %add3A_692 = arith.constant 16 : i32
      %add3A_693 = vector.broadcast %add3A_692 : i32 to vector<16xi32>
      %add3A_694 = arith.addi %iota3A, %add3A_693 : vector<16xi32>
      %gather3A_695 = tpu.vector_load_idx %arg12[%add3A_694, %add3A_687] : memref<256x128xf32, #tpu.memory_space<vmem>>[vector<16xi32>, vector<16xi32>], vector<16xf32>,
      %swap3A_696 = arith.constant 0 : i32
      %swap3A_697 = tpu.memref_slice %arg11[%add3A_678, %swap3A_696] : memref<128x32xf32, #tpu.memory_space<vmem>> -> memref<1x32xf32, #tpu.memory_space<vmem>>
      %swap3A_698 = tpu.memref_squeeze %swap3A_697 : memref<1x32xf32, #tpu.memory_space<vmem>> -> memref<32xf32, #tpu.memory_space<vmem>>
      %swap3A_699 = arith.constant 0 : index
      %swap3A_700 = tpu.vector_load %swap3A_698[%swap3A_699] {strides = array<i32>} : memref<32xf32, #tpu.memory_space<vmem>>, vector<16xf32>,
      tpu.vector_store %swap3A_698[%swap3A_699], %gather3A_691 {strides = array<i32>} : memref<32xf32, #tpu.memory_space<vmem>>, vector<16xf32>,
      %swap3A_701 = arith.constant 0 : i32
      %swap3A_702 = tpu.memref_slice %arg11[%add3A_678, %swap3A_701] : memref<128x32xf32, #tpu.memory_space<vmem>> -> memref<1x32xf32, #tpu.memory_space<vmem>>
      %swap3A_703 = tpu.memref_squeeze %swap3A_702 : memref<1x32xf32, #tpu.memory_space<vmem>> -> memref<32xf32, #tpu.memory_space<vmem>>
      %swap3A_704 = arith.constant 16 : index
      %swap3A_705 = tpu.vector_load %swap3A_703[%swap3A_704] {strides = array<i32>} : memref<32xf32, #tpu.memory_space<vmem>>, vector<16xf32>,
      tpu.vector_store %swap3A_703[%swap3A_704], %gather3A_695 {strides = array<i32>} : memref<32xf32, #tpu.memory_space<vmem>>, vector<16xf32>,
      %mul3A_706 = arith.constant 16 : i32
      %mul3A_707 = arith.muli %scan3A_17, %mul3A_706 : i32
      %add3A_708 = arith.constant 9 : i32
      %add3A_709 = arith.addi %mul3A_707, %add3A_708 : i32
      %and3A_710 = arith.constant 0 : i32
      %and3A_711 = vector.broadcast %and3A_710 : i32 to vector<16xi32>
      %and3A_712 = arith.andi %iota3A, %and3A_711 : vector<16xi32>
      %slice3A_713 = vector.extract_strided_slice %get3A_20 {offsets = [9], sizes = [1], strides = [1]} : vector<16xi32> to vector<1xi32>
      %squeeze3A_714 = vector.extract %slice3A_713[0] : i32 from vector<1xi32>
      %and3A_715 = arith.constant 127 : i32
      %and3A_716 = arith.andi %squeeze3A_714, %and3A_715 : i32
      %add3A_717 = vector.broadcast %and3A_716 : i32 to vector<16xi32>
      %add3A_718 = arith.addi %and3A_712, %add3A_717 : vector<16xi32>
      %add3A_719 = arith.constant 32 : i32
      %add3A_720 = vector.broadcast %add3A_719 : i32 to vector<16xi32>
      %add3A_721 = arith.addi %iota3A, %add3A_720 : vector<16xi32>
      %gather3A_722 = tpu.vector_load_idx %arg12[%add3A_721, %add3A_718] : memref<256x128xf32, #tpu.memory_space<vmem>>[vector<16xi32>, vector<16xi32>], vector<16xf32>,
      %add3A_723 = arith.constant 48 : i32
      %add3A_724 = vector.broadcast %add3A_723 : i32 to vector<16xi32>
      %add3A_725 = arith.addi %iota3A, %add3A_724 : vector<16xi32>
      %gather3A_726 = tpu.vector_load_idx %arg12[%add3A_725, %add3A_718] : memref<256x128xf32, #tpu.memory_space<vmem>>[vector<16xi32>, vector<16xi32>], vector<16xf32>,
      %swap3A_727 = arith.constant 0 : i32
      %swap3A_728 = tpu.memref_slice %arg11[%add3A_709, %swap3A_727] : memref<128x32xf32, #tpu.memory_space<vmem>> -> memref<1x32xf32, #tpu.memory_space<vmem>>
      %swap3A_729 = tpu.memref_squeeze %swap3A_728 : memref<1x32xf32, #tpu.memory_space<vmem>> -> memref<32xf32, #tpu.memory_space<vmem>>
      %swap3A_730 = arith.constant 0 : index
      %swap3A_731 = tpu.vector_load %swap3A_729[%swap3A_730] {strides = array<i32>} : memref<32xf32, #tpu.memory_space<vmem>>, vector<16xf32>,
      tpu.vector_store %swap3A_729[%swap3A_730], %gather3A_722 {strides = array<i32>} : memref<32xf32, #tpu.memory_space<vmem>>, vector<16xf32>,
      %swap3A_732 = arith.constant 0 : i32
      %swap3A_733 = tpu.memref_slice %arg11[%add3A_709, %swap3A_732] : memref<128x32xf32, #tpu.memory_space<vmem>> -> memref<1x32xf32, #tpu.memory_space<vmem>>
      %swap3A_734 = tpu.memref_squeeze %swap3A_733 : memref<1x32xf32, #tpu.memory_space<vmem>> -> memref<32xf32, #tpu.memory_space<vmem>>
      %swap3A_735 = arith.constant 16 : index
      %swap3A_736 = tpu.vector_load %swap3A_734[%swap3A_735] {strides = array<i32>} : memref<32xf32, #tpu.memory_space<vmem>>, vector<16xf32>,
      tpu.vector_store %swap3A_734[%swap3A_735], %gather3A_726 {strides = array<i32>} : memref<32xf32, #tpu.memory_space<vmem>>, vector<16xf32>,
      %mul3A_737 = arith.constant 16 : i32
      %mul3A_738 = arith.muli %scan3A_17, %mul3A_737 : i32
      %add3A_739 = arith.constant 10 : i32
      %add3A_740 = arith.addi %mul3A_738, %add3A_739 : i32
      %and3A_741 = arith.constant 0 : i32
      %and3A_742 = vector.broadcast %and3A_741 : i32 to vector<16xi32>
      %and3A_743 = arith.andi %iota3A, %and3A_742 : vector<16xi32>
      %slice3A_744 = vector.extract_strided_slice %get3A_20 {offsets = [10], sizes = [1], strides = [1]} : vector<16xi32> to vector<1xi32>
      %squeeze3A_745 = vector.extract %slice3A_744[0] : i32 from vector<1xi32>
      %and3A_746 = arith.constant 127 : i32
      %and3A_747 = arith.andi %squeeze3A_745, %and3A_746 : i32
      %add3A_748 = vector.broadcast %and3A_747 : i32 to vector<16xi32>
      %add3A_749 = arith.addi %and3A_743, %add3A_748 : vector<16xi32>
      %add3A_750 = arith.constant 64 : i32
      %add3A_751 = vector.broadcast %add3A_750 : i32 to vector<16xi32>
      %add3A_752 = arith.addi %iota3A, %add3A_751 : vector<16xi32>
      %gather3A_753 = tpu.vector_load_idx %arg12[%add3A_752, %add3A_749] : memref<256x128xf32, #tpu.memory_space<vmem>>[vector<16xi32>, vector<16xi32>], vector<16xf32>,
      %add3A_754 = arith.constant 80 : i32
      %add3A_755 = vector.broadcast %add3A_754 : i32 to vector<16xi32>
      %add3A_756 = arith.addi %iota3A, %add3A_755 : vector<16xi32>
      %gather3A_757 = tpu.vector_load_idx %arg12[%add3A_756, %add3A_749] : memref<256x128xf32, #tpu.memory_space<vmem>>[vector<16xi32>, vector<16xi32>], vector<16xf32>,
      %swap3A_758 = arith.constant 0 : i32
      %swap3A_759 = tpu.memref_slice %arg11[%add3A_740, %swap3A_758] : memref<128x32xf32, #tpu.memory_space<vmem>> -> memref<1x32xf32, #tpu.memory_space<vmem>>
      %swap3A_760 = tpu.memref_squeeze %swap3A_759 : memref<1x32xf32, #tpu.memory_space<vmem>> -> memref<32xf32, #tpu.memory_space<vmem>>
      %swap3A_761 = arith.constant 0 : index
      %swap3A_762 = tpu.vector_load %swap3A_760[%swap3A_761] {strides = array<i32>} : memref<32xf32, #tpu.memory_space<vmem>>, vector<16xf32>,
      tpu.vector_store %swap3A_760[%swap3A_761], %gather3A_753 {strides = array<i32>} : memref<32xf32, #tpu.memory_space<vmem>>, vector<16xf32>,
      %swap3A_763 = arith.constant 0 : i32
      %swap3A_764 = tpu.memref_slice %arg11[%add3A_740, %swap3A_763] : memref<128x32xf32, #tpu.memory_space<vmem>> -> memref<1x32xf32, #tpu.memory_space<vmem>>
      %swap3A_765 = tpu.memref_squeeze %swap3A_764 : memref<1x32xf32, #tpu.memory_space<vmem>> -> memref<32xf32, #tpu.memory_space<vmem>>
      %swap3A_766 = arith.constant 16 : index
      %swap3A_767 = tpu.vector_load %swap3A_765[%swap3A_766] {strides = array<i32>} : memref<32xf32, #tpu.memory_space<vmem>>, vector<16xf32>,
      tpu.vector_store %swap3A_765[%swap3A_766], %gather3A_757 {strides = array<i32>} : memref<32xf32, #tpu.memory_space<vmem>>, vector<16xf32>,
      %mul3A_768 = arith.constant 16 : i32
      %mul3A_769 = arith.muli %scan3A_17, %mul3A_768 : i32
      %add3A_770 = arith.constant 11 : i32
      %add3A_771 = arith.addi %mul3A_769, %add3A_770 : i32
      %and3A_772 = arith.constant 0 : i32
      %and3A_773 = vector.broadcast %and3A_772 : i32 to vector<16xi32>
      %and3A_774 = arith.andi %iota3A, %and3A_773 : vector<16xi32>
      %slice3A_775 = vector.extract_strided_slice %get3A_20 {offsets = [11], sizes = [1], strides = [1]} : vector<16xi32> to vector<1xi32>
      %squeeze3A_776 = vector.extract %slice3A_775[0] : i32 from vector<1xi32>
      %and3A_777 = arith.constant 127 : i32
      %and3A_778 = arith.andi %squeeze3A_776, %and3A_777 : i32
      %add3A_779 = vector.broadcast %and3A_778 : i32 to vector<16xi32>
      %add3A_780 = arith.addi %and3A_774, %add3A_779 : vector<16xi32>
      %add3A_781 = arith.constant 96 : i32
      %add3A_782 = vector.broadcast %add3A_781 : i32 to vector<16xi32>
      %add3A_783 = arith.addi %iota3A, %add3A_782 : vector<16xi32>
      %gather3A_784 = tpu.vector_load_idx %arg12[%add3A_783, %add3A_780] : memref<256x128xf32, #tpu.memory_space<vmem>>[vector<16xi32>, vector<16xi32>], vector<16xf32>,
      %add3A_785 = arith.constant 112 : i32
      %add3A_786 = vector.broadcast %add3A_785 : i32 to vector<16xi32>
      %add3A_787 = arith.addi %iota3A, %add3A_786 : vector<16xi32>
      %gather3A_788 = tpu.vector_load_idx %arg12[%add3A_787, %add3A_780] : memref<256x128xf32, #tpu.memory_space<vmem>>[vector<16xi32>, vector<16xi32>], vector<16xf32>,
      %swap3A_789 = arith.constant 0 : i32
      %swap3A_790 = tpu.memref_slice %arg11[%add3A_771, %swap3A_789] : memref<128x32xf32, #tpu.memory_space<vmem>> -> memref<1x32xf32, #tpu.memory_space<vmem>>
      %swap3A_791 = tpu.memref_squeeze %swap3A_790 : memref<1x32xf32, #tpu.memory_space<vmem>> -> memref<32xf32, #tpu.memory_space<vmem>>
      %swap3A_792 = arith.constant 0 : index
      %swap3A_793 = tpu.vector_load %swap3A_791[%swap3A_792] {strides = array<i32>} : memref<32xf32, #tpu.memory_space<vmem>>, vector<16xf32>,
      tpu.vector_store %swap3A_791[%swap3A_792], %gather3A_784 {strides = array<i32>} : memref<32xf32, #tpu.memory_space<vmem>>, vector<16xf32>,
      %swap3A_794 = arith.constant 0 : i32
      %swap3A_795 = tpu.memref_slice %arg11[%add3A_771, %swap3A_794] : memref<128x32xf32, #tpu.memory_space<vmem>> -> memref<1x32xf32, #tpu.memory_space<vmem>>
      %swap3A_796 = tpu.memref_squeeze %swap3A_795 : memref<1x32xf32, #tpu.memory_space<vmem>> -> memref<32xf32, #tpu.memory_space<vmem>>
      %swap3A_797 = arith.constant 16 : index
      %swap3A_798 = tpu.vector_load %swap3A_796[%swap3A_797] {strides = array<i32>} : memref<32xf32, #tpu.memory_space<vmem>>, vector<16xf32>,
      tpu.vector_store %swap3A_796[%swap3A_797], %gather3A_788 {strides = array<i32>} : memref<32xf32, #tpu.memory_space<vmem>>, vector<16xf32>,
      %dma_wait3A_799 = arith.constant 128 : i32
      %dma_wait3A_800 = arith.constant 0 : i32
      %dma_wait3A_801 = tpu.memref_slice %arg12[%dma_wait3A_799, %dma_wait3A_800] : memref<256x128xf32, #tpu.memory_space<vmem>> -> memref<32x128xf32, #tpu.memory_space<vmem>>
      %dma_wait3A_802 = arith.constant 0 : i32
      %dma_wait3A_803 = arith.constant 0 : i32
      %dma_wait3A_804 = tpu.memref_slice %arg5[%dma_wait3A_802, %dma_wait3A_803] : memref<32x100000xf32, #tpu.memory_space<hbm>> -> memref<32x128xf32, #tpu.memory_space<hbm>>
      %dma_wait3A_805 = arith.constant 128 : i32
      %dma_wait3A_806 = arith.constant 0 : i32
      %dma_wait3A_807 = tpu.memref_slice %arg12[%dma_wait3A_805, %dma_wait3A_806] : memref<256x128xf32, #tpu.memory_space<vmem>> -> memref<32x128xf32, #tpu.memory_space<vmem>>
      %dma_wait3A_808 = arith.constant 0 : i32
      %dma_wait3A_809 = arith.constant 0 : i32
      %dma_wait3A_810 = tpu.memref_slice %arg5[%dma_wait3A_808, %dma_wait3A_809] : memref<32x100000xf32, #tpu.memory_space<hbm>> -> memref<32x128xf32, #tpu.memory_space<hbm>>
      tpu.wait_dma2 semaphore(%arg13 : memref<!tpu.dma_semaphore, #tpu.memory_space<semaphore_mem>>) src(%dma_wait3A_810 : memref<32x128xf32, #tpu.memory_space<hbm>>) dst(%dma_wait3A_807 : memref<32x128xf32, #tpu.memory_space<vmem>>)
      %dma_wait3A_811 = arith.constant 160 : i32
      %dma_wait3A_812 = arith.constant 0 : i32
      %dma_wait3A_813 = tpu.memref_slice %arg12[%dma_wait3A_811, %dma_wait3A_812] : memref<256x128xf32, #tpu.memory_space<vmem>> -> memref<32x128xf32, #tpu.memory_space<vmem>>
      %dma_wait3A_814 = arith.constant 0 : i32
      %dma_wait3A_815 = arith.constant 0 : i32
      %dma_wait3A_816 = tpu.memref_slice %arg5[%dma_wait3A_814, %dma_wait3A_815] : memref<32x100000xf32, #tpu.memory_space<hbm>> -> memref<32x128xf32, #tpu.memory_space<hbm>>
      %dma_wait3A_817 = arith.constant 160 : i32
      %dma_wait3A_818 = arith.constant 0 : i32
      %dma_wait3A_819 = tpu.memref_slice %arg12[%dma_wait3A_817, %dma_wait3A_818] : memref<256x128xf32, #tpu.memory_space<vmem>> -> memref<32x128xf32, #tpu.memory_space<vmem>>
      %dma_wait3A_820 = arith.constant 0 : i32
      %dma_wait3A_821 = arith.constant 0 : i32
      %dma_wait3A_822 = tpu.memref_slice %arg5[%dma_wait3A_820, %dma_wait3A_821] : memref<32x100000xf32, #tpu.memory_space<hbm>> -> memref<32x128xf32, #tpu.memory_space<hbm>>
      tpu.wait_dma2 semaphore(%arg13 : memref<!tpu.dma_semaphore, #tpu.memory_space<semaphore_mem>>) src(%dma_wait3A_822 : memref<32x128xf32, #tpu.memory_space<hbm>>) dst(%dma_wait3A_819 : memref<32x128xf32, #tpu.memory_space<vmem>>)
      %dma_wait3A_823 = arith.constant 192 : i32
      %dma_wait3A_824 = arith.constant 0 : i32
      %dma_wait3A_825 = tpu.memref_slice %arg12[%dma_wait3A_823, %dma_wait3A_824] : memref<256x128xf32, #tpu.memory_space<vmem>> -> memref<32x128xf32, #tpu.memory_space<vmem>>
      %dma_wait3A_826 = arith.constant 0 : i32
      %dma_wait3A_827 = arith.constant 0 : i32
      %dma_wait3A_828 = tpu.memref_slice %arg5[%dma_wait3A_826, %dma_wait3A_827] : memref<32x100000xf32, #tpu.memory_space<hbm>> -> memref<32x128xf32, #tpu.memory_space<hbm>>
      %dma_wait3A_829 = arith.constant 192 : i32
      %dma_wait3A_830 = arith.constant 0 : i32
      %dma_wait3A_831 = tpu.memref_slice %arg12[%dma_wait3A_829, %dma_wait3A_830] : memref<256x128xf32, #tpu.memory_space<vmem>> -> memref<32x128xf32, #tpu.memory_space<vmem>>
      %dma_wait3A_832 = arith.constant 0 : i32
      %dma_wait3A_833 = arith.constant 0 : i32
      %dma_wait3A_834 = tpu.memref_slice %arg5[%dma_wait3A_832, %dma_wait3A_833] : memref<32x100000xf32, #tpu.memory_space<hbm>> -> memref<32x128xf32, #tpu.memory_space<hbm>>
      tpu.wait_dma2 semaphore(%arg13 : memref<!tpu.dma_semaphore, #tpu.memory_space<semaphore_mem>>) src(%dma_wait3A_834 : memref<32x128xf32, #tpu.memory_space<hbm>>) dst(%dma_wait3A_831 : memref<32x128xf32, #tpu.memory_space<vmem>>)
      %dma_wait3A_835 = arith.constant 224 : i32
      %dma_wait3A_836 = arith.constant 0 : i32
      %dma_wait3A_837 = tpu.memref_slice %arg12[%dma_wait3A_835, %dma_wait3A_836] : memref<256x128xf32, #tpu.memory_space<vmem>> -> memref<32x128xf32, #tpu.memory_space<vmem>>
      %dma_wait3A_838 = arith.constant 0 : i32
      %dma_wait3A_839 = arith.constant 0 : i32
      %dma_wait3A_840 = tpu.memref_slice %arg5[%dma_wait3A_838, %dma_wait3A_839] : memref<32x100000xf32, #tpu.memory_space<hbm>> -> memref<32x128xf32, #tpu.memory_space<hbm>>
      %dma_wait3A_841 = arith.constant 224 : i32
      %dma_wait3A_842 = arith.constant 0 : i32
      %dma_wait3A_843 = tpu.memref_slice %arg12[%dma_wait3A_841, %dma_wait3A_842] : memref<256x128xf32, #tpu.memory_space<vmem>> -> memref<32x128xf32, #tpu.memory_space<vmem>>
      %dma_wait3A_844 = arith.constant 0 : i32
      %dma_wait3A_845 = arith.constant 0 : i32
      %dma_wait3A_846 = tpu.memref_slice %arg5[%dma_wait3A_844, %dma_wait3A_845] : memref<32x100000xf32, #tpu.memory_space<hbm>> -> memref<32x128xf32, #tpu.memory_space<hbm>>
      tpu.wait_dma2 semaphore(%arg13 : memref<!tpu.dma_semaphore, #tpu.memory_space<semaphore_mem>>) src(%dma_wait3A_846 : memref<32x128xf32, #tpu.memory_space<hbm>>) dst(%dma_wait3A_843 : memref<32x128xf32, #tpu.memory_space<vmem>>)
      %mul3A_847 = arith.constant 16 : i32
      %mul3A_848 = arith.muli %scan3A_17, %mul3A_847 : i32
      %add3A_849 = arith.constant 12 : i32
      %add3A_850 = arith.addi %mul3A_848, %add3A_849 : i32
      %and3A_851 = arith.constant 0 : i32
      %and3A_852 = vector.broadcast %and3A_851 : i32 to vector<16xi32>
      %and3A_853 = arith.andi %iota3A, %and3A_852 : vector<16xi32>
      %slice3A_854 = vector.extract_strided_slice %get3A_20 {offsets = [12], sizes = [1], strides = [1]} : vector<16xi32> to vector<1xi32>
      %squeeze3A_855 = vector.extract %slice3A_854[0] : i32 from vector<1xi32>
      %and3A_856 = arith.constant 127 : i32
      %and3A_857 = arith.andi %squeeze3A_855, %and3A_856 : i32
      %add3A_858 = vector.broadcast %and3A_857 : i32 to vector<16xi32>
      %add3A_859 = arith.addi %and3A_853, %add3A_858 : vector<16xi32>
      %add3A_860 = arith.constant 128 : i32
      %add3A_861 = vector.broadcast %add3A_860 : i32 to vector<16xi32>
      %add3A_862 = arith.addi %iota3A, %add3A_861 : vector<16xi32>
      %gather3A_863 = tpu.vector_load_idx %arg12[%add3A_862, %add3A_859] : memref<256x128xf32, #tpu.memory_space<vmem>>[vector<16xi32>, vector<16xi32>], vector<16xf32>,
      %add3A_864 = arith.constant 144 : i32
      %add3A_865 = vector.broadcast %add3A_864 : i32 to vector<16xi32>
      %add3A_866 = arith.addi %iota3A, %add3A_865 : vector<16xi32>
      %gather3A_867 = tpu.vector_load_idx %arg12[%add3A_866, %add3A_859] : memref<256x128xf32, #tpu.memory_space<vmem>>[vector<16xi32>, vector<16xi32>], vector<16xf32>,
      %swap3A_868 = arith.constant 0 : i32
      %swap3A_869 = tpu.memref_slice %arg11[%add3A_850, %swap3A_868] : memref<128x32xf32, #tpu.memory_space<vmem>> -> memref<1x32xf32, #tpu.memory_space<vmem>>
      %swap3A_870 = tpu.memref_squeeze %swap3A_869 : memref<1x32xf32, #tpu.memory_space<vmem>> -> memref<32xf32, #tpu.memory_space<vmem>>
      %swap3A_871 = arith.constant 0 : index
      %swap3A_872 = tpu.vector_load %swap3A_870[%swap3A_871] {strides = array<i32>} : memref<32xf32, #tpu.memory_space<vmem>>, vector<16xf32>,
      tpu.vector_store %swap3A_870[%swap3A_871], %gather3A_863 {strides = array<i32>} : memref<32xf32, #tpu.memory_space<vmem>>, vector<16xf32>,
      %swap3A_873 = arith.constant 0 : i32
      %swap3A_874 = tpu.memref_slice %arg11[%add3A_850, %swap3A_873] : memref<128x32xf32, #tpu.memory_space<vmem>> -> memref<1x32xf32, #tpu.memory_space<vmem>>
      %swap3A_875 = tpu.memref_squeeze %swap3A_874 : memref<1x32xf32, #tpu.memory_space<vmem>> -> memref<32xf32, #tpu.memory_space<vmem>>
      %swap3A_876 = arith.constant 16 : index
      %swap3A_877 = tpu.vector_load %swap3A_875[%swap3A_876] {strides = array<i32>} : memref<32xf32, #tpu.memory_space<vmem>>, vector<16xf32>,
      tpu.vector_store %swap3A_875[%swap3A_876], %gather3A_867 {strides = array<i32>} : memref<32xf32, #tpu.memory_space<vmem>>, vector<16xf32>,
      %mul3A_878 = arith.constant 16 : i32
      %mul3A_879 = arith.muli %scan3A_17, %mul3A_878 : i32
      %add3A_880 = arith.constant 13 : i32
      %add3A_881 = arith.addi %mul3A_879, %add3A_880 : i32
      %and3A_882 = arith.constant 0 : i32
      %and3A_883 = vector.broadcast %and3A_882 : i32 to vector<16xi32>
      %and3A_884 = arith.andi %iota3A, %and3A_883 : vector<16xi32>
      %slice3A_885 = vector.extract_strided_slice %get3A_20 {offsets = [13], sizes = [1], strides = [1]} : vector<16xi32> to vector<1xi32>
      %squeeze3A_886 = vector.extract %slice3A_885[0] : i32 from vector<1xi32>
      %and3A_887 = arith.constant 127 : i32
      %and3A_888 = arith.andi %squeeze3A_886, %and3A_887 : i32
      %add3A_889 = vector.broadcast %and3A_888 : i32 to vector<16xi32>
      %add3A_890 = arith.addi %and3A_884, %add3A_889 : vector<16xi32>
      %add3A_891 = arith.constant 160 : i32
      %add3A_892 = vector.broadcast %add3A_891 : i32 to vector<16xi32>
      %add3A_893 = arith.addi %iota3A, %add3A_892 : vector<16xi32>
      %gather3A_894 = tpu.vector_load_idx %arg12[%add3A_893, %add3A_890] : memref<256x128xf32, #tpu.memory_space<vmem>>[vector<16xi32>, vector<16xi32>], vector<16xf32>,
      %add3A_895 = arith.constant 176 : i32
      %add3A_896 = vector.broadcast %add3A_895 : i32 to vector<16xi32>
      %add3A_897 = arith.addi %iota3A, %add3A_896 : vector<16xi32>
      %gather3A_898 = tpu.vector_load_idx %arg12[%add3A_897, %add3A_890] : memref<256x128xf32, #tpu.memory_space<vmem>>[vector<16xi32>, vector<16xi32>], vector<16xf32>,
      %swap3A_899 = arith.constant 0 : i32
      %swap3A_900 = tpu.memref_slice %arg11[%add3A_881, %swap3A_899] : memref<128x32xf32, #tpu.memory_space<vmem>> -> memref<1x32xf32, #tpu.memory_space<vmem>>
      %swap3A_901 = tpu.memref_squeeze %swap3A_900 : memref<1x32xf32, #tpu.memory_space<vmem>> -> memref<32xf32, #tpu.memory_space<vmem>>
      %swap3A_902 = arith.constant 0 : index
      %swap3A_903 = tpu.vector_load %swap3A_901[%swap3A_902] {strides = array<i32>} : memref<32xf32, #tpu.memory_space<vmem>>, vector<16xf32>,
      tpu.vector_store %swap3A_901[%swap3A_902], %gather3A_894 {strides = array<i32>} : memref<32xf32, #tpu.memory_space<vmem>>, vector<16xf32>,
      %swap3A_904 = arith.constant 0 : i32
      %swap3A_905 = tpu.memref_slice %arg11[%add3A_881, %swap3A_904] : memref<128x32xf32, #tpu.memory_space<vmem>> -> memref<1x32xf32, #tpu.memory_space<vmem>>
      %swap3A_906 = tpu.memref_squeeze %swap3A_905 : memref<1x32xf32, #tpu.memory_space<vmem>> -> memref<32xf32, #tpu.memory_space<vmem>>
      %swap3A_907 = arith.constant 16 : index
      %swap3A_908 = tpu.vector_load %swap3A_906[%swap3A_907] {strides = array<i32>} : memref<32xf32, #tpu.memory_space<vmem>>, vector<16xf32>,
      tpu.vector_store %swap3A_906[%swap3A_907], %gather3A_898 {strides = array<i32>} : memref<32xf32, #tpu.memory_space<vmem>>, vector<16xf32>,
      %mul3A_909 = arith.constant 16 : i32
      %mul3A_910 = arith.muli %scan3A_17, %mul3A_909 : i32
      %add3A_911 = arith.constant 14 : i32
      %add3A_912 = arith.addi %mul3A_910, %add3A_911 : i32
      %and3A_913 = arith.constant 0 : i32
      %and3A_914 = vector.broadcast %and3A_913 : i32 to vector<16xi32>
      %and3A_915 = arith.andi %iota3A, %and3A_914 : vector<16xi32>
      %slice3A_916 = vector.extract_strided_slice %get3A_20 {offsets = [14], sizes = [1], strides = [1]} : vector<16xi32> to vector<1xi32>
      %squeeze3A_917 = vector.extract %slice3A_916[0] : i32 from vector<1xi32>
      %and3A_918 = arith.constant 127 : i32
      %and3A_919 = arith.andi %squeeze3A_917, %and3A_918 : i32
      %add3A_920 = vector.broadcast %and3A_919 : i32 to vector<16xi32>
      %add3A_921 = arith.addi %and3A_915, %add3A_920 : vector<16xi32>
      %add3A_922 = arith.constant 192 : i32
      %add3A_923 = vector.broadcast %add3A_922 : i32 to vector<16xi32>
      %add3A_924 = arith.addi %iota3A, %add3A_923 : vector<16xi32>
      %gather3A_925 = tpu.vector_load_idx %arg12[%add3A_924, %add3A_921] : memref<256x128xf32, #tpu.memory_space<vmem>>[vector<16xi32>, vector<16xi32>], vector<16xf32>,
      %add3A_926 = arith.constant 208 : i32
      %add3A_927 = vector.broadcast %add3A_926 : i32 to vector<16xi32>
      %add3A_928 = arith.addi %iota3A, %add3A_927 : vector<16xi32>
      %gather3A_929 = tpu.vector_load_idx %arg12[%add3A_928, %add3A_921] : memref<256x128xf32, #tpu.memory_space<vmem>>[vector<16xi32>, vector<16xi32>], vector<16xf32>,
      %swap3A_930 = arith.constant 0 : i32
      %swap3A_931 = tpu.memref_slice %arg11[%add3A_912, %swap3A_930] : memref<128x32xf32, #tpu.memory_space<vmem>> -> memref<1x32xf32, #tpu.memory_space<vmem>>
      %swap3A_932 = tpu.memref_squeeze %swap3A_931 : memref<1x32xf32, #tpu.memory_space<vmem>> -> memref<32xf32, #tpu.memory_space<vmem>>
      %swap3A_933 = arith.constant 0 : index
      %swap3A_934 = tpu.vector_load %swap3A_932[%swap3A_933] {strides = array<i32>} : memref<32xf32, #tpu.memory_space<vmem>>, vector<16xf32>,
      tpu.vector_store %swap3A_932[%swap3A_933], %gather3A_925 {strides = array<i32>} : memref<32xf32, #tpu.memory_space<vmem>>, vector<16xf32>,
      %swap3A_935 = arith.constant 0 : i32
      %swap3A_936 = tpu.memref_slice %arg11[%add3A_912, %swap3A_935] : memref<128x32xf32, #tpu.memory_space<vmem>> -> memref<1x32xf32, #tpu.memory_space<vmem>>
      %swap3A_937 = tpu.memref_squeeze %swap3A_936 : memref<1x32xf32, #tpu.memory_space<vmem>> -> memref<32xf32, #tpu.memory_space<vmem>>
      %swap3A_938 = arith.constant 16 : index
      %swap3A_939 = tpu.vector_load %swap3A_937[%swap3A_938] {strides = array<i32>} : memref<32xf32, #tpu.memory_space<vmem>>, vector<16xf32>,
      tpu.vector_store %swap3A_937[%swap3A_938], %gather3A_929 {strides = array<i32>} : memref<32xf32, #tpu.memory_space<vmem>>, vector<16xf32>,
      %mul3A_940 = arith.constant 16 : i32
      %mul3A_941 = arith.muli %scan3A_17, %mul3A_940 : i32
      %add3A_942 = arith.constant 15 : i32
      %add3A_943 = arith.addi %mul3A_941, %add3A_942 : i32
      %and3A_944 = arith.constant 0 : i32
      %and3A_945 = vector.broadcast %and3A_944 : i32 to vector<16xi32>
      %and3A_946 = arith.andi %iota3A, %and3A_945 : vector<16xi32>
      %slice3A_947 = vector.extract_strided_slice %get3A_20 {offsets = [15], sizes = [1], strides = [1]} : vector<16xi32> to vector<1xi32>
      %squeeze3A_948 = vector.extract %slice3A_947[0] : i32 from vector<1xi32>
      %and3A_949 = arith.constant 127 : i32
      %and3A_950 = arith.andi %squeeze3A_948, %and3A_949 : i32
      %add3A_951 = vector.broadcast %and3A_950 : i32 to vector<16xi32>
      %add3A_952 = arith.addi %and3A_946, %add3A_951 : vector<16xi32>
      %add3A_953 = arith.constant 224 : i32
      %add3A_954 = vector.broadcast %add3A_953 : i32 to vector<16xi32>
      %add3A_955 = arith.addi %iota3A, %add3A_954 : vector<16xi32>
      %gather3A_956 = tpu.vector_load_idx %arg12[%add3A_955, %add3A_952] : memref<256x128xf32, #tpu.memory_space<vmem>>[vector<16xi32>, vector<16xi32>], vector<16xf32>,
      %add3A_957 = arith.constant 240 : i32
      %add3A_958 = vector.broadcast %add3A_957 : i32 to vector<16xi32>
      %add3A_959 = arith.addi %iota3A, %add3A_958 : vector<16xi32>
      %gather3A_960 = tpu.vector_load_idx %arg12[%add3A_959, %add3A_952] : memref<256x128xf32, #tpu.memory_space<vmem>>[vector<16xi32>, vector<16xi32>], vector<16xf32>,
      %swap3A_961 = arith.constant 0 : i32
      %swap3A_962 = tpu.memref_slice %arg11[%add3A_943, %swap3A_961] : memref<128x32xf32, #tpu.memory_space<vmem>> -> memref<1x32xf32, #tpu.memory_space<vmem>>
      %swap3A_963 = tpu.memref_squeeze %swap3A_962 : memref<1x32xf32, #tpu.memory_space<vmem>> -> memref<32xf32, #tpu.memory_space<vmem>>
      %swap3A_964 = arith.constant 0 : index
      %swap3A_965 = tpu.vector_load %swap3A_963[%swap3A_964] {strides = array<i32>} : memref<32xf32, #tpu.memory_space<vmem>>, vector<16xf32>,
      tpu.vector_store %swap3A_963[%swap3A_964], %gather3A_956 {strides = array<i32>} : memref<32xf32, #tpu.memory_space<vmem>>, vector<16xf32>,
      %swap3A_966 = arith.constant 0 : i32
      %swap3A_967 = tpu.memref_slice %arg11[%add3A_943, %swap3A_966] : memref<128x32xf32, #tpu.memory_space<vmem>> -> memref<1x32xf32, #tpu.memory_space<vmem>>
      %swap3A_968 = tpu.memref_squeeze %swap3A_967 : memref<1x32xf32, #tpu.memory_space<vmem>> -> memref<32xf32, #tpu.memory_space<vmem>>
      %swap3A_969 = arith.constant 16 : index
      %swap3A_970 = tpu.vector_load %swap3A_968[%swap3A_969] {strides = array<i32>} : memref<32xf32, #tpu.memory_space<vmem>>, vector<16xf32>,
      tpu.vector_store %swap3A_968[%swap3A_969], %gather3A_960 {strides = array<i32>} : memref<32xf32, #tpu.memory_space<vmem>>, vector<16xf32>,
    }
    %scan3A_9 = arith.constant 8 : i32
    "tpu.region"() ({
      %run_scoped3A = tpu.sem_alloc : memref<!tpu.dma_semaphore, #tpu.memory_space<semaphore_mem>>
      %dma_start3A = arith.constant 0 : i32
      %dma_start3A_17 = tpu.memref_slice %arg7[%mul3A_4, %dma_start3A] : memref<4096x32xf32, #tpu.memory_space<hbm>> -> memref<128x32xf32, #tpu.memory_space<hbm>>
      %dma_start3A_18 = arith.constant 0 : i32
      %dma_start3A_19 = tpu.memref_slice %arg7[%mul3A_4, %dma_start3A_18] : memref<4096x32xf32, #tpu.memory_space<hbm>> -> memref<128x32xf32, #tpu.memory_space<hbm>>
      tpu.enqueue_dma source(%arg11 : memref<128x32xf32, #tpu.memory_space<vmem>>) target(%dma_start3A_19 : memref<128x32xf32, #tpu.memory_space<hbm>>) target_semaphore(%run_scoped3A : memref<!tpu.dma_semaphore, #tpu.memory_space<semaphore_mem>>)
      %dma_wait3A = arith.constant 0 : i32
      %dma_wait3A_20 = tpu.memref_slice %arg7[%mul3A_4, %dma_wait3A] : memref<4096x32xf32, #tpu.memory_space<hbm>> -> memref<128x32xf32, #tpu.memory_space<hbm>>
      %dma_wait3A_21 = arith.constant 0 : i32
      %dma_wait3A_22 = tpu.memref_slice %arg7[%mul3A_4, %dma_wait3A_21] : memref<4096x32xf32, #tpu.memory_space<hbm>> -> memref<128x32xf32, #tpu.memory_space<hbm>>
      tpu.wait_dma2 semaphore(%run_scoped3A : memref<!tpu.dma_semaphore, #tpu.memory_space<semaphore_mem>>) src(%arg11 : memref<128x32xf32, #tpu.memory_space<vmem>>) dst(%dma_wait3A_22 : memref<128x32xf32, #tpu.memory_space<hbm>>)
      tpu.yield
    }) : () -> ()
    %iota3A_10 = tpu.iota {dimensions = array<i32: 0>} : vector<16xi32>
    %scan3A_11 = arith.constant 0 : i32
    %scan3A_12 = arith.constant 0 : i32
    %scan3A_13 = arith.constant 16 : i32
    %scan3A_14 = arith.addi %scan3A_12, %scan3A_13 : i32
    %scan3A_15 = arith.constant 1 : i32
    scf.for %scan3A_17 = %scan3A_12 to %scan3A_14 step %scan3A_15  : i32 {
      %mul3A_18 = arith.constant 16 : i32
      %mul3A_19 = arith.muli %scan3A_17, %mul3A_18 : i32
      %get3A = arith.index_cast %mul3A_19 : i32 to index
      %get3A_20 = tpu.vector_load %arg8[%get3A] {strides = array<i32>} : memref<256xi32, #tpu.memory_space<vmem>>, vector<16xi32>,
      %slice3A = vector.extract_strided_slice %get3A_20 {offsets = [0], sizes = [1], strides = [1]} : vector<16xi32> to vector<1xi32>
      %squeeze3A = vector.extract %slice3A[0] : i32 from vector<1xi32>
      %shift_right_arithmetic3A = arith.constant 7 : i32
      %shift_right_arithmetic3A_21 = arith.shrsi %squeeze3A, %shift_right_arithmetic3A : i32
      %shift_left3A = arith.constant 7 : i32
      %shift_left3A_22 = arith.shli %shift_right_arithmetic3A_21, %shift_left3A : i32
      %multiple_of3A = tpu.assume_multiple %shift_left3A_22, 128 : i32
      %dma_start3A = arith.constant 0 : i32
      %dma_start3A_23 = arith.constant 0 : i32
      %dma_start3A_24 = tpu.memref_slice %arg12[%dma_start3A, %dma_start3A_23] : memref<256x128xf32, #tpu.memory_space<vmem>> -> memref<32x128xf32, #tpu.memory_space<vmem>>
      %dma_start3A_25 = arith.constant 0 : i32
      %dma_start3A_26 = tpu.memref_slice %arg4[%dma_start3A_25, %multiple_of3A] : memref<32x1000000xf32, #tpu.memory_space<hbm>> -> memref<32x128xf32, #tpu.memory_space<hbm>>
      %dma_start3A_27 = arith.constant 0 : i32
      %dma_start3A_28 = arith.constant 0 : i32
      %dma_start3A_29 = tpu.memref_slice %arg12[%dma_start3A_27, %dma_start3A_28] : memref<256x128xf32, #tpu.memory_space<vmem>> -> memref<32x128xf32, #tpu.memory_space<vmem>>
      %dma_start3A_30 = arith.constant 0 : i32
      %dma_start3A_31 = tpu.memref_slice %arg4[%dma_start3A_30, %multiple_of3A] : memref<32x1000000xf32, #tpu.memory_space<hbm>> -> memref<32x128xf32, #tpu.memory_space<hbm>>
      tpu.enqueue_dma source(%dma_start3A_31 : memref<32x128xf32, #tpu.memory_space<hbm>>) target(%dma_start3A_29 : memref<32x128xf32, #tpu.memory_space<vmem>>) target_semaphore(%arg13 : memref<!tpu.dma_semaphore, #tpu.memory_space<semaphore_mem>>)
      %slice3A_32 = vector.extract_strided_slice %get3A_20 {offsets = [1], sizes = [1], strides = [1]} : vector<16xi32> to vector<1xi32>
      %squeeze3A_33 = vector.extract %slice3A_32[0] : i32 from vector<1xi32>
      %shift_right_arithmetic3A_34 = arith.constant 7 : i32
      %shift_right_arithmetic3A_35 = arith.shrsi %squeeze3A_33, %shift_right_arithmetic3A_34 : i32
      %shift_left3A_36 = arith.constant 7 : i32
      %shift_left3A_37 = arith.shli %shift_right_arithmetic3A_35, %shift_left3A_36 : i32
      %multiple_of3A_38 = tpu.assume_multiple %shift_left3A_37, 128 : i32
      %dma_start3A_39 = arith.constant 32 : i32
      %dma_start3A_40 = arith.constant 0 : i32
      %dma_start3A_41 = tpu.memref_slice %arg12[%dma_start3A_39, %dma_start3A_40] : memref<256x128xf32, #tpu.memory_space<vmem>> -> memref<32x128xf32, #tpu.memory_space<vmem>>
      %dma_start3A_42 = arith.constant 0 : i32
      %dma_start3A_43 = tpu.memref_slice %arg4[%dma_start3A_42, %multiple_of3A_38] : memref<32x1000000xf32, #tpu.memory_space<hbm>> -> memref<32x128xf32, #tpu.memory_space<hbm>>
      %dma_start3A_44 = arith.constant 32 : i32
      %dma_start3A_45 = arith.constant 0 : i32
      %dma_start3A_46 = tpu.memref_slice %arg12[%dma_start3A_44, %dma_start3A_45] : memref<256x128xf32, #tpu.memory_space<vmem>> -> memref<32x128xf32, #tpu.memory_space<vmem>>
      %dma_start3A_47 = arith.constant 0 : i32
      %dma_start3A_48 = tpu.memref_slice %arg4[%dma_start3A_47, %multiple_of3A_38] : memref<32x1000000xf32, #tpu.memory_space<hbm>> -> memref<32x128xf32, #tpu.memory_space<hbm>>
      tpu.enqueue_dma source(%dma_start3A_48 : memref<32x128xf32, #tpu.memory_space<hbm>>) target(%dma_start3A_46 : memref<32x128xf32, #tpu.memory_space<vmem>>) target_semaphore(%arg13 : memref<!tpu.dma_semaphore, #tpu.memory_space<semaphore_mem>>)
      %slice3A_49 = vector.extract_strided_slice %get3A_20 {offsets = [2], sizes = [1], strides = [1]} : vector<16xi32> to vector<1xi32>
      %squeeze3A_50 = vector.extract %slice3A_49[0] : i32 from vector<1xi32>
      %shift_right_arithmetic3A_51 = arith.constant 7 : i32
      %shift_right_arithmetic3A_52 = arith.shrsi %squeeze3A_50, %shift_right_arithmetic3A_51 : i32
      %shift_left3A_53 = arith.constant 7 : i32
      %shift_left3A_54 = arith.shli %shift_right_arithmetic3A_52, %shift_left3A_53 : i32
      %multiple_of3A_55 = tpu.assume_multiple %shift_left3A_54, 128 : i32
      %dma_start3A_56 = arith.constant 64 : i32
      %dma_start3A_57 = arith.constant 0 : i32
      %dma_start3A_58 = tpu.memref_slice %arg12[%dma_start3A_56, %dma_start3A_57] : memref<256x128xf32, #tpu.memory_space<vmem>> -> memref<32x128xf32, #tpu.memory_space<vmem>>
      %dma_start3A_59 = arith.constant 0 : i32
      %dma_start3A_60 = tpu.memref_slice %arg4[%dma_start3A_59, %multiple_of3A_55] : memref<32x1000000xf32, #tpu.memory_space<hbm>> -> memref<32x128xf32, #tpu.memory_space<hbm>>
      %dma_start3A_61 = arith.constant 64 : i32
      %dma_start3A_62 = arith.constant 0 : i32
      %dma_start3A_63 = tpu.memref_slice %arg12[%dma_start3A_61, %dma_start3A_62] : memref<256x128xf32, #tpu.memory_space<vmem>> -> memref<32x128xf32, #tpu.memory_space<vmem>>
      %dma_start3A_64 = arith.constant 0 : i32
      %dma_start3A_65 = tpu.memref_slice %arg4[%dma_start3A_64, %multiple_of3A_55] : memref<32x1000000xf32, #tpu.memory_space<hbm>> -> memref<32x128xf32, #tpu.memory_space<hbm>>
      tpu.enqueue_dma source(%dma_start3A_65 : memref<32x128xf32, #tpu.memory_space<hbm>>) target(%dma_start3A_63 : memref<32x128xf32, #tpu.memory_space<vmem>>) target_semaphore(%arg13 : memref<!tpu.dma_semaphore, #tpu.memory_space<semaphore_mem>>)
      %slice3A_66 = vector.extract_strided_slice %get3A_20 {offsets = [3], sizes = [1], strides = [1]} : vector<16xi32> to vector<1xi32>
      %squeeze3A_67 = vector.extract %slice3A_66[0] : i32 from vector<1xi32>
      %shift_right_arithmetic3A_68 = arith.constant 7 : i32
      %shift_right_arithmetic3A_69 = arith.shrsi %squeeze3A_67, %shift_right_arithmetic3A_68 : i32
      %shift_left3A_70 = arith.constant 7 : i32
      %shift_left3A_71 = arith.shli %shift_right_arithmetic3A_69, %shift_left3A_70 : i32
      %multiple_of3A_72 = tpu.assume_multiple %shift_left3A_71, 128 : i32
      %dma_start3A_73 = arith.constant 96 : i32
      %dma_start3A_74 = arith.constant 0 : i32
      %dma_start3A_75 = tpu.memref_slice %arg12[%dma_start3A_73, %dma_start3A_74] : memref<256x128xf32, #tpu.memory_space<vmem>> -> memref<32x128xf32, #tpu.memory_space<vmem>>
      %dma_start3A_76 = arith.constant 0 : i32
      %dma_start3A_77 = tpu.memref_slice %arg4[%dma_start3A_76, %multiple_of3A_72] : memref<32x1000000xf32, #tpu.memory_space<hbm>> -> memref<32x128xf32, #tpu.memory_space<hbm>>
      %dma_start3A_78 = arith.constant 96 : i32
      %dma_start3A_79 = arith.constant 0 : i32
      %dma_start3A_80 = tpu.memref_slice %arg12[%dma_start3A_78, %dma_start3A_79] : memref<256x128xf32, #tpu.memory_space<vmem>> -> memref<32x128xf32, #tpu.memory_space<vmem>>
      %dma_start3A_81 = arith.constant 0 : i32
      %dma_start3A_82 = tpu.memref_slice %arg4[%dma_start3A_81, %multiple_of3A_72] : memref<32x1000000xf32, #tpu.memory_space<hbm>> -> memref<32x128xf32, #tpu.memory_space<hbm>>
      tpu.enqueue_dma source(%dma_start3A_82 : memref<32x128xf32, #tpu.memory_space<hbm>>) target(%dma_start3A_80 : memref<32x128xf32, #tpu.memory_space<vmem>>) target_semaphore(%arg13 : memref<!tpu.dma_semaphore, #tpu.memory_space<semaphore_mem>>)
      %slice3A_83 = vector.extract_strided_slice %get3A_20 {offsets = [4], sizes = [1], strides = [1]} : vector<16xi32> to vector<1xi32>
      %squeeze3A_84 = vector.extract %slice3A_83[0] : i32 from vector<1xi32>
      %shift_right_arithmetic3A_85 = arith.constant 7 : i32
      %shift_right_arithmetic3A_86 = arith.shrsi %squeeze3A_84, %shift_right_arithmetic3A_85 : i32
      %shift_left3A_87 = arith.constant 7 : i32
      %shift_left3A_88 = arith.shli %shift_right_arithmetic3A_86, %shift_left3A_87 : i32
      %multiple_of3A_89 = tpu.assume_multiple %shift_left3A_88, 128 : i32
      %dma_start3A_90 = arith.constant 128 : i32
      %dma_start3A_91 = arith.constant 0 : i32
      %dma_start3A_92 = tpu.memref_slice %arg12[%dma_start3A_90, %dma_start3A_91] : memref<256x128xf32, #tpu.memory_space<vmem>> -> memref<32x128xf32, #tpu.memory_space<vmem>>
      %dma_start3A_93 = arith.constant 0 : i32
      %dma_start3A_94 = tpu.memref_slice %arg4[%dma_start3A_93, %multiple_of3A_89] : memref<32x1000000xf32, #tpu.memory_space<hbm>> -> memref<32x128xf32, #tpu.memory_space<hbm>>
      %dma_start3A_95 = arith.constant 128 : i32
      %dma_start3A_96 = arith.constant 0 : i32
      %dma_start3A_97 = tpu.memref_slice %arg12[%dma_start3A_95, %dma_start3A_96] : memref<256x128xf32, #tpu.memory_space<vmem>> -> memref<32x128xf32, #tpu.memory_space<vmem>>
      %dma_start3A_98 = arith.constant 0 : i32
      %dma_start3A_99 = tpu.memref_slice %arg4[%dma_start3A_98, %multiple_of3A_89] : memref<32x1000000xf32, #tpu.memory_space<hbm>> -> memref<32x128xf32, #tpu.memory_space<hbm>>
      tpu.enqueue_dma source(%dma_start3A_99 : memref<32x128xf32, #tpu.memory_space<hbm>>) target(%dma_start3A_97 : memref<32x128xf32, #tpu.memory_space<vmem>>) target_semaphore(%arg13 : memref<!tpu.dma_semaphore, #tpu.memory_space<semaphore_mem>>)
      %slice3A_100 = vector.extract_strided_slice %get3A_20 {offsets = [5], sizes = [1], strides = [1]} : vector<16xi32> to vector<1xi32>
      %squeeze3A_101 = vector.extract %slice3A_100[0] : i32 from vector<1xi32>
      %shift_right_arithmetic3A_102 = arith.constant 7 : i32
      %shift_right_arithmetic3A_103 = arith.shrsi %squeeze3A_101, %shift_right_arithmetic3A_102 : i32
      %shift_left3A_104 = arith.constant 7 : i32
      %shift_left3A_105 = arith.shli %shift_right_arithmetic3A_103, %shift_left3A_104 : i32
      %multiple_of3A_106 = tpu.assume_multiple %shift_left3A_105, 128 : i32
      %dma_start3A_107 = arith.constant 160 : i32
      %dma_start3A_108 = arith.constant 0 : i32
      %dma_start3A_109 = tpu.memref_slice %arg12[%dma_start3A_107, %dma_start3A_108] : memref<256x128xf32, #tpu.memory_space<vmem>> -> memref<32x128xf32, #tpu.memory_space<vmem>>
      %dma_start3A_110 = arith.constant 0 : i32
      %dma_start3A_111 = tpu.memref_slice %arg4[%dma_start3A_110, %multiple_of3A_106] : memref<32x1000000xf32, #tpu.memory_space<hbm>> -> memref<32x128xf32, #tpu.memory_space<hbm>>
      %dma_start3A_112 = arith.constant 160 : i32
      %dma_start3A_113 = arith.constant 0 : i32
      %dma_start3A_114 = tpu.memref_slice %arg12[%dma_start3A_112, %dma_start3A_113] : memref<256x128xf32, #tpu.memory_space<vmem>> -> memref<32x128xf32, #tpu.memory_space<vmem>>
      %dma_start3A_115 = arith.constant 0 : i32
      %dma_start3A_116 = tpu.memref_slice %arg4[%dma_start3A_115, %multiple_of3A_106] : memref<32x1000000xf32, #tpu.memory_space<hbm>> -> memref<32x128xf32, #tpu.memory_space<hbm>>
      tpu.enqueue_dma source(%dma_start3A_116 : memref<32x128xf32, #tpu.memory_space<hbm>>) target(%dma_start3A_114 : memref<32x128xf32, #tpu.memory_space<vmem>>) target_semaphore(%arg13 : memref<!tpu.dma_semaphore, #tpu.memory_space<semaphore_mem>>)
      %slice3A_117 = vector.extract_strided_slice %get3A_20 {offsets = [6], sizes = [1], strides = [1]} : vector<16xi32> to vector<1xi32>
      %squeeze3A_118 = vector.extract %slice3A_117[0] : i32 from vector<1xi32>
      %shift_right_arithmetic3A_119 = arith.constant 7 : i32
      %shift_right_arithmetic3A_120 = arith.shrsi %squeeze3A_118, %shift_right_arithmetic3A_119 : i32
      %shift_left3A_121 = arith.constant 7 : i32
      %shift_left3A_122 = arith.shli %shift_right_arithmetic3A_120, %shift_left3A_121 : i32
      %multiple_of3A_123 = tpu.assume_multiple %shift_left3A_122, 128 : i32
      %dma_start3A_124 = arith.constant 192 : i32
      %dma_start3A_125 = arith.constant 0 : i32
      %dma_start3A_126 = tpu.memref_slice %arg12[%dma_start3A_124, %dma_start3A_125] : memref<256x128xf32, #tpu.memory_space<vmem>> -> memref<32x128xf32, #tpu.memory_space<vmem>>
      %dma_start3A_127 = arith.constant 0 : i32
      %dma_start3A_128 = tpu.memref_slice %arg4[%dma_start3A_127, %multiple_of3A_123] : memref<32x1000000xf32, #tpu.memory_space<hbm>> -> memref<32x128xf32, #tpu.memory_space<hbm>>
      %dma_start3A_129 = arith.constant 192 : i32
      %dma_start3A_130 = arith.constant 0 : i32
      %dma_start3A_131 = tpu.memref_slice %arg12[%dma_start3A_129, %dma_start3A_130] : memref<256x128xf32, #tpu.memory_space<vmem>> -> memref<32x128xf32, #tpu.memory_space<vmem>>
      %dma_start3A_132 = arith.constant 0 : i32
      %dma_start3A_133 = tpu.memref_slice %arg4[%dma_start3A_132, %multiple_of3A_123] : memref<32x1000000xf32, #tpu.memory_space<hbm>> -> memref<32x128xf32, #tpu.memory_space<hbm>>
      tpu.enqueue_dma source(%dma_start3A_133 : memref<32x128xf32, #tpu.memory_space<hbm>>) target(%dma_start3A_131 : memref<32x128xf32, #tpu.memory_space<vmem>>) target_semaphore(%arg13 : memref<!tpu.dma_semaphore, #tpu.memory_space<semaphore_mem>>)
      %slice3A_134 = vector.extract_strided_slice %get3A_20 {offsets = [7], sizes = [1], strides = [1]} : vector<16xi32> to vector<1xi32>
      %squeeze3A_135 = vector.extract %slice3A_134[0] : i32 from vector<1xi32>
      %shift_right_arithmetic3A_136 = arith.constant 7 : i32
      %shift_right_arithmetic3A_137 = arith.shrsi %squeeze3A_135, %shift_right_arithmetic3A_136 : i32
      %shift_left3A_138 = arith.constant 7 : i32
      %shift_left3A_139 = arith.shli %shift_right_arithmetic3A_137, %shift_left3A_138 : i32
      %multiple_of3A_140 = tpu.assume_multiple %shift_left3A_139, 128 : i32
      %dma_start3A_141 = arith.constant 224 : i32
      %dma_start3A_142 = arith.constant 0 : i32
      %dma_start3A_143 = tpu.memref_slice %arg12[%dma_start3A_141, %dma_start3A_142] : memref<256x128xf32, #tpu.memory_space<vmem>> -> memref<32x128xf32, #tpu.memory_space<vmem>>
      %dma_start3A_144 = arith.constant 0 : i32
      %dma_start3A_145 = tpu.memref_slice %arg4[%dma_start3A_144, %multiple_of3A_140] : memref<32x1000000xf32, #tpu.memory_space<hbm>> -> memref<32x128xf32, #tpu.memory_space<hbm>>
      %dma_start3A_146 = arith.constant 224 : i32
      %dma_start3A_147 = arith.constant 0 : i32
      %dma_start3A_148 = tpu.memref_slice %arg12[%dma_start3A_146, %dma_start3A_147] : memref<256x128xf32, #tpu.memory_space<vmem>> -> memref<32x128xf32, #tpu.memory_space<vmem>>
      %dma_start3A_149 = arith.constant 0 : i32
      %dma_start3A_150 = tpu.memref_slice %arg4[%dma_start3A_149, %multiple_of3A_140] : memref<32x1000000xf32, #tpu.memory_space<hbm>> -> memref<32x128xf32, #tpu.memory_space<hbm>>
      tpu.enqueue_dma source(%dma_start3A_150 : memref<32x128xf32, #tpu.memory_space<hbm>>) target(%dma_start3A_148 : memref<32x128xf32, #tpu.memory_space<vmem>>) target_semaphore(%arg13 : memref<!tpu.dma_semaphore, #tpu.memory_space<semaphore_mem>>)
      %dma_wait3A = arith.constant 0 : i32
      %dma_wait3A_151 = arith.constant 0 : i32
      %dma_wait3A_152 = tpu.memref_slice %arg12[%dma_wait3A, %dma_wait3A_151] : memref<256x128xf32, #tpu.memory_space<vmem>> -> memref<32x128xf32, #tpu.memory_space<vmem>>
      %dma_wait3A_153 = arith.constant 0 : i32
      %dma_wait3A_154 = arith.constant 0 : i32
      %dma_wait3A_155 = tpu.memref_slice %arg4[%dma_wait3A_153, %dma_wait3A_154] : memref<32x1000000xf32, #tpu.memory_space<hbm>> -> memref<32x128xf32, #tpu.memory_space<hbm>>
      %dma_wait3A_156 = arith.constant 0 : i32
      %dma_wait3A_157 = arith.constant 0 : i32
      %dma_wait3A_158 = tpu.memref_slice %arg12[%dma_wait3A_156, %dma_wait3A_157] : memref<256x128xf32, #tpu.memory_space<vmem>> -> memref<32x128xf32, #tpu.memory_space<vmem>>
      %dma_wait3A_159 = arith.constant 0 : i32
      %dma_wait3A_160 = arith.constant 0 : i32
      %dma_wait3A_161 = tpu.memref_slice %arg4[%dma_wait3A_159, %dma_wait3A_160] : memref<32x1000000xf32, #tpu.memory_space<hbm>> -> memref<32x128xf32, #tpu.memory_space<hbm>>
      tpu.wait_dma2 semaphore(%arg13 : memref<!tpu.dma_semaphore, #tpu.memory_space<semaphore_mem>>) src(%dma_wait3A_161 : memref<32x128xf32, #tpu.memory_space<hbm>>) dst(%dma_wait3A_158 : memref<32x128xf32, #tpu.memory_space<vmem>>)
      %dma_wait3A_162 = arith.constant 32 : i32
      %dma_wait3A_163 = arith.constant 0 : i32
      %dma_wait3A_164 = tpu.memref_slice %arg12[%dma_wait3A_162, %dma_wait3A_163] : memref<256x128xf32, #tpu.memory_space<vmem>> -> memref<32x128xf32, #tpu.memory_space<vmem>>
      %dma_wait3A_165 = arith.constant 0 : i32
      %dma_wait3A_166 = arith.constant 0 : i32
      %dma_wait3A_167 = tpu.memref_slice %arg4[%dma_wait3A_165, %dma_wait3A_166] : memref<32x1000000xf32, #tpu.memory_space<hbm>> -> memref<32x128xf32, #tpu.memory_space<hbm>>
      %dma_wait3A_168 = arith.constant 32 : i32
      %dma_wait3A_169 = arith.constant 0 : i32
      %dma_wait3A_170 = tpu.memref_slice %arg12[%dma_wait3A_168, %dma_wait3A_169] : memref<256x128xf32, #tpu.memory_space<vmem>> -> memref<32x128xf32, #tpu.memory_space<vmem>>
      %dma_wait3A_171 = arith.constant 0 : i32
      %dma_wait3A_172 = arith.constant 0 : i32
      %dma_wait3A_173 = tpu.memref_slice %arg4[%dma_wait3A_171, %dma_wait3A_172] : memref<32x1000000xf32, #tpu.memory_space<hbm>> -> memref<32x128xf32, #tpu.memory_space<hbm>>
      tpu.wait_dma2 semaphore(%arg13 : memref<!tpu.dma_semaphore, #tpu.memory_space<semaphore_mem>>) src(%dma_wait3A_173 : memref<32x128xf32, #tpu.memory_space<hbm>>) dst(%dma_wait3A_170 : memref<32x128xf32, #tpu.memory_space<vmem>>)
      %dma_wait3A_174 = arith.constant 64 : i32
      %dma_wait3A_175 = arith.constant 0 : i32
      %dma_wait3A_176 = tpu.memref_slice %arg12[%dma_wait3A_174, %dma_wait3A_175] : memref<256x128xf32, #tpu.memory_space<vmem>> -> memref<32x128xf32, #tpu.memory_space<vmem>>
      %dma_wait3A_177 = arith.constant 0 : i32
      %dma_wait3A_178 = arith.constant 0 : i32
      %dma_wait3A_179 = tpu.memref_slice %arg4[%dma_wait3A_177, %dma_wait3A_178] : memref<32x1000000xf32, #tpu.memory_space<hbm>> -> memref<32x128xf32, #tpu.memory_space<hbm>>
      %dma_wait3A_180 = arith.constant 64 : i32
      %dma_wait3A_181 = arith.constant 0 : i32
      %dma_wait3A_182 = tpu.memref_slice %arg12[%dma_wait3A_180, %dma_wait3A_181] : memref<256x128xf32, #tpu.memory_space<vmem>> -> memref<32x128xf32, #tpu.memory_space<vmem>>
      %dma_wait3A_183 = arith.constant 0 : i32
      %dma_wait3A_184 = arith.constant 0 : i32
      %dma_wait3A_185 = tpu.memref_slice %arg4[%dma_wait3A_183, %dma_wait3A_184] : memref<32x1000000xf32, #tpu.memory_space<hbm>> -> memref<32x128xf32, #tpu.memory_space<hbm>>
      tpu.wait_dma2 semaphore(%arg13 : memref<!tpu.dma_semaphore, #tpu.memory_space<semaphore_mem>>) src(%dma_wait3A_185 : memref<32x128xf32, #tpu.memory_space<hbm>>) dst(%dma_wait3A_182 : memref<32x128xf32, #tpu.memory_space<vmem>>)
      %dma_wait3A_186 = arith.constant 96 : i32
      %dma_wait3A_187 = arith.constant 0 : i32
      %dma_wait3A_188 = tpu.memref_slice %arg12[%dma_wait3A_186, %dma_wait3A_187] : memref<256x128xf32, #tpu.memory_space<vmem>> -> memref<32x128xf32, #tpu.memory_space<vmem>>
      %dma_wait3A_189 = arith.constant 0 : i32
      %dma_wait3A_190 = arith.constant 0 : i32
      %dma_wait3A_191 = tpu.memref_slice %arg4[%dma_wait3A_189, %dma_wait3A_190] : memref<32x1000000xf32, #tpu.memory_space<hbm>> -> memref<32x128xf32, #tpu.memory_space<hbm>>
      %dma_wait3A_192 = arith.constant 96 : i32
      %dma_wait3A_193 = arith.constant 0 : i32
      %dma_wait3A_194 = tpu.memref_slice %arg12[%dma_wait3A_192, %dma_wait3A_193] : memref<256x128xf32, #tpu.memory_space<vmem>> -> memref<32x128xf32, #tpu.memory_space<vmem>>
      %dma_wait3A_195 = arith.constant 0 : i32
      %dma_wait3A_196 = arith.constant 0 : i32
      %dma_wait3A_197 = tpu.memref_slice %arg4[%dma_wait3A_195, %dma_wait3A_196] : memref<32x1000000xf32, #tpu.memory_space<hbm>> -> memref<32x128xf32, #tpu.memory_space<hbm>>
      tpu.wait_dma2 semaphore(%arg13 : memref<!tpu.dma_semaphore, #tpu.memory_space<semaphore_mem>>) src(%dma_wait3A_197 : memref<32x128xf32, #tpu.memory_space<hbm>>) dst(%dma_wait3A_194 : memref<32x128xf32, #tpu.memory_space<vmem>>)
      %mul3A_198 = arith.constant 16 : i32
      %mul3A_199 = arith.muli %scan3A_17, %mul3A_198 : i32
      %add3A_200 = arith.constant 0 : i32
      %add3A_201 = arith.addi %mul3A_199, %add3A_200 : i32
      %and3A = arith.constant 0 : i32
      %and3A_202 = vector.broadcast %and3A : i32 to vector<16xi32>
      %and3A_203 = arith.andi %iota3A_10, %and3A_202 : vector<16xi32>
      %slice3A_204 = vector.extract_strided_slice %get3A_20 {offsets = [0], sizes = [1], strides = [1]} : vector<16xi32> to vector<1xi32>
      %squeeze3A_205 = vector.extract %slice3A_204[0] : i32 from vector<1xi32>
      %and3A_206 = arith.constant 127 : i32
      %and3A_207 = arith.andi %squeeze3A_205, %and3A_206 : i32
      %add3A_208 = vector.broadcast %and3A_207 : i32 to vector<16xi32>
      %add3A_209 = arith.addi %and3A_203, %add3A_208 : vector<16xi32>
      %add3A_210 = arith.constant 0 : i32
      %add3A_211 = vector.broadcast %add3A_210 : i32 to vector<16xi32>
      %add3A_212 = arith.addi %iota3A_10, %add3A_211 : vector<16xi32>
      %gather3A = tpu.vector_load_idx %arg12[%add3A_212, %add3A_209] : memref<256x128xf32, #tpu.memory_space<vmem>>[vector<16xi32>, vector<16xi32>], vector<16xf32>,
      %add3A_213 = arith.constant 16 : i32
      %add3A_214 = vector.broadcast %add3A_213 : i32 to vector<16xi32>
      %add3A_215 = arith.addi %iota3A_10, %add3A_214 : vector<16xi32>
      %gather3A_216 = tpu.vector_load_idx %arg12[%add3A_215, %add3A_209] : memref<256x128xf32, #tpu.memory_space<vmem>>[vector<16xi32>, vector<16xi32>], vector<16xf32>,
      %swap3A = arith.constant 0 : i32
      %swap3A_217 = tpu.memref_slice %arg10[%add3A_201, %swap3A] : memref<256x32xf32, #tpu.memory_space<vmem>> -> memref<1x32xf32, #tpu.memory_space<vmem>>
      %swap3A_218 = tpu.memref_squeeze %swap3A_217 : memref<1x32xf32, #tpu.memory_space<vmem>> -> memref<32xf32, #tpu.memory_space<vmem>>
      %swap3A_219 = arith.constant 0 : index
      %swap3A_220 = tpu.vector_load %swap3A_218[%swap3A_219] {strides = array<i32>} : memref<32xf32, #tpu.memory_space<vmem>>, vector<16xf32>,
      tpu.vector_store %swap3A_218[%swap3A_219], %gather3A {strides = array<i32>} : memref<32xf32, #tpu.memory_space<vmem>>, vector<16xf32>,
      %swap3A_221 = arith.constant 0 : i32
      %swap3A_222 = tpu.memref_slice %arg10[%add3A_201, %swap3A_221] : memref<256x32xf32, #tpu.memory_space<vmem>> -> memref<1x32xf32, #tpu.memory_space<vmem>>
      %swap3A_223 = tpu.memref_squeeze %swap3A_222 : memref<1x32xf32, #tpu.memory_space<vmem>> -> memref<32xf32, #tpu.memory_space<vmem>>
      %swap3A_224 = arith.constant 16 : index
      %swap3A_225 = tpu.vector_load %swap3A_223[%swap3A_224] {strides = array<i32>} : memref<32xf32, #tpu.memory_space<vmem>>, vector<16xf32>,
      tpu.vector_store %swap3A_223[%swap3A_224], %gather3A_216 {strides = array<i32>} : memref<32xf32, #tpu.memory_space<vmem>>, vector<16xf32>,
      %mul3A_226 = arith.constant 16 : i32
      %mul3A_227 = arith.muli %scan3A_17, %mul3A_226 : i32
      %add3A_228 = arith.constant 1 : i32
      %add3A_229 = arith.addi %mul3A_227, %add3A_228 : i32
      %and3A_230 = arith.constant 0 : i32
      %and3A_231 = vector.broadcast %and3A_230 : i32 to vector<16xi32>
      %and3A_232 = arith.andi %iota3A_10, %and3A_231 : vector<16xi32>
      %slice3A_233 = vector.extract_strided_slice %get3A_20 {offsets = [1], sizes = [1], strides = [1]} : vector<16xi32> to vector<1xi32>
      %squeeze3A_234 = vector.extract %slice3A_233[0] : i32 from vector<1xi32>
      %and3A_235 = arith.constant 127 : i32
      %and3A_236 = arith.andi %squeeze3A_234, %and3A_235 : i32
      %add3A_237 = vector.broadcast %and3A_236 : i32 to vector<16xi32>
      %add3A_238 = arith.addi %and3A_232, %add3A_237 : vector<16xi32>
      %add3A_239 = arith.constant 32 : i32
      %add3A_240 = vector.broadcast %add3A_239 : i32 to vector<16xi32>
      %add3A_241 = arith.addi %iota3A_10, %add3A_240 : vector<16xi32>
      %gather3A_242 = tpu.vector_load_idx %arg12[%add3A_241, %add3A_238] : memref<256x128xf32, #tpu.memory_space<vmem>>[vector<16xi32>, vector<16xi32>], vector<16xf32>,
      %add3A_243 = arith.constant 48 : i32
      %add3A_244 = vector.broadcast %add3A_243 : i32 to vector<16xi32>
      %add3A_245 = arith.addi %iota3A_10, %add3A_244 : vector<16xi32>
      %gather3A_246 = tpu.vector_load_idx %arg12[%add3A_245, %add3A_238] : memref<256x128xf32, #tpu.memory_space<vmem>>[vector<16xi32>, vector<16xi32>], vector<16xf32>,
      %swap3A_247 = arith.constant 0 : i32
      %swap3A_248 = tpu.memref_slice %arg10[%add3A_229, %swap3A_247] : memref<256x32xf32, #tpu.memory_space<vmem>> -> memref<1x32xf32, #tpu.memory_space<vmem>>
      %swap3A_249 = tpu.memref_squeeze %swap3A_248 : memref<1x32xf32, #tpu.memory_space<vmem>> -> memref<32xf32, #tpu.memory_space<vmem>>
      %swap3A_250 = arith.constant 0 : index
      %swap3A_251 = tpu.vector_load %swap3A_249[%swap3A_250] {strides = array<i32>} : memref<32xf32, #tpu.memory_space<vmem>>, vector<16xf32>,
      tpu.vector_store %swap3A_249[%swap3A_250], %gather3A_242 {strides = array<i32>} : memref<32xf32, #tpu.memory_space<vmem>>, vector<16xf32>,
      %swap3A_252 = arith.constant 0 : i32
      %swap3A_253 = tpu.memref_slice %arg10[%add3A_229, %swap3A_252] : memref<256x32xf32, #tpu.memory_space<vmem>> -> memref<1x32xf32, #tpu.memory_space<vmem>>
      %swap3A_254 = tpu.memref_squeeze %swap3A_253 : memref<1x32xf32, #tpu.memory_space<vmem>> -> memref<32xf32, #tpu.memory_space<vmem>>
      %swap3A_255 = arith.constant 16 : index
      %swap3A_256 = tpu.vector_load %swap3A_254[%swap3A_255] {strides = array<i32>} : memref<32xf32, #tpu.memory_space<vmem>>, vector<16xf32>,
      tpu.vector_store %swap3A_254[%swap3A_255], %gather3A_246 {strides = array<i32>} : memref<32xf32, #tpu.memory_space<vmem>>, vector<16xf32>,
      %mul3A_257 = arith.constant 16 : i32
      %mul3A_258 = arith.muli %scan3A_17, %mul3A_257 : i32
      %add3A_259 = arith.constant 2 : i32
      %add3A_260 = arith.addi %mul3A_258, %add3A_259 : i32
      %and3A_261 = arith.constant 0 : i32
      %and3A_262 = vector.broadcast %and3A_261 : i32 to vector<16xi32>
      %and3A_263 = arith.andi %iota3A_10, %and3A_262 : vector<16xi32>
      %slice3A_264 = vector.extract_strided_slice %get3A_20 {offsets = [2], sizes = [1], strides = [1]} : vector<16xi32> to vector<1xi32>
      %squeeze3A_265 = vector.extract %slice3A_264[0] : i32 from vector<1xi32>
      %and3A_266 = arith.constant 127 : i32
      %and3A_267 = arith.andi %squeeze3A_265, %and3A_266 : i32
      %add3A_268 = vector.broadcast %and3A_267 : i32 to vector<16xi32>
      %add3A_269 = arith.addi %and3A_263, %add3A_268 : vector<16xi32>
      %add3A_270 = arith.constant 64 : i32
      %add3A_271 = vector.broadcast %add3A_270 : i32 to vector<16xi32>
      %add3A_272 = arith.addi %iota3A_10, %add3A_271 : vector<16xi32>
      %gather3A_273 = tpu.vector_load_idx %arg12[%add3A_272, %add3A_269] : memref<256x128xf32, #tpu.memory_space<vmem>>[vector<16xi32>, vector<16xi32>], vector<16xf32>,
      %add3A_274 = arith.constant 80 : i32
      %add3A_275 = vector.broadcast %add3A_274 : i32 to vector<16xi32>
      %add3A_276 = arith.addi %iota3A_10, %add3A_275 : vector<16xi32>
      %gather3A_277 = tpu.vector_load_idx %arg12[%add3A_276, %add3A_269] : memref<256x128xf32, #tpu.memory_space<vmem>>[vector<16xi32>, vector<16xi32>], vector<16xf32>,
      %swap3A_278 = arith.constant 0 : i32
      %swap3A_279 = tpu.memref_slice %arg10[%add3A_260, %swap3A_278] : memref<256x32xf32, #tpu.memory_space<vmem>> -> memref<1x32xf32, #tpu.memory_space<vmem>>
      %swap3A_280 = tpu.memref_squeeze %swap3A_279 : memref<1x32xf32, #tpu.memory_space<vmem>> -> memref<32xf32, #tpu.memory_space<vmem>>
      %swap3A_281 = arith.constant 0 : index
      %swap3A_282 = tpu.vector_load %swap3A_280[%swap3A_281] {strides = array<i32>} : memref<32xf32, #tpu.memory_space<vmem>>, vector<16xf32>,
      tpu.vector_store %swap3A_280[%swap3A_281], %gather3A_273 {strides = array<i32>} : memref<32xf32, #tpu.memory_space<vmem>>, vector<16xf32>,
      %swap3A_283 = arith.constant 0 : i32
      %swap3A_284 = tpu.memref_slice %arg10[%add3A_260, %swap3A_283] : memref<256x32xf32, #tpu.memory_space<vmem>> -> memref<1x32xf32, #tpu.memory_space<vmem>>
      %swap3A_285 = tpu.memref_squeeze %swap3A_284 : memref<1x32xf32, #tpu.memory_space<vmem>> -> memref<32xf32, #tpu.memory_space<vmem>>
      %swap3A_286 = arith.constant 16 : index
      %swap3A_287 = tpu.vector_load %swap3A_285[%swap3A_286] {strides = array<i32>} : memref<32xf32, #tpu.memory_space<vmem>>, vector<16xf32>,
      tpu.vector_store %swap3A_285[%swap3A_286], %gather3A_277 {strides = array<i32>} : memref<32xf32, #tpu.memory_space<vmem>>, vector<16xf32>,
      %mul3A_288 = arith.constant 16 : i32
      %mul3A_289 = arith.muli %scan3A_17, %mul3A_288 : i32
      %add3A_290 = arith.constant 3 : i32
      %add3A_291 = arith.addi %mul3A_289, %add3A_290 : i32
      %and3A_292 = arith.constant 0 : i32
      %and3A_293 = vector.broadcast %and3A_292 : i32 to vector<16xi32>
      %and3A_294 = arith.andi %iota3A_10, %and3A_293 : vector<16xi32>
      %slice3A_295 = vector.extract_strided_slice %get3A_20 {offsets = [3], sizes = [1], strides = [1]} : vector<16xi32> to vector<1xi32>
      %squeeze3A_296 = vector.extract %slice3A_295[0] : i32 from vector<1xi32>
      %and3A_297 = arith.constant 127 : i32
      %and3A_298 = arith.andi %squeeze3A_296, %and3A_297 : i32
      %add3A_299 = vector.broadcast %and3A_298 : i32 to vector<16xi32>
      %add3A_300 = arith.addi %and3A_294, %add3A_299 : vector<16xi32>
      %add3A_301 = arith.constant 96 : i32
      %add3A_302 = vector.broadcast %add3A_301 : i32 to vector<16xi32>
      %add3A_303 = arith.addi %iota3A_10, %add3A_302 : vector<16xi32>
      %gather3A_304 = tpu.vector_load_idx %arg12[%add3A_303, %add3A_300] : memref<256x128xf32, #tpu.memory_space<vmem>>[vector<16xi32>, vector<16xi32>], vector<16xf32>,
      %add3A_305 = arith.constant 112 : i32
      %add3A_306 = vector.broadcast %add3A_305 : i32 to vector<16xi32>
      %add3A_307 = arith.addi %iota3A_10, %add3A_306 : vector<16xi32>
      %gather3A_308 = tpu.vector_load_idx %arg12[%add3A_307, %add3A_300] : memref<256x128xf32, #tpu.memory_space<vmem>>[vector<16xi32>, vector<16xi32>], vector<16xf32>,
      %swap3A_309 = arith.constant 0 : i32
      %swap3A_310 = tpu.memref_slice %arg10[%add3A_291, %swap3A_309] : memref<256x32xf32, #tpu.memory_space<vmem>> -> memref<1x32xf32, #tpu.memory_space<vmem>>
      %swap3A_311 = tpu.memref_squeeze %swap3A_310 : memref<1x32xf32, #tpu.memory_space<vmem>> -> memref<32xf32, #tpu.memory_space<vmem>>
      %swap3A_312 = arith.constant 0 : index
      %swap3A_313 = tpu.vector_load %swap3A_311[%swap3A_312] {strides = array<i32>} : memref<32xf32, #tpu.memory_space<vmem>>, vector<16xf32>,
      tpu.vector_store %swap3A_311[%swap3A_312], %gather3A_304 {strides = array<i32>} : memref<32xf32, #tpu.memory_space<vmem>>, vector<16xf32>,
      %swap3A_314 = arith.constant 0 : i32
      %swap3A_315 = tpu.memref_slice %arg10[%add3A_291, %swap3A_314] : memref<256x32xf32, #tpu.memory_space<vmem>> -> memref<1x32xf32, #tpu.memory_space<vmem>>
      %swap3A_316 = tpu.memref_squeeze %swap3A_315 : memref<1x32xf32, #tpu.memory_space<vmem>> -> memref<32xf32, #tpu.memory_space<vmem>>
      %swap3A_317 = arith.constant 16 : index
      %swap3A_318 = tpu.vector_load %swap3A_316[%swap3A_317] {strides = array<i32>} : memref<32xf32, #tpu.memory_space<vmem>>, vector<16xf32>,
      tpu.vector_store %swap3A_316[%swap3A_317], %gather3A_308 {strides = array<i32>} : memref<32xf32, #tpu.memory_space<vmem>>, vector<16xf32>,
      %slice3A_319 = vector.extract_strided_slice %get3A_20 {offsets = [8], sizes = [1], strides = [1]} : vector<16xi32> to vector<1xi32>
      %squeeze3A_320 = vector.extract %slice3A_319[0] : i32 from vector<1xi32>
      %shift_right_arithmetic3A_321 = arith.constant 7 : i32
      %shift_right_arithmetic3A_322 = arith.shrsi %squeeze3A_320, %shift_right_arithmetic3A_321 : i32
      %shift_left3A_323 = arith.constant 7 : i32
      %shift_left3A_324 = arith.shli %shift_right_arithmetic3A_322, %shift_left3A_323 : i32
      %multiple_of3A_325 = tpu.assume_multiple %shift_left3A_324, 128 : i32
      %dma_start3A_326 = arith.constant 0 : i32
      %dma_start3A_327 = arith.constant 0 : i32
      %dma_start3A_328 = tpu.memref_slice %arg12[%dma_start3A_326, %dma_start3A_327] : memref<256x128xf32, #tpu.memory_space<vmem>> -> memref<32x128xf32, #tpu.memory_space<vmem>>
      %dma_start3A_329 = arith.constant 0 : i32
      %dma_start3A_330 = tpu.memref_slice %arg4[%dma_start3A_329, %multiple_of3A_325] : memref<32x1000000xf32, #tpu.memory_space<hbm>> -> memref<32x128xf32, #tpu.memory_space<hbm>>
      %dma_start3A_331 = arith.constant 0 : i32
      %dma_start3A_332 = arith.constant 0 : i32
      %dma_start3A_333 = tpu.memref_slice %arg12[%dma_start3A_331, %dma_start3A_332] : memref<256x128xf32, #tpu.memory_space<vmem>> -> memref<32x128xf32, #tpu.memory_space<vmem>>
      %dma_start3A_334 = arith.constant 0 : i32
      %dma_start3A_335 = tpu.memref_slice %arg4[%dma_start3A_334, %multiple_of3A_325] : memref<32x1000000xf32, #tpu.memory_space<hbm>> -> memref<32x128xf32, #tpu.memory_space<hbm>>
      tpu.enqueue_dma source(%dma_start3A_335 : memref<32x128xf32, #tpu.memory_space<hbm>>) target(%dma_start3A_333 : memref<32x128xf32, #tpu.memory_space<vmem>>) target_semaphore(%arg13 : memref<!tpu.dma_semaphore, #tpu.memory_space<semaphore_mem>>)
      %slice3A_336 = vector.extract_strided_slice %get3A_20 {offsets = [9], sizes = [1], strides = [1]} : vector<16xi32> to vector<1xi32>
      %squeeze3A_337 = vector.extract %slice3A_336[0] : i32 from vector<1xi32>
      %shift_right_arithmetic3A_338 = arith.constant 7 : i32
      %shift_right_arithmetic3A_339 = arith.shrsi %squeeze3A_337, %shift_right_arithmetic3A_338 : i32
      %shift_left3A_340 = arith.constant 7 : i32
      %shift_left3A_341 = arith.shli %shift_right_arithmetic3A_339, %shift_left3A_340 : i32
      %multiple_of3A_342 = tpu.assume_multiple %shift_left3A_341, 128 : i32
      %dma_start3A_343 = arith.constant 32 : i32
      %dma_start3A_344 = arith.constant 0 : i32
      %dma_start3A_345 = tpu.memref_slice %arg12[%dma_start3A_343, %dma_start3A_344] : memref<256x128xf32, #tpu.memory_space<vmem>> -> memref<32x128xf32, #tpu.memory_space<vmem>>
      %dma_start3A_346 = arith.constant 0 : i32
      %dma_start3A_347 = tpu.memref_slice %arg4[%dma_start3A_346, %multiple_of3A_342] : memref<32x1000000xf32, #tpu.memory_space<hbm>> -> memref<32x128xf32, #tpu.memory_space<hbm>>
      %dma_start3A_348 = arith.constant 32 : i32
      %dma_start3A_349 = arith.constant 0 : i32
      %dma_start3A_350 = tpu.memref_slice %arg12[%dma_start3A_348, %dma_start3A_349] : memref<256x128xf32, #tpu.memory_space<vmem>> -> memref<32x128xf32, #tpu.memory_space<vmem>>
      %dma_start3A_351 = arith.constant 0 : i32
      %dma_start3A_352 = tpu.memref_slice %arg4[%dma_start3A_351, %multiple_of3A_342] : memref<32x1000000xf32, #tpu.memory_space<hbm>> -> memref<32x128xf32, #tpu.memory_space<hbm>>
      tpu.enqueue_dma source(%dma_start3A_352 : memref<32x128xf32, #tpu.memory_space<hbm>>) target(%dma_start3A_350 : memref<32x128xf32, #tpu.memory_space<vmem>>) target_semaphore(%arg13 : memref<!tpu.dma_semaphore, #tpu.memory_space<semaphore_mem>>)
      %slice3A_353 = vector.extract_strided_slice %get3A_20 {offsets = [10], sizes = [1], strides = [1]} : vector<16xi32> to vector<1xi32>
      %squeeze3A_354 = vector.extract %slice3A_353[0] : i32 from vector<1xi32>
      %shift_right_arithmetic3A_355 = arith.constant 7 : i32
      %shift_right_arithmetic3A_356 = arith.shrsi %squeeze3A_354, %shift_right_arithmetic3A_355 : i32
      %shift_left3A_357 = arith.constant 7 : i32
      %shift_left3A_358 = arith.shli %shift_right_arithmetic3A_356, %shift_left3A_357 : i32
      %multiple_of3A_359 = tpu.assume_multiple %shift_left3A_358, 128 : i32
      %dma_start3A_360 = arith.constant 64 : i32
      %dma_start3A_361 = arith.constant 0 : i32
      %dma_start3A_362 = tpu.memref_slice %arg12[%dma_start3A_360, %dma_start3A_361] : memref<256x128xf32, #tpu.memory_space<vmem>> -> memref<32x128xf32, #tpu.memory_space<vmem>>
      %dma_start3A_363 = arith.constant 0 : i32
      %dma_start3A_364 = tpu.memref_slice %arg4[%dma_start3A_363, %multiple_of3A_359] : memref<32x1000000xf32, #tpu.memory_space<hbm>> -> memref<32x128xf32, #tpu.memory_space<hbm>>
      %dma_start3A_365 = arith.constant 64 : i32
      %dma_start3A_366 = arith.constant 0 : i32
      %dma_start3A_367 = tpu.memref_slice %arg12[%dma_start3A_365, %dma_start3A_366] : memref<256x128xf32, #tpu.memory_space<vmem>> -> memref<32x128xf32, #tpu.memory_space<vmem>>
      %dma_start3A_368 = arith.constant 0 : i32
      %dma_start3A_369 = tpu.memref_slice %arg4[%dma_start3A_368, %multiple_of3A_359] : memref<32x1000000xf32, #tpu.memory_space<hbm>> -> memref<32x128xf32, #tpu.memory_space<hbm>>
      tpu.enqueue_dma source(%dma_start3A_369 : memref<32x128xf32, #tpu.memory_space<hbm>>) target(%dma_start3A_367 : memref<32x128xf32, #tpu.memory_space<vmem>>) target_semaphore(%arg13 : memref<!tpu.dma_semaphore, #tpu.memory_space<semaphore_mem>>)
      %slice3A_370 = vector.extract_strided_slice %get3A_20 {offsets = [11], sizes = [1], strides = [1]} : vector<16xi32> to vector<1xi32>
      %squeeze3A_371 = vector.extract %slice3A_370[0] : i32 from vector<1xi32>
      %shift_right_arithmetic3A_372 = arith.constant 7 : i32
      %shift_right_arithmetic3A_373 = arith.shrsi %squeeze3A_371, %shift_right_arithmetic3A_372 : i32
      %shift_left3A_374 = arith.constant 7 : i32
      %shift_left3A_375 = arith.shli %shift_right_arithmetic3A_373, %shift_left3A_374 : i32
      %multiple_of3A_376 = tpu.assume_multiple %shift_left3A_375, 128 : i32
      %dma_start3A_377 = arith.constant 96 : i32
      %dma_start3A_378 = arith.constant 0 : i32
      %dma_start3A_379 = tpu.memref_slice %arg12[%dma_start3A_377, %dma_start3A_378] : memref<256x128xf32, #tpu.memory_space<vmem>> -> memref<32x128xf32, #tpu.memory_space<vmem>>
      %dma_start3A_380 = arith.constant 0 : i32
      %dma_start3A_381 = tpu.memref_slice %arg4[%dma_start3A_380, %multiple_of3A_376] : memref<32x1000000xf32, #tpu.memory_space<hbm>> -> memref<32x128xf32, #tpu.memory_space<hbm>>
      %dma_start3A_382 = arith.constant 96 : i32
      %dma_start3A_383 = arith.constant 0 : i32
      %dma_start3A_384 = tpu.memref_slice %arg12[%dma_start3A_382, %dma_start3A_383] : memref<256x128xf32, #tpu.memory_space<vmem>> -> memref<32x128xf32, #tpu.memory_space<vmem>>
      %dma_start3A_385 = arith.constant 0 : i32
      %dma_start3A_386 = tpu.memref_slice %arg4[%dma_start3A_385, %multiple_of3A_376] : memref<32x1000000xf32, #tpu.memory_space<hbm>> -> memref<32x128xf32, #tpu.memory_space<hbm>>
      tpu.enqueue_dma source(%dma_start3A_386 : memref<32x128xf32, #tpu.memory_space<hbm>>) target(%dma_start3A_384 : memref<32x128xf32, #tpu.memory_space<vmem>>) target_semaphore(%arg13 : memref<!tpu.dma_semaphore, #tpu.memory_space<semaphore_mem>>)
      %dma_wait3A_387 = arith.constant 128 : i32
      %dma_wait3A_388 = arith.constant 0 : i32
      %dma_wait3A_389 = tpu.memref_slice %arg12[%dma_wait3A_387, %dma_wait3A_388] : memref<256x128xf32, #tpu.memory_space<vmem>> -> memref<32x128xf32, #tpu.memory_space<vmem>>
      %dma_wait3A_390 = arith.constant 0 : i32
      %dma_wait3A_391 = arith.constant 0 : i32
      %dma_wait3A_392 = tpu.memref_slice %arg4[%dma_wait3A_390, %dma_wait3A_391] : memref<32x1000000xf32, #tpu.memory_space<hbm>> -> memref<32x128xf32, #tpu.memory_space<hbm>>
      %dma_wait3A_393 = arith.constant 128 : i32
      %dma_wait3A_394 = arith.constant 0 : i32
      %dma_wait3A_395 = tpu.memref_slice %arg12[%dma_wait3A_393, %dma_wait3A_394] : memref<256x128xf32, #tpu.memory_space<vmem>> -> memref<32x128xf32, #tpu.memory_space<vmem>>
      %dma_wait3A_396 = arith.constant 0 : i32
      %dma_wait3A_397 = arith.constant 0 : i32
      %dma_wait3A_398 = tpu.memref_slice %arg4[%dma_wait3A_396, %dma_wait3A_397] : memref<32x1000000xf32, #tpu.memory_space<hbm>> -> memref<32x128xf32, #tpu.memory_space<hbm>>
      tpu.wait_dma2 semaphore(%arg13 : memref<!tpu.dma_semaphore, #tpu.memory_space<semaphore_mem>>) src(%dma_wait3A_398 : memref<32x128xf32, #tpu.memory_space<hbm>>) dst(%dma_wait3A_395 : memref<32x128xf32, #tpu.memory_space<vmem>>)
      %dma_wait3A_399 = arith.constant 160 : i32
      %dma_wait3A_400 = arith.constant 0 : i32
      %dma_wait3A_401 = tpu.memref_slice %arg12[%dma_wait3A_399, %dma_wait3A_400] : memref<256x128xf32, #tpu.memory_space<vmem>> -> memref<32x128xf32, #tpu.memory_space<vmem>>
      %dma_wait3A_402 = arith.constant 0 : i32
      %dma_wait3A_403 = arith.constant 0 : i32
      %dma_wait3A_404 = tpu.memref_slice %arg4[%dma_wait3A_402, %dma_wait3A_403] : memref<32x1000000xf32, #tpu.memory_space<hbm>> -> memref<32x128xf32, #tpu.memory_space<hbm>>
      %dma_wait3A_405 = arith.constant 160 : i32
      %dma_wait3A_406 = arith.constant 0 : i32
      %dma_wait3A_407 = tpu.memref_slice %arg12[%dma_wait3A_405, %dma_wait3A_406] : memref<256x128xf32, #tpu.memory_space<vmem>> -> memref<32x128xf32, #tpu.memory_space<vmem>>
      %dma_wait3A_408 = arith.constant 0 : i32
      %dma_wait3A_409 = arith.constant 0 : i32
      %dma_wait3A_410 = tpu.memref_slice %arg4[%dma_wait3A_408, %dma_wait3A_409] : memref<32x1000000xf32, #tpu.memory_space<hbm>> -> memref<32x128xf32, #tpu.memory_space<hbm>>
      tpu.wait_dma2 semaphore(%arg13 : memref<!tpu.dma_semaphore, #tpu.memory_space<semaphore_mem>>) src(%dma_wait3A_410 : memref<32x128xf32, #tpu.memory_space<hbm>>) dst(%dma_wait3A_407 : memref<32x128xf32, #tpu.memory_space<vmem>>)
      %dma_wait3A_411 = arith.constant 192 : i32
      %dma_wait3A_412 = arith.constant 0 : i32
      %dma_wait3A_413 = tpu.memref_slice %arg12[%dma_wait3A_411, %dma_wait3A_412] : memref<256x128xf32, #tpu.memory_space<vmem>> -> memref<32x128xf32, #tpu.memory_space<vmem>>
      %dma_wait3A_414 = arith.constant 0 : i32
      %dma_wait3A_415 = arith.constant 0 : i32
      %dma_wait3A_416 = tpu.memref_slice %arg4[%dma_wait3A_414, %dma_wait3A_415] : memref<32x1000000xf32, #tpu.memory_space<hbm>> -> memref<32x128xf32, #tpu.memory_space<hbm>>
      %dma_wait3A_417 = arith.constant 192 : i32
      %dma_wait3A_418 = arith.constant 0 : i32
      %dma_wait3A_419 = tpu.memref_slice %arg12[%dma_wait3A_417, %dma_wait3A_418] : memref<256x128xf32, #tpu.memory_space<vmem>> -> memref<32x128xf32, #tpu.memory_space<vmem>>
      %dma_wait3A_420 = arith.constant 0 : i32
      %dma_wait3A_421 = arith.constant 0 : i32
      %dma_wait3A_422 = tpu.memref_slice %arg4[%dma_wait3A_420, %dma_wait3A_421] : memref<32x1000000xf32, #tpu.memory_space<hbm>> -> memref<32x128xf32, #tpu.memory_space<hbm>>
      tpu.wait_dma2 semaphore(%arg13 : memref<!tpu.dma_semaphore, #tpu.memory_space<semaphore_mem>>) src(%dma_wait3A_422 : memref<32x128xf32, #tpu.memory_space<hbm>>) dst(%dma_wait3A_419 : memref<32x128xf32, #tpu.memory_space<vmem>>)
      %dma_wait3A_423 = arith.constant 224 : i32
      %dma_wait3A_424 = arith.constant 0 : i32
      %dma_wait3A_425 = tpu.memref_slice %arg12[%dma_wait3A_423, %dma_wait3A_424] : memref<256x128xf32, #tpu.memory_space<vmem>> -> memref<32x128xf32, #tpu.memory_space<vmem>>
      %dma_wait3A_426 = arith.constant 0 : i32
      %dma_wait3A_427 = arith.constant 0 : i32
      %dma_wait3A_428 = tpu.memref_slice %arg4[%dma_wait3A_426, %dma_wait3A_427] : memref<32x1000000xf32, #tpu.memory_space<hbm>> -> memref<32x128xf32, #tpu.memory_space<hbm>>
      %dma_wait3A_429 = arith.constant 224 : i32
      %dma_wait3A_430 = arith.constant 0 : i32
      %dma_wait3A_431 = tpu.memref_slice %arg12[%dma_wait3A_429, %dma_wait3A_430] : memref<256x128xf32, #tpu.memory_space<vmem>> -> memref<32x128xf32, #tpu.memory_space<vmem>>
      %dma_wait3A_432 = arith.constant 0 : i32
      %dma_wait3A_433 = arith.constant 0 : i32
      %dma_wait3A_434 = tpu.memref_slice %arg4[%dma_wait3A_432, %dma_wait3A_433] : memref<32x1000000xf32, #tpu.memory_space<hbm>> -> memref<32x128xf32, #tpu.memory_space<hbm>>
      tpu.wait_dma2 semaphore(%arg13 : memref<!tpu.dma_semaphore, #tpu.memory_space<semaphore_mem>>) src(%dma_wait3A_434 : memref<32x128xf32, #tpu.memory_space<hbm>>) dst(%dma_wait3A_431 : memref<32x128xf32, #tpu.memory_space<vmem>>)
      %mul3A_435 = arith.constant 16 : i32
      %mul3A_436 = arith.muli %scan3A_17, %mul3A_435 : i32
      %add3A_437 = arith.constant 4 : i32
      %add3A_438 = arith.addi %mul3A_436, %add3A_437 : i32
      %and3A_439 = arith.constant 0 : i32
      %and3A_440 = vector.broadcast %and3A_439 : i32 to vector<16xi32>
      %and3A_441 = arith.andi %iota3A_10, %and3A_440 : vector<16xi32>
      %slice3A_442 = vector.extract_strided_slice %get3A_20 {offsets = [4], sizes = [1], strides = [1]} : vector<16xi32> to vector<1xi32>
      %squeeze3A_443 = vector.extract %slice3A_442[0] : i32 from vector<1xi32>
      %and3A_444 = arith.constant 127 : i32
      %and3A_445 = arith.andi %squeeze3A_443, %and3A_444 : i32
      %add3A_446 = vector.broadcast %and3A_445 : i32 to vector<16xi32>
      %add3A_447 = arith.addi %and3A_441, %add3A_446 : vector<16xi32>
      %add3A_448 = arith.constant 128 : i32
      %add3A_449 = vector.broadcast %add3A_448 : i32 to vector<16xi32>
      %add3A_450 = arith.addi %iota3A_10, %add3A_449 : vector<16xi32>
      %gather3A_451 = tpu.vector_load_idx %arg12[%add3A_450, %add3A_447] : memref<256x128xf32, #tpu.memory_space<vmem>>[vector<16xi32>, vector<16xi32>], vector<16xf32>,
      %add3A_452 = arith.constant 144 : i32
      %add3A_453 = vector.broadcast %add3A_452 : i32 to vector<16xi32>
      %add3A_454 = arith.addi %iota3A_10, %add3A_453 : vector<16xi32>
      %gather3A_455 = tpu.vector_load_idx %arg12[%add3A_454, %add3A_447] : memref<256x128xf32, #tpu.memory_space<vmem>>[vector<16xi32>, vector<16xi32>], vector<16xf32>,
      %swap3A_456 = arith.constant 0 : i32
      %swap3A_457 = tpu.memref_slice %arg10[%add3A_438, %swap3A_456] : memref<256x32xf32, #tpu.memory_space<vmem>> -> memref<1x32xf32, #tpu.memory_space<vmem>>
      %swap3A_458 = tpu.memref_squeeze %swap3A_457 : memref<1x32xf32, #tpu.memory_space<vmem>> -> memref<32xf32, #tpu.memory_space<vmem>>
      %swap3A_459 = arith.constant 0 : index
      %swap3A_460 = tpu.vector_load %swap3A_458[%swap3A_459] {strides = array<i32>} : memref<32xf32, #tpu.memory_space<vmem>>, vector<16xf32>,
      tpu.vector_store %swap3A_458[%swap3A_459], %gather3A_451 {strides = array<i32>} : memref<32xf32, #tpu.memory_space<vmem>>, vector<16xf32>,
      %swap3A_461 = arith.constant 0 : i32
      %swap3A_462 = tpu.memref_slice %arg10[%add3A_438, %swap3A_461] : memref<256x32xf32, #tpu.memory_space<vmem>> -> memref<1x32xf32, #tpu.memory_space<vmem>>
      %swap3A_463 = tpu.memref_squeeze %swap3A_462 : memref<1x32xf32, #tpu.memory_space<vmem>> -> memref<32xf32, #tpu.memory_space<vmem>>
      %swap3A_464 = arith.constant 16 : index
      %swap3A_465 = tpu.vector_load %swap3A_463[%swap3A_464] {strides = array<i32>} : memref<32xf32, #tpu.memory_space<vmem>>, vector<16xf32>,
      tpu.vector_store %swap3A_463[%swap3A_464], %gather3A_455 {strides = array<i32>} : memref<32xf32, #tpu.memory_space<vmem>>, vector<16xf32>,
      %mul3A_466 = arith.constant 16 : i32
      %mul3A_467 = arith.muli %scan3A_17, %mul3A_466 : i32
      %add3A_468 = arith.constant 5 : i32
      %add3A_469 = arith.addi %mul3A_467, %add3A_468 : i32
      %and3A_470 = arith.constant 0 : i32
      %and3A_471 = vector.broadcast %and3A_470 : i32 to vector<16xi32>
      %and3A_472 = arith.andi %iota3A_10, %and3A_471 : vector<16xi32>
      %slice3A_473 = vector.extract_strided_slice %get3A_20 {offsets = [5], sizes = [1], strides = [1]} : vector<16xi32> to vector<1xi32>
      %squeeze3A_474 = vector.extract %slice3A_473[0] : i32 from vector<1xi32>
      %and3A_475 = arith.constant 127 : i32
      %and3A_476 = arith.andi %squeeze3A_474, %and3A_475 : i32
      %add3A_477 = vector.broadcast %and3A_476 : i32 to vector<16xi32>
      %add3A_478 = arith.addi %and3A_472, %add3A_477 : vector<16xi32>
      %add3A_479 = arith.constant 160 : i32
      %add3A_480 = vector.broadcast %add3A_479 : i32 to vector<16xi32>
      %add3A_481 = arith.addi %iota3A_10, %add3A_480 : vector<16xi32>
      %gather3A_482 = tpu.vector_load_idx %arg12[%add3A_481, %add3A_478] : memref<256x128xf32, #tpu.memory_space<vmem>>[vector<16xi32>, vector<16xi32>], vector<16xf32>,
      %add3A_483 = arith.constant 176 : i32
      %add3A_484 = vector.broadcast %add3A_483 : i32 to vector<16xi32>
      %add3A_485 = arith.addi %iota3A_10, %add3A_484 : vector<16xi32>
      %gather3A_486 = tpu.vector_load_idx %arg12[%add3A_485, %add3A_478] : memref<256x128xf32, #tpu.memory_space<vmem>>[vector<16xi32>, vector<16xi32>], vector<16xf32>,
      %swap3A_487 = arith.constant 0 : i32
      %swap3A_488 = tpu.memref_slice %arg10[%add3A_469, %swap3A_487] : memref<256x32xf32, #tpu.memory_space<vmem>> -> memref<1x32xf32, #tpu.memory_space<vmem>>
      %swap3A_489 = tpu.memref_squeeze %swap3A_488 : memref<1x32xf32, #tpu.memory_space<vmem>> -> memref<32xf32, #tpu.memory_space<vmem>>
      %swap3A_490 = arith.constant 0 : index
      %swap3A_491 = tpu.vector_load %swap3A_489[%swap3A_490] {strides = array<i32>} : memref<32xf32, #tpu.memory_space<vmem>>, vector<16xf32>,
      tpu.vector_store %swap3A_489[%swap3A_490], %gather3A_482 {strides = array<i32>} : memref<32xf32, #tpu.memory_space<vmem>>, vector<16xf32>,
      %swap3A_492 = arith.constant 0 : i32
      %swap3A_493 = tpu.memref_slice %arg10[%add3A_469, %swap3A_492] : memref<256x32xf32, #tpu.memory_space<vmem>> -> memref<1x32xf32, #tpu.memory_space<vmem>>
      %swap3A_494 = tpu.memref_squeeze %swap3A_493 : memref<1x32xf32, #tpu.memory_space<vmem>> -> memref<32xf32, #tpu.memory_space<vmem>>
      %swap3A_495 = arith.constant 16 : index
      %swap3A_496 = tpu.vector_load %swap3A_494[%swap3A_495] {strides = array<i32>} : memref<32xf32, #tpu.memory_space<vmem>>, vector<16xf32>,
      tpu.vector_store %swap3A_494[%swap3A_495], %gather3A_486 {strides = array<i32>} : memref<32xf32, #tpu.memory_space<vmem>>, vector<16xf32>,
      %mul3A_497 = arith.constant 16 : i32
      %mul3A_498 = arith.muli %scan3A_17, %mul3A_497 : i32
      %add3A_499 = arith.constant 6 : i32
      %add3A_500 = arith.addi %mul3A_498, %add3A_499 : i32
      %and3A_501 = arith.constant 0 : i32
      %and3A_502 = vector.broadcast %and3A_501 : i32 to vector<16xi32>
      %and3A_503 = arith.andi %iota3A_10, %and3A_502 : vector<16xi32>
      %slice3A_504 = vector.extract_strided_slice %get3A_20 {offsets = [6], sizes = [1], strides = [1]} : vector<16xi32> to vector<1xi32>
      %squeeze3A_505 = vector.extract %slice3A_504[0] : i32 from vector<1xi32>
      %and3A_506 = arith.constant 127 : i32
      %and3A_507 = arith.andi %squeeze3A_505, %and3A_506 : i32
      %add3A_508 = vector.broadcast %and3A_507 : i32 to vector<16xi32>
      %add3A_509 = arith.addi %and3A_503, %add3A_508 : vector<16xi32>
      %add3A_510 = arith.constant 192 : i32
      %add3A_511 = vector.broadcast %add3A_510 : i32 to vector<16xi32>
      %add3A_512 = arith.addi %iota3A_10, %add3A_511 : vector<16xi32>
      %gather3A_513 = tpu.vector_load_idx %arg12[%add3A_512, %add3A_509] : memref<256x128xf32, #tpu.memory_space<vmem>>[vector<16xi32>, vector<16xi32>], vector<16xf32>,
      %add3A_514 = arith.constant 208 : i32
      %add3A_515 = vector.broadcast %add3A_514 : i32 to vector<16xi32>
      %add3A_516 = arith.addi %iota3A_10, %add3A_515 : vector<16xi32>
      %gather3A_517 = tpu.vector_load_idx %arg12[%add3A_516, %add3A_509] : memref<256x128xf32, #tpu.memory_space<vmem>>[vector<16xi32>, vector<16xi32>], vector<16xf32>,
      %swap3A_518 = arith.constant 0 : i32
      %swap3A_519 = tpu.memref_slice %arg10[%add3A_500, %swap3A_518] : memref<256x32xf32, #tpu.memory_space<vmem>> -> memref<1x32xf32, #tpu.memory_space<vmem>>
      %swap3A_520 = tpu.memref_squeeze %swap3A_519 : memref<1x32xf32, #tpu.memory_space<vmem>> -> memref<32xf32, #tpu.memory_space<vmem>>
      %swap3A_521 = arith.constant 0 : index
      %swap3A_522 = tpu.vector_load %swap3A_520[%swap3A_521] {strides = array<i32>} : memref<32xf32, #tpu.memory_space<vmem>>, vector<16xf32>,
      tpu.vector_store %swap3A_520[%swap3A_521], %gather3A_513 {strides = array<i32>} : memref<32xf32, #tpu.memory_space<vmem>>, vector<16xf32>,
      %swap3A_523 = arith.constant 0 : i32
      %swap3A_524 = tpu.memref_slice %arg10[%add3A_500, %swap3A_523] : memref<256x32xf32, #tpu.memory_space<vmem>> -> memref<1x32xf32, #tpu.memory_space<vmem>>
      %swap3A_525 = tpu.memref_squeeze %swap3A_524 : memref<1x32xf32, #tpu.memory_space<vmem>> -> memref<32xf32, #tpu.memory_space<vmem>>
      %swap3A_526 = arith.constant 16 : index
      %swap3A_527 = tpu.vector_load %swap3A_525[%swap3A_526] {strides = array<i32>} : memref<32xf32, #tpu.memory_space<vmem>>, vector<16xf32>,
      tpu.vector_store %swap3A_525[%swap3A_526], %gather3A_517 {strides = array<i32>} : memref<32xf32, #tpu.memory_space<vmem>>, vector<16xf32>,
      %mul3A_528 = arith.constant 16 : i32
      %mul3A_529 = arith.muli %scan3A_17, %mul3A_528 : i32
      %add3A_530 = arith.constant 7 : i32
      %add3A_531 = arith.addi %mul3A_529, %add3A_530 : i32
      %and3A_532 = arith.constant 0 : i32
      %and3A_533 = vector.broadcast %and3A_532 : i32 to vector<16xi32>
      %and3A_534 = arith.andi %iota3A_10, %and3A_533 : vector<16xi32>
      %slice3A_535 = vector.extract_strided_slice %get3A_20 {offsets = [7], sizes = [1], strides = [1]} : vector<16xi32> to vector<1xi32>
      %squeeze3A_536 = vector.extract %slice3A_535[0] : i32 from vector<1xi32>
      %and3A_537 = arith.constant 127 : i32
      %and3A_538 = arith.andi %squeeze3A_536, %and3A_537 : i32
      %add3A_539 = vector.broadcast %and3A_538 : i32 to vector<16xi32>
      %add3A_540 = arith.addi %and3A_534, %add3A_539 : vector<16xi32>
      %add3A_541 = arith.constant 224 : i32
      %add3A_542 = vector.broadcast %add3A_541 : i32 to vector<16xi32>
      %add3A_543 = arith.addi %iota3A_10, %add3A_542 : vector<16xi32>
      %gather3A_544 = tpu.vector_load_idx %arg12[%add3A_543, %add3A_540] : memref<256x128xf32, #tpu.memory_space<vmem>>[vector<16xi32>, vector<16xi32>], vector<16xf32>,
      %add3A_545 = arith.constant 240 : i32
      %add3A_546 = vector.broadcast %add3A_545 : i32 to vector<16xi32>
      %add3A_547 = arith.addi %iota3A_10, %add3A_546 : vector<16xi32>
      %gather3A_548 = tpu.vector_load_idx %arg12[%add3A_547, %add3A_540] : memref<256x128xf32, #tpu.memory_space<vmem>>[vector<16xi32>, vector<16xi32>], vector<16xf32>,
      %swap3A_549 = arith.constant 0 : i32
      %swap3A_550 = tpu.memref_slice %arg10[%add3A_531, %swap3A_549] : memref<256x32xf32, #tpu.memory_space<vmem>> -> memref<1x32xf32, #tpu.memory_space<vmem>>
      %swap3A_551 = tpu.memref_squeeze %swap3A_550 : memref<1x32xf32, #tpu.memory_space<vmem>> -> memref<32xf32, #tpu.memory_space<vmem>>
      %swap3A_552 = arith.constant 0 : index
      %swap3A_553 = tpu.vector_load %swap3A_551[%swap3A_552] {strides = array<i32>} : memref<32xf32, #tpu.memory_space<vmem>>, vector<16xf32>,
      tpu.vector_store %swap3A_551[%swap3A_552], %gather3A_544 {strides = array<i32>} : memref<32xf32, #tpu.memory_space<vmem>>, vector<16xf32>,
      %swap3A_554 = arith.constant 0 : i32
      %swap3A_555 = tpu.memref_slice %arg10[%add3A_531, %swap3A_554] : memref<256x32xf32, #tpu.memory_space<vmem>> -> memref<1x32xf32, #tpu.memory_space<vmem>>
      %swap3A_556 = tpu.memref_squeeze %swap3A_555 : memref<1x32xf32, #tpu.memory_space<vmem>> -> memref<32xf32, #tpu.memory_space<vmem>>
      %swap3A_557 = arith.constant 16 : index
      %swap3A_558 = tpu.vector_load %swap3A_556[%swap3A_557] {strides = array<i32>} : memref<32xf32, #tpu.memory_space<vmem>>, vector<16xf32>,
      tpu.vector_store %swap3A_556[%swap3A_557], %gather3A_548 {strides = array<i32>} : memref<32xf32, #tpu.memory_space<vmem>>, vector<16xf32>,
      %slice3A_559 = vector.extract_strided_slice %get3A_20 {offsets = [12], sizes = [1], strides = [1]} : vector<16xi32> to vector<1xi32>
      %squeeze3A_560 = vector.extract %slice3A_559[0] : i32 from vector<1xi32>
      %shift_right_arithmetic3A_561 = arith.constant 7 : i32
      %shift_right_arithmetic3A_562 = arith.shrsi %squeeze3A_560, %shift_right_arithmetic3A_561 : i32
      %shift_left3A_563 = arith.constant 7 : i32
      %shift_left3A_564 = arith.shli %shift_right_arithmetic3A_562, %shift_left3A_563 : i32
      %multiple_of3A_565 = tpu.assume_multiple %shift_left3A_564, 128 : i32
      %dma_start3A_566 = arith.constant 128 : i32
      %dma_start3A_567 = arith.constant 0 : i32
      %dma_start3A_568 = tpu.memref_slice %arg12[%dma_start3A_566, %dma_start3A_567] : memref<256x128xf32, #tpu.memory_space<vmem>> -> memref<32x128xf32, #tpu.memory_space<vmem>>
      %dma_start3A_569 = arith.constant 0 : i32
      %dma_start3A_570 = tpu.memref_slice %arg4[%dma_start3A_569, %multiple_of3A_565] : memref<32x1000000xf32, #tpu.memory_space<hbm>> -> memref<32x128xf32, #tpu.memory_space<hbm>>
      %dma_start3A_571 = arith.constant 128 : i32
      %dma_start3A_572 = arith.constant 0 : i32
      %dma_start3A_573 = tpu.memref_slice %arg12[%dma_start3A_571, %dma_start3A_572] : memref<256x128xf32, #tpu.memory_space<vmem>> -> memref<32x128xf32, #tpu.memory_space<vmem>>
      %dma_start3A_574 = arith.constant 0 : i32
      %dma_start3A_575 = tpu.memref_slice %arg4[%dma_start3A_574, %multiple_of3A_565] : memref<32x1000000xf32, #tpu.memory_space<hbm>> -> memref<32x128xf32, #tpu.memory_space<hbm>>
      tpu.enqueue_dma source(%dma_start3A_575 : memref<32x128xf32, #tpu.memory_space<hbm>>) target(%dma_start3A_573 : memref<32x128xf32, #tpu.memory_space<vmem>>) target_semaphore(%arg13 : memref<!tpu.dma_semaphore, #tpu.memory_space<semaphore_mem>>)
      %slice3A_576 = vector.extract_strided_slice %get3A_20 {offsets = [13], sizes = [1], strides = [1]} : vector<16xi32> to vector<1xi32>
      %squeeze3A_577 = vector.extract %slice3A_576[0] : i32 from vector<1xi32>
      %shift_right_arithmetic3A_578 = arith.constant 7 : i32
      %shift_right_arithmetic3A_579 = arith.shrsi %squeeze3A_577, %shift_right_arithmetic3A_578 : i32
      %shift_left3A_580 = arith.constant 7 : i32
      %shift_left3A_581 = arith.shli %shift_right_arithmetic3A_579, %shift_left3A_580 : i32
      %multiple_of3A_582 = tpu.assume_multiple %shift_left3A_581, 128 : i32
      %dma_start3A_583 = arith.constant 160 : i32
      %dma_start3A_584 = arith.constant 0 : i32
      %dma_start3A_585 = tpu.memref_slice %arg12[%dma_start3A_583, %dma_start3A_584] : memref<256x128xf32, #tpu.memory_space<vmem>> -> memref<32x128xf32, #tpu.memory_space<vmem>>
      %dma_start3A_586 = arith.constant 0 : i32
      %dma_start3A_587 = tpu.memref_slice %arg4[%dma_start3A_586, %multiple_of3A_582] : memref<32x1000000xf32, #tpu.memory_space<hbm>> -> memref<32x128xf32, #tpu.memory_space<hbm>>
      %dma_start3A_588 = arith.constant 160 : i32
      %dma_start3A_589 = arith.constant 0 : i32
      %dma_start3A_590 = tpu.memref_slice %arg12[%dma_start3A_588, %dma_start3A_589] : memref<256x128xf32, #tpu.memory_space<vmem>> -> memref<32x128xf32, #tpu.memory_space<vmem>>
      %dma_start3A_591 = arith.constant 0 : i32
      %dma_start3A_592 = tpu.memref_slice %arg4[%dma_start3A_591, %multiple_of3A_582] : memref<32x1000000xf32, #tpu.memory_space<hbm>> -> memref<32x128xf32, #tpu.memory_space<hbm>>
      tpu.enqueue_dma source(%dma_start3A_592 : memref<32x128xf32, #tpu.memory_space<hbm>>) target(%dma_start3A_590 : memref<32x128xf32, #tpu.memory_space<vmem>>) target_semaphore(%arg13 : memref<!tpu.dma_semaphore, #tpu.memory_space<semaphore_mem>>)
      %slice3A_593 = vector.extract_strided_slice %get3A_20 {offsets = [14], sizes = [1], strides = [1]} : vector<16xi32> to vector<1xi32>
      %squeeze3A_594 = vector.extract %slice3A_593[0] : i32 from vector<1xi32>
      %shift_right_arithmetic3A_595 = arith.constant 7 : i32
      %shift_right_arithmetic3A_596 = arith.shrsi %squeeze3A_594, %shift_right_arithmetic3A_595 : i32
      %shift_left3A_597 = arith.constant 7 : i32
      %shift_left3A_598 = arith.shli %shift_right_arithmetic3A_596, %shift_left3A_597 : i32
      %multiple_of3A_599 = tpu.assume_multiple %shift_left3A_598, 128 : i32
      %dma_start3A_600 = arith.constant 192 : i32
      %dma_start3A_601 = arith.constant 0 : i32
      %dma_start3A_602 = tpu.memref_slice %arg12[%dma_start3A_600, %dma_start3A_601] : memref<256x128xf32, #tpu.memory_space<vmem>> -> memref<32x128xf32, #tpu.memory_space<vmem>>
      %dma_start3A_603 = arith.constant 0 : i32
      %dma_start3A_604 = tpu.memref_slice %arg4[%dma_start3A_603, %multiple_of3A_599] : memref<32x1000000xf32, #tpu.memory_space<hbm>> -> memref<32x128xf32, #tpu.memory_space<hbm>>
      %dma_start3A_605 = arith.constant 192 : i32
      %dma_start3A_606 = arith.constant 0 : i32
      %dma_start3A_607 = tpu.memref_slice %arg12[%dma_start3A_605, %dma_start3A_606] : memref<256x128xf32, #tpu.memory_space<vmem>> -> memref<32x128xf32, #tpu.memory_space<vmem>>
      %dma_start3A_608 = arith.constant 0 : i32
      %dma_start3A_609 = tpu.memref_slice %arg4[%dma_start3A_608, %multiple_of3A_599] : memref<32x1000000xf32, #tpu.memory_space<hbm>> -> memref<32x128xf32, #tpu.memory_space<hbm>>
      tpu.enqueue_dma source(%dma_start3A_609 : memref<32x128xf32, #tpu.memory_space<hbm>>) target(%dma_start3A_607 : memref<32x128xf32, #tpu.memory_space<vmem>>) target_semaphore(%arg13 : memref<!tpu.dma_semaphore, #tpu.memory_space<semaphore_mem>>)
      %slice3A_610 = vector.extract_strided_slice %get3A_20 {offsets = [15], sizes = [1], strides = [1]} : vector<16xi32> to vector<1xi32>
      %squeeze3A_611 = vector.extract %slice3A_610[0] : i32 from vector<1xi32>
      %shift_right_arithmetic3A_612 = arith.constant 7 : i32
      %shift_right_arithmetic3A_613 = arith.shrsi %squeeze3A_611, %shift_right_arithmetic3A_612 : i32
      %shift_left3A_614 = arith.constant 7 : i32
      %shift_left3A_615 = arith.shli %shift_right_arithmetic3A_613, %shift_left3A_614 : i32
      %multiple_of3A_616 = tpu.assume_multiple %shift_left3A_615, 128 : i32
      %dma_start3A_617 = arith.constant 224 : i32
      %dma_start3A_618 = arith.constant 0 : i32
      %dma_start3A_619 = tpu.memref_slice %arg12[%dma_start3A_617, %dma_start3A_618] : memref<256x128xf32, #tpu.memory_space<vmem>> -> memref<32x128xf32, #tpu.memory_space<vmem>>
      %dma_start3A_620 = arith.constant 0 : i32
      %dma_start3A_621 = tpu.memref_slice %arg4[%dma_start3A_620, %multiple_of3A_616] : memref<32x1000000xf32, #tpu.memory_space<hbm>> -> memref<32x128xf32, #tpu.memory_space<hbm>>
      %dma_start3A_622 = arith.constant 224 : i32
      %dma_start3A_623 = arith.constant 0 : i32
      %dma_start3A_624 = tpu.memref_slice %arg12[%dma_start3A_622, %dma_start3A_623] : memref<256x128xf32, #tpu.memory_space<vmem>> -> memref<32x128xf32, #tpu.memory_space<vmem>>
      %dma_start3A_625 = arith.constant 0 : i32
      %dma_start3A_626 = tpu.memref_slice %arg4[%dma_start3A_625, %multiple_of3A_616] : memref<32x1000000xf32, #tpu.memory_space<hbm>> -> memref<32x128xf32, #tpu.memory_space<hbm>>
      tpu.enqueue_dma source(%dma_start3A_626 : memref<32x128xf32, #tpu.memory_space<hbm>>) target(%dma_start3A_624 : memref<32x128xf32, #tpu.memory_space<vmem>>) target_semaphore(%arg13 : memref<!tpu.dma_semaphore, #tpu.memory_space<semaphore_mem>>)
      %dma_wait3A_627 = arith.constant 0 : i32
      %dma_wait3A_628 = arith.constant 0 : i32
      %dma_wait3A_629 = tpu.memref_slice %arg12[%dma_wait3A_627, %dma_wait3A_628] : memref<256x128xf32, #tpu.memory_space<vmem>> -> memref<32x128xf32, #tpu.memory_space<vmem>>
      %dma_wait3A_630 = arith.constant 0 : i32
      %dma_wait3A_631 = arith.constant 0 : i32
      %dma_wait3A_632 = tpu.memref_slice %arg4[%dma_wait3A_630, %dma_wait3A_631] : memref<32x1000000xf32, #tpu.memory_space<hbm>> -> memref<32x128xf32, #tpu.memory_space<hbm>>
      %dma_wait3A_633 = arith.constant 0 : i32
      %dma_wait3A_634 = arith.constant 0 : i32
      %dma_wait3A_635 = tpu.memref_slice %arg12[%dma_wait3A_633, %dma_wait3A_634] : memref<256x128xf32, #tpu.memory_space<vmem>> -> memref<32x128xf32, #tpu.memory_space<vmem>>
      %dma_wait3A_636 = arith.constant 0 : i32
      %dma_wait3A_637 = arith.constant 0 : i32
      %dma_wait3A_638 = tpu.memref_slice %arg4[%dma_wait3A_636, %dma_wait3A_637] : memref<32x1000000xf32, #tpu.memory_space<hbm>> -> memref<32x128xf32, #tpu.memory_space<hbm>>
      tpu.wait_dma2 semaphore(%arg13 : memref<!tpu.dma_semaphore, #tpu.memory_space<semaphore_mem>>) src(%dma_wait3A_638 : memref<32x128xf32, #tpu.memory_space<hbm>>) dst(%dma_wait3A_635 : memref<32x128xf32, #tpu.memory_space<vmem>>)
      %dma_wait3A_639 = arith.constant 32 : i32
      %dma_wait3A_640 = arith.constant 0 : i32
      %dma_wait3A_641 = tpu.memref_slice %arg12[%dma_wait3A_639, %dma_wait3A_640] : memref<256x128xf32, #tpu.memory_space<vmem>> -> memref<32x128xf32, #tpu.memory_space<vmem>>
      %dma_wait3A_642 = arith.constant 0 : i32
      %dma_wait3A_643 = arith.constant 0 : i32
      %dma_wait3A_644 = tpu.memref_slice %arg4[%dma_wait3A_642, %dma_wait3A_643] : memref<32x1000000xf32, #tpu.memory_space<hbm>> -> memref<32x128xf32, #tpu.memory_space<hbm>>
      %dma_wait3A_645 = arith.constant 32 : i32
      %dma_wait3A_646 = arith.constant 0 : i32
      %dma_wait3A_647 = tpu.memref_slice %arg12[%dma_wait3A_645, %dma_wait3A_646] : memref<256x128xf32, #tpu.memory_space<vmem>> -> memref<32x128xf32, #tpu.memory_space<vmem>>
      %dma_wait3A_648 = arith.constant 0 : i32
      %dma_wait3A_649 = arith.constant 0 : i32
      %dma_wait3A_650 = tpu.memref_slice %arg4[%dma_wait3A_648, %dma_wait3A_649] : memref<32x1000000xf32, #tpu.memory_space<hbm>> -> memref<32x128xf32, #tpu.memory_space<hbm>>
      tpu.wait_dma2 semaphore(%arg13 : memref<!tpu.dma_semaphore, #tpu.memory_space<semaphore_mem>>) src(%dma_wait3A_650 : memref<32x128xf32, #tpu.memory_space<hbm>>) dst(%dma_wait3A_647 : memref<32x128xf32, #tpu.memory_space<vmem>>)
      %dma_wait3A_651 = arith.constant 64 : i32
      %dma_wait3A_652 = arith.constant 0 : i32
      %dma_wait3A_653 = tpu.memref_slice %arg12[%dma_wait3A_651, %dma_wait3A_652] : memref<256x128xf32, #tpu.memory_space<vmem>> -> memref<32x128xf32, #tpu.memory_space<vmem>>
      %dma_wait3A_654 = arith.constant 0 : i32
      %dma_wait3A_655 = arith.constant 0 : i32
      %dma_wait3A_656 = tpu.memref_slice %arg4[%dma_wait3A_654, %dma_wait3A_655] : memref<32x1000000xf32, #tpu.memory_space<hbm>> -> memref<32x128xf32, #tpu.memory_space<hbm>>
      %dma_wait3A_657 = arith.constant 64 : i32
      %dma_wait3A_658 = arith.constant 0 : i32
      %dma_wait3A_659 = tpu.memref_slice %arg12[%dma_wait3A_657, %dma_wait3A_658] : memref<256x128xf32, #tpu.memory_space<vmem>> -> memref<32x128xf32, #tpu.memory_space<vmem>>
      %dma_wait3A_660 = arith.constant 0 : i32
      %dma_wait3A_661 = arith.constant 0 : i32
      %dma_wait3A_662 = tpu.memref_slice %arg4[%dma_wait3A_660, %dma_wait3A_661] : memref<32x1000000xf32, #tpu.memory_space<hbm>> -> memref<32x128xf32, #tpu.memory_space<hbm>>
      tpu.wait_dma2 semaphore(%arg13 : memref<!tpu.dma_semaphore, #tpu.memory_space<semaphore_mem>>) src(%dma_wait3A_662 : memref<32x128xf32, #tpu.memory_space<hbm>>) dst(%dma_wait3A_659 : memref<32x128xf32, #tpu.memory_space<vmem>>)
      %dma_wait3A_663 = arith.constant 96 : i32
      %dma_wait3A_664 = arith.constant 0 : i32
      %dma_wait3A_665 = tpu.memref_slice %arg12[%dma_wait3A_663, %dma_wait3A_664] : memref<256x128xf32, #tpu.memory_space<vmem>> -> memref<32x128xf32, #tpu.memory_space<vmem>>
      %dma_wait3A_666 = arith.constant 0 : i32
      %dma_wait3A_667 = arith.constant 0 : i32
      %dma_wait3A_668 = tpu.memref_slice %arg4[%dma_wait3A_666, %dma_wait3A_667] : memref<32x1000000xf32, #tpu.memory_space<hbm>> -> memref<32x128xf32, #tpu.memory_space<hbm>>
      %dma_wait3A_669 = arith.constant 96 : i32
      %dma_wait3A_670 = arith.constant 0 : i32
      %dma_wait3A_671 = tpu.memref_slice %arg12[%dma_wait3A_669, %dma_wait3A_670] : memref<256x128xf32, #tpu.memory_space<vmem>> -> memref<32x128xf32, #tpu.memory_space<vmem>>
      %dma_wait3A_672 = arith.constant 0 : i32
      %dma_wait3A_673 = arith.constant 0 : i32
      %dma_wait3A_674 = tpu.memref_slice %arg4[%dma_wait3A_672, %dma_wait3A_673] : memref<32x1000000xf32, #tpu.memory_space<hbm>> -> memref<32x128xf32, #tpu.memory_space<hbm>>
      tpu.wait_dma2 semaphore(%arg13 : memref<!tpu.dma_semaphore, #tpu.memory_space<semaphore_mem>>) src(%dma_wait3A_674 : memref<32x128xf32, #tpu.memory_space<hbm>>) dst(%dma_wait3A_671 : memref<32x128xf32, #tpu.memory_space<vmem>>)
      %mul3A_675 = arith.constant 16 : i32
      %mul3A_676 = arith.muli %scan3A_17, %mul3A_675 : i32
      %add3A_677 = arith.constant 8 : i32
      %add3A_678 = arith.addi %mul3A_676, %add3A_677 : i32
      %and3A_679 = arith.constant 0 : i32
      %and3A_680 = vector.broadcast %and3A_679 : i32 to vector<16xi32>
      %and3A_681 = arith.andi %iota3A_10, %and3A_680 : vector<16xi32>
      %slice3A_682 = vector.extract_strided_slice %get3A_20 {offsets = [8], sizes = [1], strides = [1]} : vector<16xi32> to vector<1xi32>
      %squeeze3A_683 = vector.extract %slice3A_682[0] : i32 from vector<1xi32>
      %and3A_684 = arith.constant 127 : i32
      %and3A_685 = arith.andi %squeeze3A_683, %and3A_684 : i32
      %add3A_686 = vector.broadcast %and3A_685 : i32 to vector<16xi32>
      %add3A_687 = arith.addi %and3A_681, %add3A_686 : vector<16xi32>
      %add3A_688 = arith.constant 0 : i32
      %add3A_689 = vector.broadcast %add3A_688 : i32 to vector<16xi32>
      %add3A_690 = arith.addi %iota3A_10, %add3A_689 : vector<16xi32>
      %gather3A_691 = tpu.vector_load_idx %arg12[%add3A_690, %add3A_687] : memref<256x128xf32, #tpu.memory_space<vmem>>[vector<16xi32>, vector<16xi32>], vector<16xf32>,
      %add3A_692 = arith.constant 16 : i32
      %add3A_693 = vector.broadcast %add3A_692 : i32 to vector<16xi32>
      %add3A_694 = arith.addi %iota3A_10, %add3A_693 : vector<16xi32>
      %gather3A_695 = tpu.vector_load_idx %arg12[%add3A_694, %add3A_687] : memref<256x128xf32, #tpu.memory_space<vmem>>[vector<16xi32>, vector<16xi32>], vector<16xf32>,
      %swap3A_696 = arith.constant 0 : i32
      %swap3A_697 = tpu.memref_slice %arg10[%add3A_678, %swap3A_696] : memref<256x32xf32, #tpu.memory_space<vmem>> -> memref<1x32xf32, #tpu.memory_space<vmem>>
      %swap3A_698 = tpu.memref_squeeze %swap3A_697 : memref<1x32xf32, #tpu.memory_space<vmem>> -> memref<32xf32, #tpu.memory_space<vmem>>
      %swap3A_699 = arith.constant 0 : index
      %swap3A_700 = tpu.vector_load %swap3A_698[%swap3A_699] {strides = array<i32>} : memref<32xf32, #tpu.memory_space<vmem>>, vector<16xf32>,
      tpu.vector_store %swap3A_698[%swap3A_699], %gather3A_691 {strides = array<i32>} : memref<32xf32, #tpu.memory_space<vmem>>, vector<16xf32>,
      %swap3A_701 = arith.constant 0 : i32
      %swap3A_702 = tpu.memref_slice %arg10[%add3A_678, %swap3A_701] : memref<256x32xf32, #tpu.memory_space<vmem>> -> memref<1x32xf32, #tpu.memory_space<vmem>>
      %swap3A_703 = tpu.memref_squeeze %swap3A_702 : memref<1x32xf32, #tpu.memory_space<vmem>> -> memref<32xf32, #tpu.memory_space<vmem>>
      %swap3A_704 = arith.constant 16 : index
      %swap3A_705 = tpu.vector_load %swap3A_703[%swap3A_704] {strides = array<i32>} : memref<32xf32, #tpu.memory_space<vmem>>, vector<16xf32>,
      tpu.vector_store %swap3A_703[%swap3A_704], %gather3A_695 {strides = array<i32>} : memref<32xf32, #tpu.memory_space<vmem>>, vector<16xf32>,
      %mul3A_706 = arith.constant 16 : i32
      %mul3A_707 = arith.muli %scan3A_17, %mul3A_706 : i32
      %add3A_708 = arith.constant 9 : i32
      %add3A_709 = arith.addi %mul3A_707, %add3A_708 : i32
      %and3A_710 = arith.constant 0 : i32
      %and3A_711 = vector.broadcast %and3A_710 : i32 to vector<16xi32>
      %and3A_712 = arith.andi %iota3A_10, %and3A_711 : vector<16xi32>
      %slice3A_713 = vector.extract_strided_slice %get3A_20 {offsets = [9], sizes = [1], strides = [1]} : vector<16xi32> to vector<1xi32>
      %squeeze3A_714 = vector.extract %slice3A_713[0] : i32 from vector<1xi32>
      %and3A_715 = arith.constant 127 : i32
      %and3A_716 = arith.andi %squeeze3A_714, %and3A_715 : i32
      %add3A_717 = vector.broadcast %and3A_716 : i32 to vector<16xi32>
      %add3A_718 = arith.addi %and3A_712, %add3A_717 : vector<16xi32>
      %add3A_719 = arith.constant 32 : i32
      %add3A_720 = vector.broadcast %add3A_719 : i32 to vector<16xi32>
      %add3A_721 = arith.addi %iota3A_10, %add3A_720 : vector<16xi32>
      %gather3A_722 = tpu.vector_load_idx %arg12[%add3A_721, %add3A_718] : memref<256x128xf32, #tpu.memory_space<vmem>>[vector<16xi32>, vector<16xi32>], vector<16xf32>,
      %add3A_723 = arith.constant 48 : i32
      %add3A_724 = vector.broadcast %add3A_723 : i32 to vector<16xi32>
      %add3A_725 = arith.addi %iota3A_10, %add3A_724 : vector<16xi32>
      %gather3A_726 = tpu.vector_load_idx %arg12[%add3A_725, %add3A_718] : memref<256x128xf32, #tpu.memory_space<vmem>>[vector<16xi32>, vector<16xi32>], vector<16xf32>,
      %swap3A_727 = arith.constant 0 : i32
      %swap3A_728 = tpu.memref_slice %arg10[%add3A_709, %swap3A_727] : memref<256x32xf32, #tpu.memory_space<vmem>> -> memref<1x32xf32, #tpu.memory_space<vmem>>
      %swap3A_729 = tpu.memref_squeeze %swap3A_728 : memref<1x32xf32, #tpu.memory_space<vmem>> -> memref<32xf32, #tpu.memory_space<vmem>>
      %swap3A_730 = arith.constant 0 : index
      %swap3A_731 = tpu.vector_load %swap3A_729[%swap3A_730] {strides = array<i32>} : memref<32xf32, #tpu.memory_space<vmem>>, vector<16xf32>,
      tpu.vector_store %swap3A_729[%swap3A_730], %gather3A_722 {strides = array<i32>} : memref<32xf32, #tpu.memory_space<vmem>>, vector<16xf32>,
      %swap3A_732 = arith.constant 0 : i32
      %swap3A_733 = tpu.memref_slice %arg10[%add3A_709, %swap3A_732] : memref<256x32xf32, #tpu.memory_space<vmem>> -> memref<1x32xf32, #tpu.memory_space<vmem>>
      %swap3A_734 = tpu.memref_squeeze %swap3A_733 : memref<1x32xf32, #tpu.memory_space<vmem>> -> memref<32xf32, #tpu.memory_space<vmem>>
      %swap3A_735 = arith.constant 16 : index
      %swap3A_736 = tpu.vector_load %swap3A_734[%swap3A_735] {strides = array<i32>} : memref<32xf32, #tpu.memory_space<vmem>>, vector<16xf32>,
      tpu.vector_store %swap3A_734[%swap3A_735], %gather3A_726 {strides = array<i32>} : memref<32xf32, #tpu.memory_space<vmem>>, vector<16xf32>,
      %mul3A_737 = arith.constant 16 : i32
      %mul3A_738 = arith.muli %scan3A_17, %mul3A_737 : i32
      %add3A_739 = arith.constant 10 : i32
      %add3A_740 = arith.addi %mul3A_738, %add3A_739 : i32
      %and3A_741 = arith.constant 0 : i32
      %and3A_742 = vector.broadcast %and3A_741 : i32 to vector<16xi32>
      %and3A_743 = arith.andi %iota3A_10, %and3A_742 : vector<16xi32>
      %slice3A_744 = vector.extract_strided_slice %get3A_20 {offsets = [10], sizes = [1], strides = [1]} : vector<16xi32> to vector<1xi32>
      %squeeze3A_745 = vector.extract %slice3A_744[0] : i32 from vector<1xi32>
      %and3A_746 = arith.constant 127 : i32
      %and3A_747 = arith.andi %squeeze3A_745, %and3A_746 : i32
      %add3A_748 = vector.broadcast %and3A_747 : i32 to vector<16xi32>
      %add3A_749 = arith.addi %and3A_743, %add3A_748 : vector<16xi32>
      %add3A_750 = arith.constant 64 : i32
      %add3A_751 = vector.broadcast %add3A_750 : i32 to vector<16xi32>
      %add3A_752 = arith.addi %iota3A_10, %add3A_751 : vector<16xi32>
      %gather3A_753 = tpu.vector_load_idx %arg12[%add3A_752, %add3A_749] : memref<256x128xf32, #tpu.memory_space<vmem>>[vector<16xi32>, vector<16xi32>], vector<16xf32>,
      %add3A_754 = arith.constant 80 : i32
      %add3A_755 = vector.broadcast %add3A_754 : i32 to vector<16xi32>
      %add3A_756 = arith.addi %iota3A_10, %add3A_755 : vector<16xi32>
      %gather3A_757 = tpu.vector_load_idx %arg12[%add3A_756, %add3A_749] : memref<256x128xf32, #tpu.memory_space<vmem>>[vector<16xi32>, vector<16xi32>], vector<16xf32>,
      %swap3A_758 = arith.constant 0 : i32
      %swap3A_759 = tpu.memref_slice %arg10[%add3A_740, %swap3A_758] : memref<256x32xf32, #tpu.memory_space<vmem>> -> memref<1x32xf32, #tpu.memory_space<vmem>>
      %swap3A_760 = tpu.memref_squeeze %swap3A_759 : memref<1x32xf32, #tpu.memory_space<vmem>> -> memref<32xf32, #tpu.memory_space<vmem>>
      %swap3A_761 = arith.constant 0 : index
      %swap3A_762 = tpu.vector_load %swap3A_760[%swap3A_761] {strides = array<i32>} : memref<32xf32, #tpu.memory_space<vmem>>, vector<16xf32>,
      tpu.vector_store %swap3A_760[%swap3A_761], %gather3A_753 {strides = array<i32>} : memref<32xf32, #tpu.memory_space<vmem>>, vector<16xf32>,
      %swap3A_763 = arith.constant 0 : i32
      %swap3A_764 = tpu.memref_slice %arg10[%add3A_740, %swap3A_763] : memref<256x32xf32, #tpu.memory_space<vmem>> -> memref<1x32xf32, #tpu.memory_space<vmem>>
      %swap3A_765 = tpu.memref_squeeze %swap3A_764 : memref<1x32xf32, #tpu.memory_space<vmem>> -> memref<32xf32, #tpu.memory_space<vmem>>
      %swap3A_766 = arith.constant 16 : index
      %swap3A_767 = tpu.vector_load %swap3A_765[%swap3A_766] {strides = array<i32>} : memref<32xf32, #tpu.memory_space<vmem>>, vector<16xf32>,
      tpu.vector_store %swap3A_765[%swap3A_766], %gather3A_757 {strides = array<i32>} : memref<32xf32, #tpu.memory_space<vmem>>, vector<16xf32>,
      %mul3A_768 = arith.constant 16 : i32
      %mul3A_769 = arith.muli %scan3A_17, %mul3A_768 : i32
      %add3A_770 = arith.constant 11 : i32
      %add3A_771 = arith.addi %mul3A_769, %add3A_770 : i32
      %and3A_772 = arith.constant 0 : i32
      %and3A_773 = vector.broadcast %and3A_772 : i32 to vector<16xi32>
      %and3A_774 = arith.andi %iota3A_10, %and3A_773 : vector<16xi32>
      %slice3A_775 = vector.extract_strided_slice %get3A_20 {offsets = [11], sizes = [1], strides = [1]} : vector<16xi32> to vector<1xi32>
      %squeeze3A_776 = vector.extract %slice3A_775[0] : i32 from vector<1xi32>
      %and3A_777 = arith.constant 127 : i32
      %and3A_778 = arith.andi %squeeze3A_776, %and3A_777 : i32
      %add3A_779 = vector.broadcast %and3A_778 : i32 to vector<16xi32>
      %add3A_780 = arith.addi %and3A_774, %add3A_779 : vector<16xi32>
      %add3A_781 = arith.constant 96 : i32
      %add3A_782 = vector.broadcast %add3A_781 : i32 to vector<16xi32>
      %add3A_783 = arith.addi %iota3A_10, %add3A_782 : vector<16xi32>
      %gather3A_784 = tpu.vector_load_idx %arg12[%add3A_783, %add3A_780] : memref<256x128xf32, #tpu.memory_space<vmem>>[vector<16xi32>, vector<16xi32>], vector<16xf32>,
      %add3A_785 = arith.constant 112 : i32
      %add3A_786 = vector.broadcast %add3A_785 : i32 to vector<16xi32>
      %add3A_787 = arith.addi %iota3A_10, %add3A_786 : vector<16xi32>
      %gather3A_788 = tpu.vector_load_idx %arg12[%add3A_787, %add3A_780] : memref<256x128xf32, #tpu.memory_space<vmem>>[vector<16xi32>, vector<16xi32>], vector<16xf32>,
      %swap3A_789 = arith.constant 0 : i32
      %swap3A_790 = tpu.memref_slice %arg10[%add3A_771, %swap3A_789] : memref<256x32xf32, #tpu.memory_space<vmem>> -> memref<1x32xf32, #tpu.memory_space<vmem>>
      %swap3A_791 = tpu.memref_squeeze %swap3A_790 : memref<1x32xf32, #tpu.memory_space<vmem>> -> memref<32xf32, #tpu.memory_space<vmem>>
      %swap3A_792 = arith.constant 0 : index
      %swap3A_793 = tpu.vector_load %swap3A_791[%swap3A_792] {strides = array<i32>} : memref<32xf32, #tpu.memory_space<vmem>>, vector<16xf32>,
      tpu.vector_store %swap3A_791[%swap3A_792], %gather3A_784 {strides = array<i32>} : memref<32xf32, #tpu.memory_space<vmem>>, vector<16xf32>,
      %swap3A_794 = arith.constant 0 : i32
      %swap3A_795 = tpu.memref_slice %arg10[%add3A_771, %swap3A_794] : memref<256x32xf32, #tpu.memory_space<vmem>> -> memref<1x32xf32, #tpu.memory_space<vmem>>
      %swap3A_796 = tpu.memref_squeeze %swap3A_795 : memref<1x32xf32, #tpu.memory_space<vmem>> -> memref<32xf32, #tpu.memory_space<vmem>>
      %swap3A_797 = arith.constant 16 : index
      %swap3A_798 = tpu.vector_load %swap3A_796[%swap3A_797] {strides = array<i32>} : memref<32xf32, #tpu.memory_space<vmem>>, vector<16xf32>,
      tpu.vector_store %swap3A_796[%swap3A_797], %gather3A_788 {strides = array<i32>} : memref<32xf32, #tpu.memory_space<vmem>>, vector<16xf32>,
      %dma_wait3A_799 = arith.constant 128 : i32
      %dma_wait3A_800 = arith.constant 0 : i32
      %dma_wait3A_801 = tpu.memref_slice %arg12[%dma_wait3A_799, %dma_wait3A_800] : memref<256x128xf32, #tpu.memory_space<vmem>> -> memref<32x128xf32, #tpu.memory_space<vmem>>
      %dma_wait3A_802 = arith.constant 0 : i32
      %dma_wait3A_803 = arith.constant 0 : i32
      %dma_wait3A_804 = tpu.memref_slice %arg4[%dma_wait3A_802, %dma_wait3A_803] : memref<32x1000000xf32, #tpu.memory_space<hbm>> -> memref<32x128xf32, #tpu.memory_space<hbm>>
      %dma_wait3A_805 = arith.constant 128 : i32
      %dma_wait3A_806 = arith.constant 0 : i32
      %dma_wait3A_807 = tpu.memref_slice %arg12[%dma_wait3A_805, %dma_wait3A_806] : memref<256x128xf32, #tpu.memory_space<vmem>> -> memref<32x128xf32, #tpu.memory_space<vmem>>
      %dma_wait3A_808 = arith.constant 0 : i32
      %dma_wait3A_809 = arith.constant 0 : i32
      %dma_wait3A_810 = tpu.memref_slice %arg4[%dma_wait3A_808, %dma_wait3A_809] : memref<32x1000000xf32, #tpu.memory_space<hbm>> -> memref<32x128xf32, #tpu.memory_space<hbm>>
      tpu.wait_dma2 semaphore(%arg13 : memref<!tpu.dma_semaphore, #tpu.memory_space<semaphore_mem>>) src(%dma_wait3A_810 : memref<32x128xf32, #tpu.memory_space<hbm>>) dst(%dma_wait3A_807 : memref<32x128xf32, #tpu.memory_space<vmem>>)
      %dma_wait3A_811 = arith.constant 160 : i32
      %dma_wait3A_812 = arith.constant 0 : i32
      %dma_wait3A_813 = tpu.memref_slice %arg12[%dma_wait3A_811, %dma_wait3A_812] : memref<256x128xf32, #tpu.memory_space<vmem>> -> memref<32x128xf32, #tpu.memory_space<vmem>>
      %dma_wait3A_814 = arith.constant 0 : i32
      %dma_wait3A_815 = arith.constant 0 : i32
      %dma_wait3A_816 = tpu.memref_slice %arg4[%dma_wait3A_814, %dma_wait3A_815] : memref<32x1000000xf32, #tpu.memory_space<hbm>> -> memref<32x128xf32, #tpu.memory_space<hbm>>
      %dma_wait3A_817 = arith.constant 160 : i32
      %dma_wait3A_818 = arith.constant 0 : i32
      %dma_wait3A_819 = tpu.memref_slice %arg12[%dma_wait3A_817, %dma_wait3A_818] : memref<256x128xf32, #tpu.memory_space<vmem>> -> memref<32x128xf32, #tpu.memory_space<vmem>>
      %dma_wait3A_820 = arith.constant 0 : i32
      %dma_wait3A_821 = arith.constant 0 : i32
      %dma_wait3A_822 = tpu.memref_slice %arg4[%dma_wait3A_820, %dma_wait3A_821] : memref<32x1000000xf32, #tpu.memory_space<hbm>> -> memref<32x128xf32, #tpu.memory_space<hbm>>
      tpu.wait_dma2 semaphore(%arg13 : memref<!tpu.dma_semaphore, #tpu.memory_space<semaphore_mem>>) src(%dma_wait3A_822 : memref<32x128xf32, #tpu.memory_space<hbm>>) dst(%dma_wait3A_819 : memref<32x128xf32, #tpu.memory_space<vmem>>)
      %dma_wait3A_823 = arith.constant 192 : i32
      %dma_wait3A_824 = arith.constant 0 : i32
      %dma_wait3A_825 = tpu.memref_slice %arg12[%dma_wait3A_823, %dma_wait3A_824] : memref<256x128xf32, #tpu.memory_space<vmem>> -> memref<32x128xf32, #tpu.memory_space<vmem>>
      %dma_wait3A_826 = arith.constant 0 : i32
      %dma_wait3A_827 = arith.constant 0 : i32
      %dma_wait3A_828 = tpu.memref_slice %arg4[%dma_wait3A_826, %dma_wait3A_827] : memref<32x1000000xf32, #tpu.memory_space<hbm>> -> memref<32x128xf32, #tpu.memory_space<hbm>>
      %dma_wait3A_829 = arith.constant 192 : i32
      %dma_wait3A_830 = arith.constant 0 : i32
      %dma_wait3A_831 = tpu.memref_slice %arg12[%dma_wait3A_829, %dma_wait3A_830] : memref<256x128xf32, #tpu.memory_space<vmem>> -> memref<32x128xf32, #tpu.memory_space<vmem>>
      %dma_wait3A_832 = arith.constant 0 : i32
      %dma_wait3A_833 = arith.constant 0 : i32
      %dma_wait3A_834 = tpu.memref_slice %arg4[%dma_wait3A_832, %dma_wait3A_833] : memref<32x1000000xf32, #tpu.memory_space<hbm>> -> memref<32x128xf32, #tpu.memory_space<hbm>>
      tpu.wait_dma2 semaphore(%arg13 : memref<!tpu.dma_semaphore, #tpu.memory_space<semaphore_mem>>) src(%dma_wait3A_834 : memref<32x128xf32, #tpu.memory_space<hbm>>) dst(%dma_wait3A_831 : memref<32x128xf32, #tpu.memory_space<vmem>>)
      %dma_wait3A_835 = arith.constant 224 : i32
      %dma_wait3A_836 = arith.constant 0 : i32
      %dma_wait3A_837 = tpu.memref_slice %arg12[%dma_wait3A_835, %dma_wait3A_836] : memref<256x128xf32, #tpu.memory_space<vmem>> -> memref<32x128xf32, #tpu.memory_space<vmem>>
      %dma_wait3A_838 = arith.constant 0 : i32
      %dma_wait3A_839 = arith.constant 0 : i32
      %dma_wait3A_840 = tpu.memref_slice %arg4[%dma_wait3A_838, %dma_wait3A_839] : memref<32x1000000xf32, #tpu.memory_space<hbm>> -> memref<32x128xf32, #tpu.memory_space<hbm>>
      %dma_wait3A_841 = arith.constant 224 : i32
      %dma_wait3A_842 = arith.constant 0 : i32
      %dma_wait3A_843 = tpu.memref_slice %arg12[%dma_wait3A_841, %dma_wait3A_842] : memref<256x128xf32, #tpu.memory_space<vmem>> -> memref<32x128xf32, #tpu.memory_space<vmem>>
      %dma_wait3A_844 = arith.constant 0 : i32
      %dma_wait3A_845 = arith.constant 0 : i32
      %dma_wait3A_846 = tpu.memref_slice %arg4[%dma_wait3A_844, %dma_wait3A_845] : memref<32x1000000xf32, #tpu.memory_space<hbm>> -> memref<32x128xf32, #tpu.memory_space<hbm>>
      tpu.wait_dma2 semaphore(%arg13 : memref<!tpu.dma_semaphore, #tpu.memory_space<semaphore_mem>>) src(%dma_wait3A_846 : memref<32x128xf32, #tpu.memory_space<hbm>>) dst(%dma_wait3A_843 : memref<32x128xf32, #tpu.memory_space<vmem>>)
      %mul3A_847 = arith.constant 16 : i32
      %mul3A_848 = arith.muli %scan3A_17, %mul3A_847 : i32
      %add3A_849 = arith.constant 12 : i32
      %add3A_850 = arith.addi %mul3A_848, %add3A_849 : i32
      %and3A_851 = arith.constant 0 : i32
      %and3A_852 = vector.broadcast %and3A_851 : i32 to vector<16xi32>
      %and3A_853 = arith.andi %iota3A_10, %and3A_852 : vector<16xi32>
      %slice3A_854 = vector.extract_strided_slice %get3A_20 {offsets = [12], sizes = [1], strides = [1]} : vector<16xi32> to vector<1xi32>
      %squeeze3A_855 = vector.extract %slice3A_854[0] : i32 from vector<1xi32>
      %and3A_856 = arith.constant 127 : i32
      %and3A_857 = arith.andi %squeeze3A_855, %and3A_856 : i32
      %add3A_858 = vector.broadcast %and3A_857 : i32 to vector<16xi32>
      %add3A_859 = arith.addi %and3A_853, %add3A_858 : vector<16xi32>
      %add3A_860 = arith.constant 128 : i32
      %add3A_861 = vector.broadcast %add3A_860 : i32 to vector<16xi32>
      %add3A_862 = arith.addi %iota3A_10, %add3A_861 : vector<16xi32>
      %gather3A_863 = tpu.vector_load_idx %arg12[%add3A_862, %add3A_859] : memref<256x128xf32, #tpu.memory_space<vmem>>[vector<16xi32>, vector<16xi32>], vector<16xf32>,
      %add3A_864 = arith.constant 144 : i32
      %add3A_865 = vector.broadcast %add3A_864 : i32 to vector<16xi32>
      %add3A_866 = arith.addi %iota3A_10, %add3A_865 : vector<16xi32>
      %gather3A_867 = tpu.vector_load_idx %arg12[%add3A_866, %add3A_859] : memref<256x128xf32, #tpu.memory_space<vmem>>[vector<16xi32>, vector<16xi32>], vector<16xf32>,
      %swap3A_868 = arith.constant 0 : i32
      %swap3A_869 = tpu.memref_slice %arg10[%add3A_850, %swap3A_868] : memref<256x32xf32, #tpu.memory_space<vmem>> -> memref<1x32xf32, #tpu.memory_space<vmem>>
      %swap3A_870 = tpu.memref_squeeze %swap3A_869 : memref<1x32xf32, #tpu.memory_space<vmem>> -> memref<32xf32, #tpu.memory_space<vmem>>
      %swap3A_871 = arith.constant 0 : index
      %swap3A_872 = tpu.vector_load %swap3A_870[%swap3A_871] {strides = array<i32>} : memref<32xf32, #tpu.memory_space<vmem>>, vector<16xf32>,
      tpu.vector_store %swap3A_870[%swap3A_871], %gather3A_863 {strides = array<i32>} : memref<32xf32, #tpu.memory_space<vmem>>, vector<16xf32>,
      %swap3A_873 = arith.constant 0 : i32
      %swap3A_874 = tpu.memref_slice %arg10[%add3A_850, %swap3A_873] : memref<256x32xf32, #tpu.memory_space<vmem>> -> memref<1x32xf32, #tpu.memory_space<vmem>>
      %swap3A_875 = tpu.memref_squeeze %swap3A_874 : memref<1x32xf32, #tpu.memory_space<vmem>> -> memref<32xf32, #tpu.memory_space<vmem>>
      %swap3A_876 = arith.constant 16 : index
      %swap3A_877 = tpu.vector_load %swap3A_875[%swap3A_876] {strides = array<i32>} : memref<32xf32, #tpu.memory_space<vmem>>, vector<16xf32>,
      tpu.vector_store %swap3A_875[%swap3A_876], %gather3A_867 {strides = array<i32>} : memref<32xf32, #tpu.memory_space<vmem>>, vector<16xf32>,
      %mul3A_878 = arith.constant 16 : i32
      %mul3A_879 = arith.muli %scan3A_17, %mul3A_878 : i32
      %add3A_880 = arith.constant 13 : i32
      %add3A_881 = arith.addi %mul3A_879, %add3A_880 : i32
      %and3A_882 = arith.constant 0 : i32
      %and3A_883 = vector.broadcast %and3A_882 : i32 to vector<16xi32>
      %and3A_884 = arith.andi %iota3A_10, %and3A_883 : vector<16xi32>
      %slice3A_885 = vector.extract_strided_slice %get3A_20 {offsets = [13], sizes = [1], strides = [1]} : vector<16xi32> to vector<1xi32>
      %squeeze3A_886 = vector.extract %slice3A_885[0] : i32 from vector<1xi32>
      %and3A_887 = arith.constant 127 : i32
      %and3A_888 = arith.andi %squeeze3A_886, %and3A_887 : i32
      %add3A_889 = vector.broadcast %and3A_888 : i32 to vector<16xi32>
      %add3A_890 = arith.addi %and3A_884, %add3A_889 : vector<16xi32>
      %add3A_891 = arith.constant 160 : i32
      %add3A_892 = vector.broadcast %add3A_891 : i32 to vector<16xi32>
      %add3A_893 = arith.addi %iota3A_10, %add3A_892 : vector<16xi32>
      %gather3A_894 = tpu.vector_load_idx %arg12[%add3A_893, %add3A_890] : memref<256x128xf32, #tpu.memory_space<vmem>>[vector<16xi32>, vector<16xi32>], vector<16xf32>,
      %add3A_895 = arith.constant 176 : i32
      %add3A_896 = vector.broadcast %add3A_895 : i32 to vector<16xi32>
      %add3A_897 = arith.addi %iota3A_10, %add3A_896 : vector<16xi32>
      %gather3A_898 = tpu.vector_load_idx %arg12[%add3A_897, %add3A_890] : memref<256x128xf32, #tpu.memory_space<vmem>>[vector<16xi32>, vector<16xi32>], vector<16xf32>,
      %swap3A_899 = arith.constant 0 : i32
      %swap3A_900 = tpu.memref_slice %arg10[%add3A_881, %swap3A_899] : memref<256x32xf32, #tpu.memory_space<vmem>> -> memref<1x32xf32, #tpu.memory_space<vmem>>
      %swap3A_901 = tpu.memref_squeeze %swap3A_900 : memref<1x32xf32, #tpu.memory_space<vmem>> -> memref<32xf32, #tpu.memory_space<vmem>>
      %swap3A_902 = arith.constant 0 : index
      %swap3A_903 = tpu.vector_load %swap3A_901[%swap3A_902] {strides = array<i32>} : memref<32xf32, #tpu.memory_space<vmem>>, vector<16xf32>,
      tpu.vector_store %swap3A_901[%swap3A_902], %gather3A_894 {strides = array<i32>} : memref<32xf32, #tpu.memory_space<vmem>>, vector<16xf32>,
      %swap3A_904 = arith.constant 0 : i32
      %swap3A_905 = tpu.memref_slice %arg10[%add3A_881, %swap3A_904] : memref<256x32xf32, #tpu.memory_space<vmem>> -> memref<1x32xf32, #tpu.memory_space<vmem>>
      %swap3A_906 = tpu.memref_squeeze %swap3A_905 : memref<1x32xf32, #tpu.memory_space<vmem>> -> memref<32xf32, #tpu.memory_space<vmem>>
      %swap3A_907 = arith.constant 16 : index
      %swap3A_908 = tpu.vector_load %swap3A_906[%swap3A_907] {strides = array<i32>} : memref<32xf32, #tpu.memory_space<vmem>>, vector<16xf32>,
      tpu.vector_store %swap3A_906[%swap3A_907], %gather3A_898 {strides = array<i32>} : memref<32xf32, #tpu.memory_space<vmem>>, vector<16xf32>,
      %mul3A_909 = arith.constant 16 : i32
      %mul3A_910 = arith.muli %scan3A_17, %mul3A_909 : i32
      %add3A_911 = arith.constant 14 : i32
      %add3A_912 = arith.addi %mul3A_910, %add3A_911 : i32
      %and3A_913 = arith.constant 0 : i32
      %and3A_914 = vector.broadcast %and3A_913 : i32 to vector<16xi32>
      %and3A_915 = arith.andi %iota3A_10, %and3A_914 : vector<16xi32>
      %slice3A_916 = vector.extract_strided_slice %get3A_20 {offsets = [14], sizes = [1], strides = [1]} : vector<16xi32> to vector<1xi32>
      %squeeze3A_917 = vector.extract %slice3A_916[0] : i32 from vector<1xi32>
      %and3A_918 = arith.constant 127 : i32
      %and3A_919 = arith.andi %squeeze3A_917, %and3A_918 : i32
      %add3A_920 = vector.broadcast %and3A_919 : i32 to vector<16xi32>
      %add3A_921 = arith.addi %and3A_915, %add3A_920 : vector<16xi32>
      %add3A_922 = arith.constant 192 : i32
      %add3A_923 = vector.broadcast %add3A_922 : i32 to vector<16xi32>
      %add3A_924 = arith.addi %iota3A_10, %add3A_923 : vector<16xi32>
      %gather3A_925 = tpu.vector_load_idx %arg12[%add3A_924, %add3A_921] : memref<256x128xf32, #tpu.memory_space<vmem>>[vector<16xi32>, vector<16xi32>], vector<16xf32>,
      %add3A_926 = arith.constant 208 : i32
      %add3A_927 = vector.broadcast %add3A_926 : i32 to vector<16xi32>
      %add3A_928 = arith.addi %iota3A_10, %add3A_927 : vector<16xi32>
      %gather3A_929 = tpu.vector_load_idx %arg12[%add3A_928, %add3A_921] : memref<256x128xf32, #tpu.memory_space<vmem>>[vector<16xi32>, vector<16xi32>], vector<16xf32>,
      %swap3A_930 = arith.constant 0 : i32
      %swap3A_931 = tpu.memref_slice %arg10[%add3A_912, %swap3A_930] : memref<256x32xf32, #tpu.memory_space<vmem>> -> memref<1x32xf32, #tpu.memory_space<vmem>>
      %swap3A_932 = tpu.memref_squeeze %swap3A_931 : memref<1x32xf32, #tpu.memory_space<vmem>> -> memref<32xf32, #tpu.memory_space<vmem>>
      %swap3A_933 = arith.constant 0 : index
      %swap3A_934 = tpu.vector_load %swap3A_932[%swap3A_933] {strides = array<i32>} : memref<32xf32, #tpu.memory_space<vmem>>, vector<16xf32>,
      tpu.vector_store %swap3A_932[%swap3A_933], %gather3A_925 {strides = array<i32>} : memref<32xf32, #tpu.memory_space<vmem>>, vector<16xf32>,
      %swap3A_935 = arith.constant 0 : i32
      %swap3A_936 = tpu.memref_slice %arg10[%add3A_912, %swap3A_935] : memref<256x32xf32, #tpu.memory_space<vmem>> -> memref<1x32xf32, #tpu.memory_space<vmem>>
      %swap3A_937 = tpu.memref_squeeze %swap3A_936 : memref<1x32xf32, #tpu.memory_space<vmem>> -> memref<32xf32, #tpu.memory_space<vmem>>
      %swap3A_938 = arith.constant 16 : index
      %swap3A_939 = tpu.vector_load %swap3A_937[%swap3A_938] {strides = array<i32>} : memref<32xf32, #tpu.memory_space<vmem>>, vector<16xf32>,
      tpu.vector_store %swap3A_937[%swap3A_938], %gather3A_929 {strides = array<i32>} : memref<32xf32, #tpu.memory_space<vmem>>, vector<16xf32>,
      %mul3A_940 = arith.constant 16 : i32
      %mul3A_941 = arith.muli %scan3A_17, %mul3A_940 : i32
      %add3A_942 = arith.constant 15 : i32
      %add3A_943 = arith.addi %mul3A_941, %add3A_942 : i32
      %and3A_944 = arith.constant 0 : i32
      %and3A_945 = vector.broadcast %and3A_944 : i32 to vector<16xi32>
      %and3A_946 = arith.andi %iota3A_10, %and3A_945 : vector<16xi32>
      %slice3A_947 = vector.extract_strided_slice %get3A_20 {offsets = [15], sizes = [1], strides = [1]} : vector<16xi32> to vector<1xi32>
      %squeeze3A_948 = vector.extract %slice3A_947[0] : i32 from vector<1xi32>
      %and3A_949 = arith.constant 127 : i32
      %and3A_950 = arith.andi %squeeze3A_948, %and3A_949 : i32
      %add3A_951 = vector.broadcast %and3A_950 : i32 to vector<16xi32>
      %add3A_952 = arith.addi %and3A_946, %add3A_951 : vector<16xi32>
      %add3A_953 = arith.constant 224 : i32
      %add3A_954 = vector.broadcast %add3A_953 : i32 to vector<16xi32>
      %add3A_955 = arith.addi %iota3A_10, %add3A_954 : vector<16xi32>
      %gather3A_956 = tpu.vector_load_idx %arg12[%add3A_955, %add3A_952] : memref<256x128xf32, #tpu.memory_space<vmem>>[vector<16xi32>, vector<16xi32>], vector<16xf32>,
      %add3A_957 = arith.constant 240 : i32
      %add3A_958 = vector.broadcast %add3A_957 : i32 to vector<16xi32>
      %add3A_959 = arith.addi %iota3A_10, %add3A_958 : vector<16xi32>
      %gather3A_960 = tpu.vector_load_idx %arg12[%add3A_959, %add3A_952] : memref<256x128xf32, #tpu.memory_space<vmem>>[vector<16xi32>, vector<16xi32>], vector<16xf32>,
      %swap3A_961 = arith.constant 0 : i32
      %swap3A_962 = tpu.memref_slice %arg10[%add3A_943, %swap3A_961] : memref<256x32xf32, #tpu.memory_space<vmem>> -> memref<1x32xf32, #tpu.memory_space<vmem>>
      %swap3A_963 = tpu.memref_squeeze %swap3A_962 : memref<1x32xf32, #tpu.memory_space<vmem>> -> memref<32xf32, #tpu.memory_space<vmem>>
      %swap3A_964 = arith.constant 0 : index
      %swap3A_965 = tpu.vector_load %swap3A_963[%swap3A_964] {strides = array<i32>} : memref<32xf32, #tpu.memory_space<vmem>>, vector<16xf32>,
      tpu.vector_store %swap3A_963[%swap3A_964], %gather3A_956 {strides = array<i32>} : memref<32xf32, #tpu.memory_space<vmem>>, vector<16xf32>,
      %swap3A_966 = arith.constant 0 : i32
      %swap3A_967 = tpu.memref_slice %arg10[%add3A_943, %swap3A_966] : memref<256x32xf32, #tpu.memory_space<vmem>> -> memref<1x32xf32, #tpu.memory_space<vmem>>
      %swap3A_968 = tpu.memref_squeeze %swap3A_967 : memref<1x32xf32, #tpu.memory_space<vmem>> -> memref<32xf32, #tpu.memory_space<vmem>>
      %swap3A_969 = arith.constant 16 : index
      %swap3A_970 = tpu.vector_load %swap3A_968[%swap3A_969] {strides = array<i32>} : memref<32xf32, #tpu.memory_space<vmem>>, vector<16xf32>,
      tpu.vector_store %swap3A_968[%swap3A_969], %gather3A_960 {strides = array<i32>} : memref<32xf32, #tpu.memory_space<vmem>>, vector<16xf32>,
    }
    %scan3A_16 = arith.constant 16 : i32
    "tpu.region"() ({
      %run_scoped3A = tpu.sem_alloc : memref<!tpu.dma_semaphore, #tpu.memory_space<semaphore_mem>>
      %dma_start3A = arith.constant 0 : i32
      %dma_start3A_17 = tpu.memref_slice %arg6[%mul3A_2, %dma_start3A] : memref<8192x32xf32, #tpu.memory_space<hbm>> -> memref<256x32xf32, #tpu.memory_space<hbm>>
      %dma_start3A_18 = arith.constant 0 : i32
      %dma_start3A_19 = tpu.memref_slice %arg6[%mul3A_2, %dma_start3A_18] : memref<8192x32xf32, #tpu.memory_space<hbm>> -> memref<256x32xf32, #tpu.memory_space<hbm>>
      tpu.enqueue_dma source(%arg10 : memref<256x32xf32, #tpu.memory_space<vmem>>) target(%dma_start3A_19 : memref<256x32xf32, #tpu.memory_space<hbm>>) target_semaphore(%run_scoped3A : memref<!tpu.dma_semaphore, #tpu.memory_space<semaphore_mem>>)
      %dma_wait3A = arith.constant 0 : i32
      %dma_wait3A_20 = tpu.memref_slice %arg6[%mul3A_2, %dma_wait3A] : memref<8192x32xf32, #tpu.memory_space<hbm>> -> memref<256x32xf32, #tpu.memory_space<hbm>>
      %dma_wait3A_21 = arith.constant 0 : i32
      %dma_wait3A_22 = tpu.memref_slice %arg6[%mul3A_2, %dma_wait3A_21] : memref<8192x32xf32, #tpu.memory_space<hbm>> -> memref<256x32xf32, #tpu.memory_space<hbm>>
      tpu.wait_dma2 semaphore(%run_scoped3A : memref<!tpu.dma_semaphore, #tpu.memory_space<semaphore_mem>>) src(%arg10 : memref<256x32xf32, #tpu.memory_space<vmem>>) dst(%dma_wait3A_22 : memref<256x32xf32, #tpu.memory_space<hbm>>)
      tpu.yield
    }) : () -> ()
    return
  }
}

#map = affine_map<(d0, d1) -> (0)>
#map1 = affine_map<(d0, d1) -> (0, 0)>
module attributes {stable_mosaic.version = 14 : i64} {
  func.func @_gather_b_body(%arg0: i32, %arg1: i32, %arg2: memref<8192xi32, #tpu.memory_space<hbm>>, %arg3: memref<32x1000000xf32, #tpu.memory_space<hbm>>, %arg4: memref<8192x32xf32, #tpu.memory_space<hbm>>, %arg5: memref<256xi32, #tpu.memory_space<vmem>>, %arg6: memref<256x32xf32, #tpu.memory_space<vmem>>, %arg7: memref<256x128xf32, #tpu.memory_space<vmem>>, %arg8: memref<!tpu.dma_semaphore, #tpu.memory_space<semaphore_mem>>) attributes {dimension_semantics = [#tpu.dimension_semantics<core_parallel>, #tpu.dimension_semantics<subcore_parallel>], iteration_bounds = array<i64: 2, 16>, scalar_prefetch = 0 : i64, scratch_operands = 4 : i64, tpu.core_type = #tpu.core_type<sc_vector_subcore>, window_params = [{transform_indices = #map}, {transform_indices = #map1}, {transform_indices = #map1}]} {
    %mul3A = arith.constant 2 : i32
    %mul3A_0 = arith.muli %arg1, %mul3A : i32
    %add3A = arith.addi %mul3A_0, %arg0 : i32
    %mul3A_1 = arith.constant 256 : i32
    %mul3A_2 = arith.muli %add3A, %mul3A_1 : i32
    "tpu.region"() ({
      %run_scoped3A = tpu.sem_alloc : memref<!tpu.dma_semaphore, #tpu.memory_space<semaphore_mem>>
      %dma_start3A = tpu.memref_slice %arg2[%mul3A_2] : memref<8192xi32, #tpu.memory_space<hbm>> -> memref<256xi32, #tpu.memory_space<hbm>>
      %dma_start3A_8 = tpu.memref_slice %arg2[%mul3A_2] : memref<8192xi32, #tpu.memory_space<hbm>> -> memref<256xi32, #tpu.memory_space<hbm>>
      tpu.enqueue_dma source(%dma_start3A_8 : memref<256xi32, #tpu.memory_space<hbm>>) target(%arg5 : memref<256xi32, #tpu.memory_space<vmem>>) target_semaphore(%run_scoped3A : memref<!tpu.dma_semaphore, #tpu.memory_space<semaphore_mem>>)
      %dma_wait3A = tpu.memref_slice %arg2[%mul3A_2] : memref<8192xi32, #tpu.memory_space<hbm>> -> memref<256xi32, #tpu.memory_space<hbm>>
      %dma_wait3A_9 = tpu.memref_slice %arg2[%mul3A_2] : memref<8192xi32, #tpu.memory_space<hbm>> -> memref<256xi32, #tpu.memory_space<hbm>>
      tpu.wait_dma2 semaphore(%run_scoped3A : memref<!tpu.dma_semaphore, #tpu.memory_space<semaphore_mem>>) src(%dma_wait3A_9 : memref<256xi32, #tpu.memory_space<hbm>>) dst(%arg5 : memref<256xi32, #tpu.memory_space<vmem>>)
      tpu.yield
    }) : () -> ()
    %iota3A = tpu.iota {dimensions = array<i32: 0>} : vector<16xi32>
    %scan3A = arith.constant 0 : i32
    %scan3A_3 = arith.constant 0 : i32
    %scan3A_4 = arith.constant 16 : i32
    %scan3A_5 = arith.addi %scan3A_3, %scan3A_4 : i32
    %scan3A_6 = arith.constant 1 : i32
    scf.for %scan3A_8 = %scan3A_3 to %scan3A_5 step %scan3A_6  : i32 {
      %mul3A_9 = arith.constant 16 : i32
      %mul3A_10 = arith.muli %scan3A_8, %mul3A_9 : i32
      %get3A = arith.index_cast %mul3A_10 : i32 to index
      %get3A_11 = tpu.vector_load %arg5[%get3A] {strides = array<i32>} : memref<256xi32, #tpu.memory_space<vmem>>, vector<16xi32>,
      %slice3A = vector.extract_strided_slice %get3A_11 {offsets = [0], sizes = [1], strides = [1]} : vector<16xi32> to vector<1xi32>
      %squeeze3A = vector.extract %slice3A[0] : i32 from vector<1xi32>
      %shift_right_arithmetic3A = arith.constant 7 : i32
      %shift_right_arithmetic3A_12 = arith.shrsi %squeeze3A, %shift_right_arithmetic3A : i32
      %shift_left3A = arith.constant 7 : i32
      %shift_left3A_13 = arith.shli %shift_right_arithmetic3A_12, %shift_left3A : i32
      %multiple_of3A = tpu.assume_multiple %shift_left3A_13, 128 : i32
      %dma_start3A = arith.constant 0 : i32
      %dma_start3A_14 = arith.constant 0 : i32
      %dma_start3A_15 = tpu.memref_slice %arg7[%dma_start3A, %dma_start3A_14] : memref<256x128xf32, #tpu.memory_space<vmem>> -> memref<32x128xf32, #tpu.memory_space<vmem>>
      %dma_start3A_16 = arith.constant 0 : i32
      %dma_start3A_17 = tpu.memref_slice %arg3[%dma_start3A_16, %multiple_of3A] : memref<32x1000000xf32, #tpu.memory_space<hbm>> -> memref<32x128xf32, #tpu.memory_space<hbm>>
      %dma_start3A_18 = arith.constant 0 : i32
      %dma_start3A_19 = arith.constant 0 : i32
      %dma_start3A_20 = tpu.memref_slice %arg7[%dma_start3A_18, %dma_start3A_19] : memref<256x128xf32, #tpu.memory_space<vmem>> -> memref<32x128xf32, #tpu.memory_space<vmem>>
      %dma_start3A_21 = arith.constant 0 : i32
      %dma_start3A_22 = tpu.memref_slice %arg3[%dma_start3A_21, %multiple_of3A] : memref<32x1000000xf32, #tpu.memory_space<hbm>> -> memref<32x128xf32, #tpu.memory_space<hbm>>
      tpu.enqueue_dma source(%dma_start3A_22 : memref<32x128xf32, #tpu.memory_space<hbm>>) target(%dma_start3A_20 : memref<32x128xf32, #tpu.memory_space<vmem>>) target_semaphore(%arg8 : memref<!tpu.dma_semaphore, #tpu.memory_space<semaphore_mem>>)
      %slice3A_23 = vector.extract_strided_slice %get3A_11 {offsets = [1], sizes = [1], strides = [1]} : vector<16xi32> to vector<1xi32>
      %squeeze3A_24 = vector.extract %slice3A_23[0] : i32 from vector<1xi32>
      %shift_right_arithmetic3A_25 = arith.constant 7 : i32
      %shift_right_arithmetic3A_26 = arith.shrsi %squeeze3A_24, %shift_right_arithmetic3A_25 : i32
      %shift_left3A_27 = arith.constant 7 : i32
      %shift_left3A_28 = arith.shli %shift_right_arithmetic3A_26, %shift_left3A_27 : i32
      %multiple_of3A_29 = tpu.assume_multiple %shift_left3A_28, 128 : i32
      %dma_start3A_30 = arith.constant 32 : i32
      %dma_start3A_31 = arith.constant 0 : i32
      %dma_start3A_32 = tpu.memref_slice %arg7[%dma_start3A_30, %dma_start3A_31] : memref<256x128xf32, #tpu.memory_space<vmem>> -> memref<32x128xf32, #tpu.memory_space<vmem>>
      %dma_start3A_33 = arith.constant 0 : i32
      %dma_start3A_34 = tpu.memref_slice %arg3[%dma_start3A_33, %multiple_of3A_29] : memref<32x1000000xf32, #tpu.memory_space<hbm>> -> memref<32x128xf32, #tpu.memory_space<hbm>>
      %dma_start3A_35 = arith.constant 32 : i32
      %dma_start3A_36 = arith.constant 0 : i32
      %dma_start3A_37 = tpu.memref_slice %arg7[%dma_start3A_35, %dma_start3A_36] : memref<256x128xf32, #tpu.memory_space<vmem>> -> memref<32x128xf32, #tpu.memory_space<vmem>>
      %dma_start3A_38 = arith.constant 0 : i32
      %dma_start3A_39 = tpu.memref_slice %arg3[%dma_start3A_38, %multiple_of3A_29] : memref<32x1000000xf32, #tpu.memory_space<hbm>> -> memref<32x128xf32, #tpu.memory_space<hbm>>
      tpu.enqueue_dma source(%dma_start3A_39 : memref<32x128xf32, #tpu.memory_space<hbm>>) target(%dma_start3A_37 : memref<32x128xf32, #tpu.memory_space<vmem>>) target_semaphore(%arg8 : memref<!tpu.dma_semaphore, #tpu.memory_space<semaphore_mem>>)
      %slice3A_40 = vector.extract_strided_slice %get3A_11 {offsets = [2], sizes = [1], strides = [1]} : vector<16xi32> to vector<1xi32>
      %squeeze3A_41 = vector.extract %slice3A_40[0] : i32 from vector<1xi32>
      %shift_right_arithmetic3A_42 = arith.constant 7 : i32
      %shift_right_arithmetic3A_43 = arith.shrsi %squeeze3A_41, %shift_right_arithmetic3A_42 : i32
      %shift_left3A_44 = arith.constant 7 : i32
      %shift_left3A_45 = arith.shli %shift_right_arithmetic3A_43, %shift_left3A_44 : i32
      %multiple_of3A_46 = tpu.assume_multiple %shift_left3A_45, 128 : i32
      %dma_start3A_47 = arith.constant 64 : i32
      %dma_start3A_48 = arith.constant 0 : i32
      %dma_start3A_49 = tpu.memref_slice %arg7[%dma_start3A_47, %dma_start3A_48] : memref<256x128xf32, #tpu.memory_space<vmem>> -> memref<32x128xf32, #tpu.memory_space<vmem>>
      %dma_start3A_50 = arith.constant 0 : i32
      %dma_start3A_51 = tpu.memref_slice %arg3[%dma_start3A_50, %multiple_of3A_46] : memref<32x1000000xf32, #tpu.memory_space<hbm>> -> memref<32x128xf32, #tpu.memory_space<hbm>>
      %dma_start3A_52 = arith.constant 64 : i32
      %dma_start3A_53 = arith.constant 0 : i32
      %dma_start3A_54 = tpu.memref_slice %arg7[%dma_start3A_52, %dma_start3A_53] : memref<256x128xf32, #tpu.memory_space<vmem>> -> memref<32x128xf32, #tpu.memory_space<vmem>>
      %dma_start3A_55 = arith.constant 0 : i32
      %dma_start3A_56 = tpu.memref_slice %arg3[%dma_start3A_55, %multiple_of3A_46] : memref<32x1000000xf32, #tpu.memory_space<hbm>> -> memref<32x128xf32, #tpu.memory_space<hbm>>
      tpu.enqueue_dma source(%dma_start3A_56 : memref<32x128xf32, #tpu.memory_space<hbm>>) target(%dma_start3A_54 : memref<32x128xf32, #tpu.memory_space<vmem>>) target_semaphore(%arg8 : memref<!tpu.dma_semaphore, #tpu.memory_space<semaphore_mem>>)
      %slice3A_57 = vector.extract_strided_slice %get3A_11 {offsets = [3], sizes = [1], strides = [1]} : vector<16xi32> to vector<1xi32>
      %squeeze3A_58 = vector.extract %slice3A_57[0] : i32 from vector<1xi32>
      %shift_right_arithmetic3A_59 = arith.constant 7 : i32
      %shift_right_arithmetic3A_60 = arith.shrsi %squeeze3A_58, %shift_right_arithmetic3A_59 : i32
      %shift_left3A_61 = arith.constant 7 : i32
      %shift_left3A_62 = arith.shli %shift_right_arithmetic3A_60, %shift_left3A_61 : i32
      %multiple_of3A_63 = tpu.assume_multiple %shift_left3A_62, 128 : i32
      %dma_start3A_64 = arith.constant 96 : i32
      %dma_start3A_65 = arith.constant 0 : i32
      %dma_start3A_66 = tpu.memref_slice %arg7[%dma_start3A_64, %dma_start3A_65] : memref<256x128xf32, #tpu.memory_space<vmem>> -> memref<32x128xf32, #tpu.memory_space<vmem>>
      %dma_start3A_67 = arith.constant 0 : i32
      %dma_start3A_68 = tpu.memref_slice %arg3[%dma_start3A_67, %multiple_of3A_63] : memref<32x1000000xf32, #tpu.memory_space<hbm>> -> memref<32x128xf32, #tpu.memory_space<hbm>>
      %dma_start3A_69 = arith.constant 96 : i32
      %dma_start3A_70 = arith.constant 0 : i32
      %dma_start3A_71 = tpu.memref_slice %arg7[%dma_start3A_69, %dma_start3A_70] : memref<256x128xf32, #tpu.memory_space<vmem>> -> memref<32x128xf32, #tpu.memory_space<vmem>>
      %dma_start3A_72 = arith.constant 0 : i32
      %dma_start3A_73 = tpu.memref_slice %arg3[%dma_start3A_72, %multiple_of3A_63] : memref<32x1000000xf32, #tpu.memory_space<hbm>> -> memref<32x128xf32, #tpu.memory_space<hbm>>
      tpu.enqueue_dma source(%dma_start3A_73 : memref<32x128xf32, #tpu.memory_space<hbm>>) target(%dma_start3A_71 : memref<32x128xf32, #tpu.memory_space<vmem>>) target_semaphore(%arg8 : memref<!tpu.dma_semaphore, #tpu.memory_space<semaphore_mem>>)
      %slice3A_74 = vector.extract_strided_slice %get3A_11 {offsets = [4], sizes = [1], strides = [1]} : vector<16xi32> to vector<1xi32>
      %squeeze3A_75 = vector.extract %slice3A_74[0] : i32 from vector<1xi32>
      %shift_right_arithmetic3A_76 = arith.constant 7 : i32
      %shift_right_arithmetic3A_77 = arith.shrsi %squeeze3A_75, %shift_right_arithmetic3A_76 : i32
      %shift_left3A_78 = arith.constant 7 : i32
      %shift_left3A_79 = arith.shli %shift_right_arithmetic3A_77, %shift_left3A_78 : i32
      %multiple_of3A_80 = tpu.assume_multiple %shift_left3A_79, 128 : i32
      %dma_start3A_81 = arith.constant 128 : i32
      %dma_start3A_82 = arith.constant 0 : i32
      %dma_start3A_83 = tpu.memref_slice %arg7[%dma_start3A_81, %dma_start3A_82] : memref<256x128xf32, #tpu.memory_space<vmem>> -> memref<32x128xf32, #tpu.memory_space<vmem>>
      %dma_start3A_84 = arith.constant 0 : i32
      %dma_start3A_85 = tpu.memref_slice %arg3[%dma_start3A_84, %multiple_of3A_80] : memref<32x1000000xf32, #tpu.memory_space<hbm>> -> memref<32x128xf32, #tpu.memory_space<hbm>>
      %dma_start3A_86 = arith.constant 128 : i32
      %dma_start3A_87 = arith.constant 0 : i32
      %dma_start3A_88 = tpu.memref_slice %arg7[%dma_start3A_86, %dma_start3A_87] : memref<256x128xf32, #tpu.memory_space<vmem>> -> memref<32x128xf32, #tpu.memory_space<vmem>>
      %dma_start3A_89 = arith.constant 0 : i32
      %dma_start3A_90 = tpu.memref_slice %arg3[%dma_start3A_89, %multiple_of3A_80] : memref<32x1000000xf32, #tpu.memory_space<hbm>> -> memref<32x128xf32, #tpu.memory_space<hbm>>
      tpu.enqueue_dma source(%dma_start3A_90 : memref<32x128xf32, #tpu.memory_space<hbm>>) target(%dma_start3A_88 : memref<32x128xf32, #tpu.memory_space<vmem>>) target_semaphore(%arg8 : memref<!tpu.dma_semaphore, #tpu.memory_space<semaphore_mem>>)
      %slice3A_91 = vector.extract_strided_slice %get3A_11 {offsets = [5], sizes = [1], strides = [1]} : vector<16xi32> to vector<1xi32>
      %squeeze3A_92 = vector.extract %slice3A_91[0] : i32 from vector<1xi32>
      %shift_right_arithmetic3A_93 = arith.constant 7 : i32
      %shift_right_arithmetic3A_94 = arith.shrsi %squeeze3A_92, %shift_right_arithmetic3A_93 : i32
      %shift_left3A_95 = arith.constant 7 : i32
      %shift_left3A_96 = arith.shli %shift_right_arithmetic3A_94, %shift_left3A_95 : i32
      %multiple_of3A_97 = tpu.assume_multiple %shift_left3A_96, 128 : i32
      %dma_start3A_98 = arith.constant 160 : i32
      %dma_start3A_99 = arith.constant 0 : i32
      %dma_start3A_100 = tpu.memref_slice %arg7[%dma_start3A_98, %dma_start3A_99] : memref<256x128xf32, #tpu.memory_space<vmem>> -> memref<32x128xf32, #tpu.memory_space<vmem>>
      %dma_start3A_101 = arith.constant 0 : i32
      %dma_start3A_102 = tpu.memref_slice %arg3[%dma_start3A_101, %multiple_of3A_97] : memref<32x1000000xf32, #tpu.memory_space<hbm>> -> memref<32x128xf32, #tpu.memory_space<hbm>>
      %dma_start3A_103 = arith.constant 160 : i32
      %dma_start3A_104 = arith.constant 0 : i32
      %dma_start3A_105 = tpu.memref_slice %arg7[%dma_start3A_103, %dma_start3A_104] : memref<256x128xf32, #tpu.memory_space<vmem>> -> memref<32x128xf32, #tpu.memory_space<vmem>>
      %dma_start3A_106 = arith.constant 0 : i32
      %dma_start3A_107 = tpu.memref_slice %arg3[%dma_start3A_106, %multiple_of3A_97] : memref<32x1000000xf32, #tpu.memory_space<hbm>> -> memref<32x128xf32, #tpu.memory_space<hbm>>
      tpu.enqueue_dma source(%dma_start3A_107 : memref<32x128xf32, #tpu.memory_space<hbm>>) target(%dma_start3A_105 : memref<32x128xf32, #tpu.memory_space<vmem>>) target_semaphore(%arg8 : memref<!tpu.dma_semaphore, #tpu.memory_space<semaphore_mem>>)
      %slice3A_108 = vector.extract_strided_slice %get3A_11 {offsets = [6], sizes = [1], strides = [1]} : vector<16xi32> to vector<1xi32>
      %squeeze3A_109 = vector.extract %slice3A_108[0] : i32 from vector<1xi32>
      %shift_right_arithmetic3A_110 = arith.constant 7 : i32
      %shift_right_arithmetic3A_111 = arith.shrsi %squeeze3A_109, %shift_right_arithmetic3A_110 : i32
      %shift_left3A_112 = arith.constant 7 : i32
      %shift_left3A_113 = arith.shli %shift_right_arithmetic3A_111, %shift_left3A_112 : i32
      %multiple_of3A_114 = tpu.assume_multiple %shift_left3A_113, 128 : i32
      %dma_start3A_115 = arith.constant 192 : i32
      %dma_start3A_116 = arith.constant 0 : i32
      %dma_start3A_117 = tpu.memref_slice %arg7[%dma_start3A_115, %dma_start3A_116] : memref<256x128xf32, #tpu.memory_space<vmem>> -> memref<32x128xf32, #tpu.memory_space<vmem>>
      %dma_start3A_118 = arith.constant 0 : i32
      %dma_start3A_119 = tpu.memref_slice %arg3[%dma_start3A_118, %multiple_of3A_114] : memref<32x1000000xf32, #tpu.memory_space<hbm>> -> memref<32x128xf32, #tpu.memory_space<hbm>>
      %dma_start3A_120 = arith.constant 192 : i32
      %dma_start3A_121 = arith.constant 0 : i32
      %dma_start3A_122 = tpu.memref_slice %arg7[%dma_start3A_120, %dma_start3A_121] : memref<256x128xf32, #tpu.memory_space<vmem>> -> memref<32x128xf32, #tpu.memory_space<vmem>>
      %dma_start3A_123 = arith.constant 0 : i32
      %dma_start3A_124 = tpu.memref_slice %arg3[%dma_start3A_123, %multiple_of3A_114] : memref<32x1000000xf32, #tpu.memory_space<hbm>> -> memref<32x128xf32, #tpu.memory_space<hbm>>
      tpu.enqueue_dma source(%dma_start3A_124 : memref<32x128xf32, #tpu.memory_space<hbm>>) target(%dma_start3A_122 : memref<32x128xf32, #tpu.memory_space<vmem>>) target_semaphore(%arg8 : memref<!tpu.dma_semaphore, #tpu.memory_space<semaphore_mem>>)
      %slice3A_125 = vector.extract_strided_slice %get3A_11 {offsets = [7], sizes = [1], strides = [1]} : vector<16xi32> to vector<1xi32>
      %squeeze3A_126 = vector.extract %slice3A_125[0] : i32 from vector<1xi32>
      %shift_right_arithmetic3A_127 = arith.constant 7 : i32
      %shift_right_arithmetic3A_128 = arith.shrsi %squeeze3A_126, %shift_right_arithmetic3A_127 : i32
      %shift_left3A_129 = arith.constant 7 : i32
      %shift_left3A_130 = arith.shli %shift_right_arithmetic3A_128, %shift_left3A_129 : i32
      %multiple_of3A_131 = tpu.assume_multiple %shift_left3A_130, 128 : i32
      %dma_start3A_132 = arith.constant 224 : i32
      %dma_start3A_133 = arith.constant 0 : i32
      %dma_start3A_134 = tpu.memref_slice %arg7[%dma_start3A_132, %dma_start3A_133] : memref<256x128xf32, #tpu.memory_space<vmem>> -> memref<32x128xf32, #tpu.memory_space<vmem>>
      %dma_start3A_135 = arith.constant 0 : i32
      %dma_start3A_136 = tpu.memref_slice %arg3[%dma_start3A_135, %multiple_of3A_131] : memref<32x1000000xf32, #tpu.memory_space<hbm>> -> memref<32x128xf32, #tpu.memory_space<hbm>>
      %dma_start3A_137 = arith.constant 224 : i32
      %dma_start3A_138 = arith.constant 0 : i32
      %dma_start3A_139 = tpu.memref_slice %arg7[%dma_start3A_137, %dma_start3A_138] : memref<256x128xf32, #tpu.memory_space<vmem>> -> memref<32x128xf32, #tpu.memory_space<vmem>>
      %dma_start3A_140 = arith.constant 0 : i32
      %dma_start3A_141 = tpu.memref_slice %arg3[%dma_start3A_140, %multiple_of3A_131] : memref<32x1000000xf32, #tpu.memory_space<hbm>> -> memref<32x128xf32, #tpu.memory_space<hbm>>
      tpu.enqueue_dma source(%dma_start3A_141 : memref<32x128xf32, #tpu.memory_space<hbm>>) target(%dma_start3A_139 : memref<32x128xf32, #tpu.memory_space<vmem>>) target_semaphore(%arg8 : memref<!tpu.dma_semaphore, #tpu.memory_space<semaphore_mem>>)
      %dma_wait3A = arith.constant 0 : i32
      %dma_wait3A_142 = arith.constant 0 : i32
      %dma_wait3A_143 = tpu.memref_slice %arg7[%dma_wait3A, %dma_wait3A_142] : memref<256x128xf32, #tpu.memory_space<vmem>> -> memref<32x128xf32, #tpu.memory_space<vmem>>
      %dma_wait3A_144 = arith.constant 0 : i32
      %dma_wait3A_145 = arith.constant 0 : i32
      %dma_wait3A_146 = tpu.memref_slice %arg3[%dma_wait3A_144, %dma_wait3A_145] : memref<32x1000000xf32, #tpu.memory_space<hbm>> -> memref<32x128xf32, #tpu.memory_space<hbm>>
      %dma_wait3A_147 = arith.constant 0 : i32
      %dma_wait3A_148 = arith.constant 0 : i32
      %dma_wait3A_149 = tpu.memref_slice %arg7[%dma_wait3A_147, %dma_wait3A_148] : memref<256x128xf32, #tpu.memory_space<vmem>> -> memref<32x128xf32, #tpu.memory_space<vmem>>
      %dma_wait3A_150 = arith.constant 0 : i32
      %dma_wait3A_151 = arith.constant 0 : i32
      %dma_wait3A_152 = tpu.memref_slice %arg3[%dma_wait3A_150, %dma_wait3A_151] : memref<32x1000000xf32, #tpu.memory_space<hbm>> -> memref<32x128xf32, #tpu.memory_space<hbm>>
      tpu.wait_dma2 semaphore(%arg8 : memref<!tpu.dma_semaphore, #tpu.memory_space<semaphore_mem>>) src(%dma_wait3A_152 : memref<32x128xf32, #tpu.memory_space<hbm>>) dst(%dma_wait3A_149 : memref<32x128xf32, #tpu.memory_space<vmem>>)
      %dma_wait3A_153 = arith.constant 32 : i32
      %dma_wait3A_154 = arith.constant 0 : i32
      %dma_wait3A_155 = tpu.memref_slice %arg7[%dma_wait3A_153, %dma_wait3A_154] : memref<256x128xf32, #tpu.memory_space<vmem>> -> memref<32x128xf32, #tpu.memory_space<vmem>>
      %dma_wait3A_156 = arith.constant 0 : i32
      %dma_wait3A_157 = arith.constant 0 : i32
      %dma_wait3A_158 = tpu.memref_slice %arg3[%dma_wait3A_156, %dma_wait3A_157] : memref<32x1000000xf32, #tpu.memory_space<hbm>> -> memref<32x128xf32, #tpu.memory_space<hbm>>
      %dma_wait3A_159 = arith.constant 32 : i32
      %dma_wait3A_160 = arith.constant 0 : i32
      %dma_wait3A_161 = tpu.memref_slice %arg7[%dma_wait3A_159, %dma_wait3A_160] : memref<256x128xf32, #tpu.memory_space<vmem>> -> memref<32x128xf32, #tpu.memory_space<vmem>>
      %dma_wait3A_162 = arith.constant 0 : i32
      %dma_wait3A_163 = arith.constant 0 : i32
      %dma_wait3A_164 = tpu.memref_slice %arg3[%dma_wait3A_162, %dma_wait3A_163] : memref<32x1000000xf32, #tpu.memory_space<hbm>> -> memref<32x128xf32, #tpu.memory_space<hbm>>
      tpu.wait_dma2 semaphore(%arg8 : memref<!tpu.dma_semaphore, #tpu.memory_space<semaphore_mem>>) src(%dma_wait3A_164 : memref<32x128xf32, #tpu.memory_space<hbm>>) dst(%dma_wait3A_161 : memref<32x128xf32, #tpu.memory_space<vmem>>)
      %dma_wait3A_165 = arith.constant 64 : i32
      %dma_wait3A_166 = arith.constant 0 : i32
      %dma_wait3A_167 = tpu.memref_slice %arg7[%dma_wait3A_165, %dma_wait3A_166] : memref<256x128xf32, #tpu.memory_space<vmem>> -> memref<32x128xf32, #tpu.memory_space<vmem>>
      %dma_wait3A_168 = arith.constant 0 : i32
      %dma_wait3A_169 = arith.constant 0 : i32
      %dma_wait3A_170 = tpu.memref_slice %arg3[%dma_wait3A_168, %dma_wait3A_169] : memref<32x1000000xf32, #tpu.memory_space<hbm>> -> memref<32x128xf32, #tpu.memory_space<hbm>>
      %dma_wait3A_171 = arith.constant 64 : i32
      %dma_wait3A_172 = arith.constant 0 : i32
      %dma_wait3A_173 = tpu.memref_slice %arg7[%dma_wait3A_171, %dma_wait3A_172] : memref<256x128xf32, #tpu.memory_space<vmem>> -> memref<32x128xf32, #tpu.memory_space<vmem>>
      %dma_wait3A_174 = arith.constant 0 : i32
      %dma_wait3A_175 = arith.constant 0 : i32
      %dma_wait3A_176 = tpu.memref_slice %arg3[%dma_wait3A_174, %dma_wait3A_175] : memref<32x1000000xf32, #tpu.memory_space<hbm>> -> memref<32x128xf32, #tpu.memory_space<hbm>>
      tpu.wait_dma2 semaphore(%arg8 : memref<!tpu.dma_semaphore, #tpu.memory_space<semaphore_mem>>) src(%dma_wait3A_176 : memref<32x128xf32, #tpu.memory_space<hbm>>) dst(%dma_wait3A_173 : memref<32x128xf32, #tpu.memory_space<vmem>>)
      %dma_wait3A_177 = arith.constant 96 : i32
      %dma_wait3A_178 = arith.constant 0 : i32
      %dma_wait3A_179 = tpu.memref_slice %arg7[%dma_wait3A_177, %dma_wait3A_178] : memref<256x128xf32, #tpu.memory_space<vmem>> -> memref<32x128xf32, #tpu.memory_space<vmem>>
      %dma_wait3A_180 = arith.constant 0 : i32
      %dma_wait3A_181 = arith.constant 0 : i32
      %dma_wait3A_182 = tpu.memref_slice %arg3[%dma_wait3A_180, %dma_wait3A_181] : memref<32x1000000xf32, #tpu.memory_space<hbm>> -> memref<32x128xf32, #tpu.memory_space<hbm>>
      %dma_wait3A_183 = arith.constant 96 : i32
      %dma_wait3A_184 = arith.constant 0 : i32
      %dma_wait3A_185 = tpu.memref_slice %arg7[%dma_wait3A_183, %dma_wait3A_184] : memref<256x128xf32, #tpu.memory_space<vmem>> -> memref<32x128xf32, #tpu.memory_space<vmem>>
      %dma_wait3A_186 = arith.constant 0 : i32
      %dma_wait3A_187 = arith.constant 0 : i32
      %dma_wait3A_188 = tpu.memref_slice %arg3[%dma_wait3A_186, %dma_wait3A_187] : memref<32x1000000xf32, #tpu.memory_space<hbm>> -> memref<32x128xf32, #tpu.memory_space<hbm>>
      tpu.wait_dma2 semaphore(%arg8 : memref<!tpu.dma_semaphore, #tpu.memory_space<semaphore_mem>>) src(%dma_wait3A_188 : memref<32x128xf32, #tpu.memory_space<hbm>>) dst(%dma_wait3A_185 : memref<32x128xf32, #tpu.memory_space<vmem>>)
      %mul3A_189 = arith.constant 16 : i32
      %mul3A_190 = arith.muli %scan3A_8, %mul3A_189 : i32
      %add3A_191 = arith.constant 0 : i32
      %add3A_192 = arith.addi %mul3A_190, %add3A_191 : i32
      %and3A = arith.constant 0 : i32
      %and3A_193 = vector.broadcast %and3A : i32 to vector<16xi32>
      %and3A_194 = arith.andi %iota3A, %and3A_193 : vector<16xi32>
      %slice3A_195 = vector.extract_strided_slice %get3A_11 {offsets = [0], sizes = [1], strides = [1]} : vector<16xi32> to vector<1xi32>
      %squeeze3A_196 = vector.extract %slice3A_195[0] : i32 from vector<1xi32>
      %and3A_197 = arith.constant 127 : i32
      %and3A_198 = arith.andi %squeeze3A_196, %and3A_197 : i32
      %add3A_199 = vector.broadcast %and3A_198 : i32 to vector<16xi32>
      %add3A_200 = arith.addi %and3A_194, %add3A_199 : vector<16xi32>
      %add3A_201 = arith.constant 0 : i32
      %add3A_202 = vector.broadcast %add3A_201 : i32 to vector<16xi32>
      %add3A_203 = arith.addi %iota3A, %add3A_202 : vector<16xi32>
      %gather3A = tpu.vector_load_idx %arg7[%add3A_203, %add3A_200] : memref<256x128xf32, #tpu.memory_space<vmem>>[vector<16xi32>, vector<16xi32>], vector<16xf32>,
      %add3A_204 = arith.constant 16 : i32
      %add3A_205 = vector.broadcast %add3A_204 : i32 to vector<16xi32>
      %add3A_206 = arith.addi %iota3A, %add3A_205 : vector<16xi32>
      %gather3A_207 = tpu.vector_load_idx %arg7[%add3A_206, %add3A_200] : memref<256x128xf32, #tpu.memory_space<vmem>>[vector<16xi32>, vector<16xi32>], vector<16xf32>,
      %swap3A = arith.constant 0 : i32
      %swap3A_208 = tpu.memref_slice %arg6[%add3A_192, %swap3A] : memref<256x32xf32, #tpu.memory_space<vmem>> -> memref<1x32xf32, #tpu.memory_space<vmem>>
      %swap3A_209 = tpu.memref_squeeze %swap3A_208 : memref<1x32xf32, #tpu.memory_space<vmem>> -> memref<32xf32, #tpu.memory_space<vmem>>
      %swap3A_210 = arith.constant 0 : index
      %swap3A_211 = tpu.vector_load %swap3A_209[%swap3A_210] {strides = array<i32>} : memref<32xf32, #tpu.memory_space<vmem>>, vector<16xf32>,
      tpu.vector_store %swap3A_209[%swap3A_210], %gather3A {strides = array<i32>} : memref<32xf32, #tpu.memory_space<vmem>>, vector<16xf32>,
      %swap3A_212 = arith.constant 0 : i32
      %swap3A_213 = tpu.memref_slice %arg6[%add3A_192, %swap3A_212] : memref<256x32xf32, #tpu.memory_space<vmem>> -> memref<1x32xf32, #tpu.memory_space<vmem>>
      %swap3A_214 = tpu.memref_squeeze %swap3A_213 : memref<1x32xf32, #tpu.memory_space<vmem>> -> memref<32xf32, #tpu.memory_space<vmem>>
      %swap3A_215 = arith.constant 16 : index
      %swap3A_216 = tpu.vector_load %swap3A_214[%swap3A_215] {strides = array<i32>} : memref<32xf32, #tpu.memory_space<vmem>>, vector<16xf32>,
      tpu.vector_store %swap3A_214[%swap3A_215], %gather3A_207 {strides = array<i32>} : memref<32xf32, #tpu.memory_space<vmem>>, vector<16xf32>,
      %mul3A_217 = arith.constant 16 : i32
      %mul3A_218 = arith.muli %scan3A_8, %mul3A_217 : i32
      %add3A_219 = arith.constant 1 : i32
      %add3A_220 = arith.addi %mul3A_218, %add3A_219 : i32
      %and3A_221 = arith.constant 0 : i32
      %and3A_222 = vector.broadcast %and3A_221 : i32 to vector<16xi32>
      %and3A_223 = arith.andi %iota3A, %and3A_222 : vector<16xi32>
      %slice3A_224 = vector.extract_strided_slice %get3A_11 {offsets = [1], sizes = [1], strides = [1]} : vector<16xi32> to vector<1xi32>
      %squeeze3A_225 = vector.extract %slice3A_224[0] : i32 from vector<1xi32>
      %and3A_226 = arith.constant 127 : i32
      %and3A_227 = arith.andi %squeeze3A_225, %and3A_226 : i32
      %add3A_228 = vector.broadcast %and3A_227 : i32 to vector<16xi32>
      %add3A_229 = arith.addi %and3A_223, %add3A_228 : vector<16xi32>
      %add3A_230 = arith.constant 32 : i32
      %add3A_231 = vector.broadcast %add3A_230 : i32 to vector<16xi32>
      %add3A_232 = arith.addi %iota3A, %add3A_231 : vector<16xi32>
      %gather3A_233 = tpu.vector_load_idx %arg7[%add3A_232, %add3A_229] : memref<256x128xf32, #tpu.memory_space<vmem>>[vector<16xi32>, vector<16xi32>], vector<16xf32>,
      %add3A_234 = arith.constant 48 : i32
      %add3A_235 = vector.broadcast %add3A_234 : i32 to vector<16xi32>
      %add3A_236 = arith.addi %iota3A, %add3A_235 : vector<16xi32>
      %gather3A_237 = tpu.vector_load_idx %arg7[%add3A_236, %add3A_229] : memref<256x128xf32, #tpu.memory_space<vmem>>[vector<16xi32>, vector<16xi32>], vector<16xf32>,
      %swap3A_238 = arith.constant 0 : i32
      %swap3A_239 = tpu.memref_slice %arg6[%add3A_220, %swap3A_238] : memref<256x32xf32, #tpu.memory_space<vmem>> -> memref<1x32xf32, #tpu.memory_space<vmem>>
      %swap3A_240 = tpu.memref_squeeze %swap3A_239 : memref<1x32xf32, #tpu.memory_space<vmem>> -> memref<32xf32, #tpu.memory_space<vmem>>
      %swap3A_241 = arith.constant 0 : index
      %swap3A_242 = tpu.vector_load %swap3A_240[%swap3A_241] {strides = array<i32>} : memref<32xf32, #tpu.memory_space<vmem>>, vector<16xf32>,
      tpu.vector_store %swap3A_240[%swap3A_241], %gather3A_233 {strides = array<i32>} : memref<32xf32, #tpu.memory_space<vmem>>, vector<16xf32>,
      %swap3A_243 = arith.constant 0 : i32
      %swap3A_244 = tpu.memref_slice %arg6[%add3A_220, %swap3A_243] : memref<256x32xf32, #tpu.memory_space<vmem>> -> memref<1x32xf32, #tpu.memory_space<vmem>>
      %swap3A_245 = tpu.memref_squeeze %swap3A_244 : memref<1x32xf32, #tpu.memory_space<vmem>> -> memref<32xf32, #tpu.memory_space<vmem>>
      %swap3A_246 = arith.constant 16 : index
      %swap3A_247 = tpu.vector_load %swap3A_245[%swap3A_246] {strides = array<i32>} : memref<32xf32, #tpu.memory_space<vmem>>, vector<16xf32>,
      tpu.vector_store %swap3A_245[%swap3A_246], %gather3A_237 {strides = array<i32>} : memref<32xf32, #tpu.memory_space<vmem>>, vector<16xf32>,
      %mul3A_248 = arith.constant 16 : i32
      %mul3A_249 = arith.muli %scan3A_8, %mul3A_248 : i32
      %add3A_250 = arith.constant 2 : i32
      %add3A_251 = arith.addi %mul3A_249, %add3A_250 : i32
      %and3A_252 = arith.constant 0 : i32
      %and3A_253 = vector.broadcast %and3A_252 : i32 to vector<16xi32>
      %and3A_254 = arith.andi %iota3A, %and3A_253 : vector<16xi32>
      %slice3A_255 = vector.extract_strided_slice %get3A_11 {offsets = [2], sizes = [1], strides = [1]} : vector<16xi32> to vector<1xi32>
      %squeeze3A_256 = vector.extract %slice3A_255[0] : i32 from vector<1xi32>
      %and3A_257 = arith.constant 127 : i32
      %and3A_258 = arith.andi %squeeze3A_256, %and3A_257 : i32
      %add3A_259 = vector.broadcast %and3A_258 : i32 to vector<16xi32>
      %add3A_260 = arith.addi %and3A_254, %add3A_259 : vector<16xi32>
      %add3A_261 = arith.constant 64 : i32
      %add3A_262 = vector.broadcast %add3A_261 : i32 to vector<16xi32>
      %add3A_263 = arith.addi %iota3A, %add3A_262 : vector<16xi32>
      %gather3A_264 = tpu.vector_load_idx %arg7[%add3A_263, %add3A_260] : memref<256x128xf32, #tpu.memory_space<vmem>>[vector<16xi32>, vector<16xi32>], vector<16xf32>,
      %add3A_265 = arith.constant 80 : i32
      %add3A_266 = vector.broadcast %add3A_265 : i32 to vector<16xi32>
      %add3A_267 = arith.addi %iota3A, %add3A_266 : vector<16xi32>
      %gather3A_268 = tpu.vector_load_idx %arg7[%add3A_267, %add3A_260] : memref<256x128xf32, #tpu.memory_space<vmem>>[vector<16xi32>, vector<16xi32>], vector<16xf32>,
      %swap3A_269 = arith.constant 0 : i32
      %swap3A_270 = tpu.memref_slice %arg6[%add3A_251, %swap3A_269] : memref<256x32xf32, #tpu.memory_space<vmem>> -> memref<1x32xf32, #tpu.memory_space<vmem>>
      %swap3A_271 = tpu.memref_squeeze %swap3A_270 : memref<1x32xf32, #tpu.memory_space<vmem>> -> memref<32xf32, #tpu.memory_space<vmem>>
      %swap3A_272 = arith.constant 0 : index
      %swap3A_273 = tpu.vector_load %swap3A_271[%swap3A_272] {strides = array<i32>} : memref<32xf32, #tpu.memory_space<vmem>>, vector<16xf32>,
      tpu.vector_store %swap3A_271[%swap3A_272], %gather3A_264 {strides = array<i32>} : memref<32xf32, #tpu.memory_space<vmem>>, vector<16xf32>,
      %swap3A_274 = arith.constant 0 : i32
      %swap3A_275 = tpu.memref_slice %arg6[%add3A_251, %swap3A_274] : memref<256x32xf32, #tpu.memory_space<vmem>> -> memref<1x32xf32, #tpu.memory_space<vmem>>
      %swap3A_276 = tpu.memref_squeeze %swap3A_275 : memref<1x32xf32, #tpu.memory_space<vmem>> -> memref<32xf32, #tpu.memory_space<vmem>>
      %swap3A_277 = arith.constant 16 : index
      %swap3A_278 = tpu.vector_load %swap3A_276[%swap3A_277] {strides = array<i32>} : memref<32xf32, #tpu.memory_space<vmem>>, vector<16xf32>,
      tpu.vector_store %swap3A_276[%swap3A_277], %gather3A_268 {strides = array<i32>} : memref<32xf32, #tpu.memory_space<vmem>>, vector<16xf32>,
      %mul3A_279 = arith.constant 16 : i32
      %mul3A_280 = arith.muli %scan3A_8, %mul3A_279 : i32
      %add3A_281 = arith.constant 3 : i32
      %add3A_282 = arith.addi %mul3A_280, %add3A_281 : i32
      %and3A_283 = arith.constant 0 : i32
      %and3A_284 = vector.broadcast %and3A_283 : i32 to vector<16xi32>
      %and3A_285 = arith.andi %iota3A, %and3A_284 : vector<16xi32>
      %slice3A_286 = vector.extract_strided_slice %get3A_11 {offsets = [3], sizes = [1], strides = [1]} : vector<16xi32> to vector<1xi32>
      %squeeze3A_287 = vector.extract %slice3A_286[0] : i32 from vector<1xi32>
      %and3A_288 = arith.constant 127 : i32
      %and3A_289 = arith.andi %squeeze3A_287, %and3A_288 : i32
      %add3A_290 = vector.broadcast %and3A_289 : i32 to vector<16xi32>
      %add3A_291 = arith.addi %and3A_285, %add3A_290 : vector<16xi32>
      %add3A_292 = arith.constant 96 : i32
      %add3A_293 = vector.broadcast %add3A_292 : i32 to vector<16xi32>
      %add3A_294 = arith.addi %iota3A, %add3A_293 : vector<16xi32>
      %gather3A_295 = tpu.vector_load_idx %arg7[%add3A_294, %add3A_291] : memref<256x128xf32, #tpu.memory_space<vmem>>[vector<16xi32>, vector<16xi32>], vector<16xf32>,
      %add3A_296 = arith.constant 112 : i32
      %add3A_297 = vector.broadcast %add3A_296 : i32 to vector<16xi32>
      %add3A_298 = arith.addi %iota3A, %add3A_297 : vector<16xi32>
      %gather3A_299 = tpu.vector_load_idx %arg7[%add3A_298, %add3A_291] : memref<256x128xf32, #tpu.memory_space<vmem>>[vector<16xi32>, vector<16xi32>], vector<16xf32>,
      %swap3A_300 = arith.constant 0 : i32
      %swap3A_301 = tpu.memref_slice %arg6[%add3A_282, %swap3A_300] : memref<256x32xf32, #tpu.memory_space<vmem>> -> memref<1x32xf32, #tpu.memory_space<vmem>>
      %swap3A_302 = tpu.memref_squeeze %swap3A_301 : memref<1x32xf32, #tpu.memory_space<vmem>> -> memref<32xf32, #tpu.memory_space<vmem>>
      %swap3A_303 = arith.constant 0 : index
      %swap3A_304 = tpu.vector_load %swap3A_302[%swap3A_303] {strides = array<i32>} : memref<32xf32, #tpu.memory_space<vmem>>, vector<16xf32>,
      tpu.vector_store %swap3A_302[%swap3A_303], %gather3A_295 {strides = array<i32>} : memref<32xf32, #tpu.memory_space<vmem>>, vector<16xf32>,
      %swap3A_305 = arith.constant 0 : i32
      %swap3A_306 = tpu.memref_slice %arg6[%add3A_282, %swap3A_305] : memref<256x32xf32, #tpu.memory_space<vmem>> -> memref<1x32xf32, #tpu.memory_space<vmem>>
      %swap3A_307 = tpu.memref_squeeze %swap3A_306 : memref<1x32xf32, #tpu.memory_space<vmem>> -> memref<32xf32, #tpu.memory_space<vmem>>
      %swap3A_308 = arith.constant 16 : index
      %swap3A_309 = tpu.vector_load %swap3A_307[%swap3A_308] {strides = array<i32>} : memref<32xf32, #tpu.memory_space<vmem>>, vector<16xf32>,
      tpu.vector_store %swap3A_307[%swap3A_308], %gather3A_299 {strides = array<i32>} : memref<32xf32, #tpu.memory_space<vmem>>, vector<16xf32>,
      %slice3A_310 = vector.extract_strided_slice %get3A_11 {offsets = [8], sizes = [1], strides = [1]} : vector<16xi32> to vector<1xi32>
      %squeeze3A_311 = vector.extract %slice3A_310[0] : i32 from vector<1xi32>
      %shift_right_arithmetic3A_312 = arith.constant 7 : i32
      %shift_right_arithmetic3A_313 = arith.shrsi %squeeze3A_311, %shift_right_arithmetic3A_312 : i32
      %shift_left3A_314 = arith.constant 7 : i32
      %shift_left3A_315 = arith.shli %shift_right_arithmetic3A_313, %shift_left3A_314 : i32
      %multiple_of3A_316 = tpu.assume_multiple %shift_left3A_315, 128 : i32
      %dma_start3A_317 = arith.constant 0 : i32
      %dma_start3A_318 = arith.constant 0 : i32
      %dma_start3A_319 = tpu.memref_slice %arg7[%dma_start3A_317, %dma_start3A_318] : memref<256x128xf32, #tpu.memory_space<vmem>> -> memref<32x128xf32, #tpu.memory_space<vmem>>
      %dma_start3A_320 = arith.constant 0 : i32
      %dma_start3A_321 = tpu.memref_slice %arg3[%dma_start3A_320, %multiple_of3A_316] : memref<32x1000000xf32, #tpu.memory_space<hbm>> -> memref<32x128xf32, #tpu.memory_space<hbm>>
      %dma_start3A_322 = arith.constant 0 : i32
      %dma_start3A_323 = arith.constant 0 : i32
      %dma_start3A_324 = tpu.memref_slice %arg7[%dma_start3A_322, %dma_start3A_323] : memref<256x128xf32, #tpu.memory_space<vmem>> -> memref<32x128xf32, #tpu.memory_space<vmem>>
      %dma_start3A_325 = arith.constant 0 : i32
      %dma_start3A_326 = tpu.memref_slice %arg3[%dma_start3A_325, %multiple_of3A_316] : memref<32x1000000xf32, #tpu.memory_space<hbm>> -> memref<32x128xf32, #tpu.memory_space<hbm>>
      tpu.enqueue_dma source(%dma_start3A_326 : memref<32x128xf32, #tpu.memory_space<hbm>>) target(%dma_start3A_324 : memref<32x128xf32, #tpu.memory_space<vmem>>) target_semaphore(%arg8 : memref<!tpu.dma_semaphore, #tpu.memory_space<semaphore_mem>>)
      %slice3A_327 = vector.extract_strided_slice %get3A_11 {offsets = [9], sizes = [1], strides = [1]} : vector<16xi32> to vector<1xi32>
      %squeeze3A_328 = vector.extract %slice3A_327[0] : i32 from vector<1xi32>
      %shift_right_arithmetic3A_329 = arith.constant 7 : i32
      %shift_right_arithmetic3A_330 = arith.shrsi %squeeze3A_328, %shift_right_arithmetic3A_329 : i32
      %shift_left3A_331 = arith.constant 7 : i32
      %shift_left3A_332 = arith.shli %shift_right_arithmetic3A_330, %shift_left3A_331 : i32
      %multiple_of3A_333 = tpu.assume_multiple %shift_left3A_332, 128 : i32
      %dma_start3A_334 = arith.constant 32 : i32
      %dma_start3A_335 = arith.constant 0 : i32
      %dma_start3A_336 = tpu.memref_slice %arg7[%dma_start3A_334, %dma_start3A_335] : memref<256x128xf32, #tpu.memory_space<vmem>> -> memref<32x128xf32, #tpu.memory_space<vmem>>
      %dma_start3A_337 = arith.constant 0 : i32
      %dma_start3A_338 = tpu.memref_slice %arg3[%dma_start3A_337, %multiple_of3A_333] : memref<32x1000000xf32, #tpu.memory_space<hbm>> -> memref<32x128xf32, #tpu.memory_space<hbm>>
      %dma_start3A_339 = arith.constant 32 : i32
      %dma_start3A_340 = arith.constant 0 : i32
      %dma_start3A_341 = tpu.memref_slice %arg7[%dma_start3A_339, %dma_start3A_340] : memref<256x128xf32, #tpu.memory_space<vmem>> -> memref<32x128xf32, #tpu.memory_space<vmem>>
      %dma_start3A_342 = arith.constant 0 : i32
      %dma_start3A_343 = tpu.memref_slice %arg3[%dma_start3A_342, %multiple_of3A_333] : memref<32x1000000xf32, #tpu.memory_space<hbm>> -> memref<32x128xf32, #tpu.memory_space<hbm>>
      tpu.enqueue_dma source(%dma_start3A_343 : memref<32x128xf32, #tpu.memory_space<hbm>>) target(%dma_start3A_341 : memref<32x128xf32, #tpu.memory_space<vmem>>) target_semaphore(%arg8 : memref<!tpu.dma_semaphore, #tpu.memory_space<semaphore_mem>>)
      %slice3A_344 = vector.extract_strided_slice %get3A_11 {offsets = [10], sizes = [1], strides = [1]} : vector<16xi32> to vector<1xi32>
      %squeeze3A_345 = vector.extract %slice3A_344[0] : i32 from vector<1xi32>
      %shift_right_arithmetic3A_346 = arith.constant 7 : i32
      %shift_right_arithmetic3A_347 = arith.shrsi %squeeze3A_345, %shift_right_arithmetic3A_346 : i32
      %shift_left3A_348 = arith.constant 7 : i32
      %shift_left3A_349 = arith.shli %shift_right_arithmetic3A_347, %shift_left3A_348 : i32
      %multiple_of3A_350 = tpu.assume_multiple %shift_left3A_349, 128 : i32
      %dma_start3A_351 = arith.constant 64 : i32
      %dma_start3A_352 = arith.constant 0 : i32
      %dma_start3A_353 = tpu.memref_slice %arg7[%dma_start3A_351, %dma_start3A_352] : memref<256x128xf32, #tpu.memory_space<vmem>> -> memref<32x128xf32, #tpu.memory_space<vmem>>
      %dma_start3A_354 = arith.constant 0 : i32
      %dma_start3A_355 = tpu.memref_slice %arg3[%dma_start3A_354, %multiple_of3A_350] : memref<32x1000000xf32, #tpu.memory_space<hbm>> -> memref<32x128xf32, #tpu.memory_space<hbm>>
      %dma_start3A_356 = arith.constant 64 : i32
      %dma_start3A_357 = arith.constant 0 : i32
      %dma_start3A_358 = tpu.memref_slice %arg7[%dma_start3A_356, %dma_start3A_357] : memref<256x128xf32, #tpu.memory_space<vmem>> -> memref<32x128xf32, #tpu.memory_space<vmem>>
      %dma_start3A_359 = arith.constant 0 : i32
      %dma_start3A_360 = tpu.memref_slice %arg3[%dma_start3A_359, %multiple_of3A_350] : memref<32x1000000xf32, #tpu.memory_space<hbm>> -> memref<32x128xf32, #tpu.memory_space<hbm>>
      tpu.enqueue_dma source(%dma_start3A_360 : memref<32x128xf32, #tpu.memory_space<hbm>>) target(%dma_start3A_358 : memref<32x128xf32, #tpu.memory_space<vmem>>) target_semaphore(%arg8 : memref<!tpu.dma_semaphore, #tpu.memory_space<semaphore_mem>>)
      %slice3A_361 = vector.extract_strided_slice %get3A_11 {offsets = [11], sizes = [1], strides = [1]} : vector<16xi32> to vector<1xi32>
      %squeeze3A_362 = vector.extract %slice3A_361[0] : i32 from vector<1xi32>
      %shift_right_arithmetic3A_363 = arith.constant 7 : i32
      %shift_right_arithmetic3A_364 = arith.shrsi %squeeze3A_362, %shift_right_arithmetic3A_363 : i32
      %shift_left3A_365 = arith.constant 7 : i32
      %shift_left3A_366 = arith.shli %shift_right_arithmetic3A_364, %shift_left3A_365 : i32
      %multiple_of3A_367 = tpu.assume_multiple %shift_left3A_366, 128 : i32
      %dma_start3A_368 = arith.constant 96 : i32
      %dma_start3A_369 = arith.constant 0 : i32
      %dma_start3A_370 = tpu.memref_slice %arg7[%dma_start3A_368, %dma_start3A_369] : memref<256x128xf32, #tpu.memory_space<vmem>> -> memref<32x128xf32, #tpu.memory_space<vmem>>
      %dma_start3A_371 = arith.constant 0 : i32
      %dma_start3A_372 = tpu.memref_slice %arg3[%dma_start3A_371, %multiple_of3A_367] : memref<32x1000000xf32, #tpu.memory_space<hbm>> -> memref<32x128xf32, #tpu.memory_space<hbm>>
      %dma_start3A_373 = arith.constant 96 : i32
      %dma_start3A_374 = arith.constant 0 : i32
      %dma_start3A_375 = tpu.memref_slice %arg7[%dma_start3A_373, %dma_start3A_374] : memref<256x128xf32, #tpu.memory_space<vmem>> -> memref<32x128xf32, #tpu.memory_space<vmem>>
      %dma_start3A_376 = arith.constant 0 : i32
      %dma_start3A_377 = tpu.memref_slice %arg3[%dma_start3A_376, %multiple_of3A_367] : memref<32x1000000xf32, #tpu.memory_space<hbm>> -> memref<32x128xf32, #tpu.memory_space<hbm>>
      tpu.enqueue_dma source(%dma_start3A_377 : memref<32x128xf32, #tpu.memory_space<hbm>>) target(%dma_start3A_375 : memref<32x128xf32, #tpu.memory_space<vmem>>) target_semaphore(%arg8 : memref<!tpu.dma_semaphore, #tpu.memory_space<semaphore_mem>>)
      %dma_wait3A_378 = arith.constant 128 : i32
      %dma_wait3A_379 = arith.constant 0 : i32
      %dma_wait3A_380 = tpu.memref_slice %arg7[%dma_wait3A_378, %dma_wait3A_379] : memref<256x128xf32, #tpu.memory_space<vmem>> -> memref<32x128xf32, #tpu.memory_space<vmem>>
      %dma_wait3A_381 = arith.constant 0 : i32
      %dma_wait3A_382 = arith.constant 0 : i32
      %dma_wait3A_383 = tpu.memref_slice %arg3[%dma_wait3A_381, %dma_wait3A_382] : memref<32x1000000xf32, #tpu.memory_space<hbm>> -> memref<32x128xf32, #tpu.memory_space<hbm>>
      %dma_wait3A_384 = arith.constant 128 : i32
      %dma_wait3A_385 = arith.constant 0 : i32
      %dma_wait3A_386 = tpu.memref_slice %arg7[%dma_wait3A_384, %dma_wait3A_385] : memref<256x128xf32, #tpu.memory_space<vmem>> -> memref<32x128xf32, #tpu.memory_space<vmem>>
      %dma_wait3A_387 = arith.constant 0 : i32
      %dma_wait3A_388 = arith.constant 0 : i32
      %dma_wait3A_389 = tpu.memref_slice %arg3[%dma_wait3A_387, %dma_wait3A_388] : memref<32x1000000xf32, #tpu.memory_space<hbm>> -> memref<32x128xf32, #tpu.memory_space<hbm>>
      tpu.wait_dma2 semaphore(%arg8 : memref<!tpu.dma_semaphore, #tpu.memory_space<semaphore_mem>>) src(%dma_wait3A_389 : memref<32x128xf32, #tpu.memory_space<hbm>>) dst(%dma_wait3A_386 : memref<32x128xf32, #tpu.memory_space<vmem>>)
      %dma_wait3A_390 = arith.constant 160 : i32
      %dma_wait3A_391 = arith.constant 0 : i32
      %dma_wait3A_392 = tpu.memref_slice %arg7[%dma_wait3A_390, %dma_wait3A_391] : memref<256x128xf32, #tpu.memory_space<vmem>> -> memref<32x128xf32, #tpu.memory_space<vmem>>
      %dma_wait3A_393 = arith.constant 0 : i32
      %dma_wait3A_394 = arith.constant 0 : i32
      %dma_wait3A_395 = tpu.memref_slice %arg3[%dma_wait3A_393, %dma_wait3A_394] : memref<32x1000000xf32, #tpu.memory_space<hbm>> -> memref<32x128xf32, #tpu.memory_space<hbm>>
      %dma_wait3A_396 = arith.constant 160 : i32
      %dma_wait3A_397 = arith.constant 0 : i32
      %dma_wait3A_398 = tpu.memref_slice %arg7[%dma_wait3A_396, %dma_wait3A_397] : memref<256x128xf32, #tpu.memory_space<vmem>> -> memref<32x128xf32, #tpu.memory_space<vmem>>
      %dma_wait3A_399 = arith.constant 0 : i32
      %dma_wait3A_400 = arith.constant 0 : i32
      %dma_wait3A_401 = tpu.memref_slice %arg3[%dma_wait3A_399, %dma_wait3A_400] : memref<32x1000000xf32, #tpu.memory_space<hbm>> -> memref<32x128xf32, #tpu.memory_space<hbm>>
      tpu.wait_dma2 semaphore(%arg8 : memref<!tpu.dma_semaphore, #tpu.memory_space<semaphore_mem>>) src(%dma_wait3A_401 : memref<32x128xf32, #tpu.memory_space<hbm>>) dst(%dma_wait3A_398 : memref<32x128xf32, #tpu.memory_space<vmem>>)
      %dma_wait3A_402 = arith.constant 192 : i32
      %dma_wait3A_403 = arith.constant 0 : i32
      %dma_wait3A_404 = tpu.memref_slice %arg7[%dma_wait3A_402, %dma_wait3A_403] : memref<256x128xf32, #tpu.memory_space<vmem>> -> memref<32x128xf32, #tpu.memory_space<vmem>>
      %dma_wait3A_405 = arith.constant 0 : i32
      %dma_wait3A_406 = arith.constant 0 : i32
      %dma_wait3A_407 = tpu.memref_slice %arg3[%dma_wait3A_405, %dma_wait3A_406] : memref<32x1000000xf32, #tpu.memory_space<hbm>> -> memref<32x128xf32, #tpu.memory_space<hbm>>
      %dma_wait3A_408 = arith.constant 192 : i32
      %dma_wait3A_409 = arith.constant 0 : i32
      %dma_wait3A_410 = tpu.memref_slice %arg7[%dma_wait3A_408, %dma_wait3A_409] : memref<256x128xf32, #tpu.memory_space<vmem>> -> memref<32x128xf32, #tpu.memory_space<vmem>>
      %dma_wait3A_411 = arith.constant 0 : i32
      %dma_wait3A_412 = arith.constant 0 : i32
      %dma_wait3A_413 = tpu.memref_slice %arg3[%dma_wait3A_411, %dma_wait3A_412] : memref<32x1000000xf32, #tpu.memory_space<hbm>> -> memref<32x128xf32, #tpu.memory_space<hbm>>
      tpu.wait_dma2 semaphore(%arg8 : memref<!tpu.dma_semaphore, #tpu.memory_space<semaphore_mem>>) src(%dma_wait3A_413 : memref<32x128xf32, #tpu.memory_space<hbm>>) dst(%dma_wait3A_410 : memref<32x128xf32, #tpu.memory_space<vmem>>)
      %dma_wait3A_414 = arith.constant 224 : i32
      %dma_wait3A_415 = arith.constant 0 : i32
      %dma_wait3A_416 = tpu.memref_slice %arg7[%dma_wait3A_414, %dma_wait3A_415] : memref<256x128xf32, #tpu.memory_space<vmem>> -> memref<32x128xf32, #tpu.memory_space<vmem>>
      %dma_wait3A_417 = arith.constant 0 : i32
      %dma_wait3A_418 = arith.constant 0 : i32
      %dma_wait3A_419 = tpu.memref_slice %arg3[%dma_wait3A_417, %dma_wait3A_418] : memref<32x1000000xf32, #tpu.memory_space<hbm>> -> memref<32x128xf32, #tpu.memory_space<hbm>>
      %dma_wait3A_420 = arith.constant 224 : i32
      %dma_wait3A_421 = arith.constant 0 : i32
      %dma_wait3A_422 = tpu.memref_slice %arg7[%dma_wait3A_420, %dma_wait3A_421] : memref<256x128xf32, #tpu.memory_space<vmem>> -> memref<32x128xf32, #tpu.memory_space<vmem>>
      %dma_wait3A_423 = arith.constant 0 : i32
      %dma_wait3A_424 = arith.constant 0 : i32
      %dma_wait3A_425 = tpu.memref_slice %arg3[%dma_wait3A_423, %dma_wait3A_424] : memref<32x1000000xf32, #tpu.memory_space<hbm>> -> memref<32x128xf32, #tpu.memory_space<hbm>>
      tpu.wait_dma2 semaphore(%arg8 : memref<!tpu.dma_semaphore, #tpu.memory_space<semaphore_mem>>) src(%dma_wait3A_425 : memref<32x128xf32, #tpu.memory_space<hbm>>) dst(%dma_wait3A_422 : memref<32x128xf32, #tpu.memory_space<vmem>>)
      %mul3A_426 = arith.constant 16 : i32
      %mul3A_427 = arith.muli %scan3A_8, %mul3A_426 : i32
      %add3A_428 = arith.constant 4 : i32
      %add3A_429 = arith.addi %mul3A_427, %add3A_428 : i32
      %and3A_430 = arith.constant 0 : i32
      %and3A_431 = vector.broadcast %and3A_430 : i32 to vector<16xi32>
      %and3A_432 = arith.andi %iota3A, %and3A_431 : vector<16xi32>
      %slice3A_433 = vector.extract_strided_slice %get3A_11 {offsets = [4], sizes = [1], strides = [1]} : vector<16xi32> to vector<1xi32>
      %squeeze3A_434 = vector.extract %slice3A_433[0] : i32 from vector<1xi32>
      %and3A_435 = arith.constant 127 : i32
      %and3A_436 = arith.andi %squeeze3A_434, %and3A_435 : i32
      %add3A_437 = vector.broadcast %and3A_436 : i32 to vector<16xi32>
      %add3A_438 = arith.addi %and3A_432, %add3A_437 : vector<16xi32>
      %add3A_439 = arith.constant 128 : i32
      %add3A_440 = vector.broadcast %add3A_439 : i32 to vector<16xi32>
      %add3A_441 = arith.addi %iota3A, %add3A_440 : vector<16xi32>
      %gather3A_442 = tpu.vector_load_idx %arg7[%add3A_441, %add3A_438] : memref<256x128xf32, #tpu.memory_space<vmem>>[vector<16xi32>, vector<16xi32>], vector<16xf32>,
      %add3A_443 = arith.constant 144 : i32
      %add3A_444 = vector.broadcast %add3A_443 : i32 to vector<16xi32>
      %add3A_445 = arith.addi %iota3A, %add3A_444 : vector<16xi32>
      %gather3A_446 = tpu.vector_load_idx %arg7[%add3A_445, %add3A_438] : memref<256x128xf32, #tpu.memory_space<vmem>>[vector<16xi32>, vector<16xi32>], vector<16xf32>,
      %swap3A_447 = arith.constant 0 : i32
      %swap3A_448 = tpu.memref_slice %arg6[%add3A_429, %swap3A_447] : memref<256x32xf32, #tpu.memory_space<vmem>> -> memref<1x32xf32, #tpu.memory_space<vmem>>
      %swap3A_449 = tpu.memref_squeeze %swap3A_448 : memref<1x32xf32, #tpu.memory_space<vmem>> -> memref<32xf32, #tpu.memory_space<vmem>>
      %swap3A_450 = arith.constant 0 : index
      %swap3A_451 = tpu.vector_load %swap3A_449[%swap3A_450] {strides = array<i32>} : memref<32xf32, #tpu.memory_space<vmem>>, vector<16xf32>,
      tpu.vector_store %swap3A_449[%swap3A_450], %gather3A_442 {strides = array<i32>} : memref<32xf32, #tpu.memory_space<vmem>>, vector<16xf32>,
      %swap3A_452 = arith.constant 0 : i32
      %swap3A_453 = tpu.memref_slice %arg6[%add3A_429, %swap3A_452] : memref<256x32xf32, #tpu.memory_space<vmem>> -> memref<1x32xf32, #tpu.memory_space<vmem>>
      %swap3A_454 = tpu.memref_squeeze %swap3A_453 : memref<1x32xf32, #tpu.memory_space<vmem>> -> memref<32xf32, #tpu.memory_space<vmem>>
      %swap3A_455 = arith.constant 16 : index
      %swap3A_456 = tpu.vector_load %swap3A_454[%swap3A_455] {strides = array<i32>} : memref<32xf32, #tpu.memory_space<vmem>>, vector<16xf32>,
      tpu.vector_store %swap3A_454[%swap3A_455], %gather3A_446 {strides = array<i32>} : memref<32xf32, #tpu.memory_space<vmem>>, vector<16xf32>,
      %mul3A_457 = arith.constant 16 : i32
      %mul3A_458 = arith.muli %scan3A_8, %mul3A_457 : i32
      %add3A_459 = arith.constant 5 : i32
      %add3A_460 = arith.addi %mul3A_458, %add3A_459 : i32
      %and3A_461 = arith.constant 0 : i32
      %and3A_462 = vector.broadcast %and3A_461 : i32 to vector<16xi32>
      %and3A_463 = arith.andi %iota3A, %and3A_462 : vector<16xi32>
      %slice3A_464 = vector.extract_strided_slice %get3A_11 {offsets = [5], sizes = [1], strides = [1]} : vector<16xi32> to vector<1xi32>
      %squeeze3A_465 = vector.extract %slice3A_464[0] : i32 from vector<1xi32>
      %and3A_466 = arith.constant 127 : i32
      %and3A_467 = arith.andi %squeeze3A_465, %and3A_466 : i32
      %add3A_468 = vector.broadcast %and3A_467 : i32 to vector<16xi32>
      %add3A_469 = arith.addi %and3A_463, %add3A_468 : vector<16xi32>
      %add3A_470 = arith.constant 160 : i32
      %add3A_471 = vector.broadcast %add3A_470 : i32 to vector<16xi32>
      %add3A_472 = arith.addi %iota3A, %add3A_471 : vector<16xi32>
      %gather3A_473 = tpu.vector_load_idx %arg7[%add3A_472, %add3A_469] : memref<256x128xf32, #tpu.memory_space<vmem>>[vector<16xi32>, vector<16xi32>], vector<16xf32>,
      %add3A_474 = arith.constant 176 : i32
      %add3A_475 = vector.broadcast %add3A_474 : i32 to vector<16xi32>
      %add3A_476 = arith.addi %iota3A, %add3A_475 : vector<16xi32>
      %gather3A_477 = tpu.vector_load_idx %arg7[%add3A_476, %add3A_469] : memref<256x128xf32, #tpu.memory_space<vmem>>[vector<16xi32>, vector<16xi32>], vector<16xf32>,
      %swap3A_478 = arith.constant 0 : i32
      %swap3A_479 = tpu.memref_slice %arg6[%add3A_460, %swap3A_478] : memref<256x32xf32, #tpu.memory_space<vmem>> -> memref<1x32xf32, #tpu.memory_space<vmem>>
      %swap3A_480 = tpu.memref_squeeze %swap3A_479 : memref<1x32xf32, #tpu.memory_space<vmem>> -> memref<32xf32, #tpu.memory_space<vmem>>
      %swap3A_481 = arith.constant 0 : index
      %swap3A_482 = tpu.vector_load %swap3A_480[%swap3A_481] {strides = array<i32>} : memref<32xf32, #tpu.memory_space<vmem>>, vector<16xf32>,
      tpu.vector_store %swap3A_480[%swap3A_481], %gather3A_473 {strides = array<i32>} : memref<32xf32, #tpu.memory_space<vmem>>, vector<16xf32>,
      %swap3A_483 = arith.constant 0 : i32
      %swap3A_484 = tpu.memref_slice %arg6[%add3A_460, %swap3A_483] : memref<256x32xf32, #tpu.memory_space<vmem>> -> memref<1x32xf32, #tpu.memory_space<vmem>>
      %swap3A_485 = tpu.memref_squeeze %swap3A_484 : memref<1x32xf32, #tpu.memory_space<vmem>> -> memref<32xf32, #tpu.memory_space<vmem>>
      %swap3A_486 = arith.constant 16 : index
      %swap3A_487 = tpu.vector_load %swap3A_485[%swap3A_486] {strides = array<i32>} : memref<32xf32, #tpu.memory_space<vmem>>, vector<16xf32>,
      tpu.vector_store %swap3A_485[%swap3A_486], %gather3A_477 {strides = array<i32>} : memref<32xf32, #tpu.memory_space<vmem>>, vector<16xf32>,
      %mul3A_488 = arith.constant 16 : i32
      %mul3A_489 = arith.muli %scan3A_8, %mul3A_488 : i32
      %add3A_490 = arith.constant 6 : i32
      %add3A_491 = arith.addi %mul3A_489, %add3A_490 : i32
      %and3A_492 = arith.constant 0 : i32
      %and3A_493 = vector.broadcast %and3A_492 : i32 to vector<16xi32>
      %and3A_494 = arith.andi %iota3A, %and3A_493 : vector<16xi32>
      %slice3A_495 = vector.extract_strided_slice %get3A_11 {offsets = [6], sizes = [1], strides = [1]} : vector<16xi32> to vector<1xi32>
      %squeeze3A_496 = vector.extract %slice3A_495[0] : i32 from vector<1xi32>
      %and3A_497 = arith.constant 127 : i32
      %and3A_498 = arith.andi %squeeze3A_496, %and3A_497 : i32
      %add3A_499 = vector.broadcast %and3A_498 : i32 to vector<16xi32>
      %add3A_500 = arith.addi %and3A_494, %add3A_499 : vector<16xi32>
      %add3A_501 = arith.constant 192 : i32
      %add3A_502 = vector.broadcast %add3A_501 : i32 to vector<16xi32>
      %add3A_503 = arith.addi %iota3A, %add3A_502 : vector<16xi32>
      %gather3A_504 = tpu.vector_load_idx %arg7[%add3A_503, %add3A_500] : memref<256x128xf32, #tpu.memory_space<vmem>>[vector<16xi32>, vector<16xi32>], vector<16xf32>,
      %add3A_505 = arith.constant 208 : i32
      %add3A_506 = vector.broadcast %add3A_505 : i32 to vector<16xi32>
      %add3A_507 = arith.addi %iota3A, %add3A_506 : vector<16xi32>
      %gather3A_508 = tpu.vector_load_idx %arg7[%add3A_507, %add3A_500] : memref<256x128xf32, #tpu.memory_space<vmem>>[vector<16xi32>, vector<16xi32>], vector<16xf32>,
      %swap3A_509 = arith.constant 0 : i32
      %swap3A_510 = tpu.memref_slice %arg6[%add3A_491, %swap3A_509] : memref<256x32xf32, #tpu.memory_space<vmem>> -> memref<1x32xf32, #tpu.memory_space<vmem>>
      %swap3A_511 = tpu.memref_squeeze %swap3A_510 : memref<1x32xf32, #tpu.memory_space<vmem>> -> memref<32xf32, #tpu.memory_space<vmem>>
      %swap3A_512 = arith.constant 0 : index
      %swap3A_513 = tpu.vector_load %swap3A_511[%swap3A_512] {strides = array<i32>} : memref<32xf32, #tpu.memory_space<vmem>>, vector<16xf32>,
      tpu.vector_store %swap3A_511[%swap3A_512], %gather3A_504 {strides = array<i32>} : memref<32xf32, #tpu.memory_space<vmem>>, vector<16xf32>,
      %swap3A_514 = arith.constant 0 : i32
      %swap3A_515 = tpu.memref_slice %arg6[%add3A_491, %swap3A_514] : memref<256x32xf32, #tpu.memory_space<vmem>> -> memref<1x32xf32, #tpu.memory_space<vmem>>
      %swap3A_516 = tpu.memref_squeeze %swap3A_515 : memref<1x32xf32, #tpu.memory_space<vmem>> -> memref<32xf32, #tpu.memory_space<vmem>>
      %swap3A_517 = arith.constant 16 : index
      %swap3A_518 = tpu.vector_load %swap3A_516[%swap3A_517] {strides = array<i32>} : memref<32xf32, #tpu.memory_space<vmem>>, vector<16xf32>,
      tpu.vector_store %swap3A_516[%swap3A_517], %gather3A_508 {strides = array<i32>} : memref<32xf32, #tpu.memory_space<vmem>>, vector<16xf32>,
      %mul3A_519 = arith.constant 16 : i32
      %mul3A_520 = arith.muli %scan3A_8, %mul3A_519 : i32
      %add3A_521 = arith.constant 7 : i32
      %add3A_522 = arith.addi %mul3A_520, %add3A_521 : i32
      %and3A_523 = arith.constant 0 : i32
      %and3A_524 = vector.broadcast %and3A_523 : i32 to vector<16xi32>
      %and3A_525 = arith.andi %iota3A, %and3A_524 : vector<16xi32>
      %slice3A_526 = vector.extract_strided_slice %get3A_11 {offsets = [7], sizes = [1], strides = [1]} : vector<16xi32> to vector<1xi32>
      %squeeze3A_527 = vector.extract %slice3A_526[0] : i32 from vector<1xi32>
      %and3A_528 = arith.constant 127 : i32
      %and3A_529 = arith.andi %squeeze3A_527, %and3A_528 : i32
      %add3A_530 = vector.broadcast %and3A_529 : i32 to vector<16xi32>
      %add3A_531 = arith.addi %and3A_525, %add3A_530 : vector<16xi32>
      %add3A_532 = arith.constant 224 : i32
      %add3A_533 = vector.broadcast %add3A_532 : i32 to vector<16xi32>
      %add3A_534 = arith.addi %iota3A, %add3A_533 : vector<16xi32>
      %gather3A_535 = tpu.vector_load_idx %arg7[%add3A_534, %add3A_531] : memref<256x128xf32, #tpu.memory_space<vmem>>[vector<16xi32>, vector<16xi32>], vector<16xf32>,
      %add3A_536 = arith.constant 240 : i32
      %add3A_537 = vector.broadcast %add3A_536 : i32 to vector<16xi32>
      %add3A_538 = arith.addi %iota3A, %add3A_537 : vector<16xi32>
      %gather3A_539 = tpu.vector_load_idx %arg7[%add3A_538, %add3A_531] : memref<256x128xf32, #tpu.memory_space<vmem>>[vector<16xi32>, vector<16xi32>], vector<16xf32>,
      %swap3A_540 = arith.constant 0 : i32
      %swap3A_541 = tpu.memref_slice %arg6[%add3A_522, %swap3A_540] : memref<256x32xf32, #tpu.memory_space<vmem>> -> memref<1x32xf32, #tpu.memory_space<vmem>>
      %swap3A_542 = tpu.memref_squeeze %swap3A_541 : memref<1x32xf32, #tpu.memory_space<vmem>> -> memref<32xf32, #tpu.memory_space<vmem>>
      %swap3A_543 = arith.constant 0 : index
      %swap3A_544 = tpu.vector_load %swap3A_542[%swap3A_543] {strides = array<i32>} : memref<32xf32, #tpu.memory_space<vmem>>, vector<16xf32>,
      tpu.vector_store %swap3A_542[%swap3A_543], %gather3A_535 {strides = array<i32>} : memref<32xf32, #tpu.memory_space<vmem>>, vector<16xf32>,
      %swap3A_545 = arith.constant 0 : i32
      %swap3A_546 = tpu.memref_slice %arg6[%add3A_522, %swap3A_545] : memref<256x32xf32, #tpu.memory_space<vmem>> -> memref<1x32xf32, #tpu.memory_space<vmem>>
      %swap3A_547 = tpu.memref_squeeze %swap3A_546 : memref<1x32xf32, #tpu.memory_space<vmem>> -> memref<32xf32, #tpu.memory_space<vmem>>
      %swap3A_548 = arith.constant 16 : index
      %swap3A_549 = tpu.vector_load %swap3A_547[%swap3A_548] {strides = array<i32>} : memref<32xf32, #tpu.memory_space<vmem>>, vector<16xf32>,
      tpu.vector_store %swap3A_547[%swap3A_548], %gather3A_539 {strides = array<i32>} : memref<32xf32, #tpu.memory_space<vmem>>, vector<16xf32>,
      %slice3A_550 = vector.extract_strided_slice %get3A_11 {offsets = [12], sizes = [1], strides = [1]} : vector<16xi32> to vector<1xi32>
      %squeeze3A_551 = vector.extract %slice3A_550[0] : i32 from vector<1xi32>
      %shift_right_arithmetic3A_552 = arith.constant 7 : i32
      %shift_right_arithmetic3A_553 = arith.shrsi %squeeze3A_551, %shift_right_arithmetic3A_552 : i32
      %shift_left3A_554 = arith.constant 7 : i32
      %shift_left3A_555 = arith.shli %shift_right_arithmetic3A_553, %shift_left3A_554 : i32
      %multiple_of3A_556 = tpu.assume_multiple %shift_left3A_555, 128 : i32
      %dma_start3A_557 = arith.constant 128 : i32
      %dma_start3A_558 = arith.constant 0 : i32
      %dma_start3A_559 = tpu.memref_slice %arg7[%dma_start3A_557, %dma_start3A_558] : memref<256x128xf32, #tpu.memory_space<vmem>> -> memref<32x128xf32, #tpu.memory_space<vmem>>
      %dma_start3A_560 = arith.constant 0 : i32
      %dma_start3A_561 = tpu.memref_slice %arg3[%dma_start3A_560, %multiple_of3A_556] : memref<32x1000000xf32, #tpu.memory_space<hbm>> -> memref<32x128xf32, #tpu.memory_space<hbm>>
      %dma_start3A_562 = arith.constant 128 : i32
      %dma_start3A_563 = arith.constant 0 : i32
      %dma_start3A_564 = tpu.memref_slice %arg7[%dma_start3A_562, %dma_start3A_563] : memref<256x128xf32, #tpu.memory_space<vmem>> -> memref<32x128xf32, #tpu.memory_space<vmem>>
      %dma_start3A_565 = arith.constant 0 : i32
      %dma_start3A_566 = tpu.memref_slice %arg3[%dma_start3A_565, %multiple_of3A_556] : memref<32x1000000xf32, #tpu.memory_space<hbm>> -> memref<32x128xf32, #tpu.memory_space<hbm>>
      tpu.enqueue_dma source(%dma_start3A_566 : memref<32x128xf32, #tpu.memory_space<hbm>>) target(%dma_start3A_564 : memref<32x128xf32, #tpu.memory_space<vmem>>) target_semaphore(%arg8 : memref<!tpu.dma_semaphore, #tpu.memory_space<semaphore_mem>>)
      %slice3A_567 = vector.extract_strided_slice %get3A_11 {offsets = [13], sizes = [1], strides = [1]} : vector<16xi32> to vector<1xi32>
      %squeeze3A_568 = vector.extract %slice3A_567[0] : i32 from vector<1xi32>
      %shift_right_arithmetic3A_569 = arith.constant 7 : i32
      %shift_right_arithmetic3A_570 = arith.shrsi %squeeze3A_568, %shift_right_arithmetic3A_569 : i32
      %shift_left3A_571 = arith.constant 7 : i32
      %shift_left3A_572 = arith.shli %shift_right_arithmetic3A_570, %shift_left3A_571 : i32
      %multiple_of3A_573 = tpu.assume_multiple %shift_left3A_572, 128 : i32
      %dma_start3A_574 = arith.constant 160 : i32
      %dma_start3A_575 = arith.constant 0 : i32
      %dma_start3A_576 = tpu.memref_slice %arg7[%dma_start3A_574, %dma_start3A_575] : memref<256x128xf32, #tpu.memory_space<vmem>> -> memref<32x128xf32, #tpu.memory_space<vmem>>
      %dma_start3A_577 = arith.constant 0 : i32
      %dma_start3A_578 = tpu.memref_slice %arg3[%dma_start3A_577, %multiple_of3A_573] : memref<32x1000000xf32, #tpu.memory_space<hbm>> -> memref<32x128xf32, #tpu.memory_space<hbm>>
      %dma_start3A_579 = arith.constant 160 : i32
      %dma_start3A_580 = arith.constant 0 : i32
      %dma_start3A_581 = tpu.memref_slice %arg7[%dma_start3A_579, %dma_start3A_580] : memref<256x128xf32, #tpu.memory_space<vmem>> -> memref<32x128xf32, #tpu.memory_space<vmem>>
      %dma_start3A_582 = arith.constant 0 : i32
      %dma_start3A_583 = tpu.memref_slice %arg3[%dma_start3A_582, %multiple_of3A_573] : memref<32x1000000xf32, #tpu.memory_space<hbm>> -> memref<32x128xf32, #tpu.memory_space<hbm>>
      tpu.enqueue_dma source(%dma_start3A_583 : memref<32x128xf32, #tpu.memory_space<hbm>>) target(%dma_start3A_581 : memref<32x128xf32, #tpu.memory_space<vmem>>) target_semaphore(%arg8 : memref<!tpu.dma_semaphore, #tpu.memory_space<semaphore_mem>>)
      %slice3A_584 = vector.extract_strided_slice %get3A_11 {offsets = [14], sizes = [1], strides = [1]} : vector<16xi32> to vector<1xi32>
      %squeeze3A_585 = vector.extract %slice3A_584[0] : i32 from vector<1xi32>
      %shift_right_arithmetic3A_586 = arith.constant 7 : i32
      %shift_right_arithmetic3A_587 = arith.shrsi %squeeze3A_585, %shift_right_arithmetic3A_586 : i32
      %shift_left3A_588 = arith.constant 7 : i32
      %shift_left3A_589 = arith.shli %shift_right_arithmetic3A_587, %shift_left3A_588 : i32
      %multiple_of3A_590 = tpu.assume_multiple %shift_left3A_589, 128 : i32
      %dma_start3A_591 = arith.constant 192 : i32
      %dma_start3A_592 = arith.constant 0 : i32
      %dma_start3A_593 = tpu.memref_slice %arg7[%dma_start3A_591, %dma_start3A_592] : memref<256x128xf32, #tpu.memory_space<vmem>> -> memref<32x128xf32, #tpu.memory_space<vmem>>
      %dma_start3A_594 = arith.constant 0 : i32
      %dma_start3A_595 = tpu.memref_slice %arg3[%dma_start3A_594, %multiple_of3A_590] : memref<32x1000000xf32, #tpu.memory_space<hbm>> -> memref<32x128xf32, #tpu.memory_space<hbm>>
      %dma_start3A_596 = arith.constant 192 : i32
      %dma_start3A_597 = arith.constant 0 : i32
      %dma_start3A_598 = tpu.memref_slice %arg7[%dma_start3A_596, %dma_start3A_597] : memref<256x128xf32, #tpu.memory_space<vmem>> -> memref<32x128xf32, #tpu.memory_space<vmem>>
      %dma_start3A_599 = arith.constant 0 : i32
      %dma_start3A_600 = tpu.memref_slice %arg3[%dma_start3A_599, %multiple_of3A_590] : memref<32x1000000xf32, #tpu.memory_space<hbm>> -> memref<32x128xf32, #tpu.memory_space<hbm>>
      tpu.enqueue_dma source(%dma_start3A_600 : memref<32x128xf32, #tpu.memory_space<hbm>>) target(%dma_start3A_598 : memref<32x128xf32, #tpu.memory_space<vmem>>) target_semaphore(%arg8 : memref<!tpu.dma_semaphore, #tpu.memory_space<semaphore_mem>>)
      %slice3A_601 = vector.extract_strided_slice %get3A_11 {offsets = [15], sizes = [1], strides = [1]} : vector<16xi32> to vector<1xi32>
      %squeeze3A_602 = vector.extract %slice3A_601[0] : i32 from vector<1xi32>
      %shift_right_arithmetic3A_603 = arith.constant 7 : i32
      %shift_right_arithmetic3A_604 = arith.shrsi %squeeze3A_602, %shift_right_arithmetic3A_603 : i32
      %shift_left3A_605 = arith.constant 7 : i32
      %shift_left3A_606 = arith.shli %shift_right_arithmetic3A_604, %shift_left3A_605 : i32
      %multiple_of3A_607 = tpu.assume_multiple %shift_left3A_606, 128 : i32
      %dma_start3A_608 = arith.constant 224 : i32
      %dma_start3A_609 = arith.constant 0 : i32
      %dma_start3A_610 = tpu.memref_slice %arg7[%dma_start3A_608, %dma_start3A_609] : memref<256x128xf32, #tpu.memory_space<vmem>> -> memref<32x128xf32, #tpu.memory_space<vmem>>
      %dma_start3A_611 = arith.constant 0 : i32
      %dma_start3A_612 = tpu.memref_slice %arg3[%dma_start3A_611, %multiple_of3A_607] : memref<32x1000000xf32, #tpu.memory_space<hbm>> -> memref<32x128xf32, #tpu.memory_space<hbm>>
      %dma_start3A_613 = arith.constant 224 : i32
      %dma_start3A_614 = arith.constant 0 : i32
      %dma_start3A_615 = tpu.memref_slice %arg7[%dma_start3A_613, %dma_start3A_614] : memref<256x128xf32, #tpu.memory_space<vmem>> -> memref<32x128xf32, #tpu.memory_space<vmem>>
      %dma_start3A_616 = arith.constant 0 : i32
      %dma_start3A_617 = tpu.memref_slice %arg3[%dma_start3A_616, %multiple_of3A_607] : memref<32x1000000xf32, #tpu.memory_space<hbm>> -> memref<32x128xf32, #tpu.memory_space<hbm>>
      tpu.enqueue_dma source(%dma_start3A_617 : memref<32x128xf32, #tpu.memory_space<hbm>>) target(%dma_start3A_615 : memref<32x128xf32, #tpu.memory_space<vmem>>) target_semaphore(%arg8 : memref<!tpu.dma_semaphore, #tpu.memory_space<semaphore_mem>>)
      %dma_wait3A_618 = arith.constant 0 : i32
      %dma_wait3A_619 = arith.constant 0 : i32
      %dma_wait3A_620 = tpu.memref_slice %arg7[%dma_wait3A_618, %dma_wait3A_619] : memref<256x128xf32, #tpu.memory_space<vmem>> -> memref<32x128xf32, #tpu.memory_space<vmem>>
      %dma_wait3A_621 = arith.constant 0 : i32
      %dma_wait3A_622 = arith.constant 0 : i32
      %dma_wait3A_623 = tpu.memref_slice %arg3[%dma_wait3A_621, %dma_wait3A_622] : memref<32x1000000xf32, #tpu.memory_space<hbm>> -> memref<32x128xf32, #tpu.memory_space<hbm>>
      %dma_wait3A_624 = arith.constant 0 : i32
      %dma_wait3A_625 = arith.constant 0 : i32
      %dma_wait3A_626 = tpu.memref_slice %arg7[%dma_wait3A_624, %dma_wait3A_625] : memref<256x128xf32, #tpu.memory_space<vmem>> -> memref<32x128xf32, #tpu.memory_space<vmem>>
      %dma_wait3A_627 = arith.constant 0 : i32
      %dma_wait3A_628 = arith.constant 0 : i32
      %dma_wait3A_629 = tpu.memref_slice %arg3[%dma_wait3A_627, %dma_wait3A_628] : memref<32x1000000xf32, #tpu.memory_space<hbm>> -> memref<32x128xf32, #tpu.memory_space<hbm>>
      tpu.wait_dma2 semaphore(%arg8 : memref<!tpu.dma_semaphore, #tpu.memory_space<semaphore_mem>>) src(%dma_wait3A_629 : memref<32x128xf32, #tpu.memory_space<hbm>>) dst(%dma_wait3A_626 : memref<32x128xf32, #tpu.memory_space<vmem>>)
      %dma_wait3A_630 = arith.constant 32 : i32
      %dma_wait3A_631 = arith.constant 0 : i32
      %dma_wait3A_632 = tpu.memref_slice %arg7[%dma_wait3A_630, %dma_wait3A_631] : memref<256x128xf32, #tpu.memory_space<vmem>> -> memref<32x128xf32, #tpu.memory_space<vmem>>
      %dma_wait3A_633 = arith.constant 0 : i32
      %dma_wait3A_634 = arith.constant 0 : i32
      %dma_wait3A_635 = tpu.memref_slice %arg3[%dma_wait3A_633, %dma_wait3A_634] : memref<32x1000000xf32, #tpu.memory_space<hbm>> -> memref<32x128xf32, #tpu.memory_space<hbm>>
      %dma_wait3A_636 = arith.constant 32 : i32
      %dma_wait3A_637 = arith.constant 0 : i32
      %dma_wait3A_638 = tpu.memref_slice %arg7[%dma_wait3A_636, %dma_wait3A_637] : memref<256x128xf32, #tpu.memory_space<vmem>> -> memref<32x128xf32, #tpu.memory_space<vmem>>
      %dma_wait3A_639 = arith.constant 0 : i32
      %dma_wait3A_640 = arith.constant 0 : i32
      %dma_wait3A_641 = tpu.memref_slice %arg3[%dma_wait3A_639, %dma_wait3A_640] : memref<32x1000000xf32, #tpu.memory_space<hbm>> -> memref<32x128xf32, #tpu.memory_space<hbm>>
      tpu.wait_dma2 semaphore(%arg8 : memref<!tpu.dma_semaphore, #tpu.memory_space<semaphore_mem>>) src(%dma_wait3A_641 : memref<32x128xf32, #tpu.memory_space<hbm>>) dst(%dma_wait3A_638 : memref<32x128xf32, #tpu.memory_space<vmem>>)
      %dma_wait3A_642 = arith.constant 64 : i32
      %dma_wait3A_643 = arith.constant 0 : i32
      %dma_wait3A_644 = tpu.memref_slice %arg7[%dma_wait3A_642, %dma_wait3A_643] : memref<256x128xf32, #tpu.memory_space<vmem>> -> memref<32x128xf32, #tpu.memory_space<vmem>>
      %dma_wait3A_645 = arith.constant 0 : i32
      %dma_wait3A_646 = arith.constant 0 : i32
      %dma_wait3A_647 = tpu.memref_slice %arg3[%dma_wait3A_645, %dma_wait3A_646] : memref<32x1000000xf32, #tpu.memory_space<hbm>> -> memref<32x128xf32, #tpu.memory_space<hbm>>
      %dma_wait3A_648 = arith.constant 64 : i32
      %dma_wait3A_649 = arith.constant 0 : i32
      %dma_wait3A_650 = tpu.memref_slice %arg7[%dma_wait3A_648, %dma_wait3A_649] : memref<256x128xf32, #tpu.memory_space<vmem>> -> memref<32x128xf32, #tpu.memory_space<vmem>>
      %dma_wait3A_651 = arith.constant 0 : i32
      %dma_wait3A_652 = arith.constant 0 : i32
      %dma_wait3A_653 = tpu.memref_slice %arg3[%dma_wait3A_651, %dma_wait3A_652] : memref<32x1000000xf32, #tpu.memory_space<hbm>> -> memref<32x128xf32, #tpu.memory_space<hbm>>
      tpu.wait_dma2 semaphore(%arg8 : memref<!tpu.dma_semaphore, #tpu.memory_space<semaphore_mem>>) src(%dma_wait3A_653 : memref<32x128xf32, #tpu.memory_space<hbm>>) dst(%dma_wait3A_650 : memref<32x128xf32, #tpu.memory_space<vmem>>)
      %dma_wait3A_654 = arith.constant 96 : i32
      %dma_wait3A_655 = arith.constant 0 : i32
      %dma_wait3A_656 = tpu.memref_slice %arg7[%dma_wait3A_654, %dma_wait3A_655] : memref<256x128xf32, #tpu.memory_space<vmem>> -> memref<32x128xf32, #tpu.memory_space<vmem>>
      %dma_wait3A_657 = arith.constant 0 : i32
      %dma_wait3A_658 = arith.constant 0 : i32
      %dma_wait3A_659 = tpu.memref_slice %arg3[%dma_wait3A_657, %dma_wait3A_658] : memref<32x1000000xf32, #tpu.memory_space<hbm>> -> memref<32x128xf32, #tpu.memory_space<hbm>>
      %dma_wait3A_660 = arith.constant 96 : i32
      %dma_wait3A_661 = arith.constant 0 : i32
      %dma_wait3A_662 = tpu.memref_slice %arg7[%dma_wait3A_660, %dma_wait3A_661] : memref<256x128xf32, #tpu.memory_space<vmem>> -> memref<32x128xf32, #tpu.memory_space<vmem>>
      %dma_wait3A_663 = arith.constant 0 : i32
      %dma_wait3A_664 = arith.constant 0 : i32
      %dma_wait3A_665 = tpu.memref_slice %arg3[%dma_wait3A_663, %dma_wait3A_664] : memref<32x1000000xf32, #tpu.memory_space<hbm>> -> memref<32x128xf32, #tpu.memory_space<hbm>>
      tpu.wait_dma2 semaphore(%arg8 : memref<!tpu.dma_semaphore, #tpu.memory_space<semaphore_mem>>) src(%dma_wait3A_665 : memref<32x128xf32, #tpu.memory_space<hbm>>) dst(%dma_wait3A_662 : memref<32x128xf32, #tpu.memory_space<vmem>>)
      %mul3A_666 = arith.constant 16 : i32
      %mul3A_667 = arith.muli %scan3A_8, %mul3A_666 : i32
      %add3A_668 = arith.constant 8 : i32
      %add3A_669 = arith.addi %mul3A_667, %add3A_668 : i32
      %and3A_670 = arith.constant 0 : i32
      %and3A_671 = vector.broadcast %and3A_670 : i32 to vector<16xi32>
      %and3A_672 = arith.andi %iota3A, %and3A_671 : vector<16xi32>
      %slice3A_673 = vector.extract_strided_slice %get3A_11 {offsets = [8], sizes = [1], strides = [1]} : vector<16xi32> to vector<1xi32>
      %squeeze3A_674 = vector.extract %slice3A_673[0] : i32 from vector<1xi32>
      %and3A_675 = arith.constant 127 : i32
      %and3A_676 = arith.andi %squeeze3A_674, %and3A_675 : i32
      %add3A_677 = vector.broadcast %and3A_676 : i32 to vector<16xi32>
      %add3A_678 = arith.addi %and3A_672, %add3A_677 : vector<16xi32>
      %add3A_679 = arith.constant 0 : i32
      %add3A_680 = vector.broadcast %add3A_679 : i32 to vector<16xi32>
      %add3A_681 = arith.addi %iota3A, %add3A_680 : vector<16xi32>
      %gather3A_682 = tpu.vector_load_idx %arg7[%add3A_681, %add3A_678] : memref<256x128xf32, #tpu.memory_space<vmem>>[vector<16xi32>, vector<16xi32>], vector<16xf32>,
      %add3A_683 = arith.constant 16 : i32
      %add3A_684 = vector.broadcast %add3A_683 : i32 to vector<16xi32>
      %add3A_685 = arith.addi %iota3A, %add3A_684 : vector<16xi32>
      %gather3A_686 = tpu.vector_load_idx %arg7[%add3A_685, %add3A_678] : memref<256x128xf32, #tpu.memory_space<vmem>>[vector<16xi32>, vector<16xi32>], vector<16xf32>,
      %swap3A_687 = arith.constant 0 : i32
      %swap3A_688 = tpu.memref_slice %arg6[%add3A_669, %swap3A_687] : memref<256x32xf32, #tpu.memory_space<vmem>> -> memref<1x32xf32, #tpu.memory_space<vmem>>
      %swap3A_689 = tpu.memref_squeeze %swap3A_688 : memref<1x32xf32, #tpu.memory_space<vmem>> -> memref<32xf32, #tpu.memory_space<vmem>>
      %swap3A_690 = arith.constant 0 : index
      %swap3A_691 = tpu.vector_load %swap3A_689[%swap3A_690] {strides = array<i32>} : memref<32xf32, #tpu.memory_space<vmem>>, vector<16xf32>,
      tpu.vector_store %swap3A_689[%swap3A_690], %gather3A_682 {strides = array<i32>} : memref<32xf32, #tpu.memory_space<vmem>>, vector<16xf32>,
      %swap3A_692 = arith.constant 0 : i32
      %swap3A_693 = tpu.memref_slice %arg6[%add3A_669, %swap3A_692] : memref<256x32xf32, #tpu.memory_space<vmem>> -> memref<1x32xf32, #tpu.memory_space<vmem>>
      %swap3A_694 = tpu.memref_squeeze %swap3A_693 : memref<1x32xf32, #tpu.memory_space<vmem>> -> memref<32xf32, #tpu.memory_space<vmem>>
      %swap3A_695 = arith.constant 16 : index
      %swap3A_696 = tpu.vector_load %swap3A_694[%swap3A_695] {strides = array<i32>} : memref<32xf32, #tpu.memory_space<vmem>>, vector<16xf32>,
      tpu.vector_store %swap3A_694[%swap3A_695], %gather3A_686 {strides = array<i32>} : memref<32xf32, #tpu.memory_space<vmem>>, vector<16xf32>,
      %mul3A_697 = arith.constant 16 : i32
      %mul3A_698 = arith.muli %scan3A_8, %mul3A_697 : i32
      %add3A_699 = arith.constant 9 : i32
      %add3A_700 = arith.addi %mul3A_698, %add3A_699 : i32
      %and3A_701 = arith.constant 0 : i32
      %and3A_702 = vector.broadcast %and3A_701 : i32 to vector<16xi32>
      %and3A_703 = arith.andi %iota3A, %and3A_702 : vector<16xi32>
      %slice3A_704 = vector.extract_strided_slice %get3A_11 {offsets = [9], sizes = [1], strides = [1]} : vector<16xi32> to vector<1xi32>
      %squeeze3A_705 = vector.extract %slice3A_704[0] : i32 from vector<1xi32>
      %and3A_706 = arith.constant 127 : i32
      %and3A_707 = arith.andi %squeeze3A_705, %and3A_706 : i32
      %add3A_708 = vector.broadcast %and3A_707 : i32 to vector<16xi32>
      %add3A_709 = arith.addi %and3A_703, %add3A_708 : vector<16xi32>
      %add3A_710 = arith.constant 32 : i32
      %add3A_711 = vector.broadcast %add3A_710 : i32 to vector<16xi32>
      %add3A_712 = arith.addi %iota3A, %add3A_711 : vector<16xi32>
      %gather3A_713 = tpu.vector_load_idx %arg7[%add3A_712, %add3A_709] : memref<256x128xf32, #tpu.memory_space<vmem>>[vector<16xi32>, vector<16xi32>], vector<16xf32>,
      %add3A_714 = arith.constant 48 : i32
      %add3A_715 = vector.broadcast %add3A_714 : i32 to vector<16xi32>
      %add3A_716 = arith.addi %iota3A, %add3A_715 : vector<16xi32>
      %gather3A_717 = tpu.vector_load_idx %arg7[%add3A_716, %add3A_709] : memref<256x128xf32, #tpu.memory_space<vmem>>[vector<16xi32>, vector<16xi32>], vector<16xf32>,
      %swap3A_718 = arith.constant 0 : i32
      %swap3A_719 = tpu.memref_slice %arg6[%add3A_700, %swap3A_718] : memref<256x32xf32, #tpu.memory_space<vmem>> -> memref<1x32xf32, #tpu.memory_space<vmem>>
      %swap3A_720 = tpu.memref_squeeze %swap3A_719 : memref<1x32xf32, #tpu.memory_space<vmem>> -> memref<32xf32, #tpu.memory_space<vmem>>
      %swap3A_721 = arith.constant 0 : index
      %swap3A_722 = tpu.vector_load %swap3A_720[%swap3A_721] {strides = array<i32>} : memref<32xf32, #tpu.memory_space<vmem>>, vector<16xf32>,
      tpu.vector_store %swap3A_720[%swap3A_721], %gather3A_713 {strides = array<i32>} : memref<32xf32, #tpu.memory_space<vmem>>, vector<16xf32>,
      %swap3A_723 = arith.constant 0 : i32
      %swap3A_724 = tpu.memref_slice %arg6[%add3A_700, %swap3A_723] : memref<256x32xf32, #tpu.memory_space<vmem>> -> memref<1x32xf32, #tpu.memory_space<vmem>>
      %swap3A_725 = tpu.memref_squeeze %swap3A_724 : memref<1x32xf32, #tpu.memory_space<vmem>> -> memref<32xf32, #tpu.memory_space<vmem>>
      %swap3A_726 = arith.constant 16 : index
      %swap3A_727 = tpu.vector_load %swap3A_725[%swap3A_726] {strides = array<i32>} : memref<32xf32, #tpu.memory_space<vmem>>, vector<16xf32>,
      tpu.vector_store %swap3A_725[%swap3A_726], %gather3A_717 {strides = array<i32>} : memref<32xf32, #tpu.memory_space<vmem>>, vector<16xf32>,
      %mul3A_728 = arith.constant 16 : i32
      %mul3A_729 = arith.muli %scan3A_8, %mul3A_728 : i32
      %add3A_730 = arith.constant 10 : i32
      %add3A_731 = arith.addi %mul3A_729, %add3A_730 : i32
      %and3A_732 = arith.constant 0 : i32
      %and3A_733 = vector.broadcast %and3A_732 : i32 to vector<16xi32>
      %and3A_734 = arith.andi %iota3A, %and3A_733 : vector<16xi32>
      %slice3A_735 = vector.extract_strided_slice %get3A_11 {offsets = [10], sizes = [1], strides = [1]} : vector<16xi32> to vector<1xi32>
      %squeeze3A_736 = vector.extract %slice3A_735[0] : i32 from vector<1xi32>
      %and3A_737 = arith.constant 127 : i32
      %and3A_738 = arith.andi %squeeze3A_736, %and3A_737 : i32
      %add3A_739 = vector.broadcast %and3A_738 : i32 to vector<16xi32>
      %add3A_740 = arith.addi %and3A_734, %add3A_739 : vector<16xi32>
      %add3A_741 = arith.constant 64 : i32
      %add3A_742 = vector.broadcast %add3A_741 : i32 to vector<16xi32>
      %add3A_743 = arith.addi %iota3A, %add3A_742 : vector<16xi32>
      %gather3A_744 = tpu.vector_load_idx %arg7[%add3A_743, %add3A_740] : memref<256x128xf32, #tpu.memory_space<vmem>>[vector<16xi32>, vector<16xi32>], vector<16xf32>,
      %add3A_745 = arith.constant 80 : i32
      %add3A_746 = vector.broadcast %add3A_745 : i32 to vector<16xi32>
      %add3A_747 = arith.addi %iota3A, %add3A_746 : vector<16xi32>
      %gather3A_748 = tpu.vector_load_idx %arg7[%add3A_747, %add3A_740] : memref<256x128xf32, #tpu.memory_space<vmem>>[vector<16xi32>, vector<16xi32>], vector<16xf32>,
      %swap3A_749 = arith.constant 0 : i32
      %swap3A_750 = tpu.memref_slice %arg6[%add3A_731, %swap3A_749] : memref<256x32xf32, #tpu.memory_space<vmem>> -> memref<1x32xf32, #tpu.memory_space<vmem>>
      %swap3A_751 = tpu.memref_squeeze %swap3A_750 : memref<1x32xf32, #tpu.memory_space<vmem>> -> memref<32xf32, #tpu.memory_space<vmem>>
      %swap3A_752 = arith.constant 0 : index
      %swap3A_753 = tpu.vector_load %swap3A_751[%swap3A_752] {strides = array<i32>} : memref<32xf32, #tpu.memory_space<vmem>>, vector<16xf32>,
      tpu.vector_store %swap3A_751[%swap3A_752], %gather3A_744 {strides = array<i32>} : memref<32xf32, #tpu.memory_space<vmem>>, vector<16xf32>,
      %swap3A_754 = arith.constant 0 : i32
      %swap3A_755 = tpu.memref_slice %arg6[%add3A_731, %swap3A_754] : memref<256x32xf32, #tpu.memory_space<vmem>> -> memref<1x32xf32, #tpu.memory_space<vmem>>
      %swap3A_756 = tpu.memref_squeeze %swap3A_755 : memref<1x32xf32, #tpu.memory_space<vmem>> -> memref<32xf32, #tpu.memory_space<vmem>>
      %swap3A_757 = arith.constant 16 : index
      %swap3A_758 = tpu.vector_load %swap3A_756[%swap3A_757] {strides = array<i32>} : memref<32xf32, #tpu.memory_space<vmem>>, vector<16xf32>,
      tpu.vector_store %swap3A_756[%swap3A_757], %gather3A_748 {strides = array<i32>} : memref<32xf32, #tpu.memory_space<vmem>>, vector<16xf32>,
      %mul3A_759 = arith.constant 16 : i32
      %mul3A_760 = arith.muli %scan3A_8, %mul3A_759 : i32
      %add3A_761 = arith.constant 11 : i32
      %add3A_762 = arith.addi %mul3A_760, %add3A_761 : i32
      %and3A_763 = arith.constant 0 : i32
      %and3A_764 = vector.broadcast %and3A_763 : i32 to vector<16xi32>
      %and3A_765 = arith.andi %iota3A, %and3A_764 : vector<16xi32>
      %slice3A_766 = vector.extract_strided_slice %get3A_11 {offsets = [11], sizes = [1], strides = [1]} : vector<16xi32> to vector<1xi32>
      %squeeze3A_767 = vector.extract %slice3A_766[0] : i32 from vector<1xi32>
      %and3A_768 = arith.constant 127 : i32
      %and3A_769 = arith.andi %squeeze3A_767, %and3A_768 : i32
      %add3A_770 = vector.broadcast %and3A_769 : i32 to vector<16xi32>
      %add3A_771 = arith.addi %and3A_765, %add3A_770 : vector<16xi32>
      %add3A_772 = arith.constant 96 : i32
      %add3A_773 = vector.broadcast %add3A_772 : i32 to vector<16xi32>
      %add3A_774 = arith.addi %iota3A, %add3A_773 : vector<16xi32>
      %gather3A_775 = tpu.vector_load_idx %arg7[%add3A_774, %add3A_771] : memref<256x128xf32, #tpu.memory_space<vmem>>[vector<16xi32>, vector<16xi32>], vector<16xf32>,
      %add3A_776 = arith.constant 112 : i32
      %add3A_777 = vector.broadcast %add3A_776 : i32 to vector<16xi32>
      %add3A_778 = arith.addi %iota3A, %add3A_777 : vector<16xi32>
      %gather3A_779 = tpu.vector_load_idx %arg7[%add3A_778, %add3A_771] : memref<256x128xf32, #tpu.memory_space<vmem>>[vector<16xi32>, vector<16xi32>], vector<16xf32>,
      %swap3A_780 = arith.constant 0 : i32
      %swap3A_781 = tpu.memref_slice %arg6[%add3A_762, %swap3A_780] : memref<256x32xf32, #tpu.memory_space<vmem>> -> memref<1x32xf32, #tpu.memory_space<vmem>>
      %swap3A_782 = tpu.memref_squeeze %swap3A_781 : memref<1x32xf32, #tpu.memory_space<vmem>> -> memref<32xf32, #tpu.memory_space<vmem>>
      %swap3A_783 = arith.constant 0 : index
      %swap3A_784 = tpu.vector_load %swap3A_782[%swap3A_783] {strides = array<i32>} : memref<32xf32, #tpu.memory_space<vmem>>, vector<16xf32>,
      tpu.vector_store %swap3A_782[%swap3A_783], %gather3A_775 {strides = array<i32>} : memref<32xf32, #tpu.memory_space<vmem>>, vector<16xf32>,
      %swap3A_785 = arith.constant 0 : i32
      %swap3A_786 = tpu.memref_slice %arg6[%add3A_762, %swap3A_785] : memref<256x32xf32, #tpu.memory_space<vmem>> -> memref<1x32xf32, #tpu.memory_space<vmem>>
      %swap3A_787 = tpu.memref_squeeze %swap3A_786 : memref<1x32xf32, #tpu.memory_space<vmem>> -> memref<32xf32, #tpu.memory_space<vmem>>
      %swap3A_788 = arith.constant 16 : index
      %swap3A_789 = tpu.vector_load %swap3A_787[%swap3A_788] {strides = array<i32>} : memref<32xf32, #tpu.memory_space<vmem>>, vector<16xf32>,
      tpu.vector_store %swap3A_787[%swap3A_788], %gather3A_779 {strides = array<i32>} : memref<32xf32, #tpu.memory_space<vmem>>, vector<16xf32>,
      %dma_wait3A_790 = arith.constant 128 : i32
      %dma_wait3A_791 = arith.constant 0 : i32
      %dma_wait3A_792 = tpu.memref_slice %arg7[%dma_wait3A_790, %dma_wait3A_791] : memref<256x128xf32, #tpu.memory_space<vmem>> -> memref<32x128xf32, #tpu.memory_space<vmem>>
      %dma_wait3A_793 = arith.constant 0 : i32
      %dma_wait3A_794 = arith.constant 0 : i32
      %dma_wait3A_795 = tpu.memref_slice %arg3[%dma_wait3A_793, %dma_wait3A_794] : memref<32x1000000xf32, #tpu.memory_space<hbm>> -> memref<32x128xf32, #tpu.memory_space<hbm>>
      %dma_wait3A_796 = arith.constant 128 : i32
      %dma_wait3A_797 = arith.constant 0 : i32
      %dma_wait3A_798 = tpu.memref_slice %arg7[%dma_wait3A_796, %dma_wait3A_797] : memref<256x128xf32, #tpu.memory_space<vmem>> -> memref<32x128xf32, #tpu.memory_space<vmem>>
      %dma_wait3A_799 = arith.constant 0 : i32
      %dma_wait3A_800 = arith.constant 0 : i32
      %dma_wait3A_801 = tpu.memref_slice %arg3[%dma_wait3A_799, %dma_wait3A_800] : memref<32x1000000xf32, #tpu.memory_space<hbm>> -> memref<32x128xf32, #tpu.memory_space<hbm>>
      tpu.wait_dma2 semaphore(%arg8 : memref<!tpu.dma_semaphore, #tpu.memory_space<semaphore_mem>>) src(%dma_wait3A_801 : memref<32x128xf32, #tpu.memory_space<hbm>>) dst(%dma_wait3A_798 : memref<32x128xf32, #tpu.memory_space<vmem>>)
      %dma_wait3A_802 = arith.constant 160 : i32
      %dma_wait3A_803 = arith.constant 0 : i32
      %dma_wait3A_804 = tpu.memref_slice %arg7[%dma_wait3A_802, %dma_wait3A_803] : memref<256x128xf32, #tpu.memory_space<vmem>> -> memref<32x128xf32, #tpu.memory_space<vmem>>
      %dma_wait3A_805 = arith.constant 0 : i32
      %dma_wait3A_806 = arith.constant 0 : i32
      %dma_wait3A_807 = tpu.memref_slice %arg3[%dma_wait3A_805, %dma_wait3A_806] : memref<32x1000000xf32, #tpu.memory_space<hbm>> -> memref<32x128xf32, #tpu.memory_space<hbm>>
      %dma_wait3A_808 = arith.constant 160 : i32
      %dma_wait3A_809 = arith.constant 0 : i32
      %dma_wait3A_810 = tpu.memref_slice %arg7[%dma_wait3A_808, %dma_wait3A_809] : memref<256x128xf32, #tpu.memory_space<vmem>> -> memref<32x128xf32, #tpu.memory_space<vmem>>
      %dma_wait3A_811 = arith.constant 0 : i32
      %dma_wait3A_812 = arith.constant 0 : i32
      %dma_wait3A_813 = tpu.memref_slice %arg3[%dma_wait3A_811, %dma_wait3A_812] : memref<32x1000000xf32, #tpu.memory_space<hbm>> -> memref<32x128xf32, #tpu.memory_space<hbm>>
      tpu.wait_dma2 semaphore(%arg8 : memref<!tpu.dma_semaphore, #tpu.memory_space<semaphore_mem>>) src(%dma_wait3A_813 : memref<32x128xf32, #tpu.memory_space<hbm>>) dst(%dma_wait3A_810 : memref<32x128xf32, #tpu.memory_space<vmem>>)
      %dma_wait3A_814 = arith.constant 192 : i32
      %dma_wait3A_815 = arith.constant 0 : i32
      %dma_wait3A_816 = tpu.memref_slice %arg7[%dma_wait3A_814, %dma_wait3A_815] : memref<256x128xf32, #tpu.memory_space<vmem>> -> memref<32x128xf32, #tpu.memory_space<vmem>>
      %dma_wait3A_817 = arith.constant 0 : i32
      %dma_wait3A_818 = arith.constant 0 : i32
      %dma_wait3A_819 = tpu.memref_slice %arg3[%dma_wait3A_817, %dma_wait3A_818] : memref<32x1000000xf32, #tpu.memory_space<hbm>> -> memref<32x128xf32, #tpu.memory_space<hbm>>
      %dma_wait3A_820 = arith.constant 192 : i32
      %dma_wait3A_821 = arith.constant 0 : i32
      %dma_wait3A_822 = tpu.memref_slice %arg7[%dma_wait3A_820, %dma_wait3A_821] : memref<256x128xf32, #tpu.memory_space<vmem>> -> memref<32x128xf32, #tpu.memory_space<vmem>>
      %dma_wait3A_823 = arith.constant 0 : i32
      %dma_wait3A_824 = arith.constant 0 : i32
      %dma_wait3A_825 = tpu.memref_slice %arg3[%dma_wait3A_823, %dma_wait3A_824] : memref<32x1000000xf32, #tpu.memory_space<hbm>> -> memref<32x128xf32, #tpu.memory_space<hbm>>
      tpu.wait_dma2 semaphore(%arg8 : memref<!tpu.dma_semaphore, #tpu.memory_space<semaphore_mem>>) src(%dma_wait3A_825 : memref<32x128xf32, #tpu.memory_space<hbm>>) dst(%dma_wait3A_822 : memref<32x128xf32, #tpu.memory_space<vmem>>)
      %dma_wait3A_826 = arith.constant 224 : i32
      %dma_wait3A_827 = arith.constant 0 : i32
      %dma_wait3A_828 = tpu.memref_slice %arg7[%dma_wait3A_826, %dma_wait3A_827] : memref<256x128xf32, #tpu.memory_space<vmem>> -> memref<32x128xf32, #tpu.memory_space<vmem>>
      %dma_wait3A_829 = arith.constant 0 : i32
      %dma_wait3A_830 = arith.constant 0 : i32
      %dma_wait3A_831 = tpu.memref_slice %arg3[%dma_wait3A_829, %dma_wait3A_830] : memref<32x1000000xf32, #tpu.memory_space<hbm>> -> memref<32x128xf32, #tpu.memory_space<hbm>>
      %dma_wait3A_832 = arith.constant 224 : i32
      %dma_wait3A_833 = arith.constant 0 : i32
      %dma_wait3A_834 = tpu.memref_slice %arg7[%dma_wait3A_832, %dma_wait3A_833] : memref<256x128xf32, #tpu.memory_space<vmem>> -> memref<32x128xf32, #tpu.memory_space<vmem>>
      %dma_wait3A_835 = arith.constant 0 : i32
      %dma_wait3A_836 = arith.constant 0 : i32
      %dma_wait3A_837 = tpu.memref_slice %arg3[%dma_wait3A_835, %dma_wait3A_836] : memref<32x1000000xf32, #tpu.memory_space<hbm>> -> memref<32x128xf32, #tpu.memory_space<hbm>>
      tpu.wait_dma2 semaphore(%arg8 : memref<!tpu.dma_semaphore, #tpu.memory_space<semaphore_mem>>) src(%dma_wait3A_837 : memref<32x128xf32, #tpu.memory_space<hbm>>) dst(%dma_wait3A_834 : memref<32x128xf32, #tpu.memory_space<vmem>>)
      %mul3A_838 = arith.constant 16 : i32
      %mul3A_839 = arith.muli %scan3A_8, %mul3A_838 : i32
      %add3A_840 = arith.constant 12 : i32
      %add3A_841 = arith.addi %mul3A_839, %add3A_840 : i32
      %and3A_842 = arith.constant 0 : i32
      %and3A_843 = vector.broadcast %and3A_842 : i32 to vector<16xi32>
      %and3A_844 = arith.andi %iota3A, %and3A_843 : vector<16xi32>
      %slice3A_845 = vector.extract_strided_slice %get3A_11 {offsets = [12], sizes = [1], strides = [1]} : vector<16xi32> to vector<1xi32>
      %squeeze3A_846 = vector.extract %slice3A_845[0] : i32 from vector<1xi32>
      %and3A_847 = arith.constant 127 : i32
      %and3A_848 = arith.andi %squeeze3A_846, %and3A_847 : i32
      %add3A_849 = vector.broadcast %and3A_848 : i32 to vector<16xi32>
      %add3A_850 = arith.addi %and3A_844, %add3A_849 : vector<16xi32>
      %add3A_851 = arith.constant 128 : i32
      %add3A_852 = vector.broadcast %add3A_851 : i32 to vector<16xi32>
      %add3A_853 = arith.addi %iota3A, %add3A_852 : vector<16xi32>
      %gather3A_854 = tpu.vector_load_idx %arg7[%add3A_853, %add3A_850] : memref<256x128xf32, #tpu.memory_space<vmem>>[vector<16xi32>, vector<16xi32>], vector<16xf32>,
      %add3A_855 = arith.constant 144 : i32
      %add3A_856 = vector.broadcast %add3A_855 : i32 to vector<16xi32>
      %add3A_857 = arith.addi %iota3A, %add3A_856 : vector<16xi32>
      %gather3A_858 = tpu.vector_load_idx %arg7[%add3A_857, %add3A_850] : memref<256x128xf32, #tpu.memory_space<vmem>>[vector<16xi32>, vector<16xi32>], vector<16xf32>,
      %swap3A_859 = arith.constant 0 : i32
      %swap3A_860 = tpu.memref_slice %arg6[%add3A_841, %swap3A_859] : memref<256x32xf32, #tpu.memory_space<vmem>> -> memref<1x32xf32, #tpu.memory_space<vmem>>
      %swap3A_861 = tpu.memref_squeeze %swap3A_860 : memref<1x32xf32, #tpu.memory_space<vmem>> -> memref<32xf32, #tpu.memory_space<vmem>>
      %swap3A_862 = arith.constant 0 : index
      %swap3A_863 = tpu.vector_load %swap3A_861[%swap3A_862] {strides = array<i32>} : memref<32xf32, #tpu.memory_space<vmem>>, vector<16xf32>,
      tpu.vector_store %swap3A_861[%swap3A_862], %gather3A_854 {strides = array<i32>} : memref<32xf32, #tpu.memory_space<vmem>>, vector<16xf32>,
      %swap3A_864 = arith.constant 0 : i32
      %swap3A_865 = tpu.memref_slice %arg6[%add3A_841, %swap3A_864] : memref<256x32xf32, #tpu.memory_space<vmem>> -> memref<1x32xf32, #tpu.memory_space<vmem>>
      %swap3A_866 = tpu.memref_squeeze %swap3A_865 : memref<1x32xf32, #tpu.memory_space<vmem>> -> memref<32xf32, #tpu.memory_space<vmem>>
      %swap3A_867 = arith.constant 16 : index
      %swap3A_868 = tpu.vector_load %swap3A_866[%swap3A_867] {strides = array<i32>} : memref<32xf32, #tpu.memory_space<vmem>>, vector<16xf32>,
      tpu.vector_store %swap3A_866[%swap3A_867], %gather3A_858 {strides = array<i32>} : memref<32xf32, #tpu.memory_space<vmem>>, vector<16xf32>,
      %mul3A_869 = arith.constant 16 : i32
      %mul3A_870 = arith.muli %scan3A_8, %mul3A_869 : i32
      %add3A_871 = arith.constant 13 : i32
      %add3A_872 = arith.addi %mul3A_870, %add3A_871 : i32
      %and3A_873 = arith.constant 0 : i32
      %and3A_874 = vector.broadcast %and3A_873 : i32 to vector<16xi32>
      %and3A_875 = arith.andi %iota3A, %and3A_874 : vector<16xi32>
      %slice3A_876 = vector.extract_strided_slice %get3A_11 {offsets = [13], sizes = [1], strides = [1]} : vector<16xi32> to vector<1xi32>
      %squeeze3A_877 = vector.extract %slice3A_876[0] : i32 from vector<1xi32>
      %and3A_878 = arith.constant 127 : i32
      %and3A_879 = arith.andi %squeeze3A_877, %and3A_878 : i32
      %add3A_880 = vector.broadcast %and3A_879 : i32 to vector<16xi32>
      %add3A_881 = arith.addi %and3A_875, %add3A_880 : vector<16xi32>
      %add3A_882 = arith.constant 160 : i32
      %add3A_883 = vector.broadcast %add3A_882 : i32 to vector<16xi32>
      %add3A_884 = arith.addi %iota3A, %add3A_883 : vector<16xi32>
      %gather3A_885 = tpu.vector_load_idx %arg7[%add3A_884, %add3A_881] : memref<256x128xf32, #tpu.memory_space<vmem>>[vector<16xi32>, vector<16xi32>], vector<16xf32>,
      %add3A_886 = arith.constant 176 : i32
      %add3A_887 = vector.broadcast %add3A_886 : i32 to vector<16xi32>
      %add3A_888 = arith.addi %iota3A, %add3A_887 : vector<16xi32>
      %gather3A_889 = tpu.vector_load_idx %arg7[%add3A_888, %add3A_881] : memref<256x128xf32, #tpu.memory_space<vmem>>[vector<16xi32>, vector<16xi32>], vector<16xf32>,
      %swap3A_890 = arith.constant 0 : i32
      %swap3A_891 = tpu.memref_slice %arg6[%add3A_872, %swap3A_890] : memref<256x32xf32, #tpu.memory_space<vmem>> -> memref<1x32xf32, #tpu.memory_space<vmem>>
      %swap3A_892 = tpu.memref_squeeze %swap3A_891 : memref<1x32xf32, #tpu.memory_space<vmem>> -> memref<32xf32, #tpu.memory_space<vmem>>
      %swap3A_893 = arith.constant 0 : index
      %swap3A_894 = tpu.vector_load %swap3A_892[%swap3A_893] {strides = array<i32>} : memref<32xf32, #tpu.memory_space<vmem>>, vector<16xf32>,
      tpu.vector_store %swap3A_892[%swap3A_893], %gather3A_885 {strides = array<i32>} : memref<32xf32, #tpu.memory_space<vmem>>, vector<16xf32>,
      %swap3A_895 = arith.constant 0 : i32
      %swap3A_896 = tpu.memref_slice %arg6[%add3A_872, %swap3A_895] : memref<256x32xf32, #tpu.memory_space<vmem>> -> memref<1x32xf32, #tpu.memory_space<vmem>>
      %swap3A_897 = tpu.memref_squeeze %swap3A_896 : memref<1x32xf32, #tpu.memory_space<vmem>> -> memref<32xf32, #tpu.memory_space<vmem>>
      %swap3A_898 = arith.constant 16 : index
      %swap3A_899 = tpu.vector_load %swap3A_897[%swap3A_898] {strides = array<i32>} : memref<32xf32, #tpu.memory_space<vmem>>, vector<16xf32>,
      tpu.vector_store %swap3A_897[%swap3A_898], %gather3A_889 {strides = array<i32>} : memref<32xf32, #tpu.memory_space<vmem>>, vector<16xf32>,
      %mul3A_900 = arith.constant 16 : i32
      %mul3A_901 = arith.muli %scan3A_8, %mul3A_900 : i32
      %add3A_902 = arith.constant 14 : i32
      %add3A_903 = arith.addi %mul3A_901, %add3A_902 : i32
      %and3A_904 = arith.constant 0 : i32
      %and3A_905 = vector.broadcast %and3A_904 : i32 to vector<16xi32>
      %and3A_906 = arith.andi %iota3A, %and3A_905 : vector<16xi32>
      %slice3A_907 = vector.extract_strided_slice %get3A_11 {offsets = [14], sizes = [1], strides = [1]} : vector<16xi32> to vector<1xi32>
      %squeeze3A_908 = vector.extract %slice3A_907[0] : i32 from vector<1xi32>
      %and3A_909 = arith.constant 127 : i32
      %and3A_910 = arith.andi %squeeze3A_908, %and3A_909 : i32
      %add3A_911 = vector.broadcast %and3A_910 : i32 to vector<16xi32>
      %add3A_912 = arith.addi %and3A_906, %add3A_911 : vector<16xi32>
      %add3A_913 = arith.constant 192 : i32
      %add3A_914 = vector.broadcast %add3A_913 : i32 to vector<16xi32>
      %add3A_915 = arith.addi %iota3A, %add3A_914 : vector<16xi32>
      %gather3A_916 = tpu.vector_load_idx %arg7[%add3A_915, %add3A_912] : memref<256x128xf32, #tpu.memory_space<vmem>>[vector<16xi32>, vector<16xi32>], vector<16xf32>,
      %add3A_917 = arith.constant 208 : i32
      %add3A_918 = vector.broadcast %add3A_917 : i32 to vector<16xi32>
      %add3A_919 = arith.addi %iota3A, %add3A_918 : vector<16xi32>
      %gather3A_920 = tpu.vector_load_idx %arg7[%add3A_919, %add3A_912] : memref<256x128xf32, #tpu.memory_space<vmem>>[vector<16xi32>, vector<16xi32>], vector<16xf32>,
      %swap3A_921 = arith.constant 0 : i32
      %swap3A_922 = tpu.memref_slice %arg6[%add3A_903, %swap3A_921] : memref<256x32xf32, #tpu.memory_space<vmem>> -> memref<1x32xf32, #tpu.memory_space<vmem>>
      %swap3A_923 = tpu.memref_squeeze %swap3A_922 : memref<1x32xf32, #tpu.memory_space<vmem>> -> memref<32xf32, #tpu.memory_space<vmem>>
      %swap3A_924 = arith.constant 0 : index
      %swap3A_925 = tpu.vector_load %swap3A_923[%swap3A_924] {strides = array<i32>} : memref<32xf32, #tpu.memory_space<vmem>>, vector<16xf32>,
      tpu.vector_store %swap3A_923[%swap3A_924], %gather3A_916 {strides = array<i32>} : memref<32xf32, #tpu.memory_space<vmem>>, vector<16xf32>,
      %swap3A_926 = arith.constant 0 : i32
      %swap3A_927 = tpu.memref_slice %arg6[%add3A_903, %swap3A_926] : memref<256x32xf32, #tpu.memory_space<vmem>> -> memref<1x32xf32, #tpu.memory_space<vmem>>
      %swap3A_928 = tpu.memref_squeeze %swap3A_927 : memref<1x32xf32, #tpu.memory_space<vmem>> -> memref<32xf32, #tpu.memory_space<vmem>>
      %swap3A_929 = arith.constant 16 : index
      %swap3A_930 = tpu.vector_load %swap3A_928[%swap3A_929] {strides = array<i32>} : memref<32xf32, #tpu.memory_space<vmem>>, vector<16xf32>,
      tpu.vector_store %swap3A_928[%swap3A_929], %gather3A_920 {strides = array<i32>} : memref<32xf32, #tpu.memory_space<vmem>>, vector<16xf32>,
      %mul3A_931 = arith.constant 16 : i32
      %mul3A_932 = arith.muli %scan3A_8, %mul3A_931 : i32
      %add3A_933 = arith.constant 15 : i32
      %add3A_934 = arith.addi %mul3A_932, %add3A_933 : i32
      %and3A_935 = arith.constant 0 : i32
      %and3A_936 = vector.broadcast %and3A_935 : i32 to vector<16xi32>
      %and3A_937 = arith.andi %iota3A, %and3A_936 : vector<16xi32>
      %slice3A_938 = vector.extract_strided_slice %get3A_11 {offsets = [15], sizes = [1], strides = [1]} : vector<16xi32> to vector<1xi32>
      %squeeze3A_939 = vector.extract %slice3A_938[0] : i32 from vector<1xi32>
      %and3A_940 = arith.constant 127 : i32
      %and3A_941 = arith.andi %squeeze3A_939, %and3A_940 : i32
      %add3A_942 = vector.broadcast %and3A_941 : i32 to vector<16xi32>
      %add3A_943 = arith.addi %and3A_937, %add3A_942 : vector<16xi32>
      %add3A_944 = arith.constant 224 : i32
      %add3A_945 = vector.broadcast %add3A_944 : i32 to vector<16xi32>
      %add3A_946 = arith.addi %iota3A, %add3A_945 : vector<16xi32>
      %gather3A_947 = tpu.vector_load_idx %arg7[%add3A_946, %add3A_943] : memref<256x128xf32, #tpu.memory_space<vmem>>[vector<16xi32>, vector<16xi32>], vector<16xf32>,
      %add3A_948 = arith.constant 240 : i32
      %add3A_949 = vector.broadcast %add3A_948 : i32 to vector<16xi32>
      %add3A_950 = arith.addi %iota3A, %add3A_949 : vector<16xi32>
      %gather3A_951 = tpu.vector_load_idx %arg7[%add3A_950, %add3A_943] : memref<256x128xf32, #tpu.memory_space<vmem>>[vector<16xi32>, vector<16xi32>], vector<16xf32>,
      %swap3A_952 = arith.constant 0 : i32
      %swap3A_953 = tpu.memref_slice %arg6[%add3A_934, %swap3A_952] : memref<256x32xf32, #tpu.memory_space<vmem>> -> memref<1x32xf32, #tpu.memory_space<vmem>>
      %swap3A_954 = tpu.memref_squeeze %swap3A_953 : memref<1x32xf32, #tpu.memory_space<vmem>> -> memref<32xf32, #tpu.memory_space<vmem>>
      %swap3A_955 = arith.constant 0 : index
      %swap3A_956 = tpu.vector_load %swap3A_954[%swap3A_955] {strides = array<i32>} : memref<32xf32, #tpu.memory_space<vmem>>, vector<16xf32>,
      tpu.vector_store %swap3A_954[%swap3A_955], %gather3A_947 {strides = array<i32>} : memref<32xf32, #tpu.memory_space<vmem>>, vector<16xf32>,
      %swap3A_957 = arith.constant 0 : i32
      %swap3A_958 = tpu.memref_slice %arg6[%add3A_934, %swap3A_957] : memref<256x32xf32, #tpu.memory_space<vmem>> -> memref<1x32xf32, #tpu.memory_space<vmem>>
      %swap3A_959 = tpu.memref_squeeze %swap3A_958 : memref<1x32xf32, #tpu.memory_space<vmem>> -> memref<32xf32, #tpu.memory_space<vmem>>
      %swap3A_960 = arith.constant 16 : index
      %swap3A_961 = tpu.vector_load %swap3A_959[%swap3A_960] {strides = array<i32>} : memref<32xf32, #tpu.memory_space<vmem>>, vector<16xf32>,
      tpu.vector_store %swap3A_959[%swap3A_960], %gather3A_951 {strides = array<i32>} : memref<32xf32, #tpu.memory_space<vmem>>, vector<16xf32>,
    }
    %scan3A_7 = arith.constant 16 : i32
    "tpu.region"() ({
      %run_scoped3A = tpu.sem_alloc : memref<!tpu.dma_semaphore, #tpu.memory_space<semaphore_mem>>
      %dma_start3A = arith.constant 0 : i32
      %dma_start3A_8 = tpu.memref_slice %arg4[%mul3A_2, %dma_start3A] : memref<8192x32xf32, #tpu.memory_space<hbm>> -> memref<256x32xf32, #tpu.memory_space<hbm>>
      %dma_start3A_9 = arith.constant 0 : i32
      %dma_start3A_10 = tpu.memref_slice %arg4[%mul3A_2, %dma_start3A_9] : memref<8192x32xf32, #tpu.memory_space<hbm>> -> memref<256x32xf32, #tpu.memory_space<hbm>>
      tpu.enqueue_dma source(%arg6 : memref<256x32xf32, #tpu.memory_space<vmem>>) target(%dma_start3A_10 : memref<256x32xf32, #tpu.memory_space<hbm>>) target_semaphore(%run_scoped3A : memref<!tpu.dma_semaphore, #tpu.memory_space<semaphore_mem>>)
      %dma_wait3A = arith.constant 0 : i32
      %dma_wait3A_11 = tpu.memref_slice %arg4[%mul3A_2, %dma_wait3A] : memref<8192x32xf32, #tpu.memory_space<hbm>> -> memref<256x32xf32, #tpu.memory_space<hbm>>
      %dma_wait3A_12 = arith.constant 0 : i32
      %dma_wait3A_13 = tpu.memref_slice %arg4[%mul3A_2, %dma_wait3A_12] : memref<8192x32xf32, #tpu.memory_space<hbm>> -> memref<256x32xf32, #tpu.memory_space<hbm>>
      tpu.wait_dma2 semaphore(%run_scoped3A : memref<!tpu.dma_semaphore, #tpu.memory_space<semaphore_mem>>) src(%arg6 : memref<256x32xf32, #tpu.memory_space<vmem>>) dst(%dma_wait3A_13 : memref<256x32xf32, #tpu.memory_space<hbm>>)
      tpu.yield
    }) : () -> ()
    return
  }
}

module attributes {stable_mosaic.version = 14 : i64} {
  func.func @_mm_b_body(%arg0: i32, %arg1: memref<512x32xf32, #tpu.memory_space<vmem>>, %arg2: memref<4096x32xf32, #tpu.memory_space<vmem>>, %arg3: memref<16384x4096xf32, #tpu.memory_space<hbm>>, %arg4: memref<512x4096xf32, #tpu.memory_space<vmem>>) attributes {dimension_semantics = [#tpu.dimension_semantics<arbitrary>], iteration_bounds = array<i64: 16>, scalar_prefetch = 0 : i64, scratch_operands = 0 : i64, tpu.core_type = #tpu.core_type<tc>, window_params = [{transform_indices = @transform_0, window_bounds = array<i64: 512, 32>}, {pipeline_mode = #tpu.pipeline_mode<synchronous>, transform_indices = @transform_1, window_bounds = array<i64: 4096, 32>}, {}, {transform_indices = @transform_3, window_bounds = array<i64: 512, 4096>}]} {
    %get3A = arith.constant 0 : index
    %get3A_0 = arith.constant 0 : index
    %get3A_1 = vector.load %arg1[%get3A, %get3A_0] : memref<512x32xf32, #tpu.memory_space<vmem>>, vector<512x32xf32>
    %get3A_2 = arith.constant 0 : index
    %get3A_3 = arith.constant 0 : index
    %get3A_4 = vector.load %arg2[%get3A_2, %get3A_3] : memref<4096x32xf32, #tpu.memory_space<vmem>>, vector<4096x32xf32>
    %dot_general3A = arith.constant dense<0.000000e+00> : vector<512x4096xf32>
    %dot_general3A_5 = tpu.matmul %get3A_1, %get3A_4, %dot_general3A {dimension_numbers = #tpu.dot_dimension_numbers<[1], [1], [0], [0], [0, 0, 1, 0], [], []>, transpose_lhs_hint = false} : vector<512x32xf32>, vector<4096x32xf32>, vector<512x4096xf32> -> vector<512x4096xf32>
    %swap3A = arith.constant 0 : index
    %swap3A_6 = arith.constant 0 : index
    %swap3A_7 = vector.load %arg4[%swap3A, %swap3A_6] : memref<512x4096xf32, #tpu.memory_space<vmem>>, vector<512x4096xf32>
    tpu.vector_store %arg4[%swap3A, %swap3A_6], %dot_general3A_5 {strides = array<i32>} : memref<512x4096xf32, #tpu.memory_space<vmem>>, vector<512x4096xf32>,
    return
  }
  func.func @transform_0(%arg0: i32) -> (i32, i32) {
    %c0_i32 = arith.constant 0 : i32
    %c0_i32_0 = arith.constant 0 : i32
    return %arg0, %c0_i32 : i32, i32
  }
  func.func @transform_1(%arg0: i32) -> (i32, i32) {
    %c0_i32 = arith.constant 0 : i32
    %c0_i32_0 = arith.constant 0 : i32
    %c0_i32_1 = arith.constant 0 : i32
    return %c0_i32, %c0_i32_0 : i32, i32
  }
  func.func @transform_3(%arg0: i32) -> (i32, i32) {
    %add3A = arith.constant 16 : i32
    %add3A_0 = arith.addi %arg0, %add3A : i32
    %c0_i32 = arith.constant 0 : i32
    %c0_i32_1 = arith.constant 0 : i32
    return %add3A_0, %c0_i32 : i32, i32
  }
}

module attributes {stable_mosaic.version = 14 : i64} {
  func.func @_mm_body(%arg0: i32, %arg1: memref<512x32xf32, #tpu.memory_space<vmem>>, %arg2: memref<4096x32xf32, #tpu.memory_space<vmem>>, %arg3: memref<512x4096xf32, #tpu.memory_space<vmem>>, %arg4: memref<1x32xf32, #tpu.memory_space<vmem>>) attributes {dimension_semantics = [#tpu.dimension_semantics<arbitrary>], iteration_bounds = array<i64: 16>, scalar_prefetch = 0 : i64, scratch_operands = 0 : i64, tpu.core_type = #tpu.core_type<tc>, window_params = [{transform_indices = @transform_0, window_bounds = array<i64: 512, 32>}, {pipeline_mode = #tpu.pipeline_mode<synchronous>, transform_indices = @transform_1, window_bounds = array<i64: 4096, 32>}, {transform_indices = @transform_2, window_bounds = array<i64: 512, 4096>}, {pipeline_mode = #tpu.pipeline_mode<synchronous>, transform_indices = @transform_3, window_bounds = array<i64: 1, 32>}]} {
    %get3A = arith.constant 0 : index
    %get3A_0 = arith.constant 0 : index
    %get3A_1 = vector.load %arg1[%get3A, %get3A_0] : memref<512x32xf32, #tpu.memory_space<vmem>>, vector<512x32xf32>
    %get3A_2 = arith.constant 0 : index
    %get3A_3 = arith.constant 0 : index
    %get3A_4 = vector.load %arg2[%get3A_2, %get3A_3] : memref<4096x32xf32, #tpu.memory_space<vmem>>, vector<4096x32xf32>
    %dot_general3A = arith.constant dense<0.000000e+00> : vector<512x4096xf32>
    %dot_general3A_5 = tpu.matmul %get3A_1, %get3A_4, %dot_general3A {dimension_numbers = #tpu.dot_dimension_numbers<[1], [1], [0], [0], [0, 0, 1, 0], [], []>, transpose_lhs_hint = false} : vector<512x32xf32>, vector<4096x32xf32>, vector<512x4096xf32> -> vector<512x4096xf32>
    %swap3A = arith.constant 0 : index
    %swap3A_6 = arith.constant 0 : index
    %swap3A_7 = vector.load %arg3[%swap3A, %swap3A_6] : memref<512x4096xf32, #tpu.memory_space<vmem>>, vector<512x4096xf32>
    tpu.vector_store %arg3[%swap3A, %swap3A_6], %dot_general3A_5 {strides = array<i32>} : memref<512x4096xf32, #tpu.memory_space<vmem>>, vector<512x4096xf32>,
    %eq3A = arith.constant 0 : i32
    %eq3A_8 = arith.cmpi eq, %arg0, %eq3A : i32
    %convert_element_type3A = arith.extui %eq3A_8 : i1 to i32
    %cond3A = arith.constant 0 : i32
    %cond3A_9 = arith.cmpi ne, %convert_element_type3A, %cond3A : i32
    scf.if %cond3A_9 {
      %get3A_10 = arith.constant 0 : index
      %get3A_11 = arith.constant 0 : index
      %get3A_12 = vector.load %arg2[%get3A_10, %get3A_11] : memref<4096x32xf32, #tpu.memory_space<vmem>>, vector<4096x32xf32>
      %reduce_sum3A = arith.constant dense<0.000000e+00> : vector<32xf32>
      %reduce_sum3A_13 = vector.multi_reduction <add>, %get3A_12, %reduce_sum3A [0] : vector<4096x32xf32> to vector<32xf32>
      %broadcast_in_dim3A = vector.shape_cast %reduce_sum3A_13 : vector<32xf32> to vector<1x32xf32>
      %mul3A = arith.constant 2.44140625E-4 : f32
      %mul3A_14 = vector.broadcast %mul3A : f32 to vector<1x32xf32>
      %mul3A_15 = arith.mulf %broadcast_in_dim3A, %mul3A_14 : vector<1x32xf32>
      %swap3A_16 = arith.constant 0 : index
      %swap3A_17 = arith.constant 0 : index
      %swap3A_18 = vector.load %arg4[%swap3A_16, %swap3A_17] : memref<1x32xf32, #tpu.memory_space<vmem>>, vector<1x32xf32>
      tpu.vector_store %arg4[%swap3A_16, %swap3A_17], %mul3A_15 {strides = array<i32>} : memref<1x32xf32, #tpu.memory_space<vmem>>, vector<1x32xf32>,
    } else {
    }
    return
  }
  func.func @transform_0(%arg0: i32) -> (i32, i32) {
    %c0_i32 = arith.constant 0 : i32
    %c0_i32_0 = arith.constant 0 : i32
    return %arg0, %c0_i32 : i32, i32
  }
  func.func @transform_1(%arg0: i32) -> (i32, i32) {
    %c0_i32 = arith.constant 0 : i32
    %c0_i32_0 = arith.constant 0 : i32
    %c0_i32_1 = arith.constant 0 : i32
    return %c0_i32, %c0_i32_0 : i32, i32
  }
  func.func @transform_2(%arg0: i32) -> (i32, i32) {
    %c0_i32 = arith.constant 0 : i32
    %c0_i32_0 = arith.constant 0 : i32
    return %arg0, %c0_i32 : i32, i32
  }
  func.func @transform_3(%arg0: i32) -> (i32, i32) {
    %c0_i32 = arith.constant 0 : i32
    %c0_i32_0 = arith.constant 0 : i32
    %c0_i32_1 = arith.constant 0 : i32
    return %c0_i32, %c0_i32_0 : i32, i32
  }
}

</mosaic_0001>

<sc_bundles>
// kernel: kernel.6.cloned.1.call-start
scs
__scs_entry_jumppad:
0x0: {  	(pc) =	sbr.rel $0x88, $3  }
0x1: {  	(tag) =	ssettag $0x0;
	lr =	simm.s32 $0x1  }
0x2: {  	[smem:$0x3F9D] =	sst lr;
	_ =	strace $0xD0000000  }
0x3: {  	_ = 	snop  }
0x4: {  	_ = 	snop  }
0x5: {  	_ = 	snop  }
0x6: {  	_ = 	snop  }
0x7: {  	_ = 	snop  }
__scs_overlays_trampoline_lowered:
0x8: {  	[smem:$0x3FAC] =	sst s0  }
0x9: {  	[smem:$0x3FAD] =	sst s1  }
0xa: {  	[smem:$0x3FAE] =	sst s2  }
0xb: {  	[smem:$0x3FAF] =	sst s3  }
0xc: {  	[smem:$0x3FB0] =	sst s4  }
0xd: {  	[smem:$0x3FB1] =	sst s5  }
0xe: {  	[smem:$0x3FB2] =	sst s6  }
0xf: {  	[smem:$0x3FB3] =	sst s7  }
0x10: {  	[smem:$0x3FB4] =	sst s8  }
0x11: {  	[smem:$0x3FB5] =	sst s9;
	s0 =	simm.s32 @!p0 $0x0  }
0x12: {  	s1 =	sld [smem:$0x3F9B];
	s0 =	simm.s32 @p0 $0x1  }
0x13: {  	[smem:$0x3FB6] =	sst s0;
	s0 =	simm.s32 @!p1 $0x0  }
0x14: {  	s2 =	sld [smem:$0x3F9A];
	s0 =	simm.s32 @p1 $0x1  }
0x15: {  	[smem:$0x3FB7] =	sst s0;
	s0 =	simm.s32 @!p2 $0x0  }
0x16: {  	s3 =	sld [smem:$0x3FDB];
	s0 =	simm.s32 @p2 $0x1  }
0x17: {  	s4 =	simm.s32 $0x1BF5;
	[smem:$0x3FB9] =	sst s0  }
0x18: {  	s0 =	sld [smem:$0x3F9C];
	_ =	swait.ge [sflag:s4], $0x0  }
0x19: {  	s7 =	sld [smem:$0x3F9D]  }
0x1a: {  	s8 =	sadd.s32 $0xFFFFE003, lr  }
0x1b: {  	s9 =	sadd.s32 $0xFFFFFEF7, lr;
	s5 =	simm.s32 $0xFFFFFFFF;
	p2 =	slt.u32 s8, $0xFFFFF086  }
0x1c: {  	p1 =	slt.u32 s9, $0xF7A;
	s5 =	simm.s32 @!p2 $0x0  }
0x1d: {  	s5 =	simm.s32 @p1 $0x1;
	p0 =	seq.s32 s7, s2  }
0x1e: {  	s7 =	smul.u32 @!p0 $0xF7A, s2;
	p2 =	seq.s32 @!p0 s5, $0x0  }
0x1f: {  	s9 =	smul.u32 $0xF7A, s1;
	s8 =	simm.s32 @!p0 $0x1BF5;
	p2 =	por !p2, p0  }
0x20: {  	[sflag:s8] =	ssyncset.s32 @!p0 $0xFFFFF086;
	s6 =	sadd.s32 @!p0 s3, s7;
	s7 =	simm.s32 @!p0 $0x108  }
0x21: {  	s3 =	sadd.s32 s3, s9;
	s6 =	sadd.s32 @!p0 $0x88, s6;
	s7 =	simm.s32 @p2 $0x1082  }
0x22: {  	[simem:s7], [sflag:s8] =	dma.local @!p0 [hbm:s6], $0xF7A  }
0x23: {  	s9 =	sor.u32 $0xD0000000, s2;
	s6 =	simm.s32 $0x108;
	_ =	swait.ge @!p0 [sflag:s8], $0x0  }
0x24: {  	s3 =	sadd.s32 $0x88, s3;
	s6 =	simm.s32 @!p1 $0x1082;
	[sflag:s4] =	ssyncset.s32 $0xFFFFF086  }
0x25: {  	[simem:s6], [sflag:s4] =	dma.local [hbm:s3], $0xF7A  }
0x26: {  	[smem:$0x3F9D] =	sst s1;
	(tag) =	ssettag s2;
	_ =	strace s9  }
0x27: {  	s1 =	sld [smem:$0x3FAD]  }
0x28: {  	s2 =	sld [smem:$0x3FAE]  }
0x29: {  	s4 =	sld [smem:$0x3FB0]  }
0x2a: {  	p0 =	seq.s32 s5, $0x0;
	s5 =	sld [smem:$0x3FB1]  }
0x2b: {  	s6 =	sld [smem:$0x3FB2]  }
0x2c: {  	s7 =	sld [smem:$0x3FB3]  }
0x2d: {  	s3 =	simm.s32 $0x108;
	s8 =	sld [smem:$0x3FB4]  }
0x2e: {  	s3 =	simm.s32 @!p0 $0x1082;
	s9 =	sld [smem:$0x3FB5]  }
0x2f: {  	lr =	sadd.s32 s0, s3;
	s0 =	sld [smem:$0x3FAC]  }
0x30: {  	s3 =	sld [smem:$0x3FAF]  }
0x31: {  	[smem:$0x3FB8] =	sst s10  }
0x32: {  	s10 =	sld [smem:$0x3FB6];
	_ =	sdelay $0x3  }
0x33: {  	p0 =	seq.s32 s10, $0x1;
	s10 =	sld [smem:$0x3FB8];
	_ =	sdelay $0x3  }
0x34: {  	[smem:$0x3FB8] =	sst s10  }
0x35: {  	s10 =	sld [smem:$0x3FB7];
	_ =	sdelay $0x3  }
0x36: {  	p1 =	seq.s32 s10, $0x1;
	s10 =	sld [smem:$0x3FB8];
	_ =	sdelay $0x3  }
0x37: {  	[smem:$0x3FB8] =	sst s10  }
0x38: {  	s10 =	sld [smem:$0x3FB9]  }
0x39: {  	_ = 	snop;
	(pc) =	sbr.ind lr, $3  }
0x3a: {  	_ = 	snop  }
0x3b: {  	_ = 	snop  }
0x3c: {  	p2 =	seq.s32 s10, $0x1;
	s10 =	sld [smem:$0x3FB8]  }
0x3d: {  	_ =	shalt  }
0x3e: {  	_ =	shalt  }
0x3f: {  	_ =	shalt  }
0x40: {  	_ =	shalt  }
0x41: {  	_ =	shalt  }
0x42: {  	_ =	shalt  }
0x43: {  	_ =	shalt  }
0x44: {  	_ =	shalt  }
0x45: {  	_ =	shalt  }
0x46: {  	_ =	shalt  }
0x47: {  	_ =	shalt  }
0x48: {  	_ =	shalt  }
0x49: {  	_ =	shalt  }
0x4a: {  	_ =	shalt  }
0x4b: {  	_ =	shalt  }
0x4c: {  	_ =	shalt  }
0x4d: {  	_ =	shalt  }
0x4e: {  	_ =	shalt  }
0x4f: {  	_ =	shalt  }
0x50: {  	_ =	shalt  }
0x51: {  	_ =	shalt  }
0x52: {  	_ =	shalt  }
0x53: {  	_ =	shalt  }
0x54: {  	_ =	shalt  }
0x55: {  	_ =	shalt  }
0x56: {  	_ =	shalt  }
0x57: {  	_ =	shalt  }
0x58: {  	_ =	shalt  }
0x59: {  	_ =	shalt  }
0x5a: {  	_ =	shalt  }
0x5b: {  	_ =	shalt  }
0x5c: {  	_ =	shalt  }
0x5d: {  	_ =	shalt  }
0x5e: {  	_ =	shalt  }
0x5f: {  	_ =	shalt  }
0x60: {  	_ =	shalt  }
0x61: {  	_ =	shalt  }
0x62: {  	_ =	shalt  }
0x63: {  	_ =	shalt  }
0x64: {  	_ =	shalt  }
0x65: {  	_ =	shalt  }
0x66: {  	_ =	shalt  }
0x67: {  	_ =	shalt  }
0x68: {  	_ =	shalt  }
0x69: {  	_ =	shalt  }
0x6a: {  	_ =	shalt  }
0x6b: {  	_ =	shalt  }
0x6c: {  	_ =	shalt  }
0x6d: {  	_ =	shalt  }
0x6e: {  	_ =	shalt  }
0x6f: {  	_ =	shalt  }
0x70: {  	_ =	shalt  }
0x71: {  	_ =	shalt  }
0x72: {  	_ =	shalt  }
0x73: {  	_ =	shalt  }
0x74: {  	_ =	shalt  }
0x75: {  	_ =	shalt  }
0x76: {  	_ =	shalt  }
0x77: {  	_ =	shalt  }
0x78: {  	_ =	shalt  }
0x79: {  	_ =	shalt  }
0x7a: {  	_ =	shalt  }
0x7b: {  	_ =	shalt  }
0x7c: {  	_ =	shalt  }
0x7d: {  	_ =	shalt  }
0x7e: {  	_ =	shalt  }
0x7f: {  	_ =	shalt  }
0x80: {  	_ =	shalt  }
0x81: {  	_ =	shalt  }
0x82: {  	_ =	shalt  }
0x83: {  	_ =	shalt  }
0x84: {  	_ =	shalt  }
0x85: {  	_ =	shalt  }
0x86: {  	_ =	shalt  }
0x87: {  	_ =	shalt  }
.Lfunc_end0:
.L_simem_size_0:
called_computation_lowered:
.L_overlay_start_0:
0x88: {  	s2 =	sld [smem:$0x3FD9]  }
0x89: {  	s3 =	sld [smem:$0x3FFE];
	_ =	sdelay $0x1  }
0x8a: {  	s1 =	srdreg.scid  }
0x8b: {  	s0 =	sand.u32 $0x1, s1  }
0x8c: {  	s14 =	sshll.u32 s0, $0xA;
	s2 =	sadd.s32 s3, s2  }
0x8d: {  	s2 =	sadd.s32 s2, s14  }
0x8e: {  	[smem:$0x3FC4] =	sst s2  }
0x8f: {  	_ = 	snop  }
0x90: {  	s2 =	sld [smem:$0x3FD0]  }
0x91: {  	s15 =	sld [smem:$0x3FC8]  }
0x92: {  	s4 =	sld [smem:$0x3FC7]  }
0x93: {  	s6 =	simm.s32 $0xB;
	s7 =	simm.s32 $0x10;
	s5 =	sld [smem:$0x3FC6]  }
0x94: {  	[smem:s7], [sflag:s6] =	dma.local [hbm:s2], $0x1  }
0x95: {  	_ =	swait.eq [sflag:s6], $0x1  }
0x96: {  	[sflag:s6] =	ssyncset.done $0x0  }
0x97: {  	[sflag:s6] =	ssyncadd.s32 $0xFFFFFFFF  }
0x98: {  	s16 =	sld [smem:$0x10];
	(tm) =	ssettm $0x1  }
0x99: {  	s17 =	sld [smem:$0x3FFB];
	_ =	sdelay $0x3  }
0x9a: {  	_ =	strace s17  }
0x9b: {  	s6 =	sld [smem:$0x3FFC];
	_ =	sdelay $0x3  }
0x9c: {  	_ =	strace s6  }
0x9d: {  	s6 =	sld [smem:$0x3FFD];
	_ =	sdelay $0x3  }
0x9e: {  	_ =	strace s6  }
0x9f: {  	_ =	strace $0x8FFFFFFF  }
0xa0: {  	s18 =	sld [smem:$0x3FDB];
	_ =	sdelay $0x1  }
0xa1: {  	s19 =	simm.s32 $_scs_section_size  }
0xa2: {  	s8 =	simm.s32 $_size__tile_overlayer_lowered;
	s9 =	simm.s32 $_tile_overlayer_lowered  }
0xa3: {  	s22 =	simm.s32 $0x1BFF;
	s21 =	sshll.u32 s9, $0x1;
	s6 =	sadd.s32 s19, s18  }
0xa4: {  	s10 =	simm.s32 $0x0;
	s20 =	sshll.u32 s8, $0x1;
	s8 =	sadd.s32 s21, s6  }
0xa5: {  	[timem:s10], [sflag:s22] =	dma.local [hbm:s8], s20  }
0xa6: {  	_ =	swait.ge [sflag:s22], s20  }
0xa7: {  	s7 =	ssub.s32 $0x0, s20;
	[sflag:s22] =	ssyncset.done $0x0  }
0xa8: {  	[sflag:s22] =	ssyncadd.s32 s7;
	_ =	sdelay $0x1  }
0xa9: {  	s23 =	simm.s32 $0x1B8B  }
0xaa: {  	_ =	swait.ge [sflag:s23], $0x1  }
0xab: {  	[sflag:s23] =	ssyncset.done $0x0  }
0xac: {  	s25 =	simm.s32 $0x1B8E;
	s24 =	sld [smem:$0x3FFE];
	[sflag:s23] =	ssyncadd.s32 $0xFFFFFFFF  }
0xad: {  	s26 =	simm.s32 $execute0_lowered;
	[smem:$0x3FD2] =	sst s25  }
0xae: {  	s8 =	sshll.u32 s26, $0x1;
	_ =	strace $0x80000046;
	[dreg:$0x1] =	wrdreg $0xFFFFFFFF  }
0xaf: {  	s28 =	simm.s32 $_size_execute0_lowered;
	s6 =	sadd.s32 s6, s8;
	[dreg:$0x0] =	wrdreg $0x0  }
0xb0: {  	s8 =	sshll.u32 s28, $0x1;
	[dreg:$0x2] =	wrdreg s6  }
0xb1: {  	[dreg:$0x3] =	wrdreg s8  }
0xb2: {  	[dreg:$0x4] =	wrdreg $0xC0  }
0xb3: {  	_ =	task [dreg:s10], $0x5FFFF  }
0xb4: {  	[dreg:$0x1] =	wrdreg $0xFFFFFFFF  }
0xb5: {  	[dreg:$0x0] =	wrdreg $0x60  }
0xb6: {  	[dreg:$0x2] =	wrdreg s24  }
0xb7: {  	[dreg:$0x3] =	wrdreg s15  }
0xb8: {  	[dreg:$0x4] =	wrdreg s4  }
0xb9: {  	[dreg:$0x5] =	wrdreg s5  }
0xba: {  	[dreg:$0x6] =	wrdreg s16  }
0xbb: {  	[dreg:$0x7] =	wrdreg $0x9  }
0xbc: {  	_ =	task.clear_ibuf [dreg:s10], $0x8FFFF;
	_ =	strace $0x90000046  }
0xbd: {  	s29 =	simm.s32 $0x9;
	_ =	strace $0x80000048  }
0xbe: {  	_ =	swait.ge [sflag:s29], $0x1  }
0xbf: {  	[sflag:s29] =	ssyncadd.s32 $0xFFFFFFFF  }
0xc0: {  	_ =	strace $0x90000048  }
0xc1: {  	_ =	sfence  }
0xc2: {  	s30 =	sld [smem:$0x0];
	_ =	sdelay $0x2  }
0xc3: {  	s31 =	sshll.u32 s1, $0xD;
	s1 =	sshrl.u32 s1, $0x2  }
0xc4: {  	s3 =	sand.u32 $0x4000, s31;
	s1 =	sadd.s32 s1, s30  }
0xc5: {  	s0 =	sor.u32 s3, s0;
	s1 =	sshll.u32 s1, $0x11  }
0xc6: {  	s0 =	sor.u32 s1, s0  }
0xc7: {  	s0 =	sadd.s32 $0x8F2B, s0  }
0xc8: {  	[sflag:s0] =	ssyncadd.remote.s32 $0x1  }
0xc9: {  	_ =	sfence.sel $0xFFFF  }
0xca: {  	[dreg:$0x0] =	wrdreg $0xFFFFFFFF;
	(pc) =	sbr.abs _section_cstart, $3  }
0xcb: {  	[dreg:$0x1] =	wrdreg $0xFFFFFFFF  }
0xcc: {  	_ =	task.clear_ibuf [dreg:s10], $0x2FFFF;
	_ =	strace $0x9FFFFFFF  }
0xcd: {  	(tm) =	ssettm $0x7FFFFFFF  }
tec
execute0_lowered:
.L_overlay_start_1:
0x0: {  	(tag) =	ssettag $0x1  }
0x1: {  	s0 =	rddreg [dreg:$0x0]  }
0x2: {  	s1 =	rddreg [dreg:$0x1]  }
0x3: {  	s24 =	rddreg [dreg:$0x2]  }
0x4: {  	s13 =	rddreg [dreg:$0x3]  }
0x5: {  	s2 =	rddreg [dreg:$0x4];
	s8 =	simm.s32 $0x0  }
0x6: {  	s3 =	srdreg.scid;
	s4 =	stileid.u32;
	s12 =	simm.s32 $0x400  }
0x7: {  	s17 =	simm.s32 $0xC3800;
	s14 =	simm.s32 $0xC180;
	s18 =	simm.s32 $0xD180  }
0x8: {  	s19 =	simm.s32 $0xE180;
	s20 =	simm.s32 $0xF180;
	s21 =	simm.s32 $0x10180  }
0x9: {  	s26 =	simm.s32 $0x11180;
	s23 =	simm.s32 $0x12180;
	s25 =	simm.s32 $0x13180  }
0xa: {  	[smem:$0x7FF] =	sst s8;
	s3 =	sand.u32 $0x1, s3;
	s4 =	sshll.u32 s4, $0x1  }
0xb: {  	v0 =	vlaneseq.u32;
	_ =	strace $0x80000047;
	s4 =	sor.u32 s3, s4;
	s3 =	ssub.s32 $0x2, s3  }
0xc: {  	v0 =	vmul.u32 $0x80, v0;
	s5 =	sshll.u32 s4, $0x5;
	s6 =	sshll.u32 s4, $0xB;
	s29 =	sshll.u32 s4, $0x4  }
0xd: {  	s7 =	sshrl.u32 s3, $0x1;
	s4 =	sshll.u32 s4, $0xC;
	s1 =	sadd.s32 s1, s29  }
0xe: {  	v1 =	vor.u32 $0x800, v0;
	v2 =	vor.u32 $0x1000, v0;
	v3 =	vor.u32 $0x1800, v0;
	s5 =	sadd.s32 s5, s0;
	s30 =	sadd.s32 s2, s4;
	[dreg:$0x7] =	wrdreg s1  }
0xf: {  	v4 =	vor.u32 $0x2000, v0;
	v5 =	vor.u32 $0x2800, v0;
	v6 =	vor.u32 $0x3000, v0;
	s0 =	sadd.s32 s6, s0;
	s5 =	sadd.s32 $0x1800, s5;
	[dreg:$0x9] =	wrdreg s30  }
0x10: {  	v7 =	vor.u32 $0x3800, v0;
	v8 =	vor.u32 $0x4000, v0;
	v9 =	vor.u32 $0x4800, v0;
	s3 =	ssub.s32 s3, s7;
	s0 =	sadd.s32 $0x2000, s0;
	[dreg:$0x6] =	wrdreg s5  }
0x11: {  	s22 =	simm.s32 $0x1;
	v10 =	vor.u32 $0x5000, v0;
	v11 =	vor.u32 $0x5800, v0;
	v12 =	vor.u32 $0x6000, v0;
	s31 =	smax.u32 s3, $0x1;
	[dreg:$0x8] =	wrdreg s0  }
0x12: {  	v13 =	vor.u32 $0x6800, v0;
	v14 =	vor.u32 $0x7000, v0;
	v15 =	vor.u32 $0x7800, v0;
	s2 =	simm.s32 $0x0;
	s1 =	simm.s32 $0x2;
	[dreg:$0xa] =	wrdreg s31  }
.LBB2_1:
0x13: {  	[dreg:$0xb] =	wrdreg s2  }
0x14: {  	s0 =	rddreg [dreg:$0x6]  }
0x15: {  	[tilespmem:s8], [sflag:$0x2] =	stream.linear.gather [hbm4b:s0+s8], $0x100, $0x38;
	[tilespmem:$0x14180] =	vst v63  }
0x16: {  	_ =	swait.ge [sflag:s1], $0x100  }
0x17: {  	[sflag:s1] =	ssyncset.done $0x0  }
0x18: {  	s16 =	simm.s32 $0x100;
	s15 =	rddreg [dreg:$0x7];
	[sflag:s1] =	ssyncadd.s32 $0xFFFFFF00  }
0x19: {  	[tilespmem:s16], [sflag:$0x2] =	stream.linear.gather [hbm4b:s15+s8], $0x80, $0x38;
	[tilespmem:$0x14180] =	vst v63  }
0x1a: {  	_ =	swait.ge [sflag:s1], $0x80  }
0x1b: {  	[sflag:s1] =	ssyncset.done $0x0  }
0x1c: {  	s2 =	simm.s32 $0x0;
	[sflag:s1] =	ssyncadd.s32 $0xFFFFFF80  }
0x1d: {  	v16 =	vld [tilespmem:s2+$0x100];
	_ =	sdelay $0x4  }
0x1e: {  	(v2sf) =	vpush v16, $0x0  }
0x1f: {  	(v2sf) =	vpush v16, $0x1  }
0x20: {  	(v2sf) =	vpush v16, $0x2;
	_ =	sdelay $0x1  }
0x21: {  	(v2sf) =	vpush v16, $0x3;
	_ =	sdelay $0x1  }
0x22: {  	(v2sf) =	vpush v16, $0x4;
	_ =	sdelay $0x1  }
0x23: {  	(v2sf) =	vpush v16, $0x5;
	_ =	sdelay $0x1  }
0x24: {  	(v2sf) =	vpush v16, $0x6;
	_ =	sdelay $0x1  }
0x25: {  	(v2sf) =	vpush v16, $0x7;
	_ =	sdelay $0x2  }
0x26: {  	s0 =	spop (v2sf)  }
0x27: {  	s3 =	sand.u32 $0xFFFFF80, s0;
	s9 =	spop (v2sf)  }
0x28: {  	s1 =	sadd.s32 s13, s3;
	s3 =	sand.u32 $0xFFFFF80, s9;
	s2 =	spop (v2sf)  }
0x29: {  	[tilespmem:s14], [sflag:$0x1] =	stream.strided.gather [hbm4b:s1+s12], $0x1000, s17, s12, $0x38;
	[tilespmem:$0x14180] =	vst v63  }
0x2a: {  	(v2sf) =	vpush v16, $0x8;
	s3 =	sadd.s32 s13, s3;
	s4 =	sand.u32 $0xFFFFF80, s2;
	s1 =	spop (v2sf)  }
0x2b: {  	(v2sf) =	vpush v16, $0x9;
	[tilespmem:s18], [sflag:$0x1] =	stream.strided.gather [hbm4b:s3+s12], $0x1000, s17, s12, $0x38;
	[tilespmem:$0x14180] =	vst v63  }
0x2c: {  	(v2sf) =	vpush v16, $0xA;
	s4 =	sadd.s32 s13, s4;
	s5 =	sand.u32 $0xFFFFF80, s1;
	s16 =	spop (v2sf)  }
0x2d: {  	[tilespmem:s19], [sflag:$0x1] =	stream.strided.gather [hbm4b:s4+s12], $0x1000, s17, s12, $0x38;
	[tilespmem:$0x14180] =	vst v63  }
0x2e: {  	s6 =	sadd.s32 s13, s5;
	s7 =	sand.u32 $0xFFFFF80, s16;
	s15 =	spop (v2sf)  }
0x2f: {  	(v2sf) =	vpush v16, $0xB;
	[tilespmem:s20], [sflag:$0x1] =	stream.strided.gather [hbm4b:s6+s12], $0x1000, s17, s12, $0x38;
	[tilespmem:$0x14180] =	vst v63  }
0x30: {  	s8 =	sadd.s32 s13, s7;
	s10 =	sand.u32 $0xFFFFF80, s15;
	s11 =	spop (v2sf)  }
0x31: {  	(v2sf) =	vpush v16, $0xC;
	[tilespmem:s21], [sflag:$0x1] =	stream.strided.gather [hbm4b:s8+s12], $0x1000, s17, s12, $0x38;
	[tilespmem:$0x14180] =	vst v63  }
0x32: {  	(v2sf) =	vpush v16, $0xD;
	s4 =	sadd.s32 s13, s10;
	s5 =	sand.u32 $0xFFFFF80, s11;
	s10 =	spop (v2sf)  }
0x33: {  	(v2sf) =	vpush v16, $0xE;
	[tilespmem:s26], [sflag:$0x1] =	stream.strided.gather [hbm4b:s4+s12], $0x1000, s17, s12, $0x38;
	[tilespmem:$0x14180] =	vst v63  }
0x34: {  	s7 =	sand.u32 $0xFFFFF80, s10;
	s6 =	sadd.s32 s13, s5  }
0x35: {  	[tilespmem:s23], [sflag:$0x1] =	stream.strided.gather [hbm4b:s6+s12], $0x1000, s17, s12, $0x38;
	[tilespmem:$0x14180] =	vst v63  }
0x36: {  	s8 =	sadd.s32 s13, s7  }
0x37: {  	(v2sf) =	vpush v16, $0xF;
	[tilespmem:s25], [sflag:$0x1] =	stream.strided.gather [hbm4b:s8+s12], $0x1000, s17, s12, $0x38;
	[tilespmem:$0x14180] =	vst v63  }
0x38: {  	_ =	swait.ge [sflag:s22], $0x1000  }
0x39: {  	s8 =	spop (v2sf)  }
0x3a: {  	[sflag:s22] =	ssyncset.done $0x0;
	s7 =	spop (v2sf)  }
0x3b: {  	[sflag:s22] =	ssyncadd.s32 $0xFFFFF000;
	s6 =	spop (v2sf)  }
0x3c: {  	_ =	swait.ge [sflag:s22], $0x1000  }
0x3d: {  	[sflag:s22] =	ssyncset.done $0x0  }
0x3e: {  	s5 =	spop (v2sf);
	[sflag:s22] =	ssyncadd.s32 $0xFFFFF000  }
0x3f: {  	_ =	swait.ge [sflag:s22], $0x1000  }
0x40: {  	s0 =	sand.u32 $0x7F, s0;
	s4 =	spop (v2sf)  }
0x41: {  	v16 =	vor.u32 s0, v0;
	[sflag:s22] =	ssyncset.done $0x0;
	s3 =	spop (v2sf)  }
0x42: {  	v17 =	vor.u32 s0, v1;
	[sflag:s22] =	ssyncadd.s32 $0xFFFFF000;
	s0 =	spop (v2sf)  }
0x43: {  	_ =	swait.ge [sflag:s22], $0x1000  }
0x44: {  	[sflag:s22] =	ssyncset.done $0x0  }
0x45: {  	[sflag:s22] =	ssyncadd.s32 $0xFFFFF000  }
0x46: {  	v16 =	vld.idx.msk [tilespmem:v16+s14+$0x0], $0xffff  }
0x47: {  	s9 =	sand.u32 $0x7F, s9;
	v17 =	vld.idx.msk [tilespmem:v17+s14+$0x0], $0xffff  }
0x48: {  	v18 =	vor.u32 s9, v3  }
0x49: {  	v19 =	vor.u32 s9, v2  }
0x4a: {  	s28 =	simm.s32 $0x8580  }
0x4b: {  	[tilespmem:s28+$0xFFFFFC00] =	vst v16  }
0x4c: {  	[tilespmem:s28+$0xFFFFFC10] =	vst v17  }
0x4d: {  	v16 =	vld.idx.msk [tilespmem:v18+s14+$0x0], $0xffff  }
0x4e: {  	s2 =	sand.u32 $0x7F, s2;
	v17 =	vld.idx.msk [tilespmem:v19+s14+$0x0], $0xffff  }
0x4f: {  	v18 =	vor.u32 s2, v4  }
0x50: {  	v19 =	vor.u32 s2, v5;
	_ =	sdelay $0x1  }
0x51: {  	[tilespmem:s28+$0xFFFFFC90] =	vst v16  }
0x52: {  	[tilespmem:s28+$0xFFFFFC80] =	vst v17  }
0x53: {  	v16 =	vld.idx.msk [tilespmem:v18+s14+$0x0], $0xffff  }
0x54: {  	s1 =	sand.u32 $0x7F, s1;
	v17 =	vld.idx.msk [tilespmem:v19+s14+$0x0], $0xffff  }
0x55: {  	v18 =	vor.u32 s1, v6  }
0x56: {  	v19 =	vor.u32 s1, v7;
	_ =	sdelay $0x1  }
0x57: {  	[tilespmem:s28+$0xFFFFFD00] =	vst v16  }
0x58: {  	[tilespmem:s28+$0xFFFFFD10] =	vst v17  }
0x59: {  	v16 =	vld.idx.msk [tilespmem:v18+s14+$0x0], $0xffff  }
0x5a: {  	v17 =	vld.idx.msk [tilespmem:v19+s14+$0x0], $0xffff;
	_ =	sdelay $0x3  }
0x5b: {  	s2 =	sand.u32 $0xFFFFF80, s8;
	[tilespmem:s28+$0xFFFFFD80] =	vst v16  }
0x5c: {  	s9 =	sand.u32 $0xFFFFF80, s7;
	s1 =	sadd.s32 s13, s2;
	[tilespmem:s28+$0xFFFFFD90] =	vst v17  }
0x5d: {  	[tilespmem:s14], [sflag:$0x1] =	stream.strided.gather [hbm4b:s1+s12], $0x1000, s17, s12, $0x38;
	[tilespmem:$0x14180] =	vst v63  }
0x5e: {  	s2 =	sand.u32 $0xFFFFF80, s6;
	s1 =	sadd.s32 s13, s9  }
0x5f: {  	[tilespmem:s18], [sflag:$0x1] =	stream.strided.gather [hbm4b:s1+s12], $0x1000, s17, s12, $0x38;
	[tilespmem:$0x14180] =	vst v63  }
0x60: {  	s9 =	sand.u32 $0xFFFFF80, s5;
	s1 =	sadd.s32 s13, s2  }
0x61: {  	[tilespmem:s19], [sflag:$0x1] =	stream.strided.gather [hbm4b:s1+s12], $0x1000, s17, s12, $0x38;
	[tilespmem:$0x14180] =	vst v63  }
0x62: {  	s1 =	sadd.s32 s13, s9;
	s9 =	spop (v2sf)  }
0x63: {  	[tilespmem:s20], [sflag:$0x1] =	stream.strided.gather [hbm4b:s1+s12], $0x1000, s17, s12, $0x38;
	[tilespmem:$0x14180] =	vst v63  }
0x64: {  	_ =	swait.ge [sflag:s22], $0x1000  }
0x65: {  	[sflag:s22] =	ssyncset.done $0x0  }
0x66: {  	[sflag:s22] =	ssyncadd.s32 $0xFFFFF000  }
0x67: {  	_ =	swait.ge [sflag:s22], $0x1000  }
0x68: {  	[sflag:s22] =	ssyncset.done $0x0  }
0x69: {  	[sflag:s22] =	ssyncadd.s32 $0xFFFFF000  }
0x6a: {  	s2 =	sand.u32 $0x7F, s16;
	_ =	swait.ge [sflag:s22], $0x1000  }
0x6b: {  	v16 =	vor.u32 s2, v8;
	[sflag:s22] =	ssyncset.done $0x0  }
0x6c: {  	v17 =	vor.u32 s2, v9;
	[sflag:s22] =	ssyncadd.s32 $0xFFFFF000  }
0x6d: {  	_ =	swait.ge [sflag:s22], $0x1000  }
0x6e: {  	[sflag:s22] =	ssyncset.done $0x0  }
0x6f: {  	[sflag:s22] =	ssyncadd.s32 $0xFFFFF000  }
0x70: {  	v16 =	vld.idx.msk [tilespmem:v16+s14+$0x0], $0xffff  }
0x71: {  	s16 =	sand.u32 $0x7F, s15;
	v17 =	vld.idx.msk [tilespmem:v17+s14+$0x0], $0xffff  }
0x72: {  	v18 =	vor.u32 s16, v10  }
0x73: {  	v19 =	vor.u32 s16, v11;
	_ =	sdelay $0x1  }
0x74: {  	[tilespmem:s28+$0xFFFFFE00] =	vst v16  }
0x75: {  	[tilespmem:s28+$0xFFFFFE10] =	vst v17  }
0x76: {  	v16 =	vld.idx.msk [tilespmem:v18+s14+$0x0], $0xffff  }
0x77: {  	s2 =	sand.u32 $0x7F, s11;
	v17 =	vld.idx.msk [tilespmem:v19+s14+$0x0], $0xffff  }
0x78: {  	v18 =	vor.u32 s2, v12  }
0x79: {  	v19 =	vor.u32 s2, v13;
	_ =	sdelay $0x1  }
0x7a: {  	[tilespmem:s28+$0xFFFFFE80] =	vst v16  }
0x7b: {  	[tilespmem:s28+$0xFFFFFE90] =	vst v17  }
0x7c: {  	v16 =	vld.idx.msk [tilespmem:v18+s14+$0x0], $0xffff  }
0x7d: {  	s10 =	sand.u32 $0x7F, s10;
	v17 =	vld.idx.msk [tilespmem:v19+s14+$0x0], $0xffff  }
0x7e: {  	v18 =	vor.u32 s10, v14  }
0x7f: {  	v19 =	vor.u32 s10, v15;
	_ =	sdelay $0x1  }
0x80: {  	[tilespmem:s28+$0xFFFFFF00] =	vst v16  }
0x81: {  	[tilespmem:s28+$0xFFFFFF10] =	vst v17  }
0x82: {  	v16 =	vld.idx.msk [tilespmem:v18+s14+$0x0], $0xffff  }
0x83: {  	v17 =	vld.idx.msk [tilespmem:v19+s14+$0x0], $0xffff;
	_ =	sdelay $0x3  }
0x84: {  	s11 =	sand.u32 $0xFFFFF80, s4;
	[tilespmem:s28+$0xFFFFFF80] =	vst v16  }
0x85: {  	s15 =	sand.u32 $0xFFFFF80, s3;
	s1 =	sadd.s32 s13, s11;
	[tilespmem:s28+$0xFFFFFF90] =	vst v17  }
0x86: {  	[tilespmem:s21], [sflag:$0x1] =	stream.strided.gather [hbm4b:s1+s12], $0x1000, s17, s12, $0x38;
	[tilespmem:$0x14180] =	vst v63  }
0x87: {  	s16 =	sand.u32 $0xFFFFF80, s0;
	s1 =	sadd.s32 s13, s15  }
0x88: {  	[tilespmem:s26], [sflag:$0x1] =	stream.strided.gather [hbm4b:s1+s12], $0x1000, s17, s12, $0x38;
	[tilespmem:$0x14180] =	vst v63  }
0x89: {  	s2 =	sand.u32 $0xFFFFF80, s9;
	s1 =	sadd.s32 s13, s16  }
0x8a: {  	[tilespmem:s23], [sflag:$0x1] =	stream.strided.gather [hbm4b:s1+s12], $0x1000, s17, s12, $0x38;
	[tilespmem:$0x14180] =	vst v63  }
0x8b: {  	s1 =	sadd.s32 s13, s2  }
0x8c: {  	[tilespmem:s25], [sflag:$0x1] =	stream.strided.gather [hbm4b:s1+s12], $0x1000, s17, s12, $0x38;
	[tilespmem:$0x14180] =	vst v63  }
0x8d: {  	_ =	swait.ge [sflag:s22], $0x1000  }
0x8e: {  	[sflag:s22] =	ssyncset.done $0x0  }
0x8f: {  	[sflag:s22] =	ssyncadd.s32 $0xFFFFF000  }
0x90: {  	_ =	swait.ge [sflag:s22], $0x1000  }
0x91: {  	[sflag:s22] =	ssyncset.done $0x0  }
0x92: {  	[sflag:s22] =	ssyncadd.s32 $0xFFFFF000  }
0x93: {  	s10 =	sand.u32 $0x7F, s8;
	_ =	swait.ge [sflag:s22], $0x1000  }
0x94: {  	v16 =	vor.u32 s10, v0;
	[sflag:s22] =	ssyncset.done $0x0  }
0x95: {  	v17 =	vor.u32 s10, v1;
	[sflag:s22] =	ssyncadd.s32 $0xFFFFF000  }
0x96: {  	_ =	swait.ge [sflag:s22], $0x1000  }
0x97: {  	[sflag:s22] =	ssyncset.done $0x0  }
0x98: {  	[sflag:s22] =	ssyncadd.s32 $0xFFFFF000  }
0x99: {  	v16 =	vld.idx.msk [tilespmem:v16+s14+$0x0], $0xffff  }
0x9a: {  	s11 =	sand.u32 $0x7F, s7;
	v17 =	vld.idx.msk [tilespmem:v17+s14+$0x0], $0xffff  }
0x9b: {  	v18 =	vor.u32 s11, v2  }
0x9c: {  	v19 =	vor.u32 s11, v3;
	_ =	sdelay $0x1  }
0x9d: {  	[tilespmem:s28+$0x0] =	vst v16  }
0x9e: {  	[tilespmem:s28+$0x10] =	vst v17  }
0x9f: {  	v16 =	vld.idx.msk [tilespmem:v18+s14+$0x0], $0xffff  }
0xa0: {  	s15 =	sand.u32 $0x7F, s6;
	v17 =	vld.idx.msk [tilespmem:v19+s14+$0x0], $0xffff  }
0xa1: {  	v18 =	vor.u32 s15, v4  }
0xa2: {  	v19 =	vor.u32 s15, v5;
	_ =	sdelay $0x1  }
0xa3: {  	[tilespmem:s28+$0x80] =	vst v16  }
0xa4: {  	[tilespmem:s28+$0x90] =	vst v17  }
0xa5: {  	v16 =	vld.idx.msk [tilespmem:v18+s14+$0x0], $0xffff  }
0xa6: {  	s16 =	sand.u32 $0x7F, s5;
	v17 =	vld.idx.msk [tilespmem:v19+s14+$0x0], $0xffff  }
0xa7: {  	v18 =	vor.u32 s16, v6  }
0xa8: {  	v19 =	vor.u32 s16, v7;
	_ =	sdelay $0x1  }
0xa9: {  	[tilespmem:s28+$0x100] =	vst v16  }
0xaa: {  	[tilespmem:s28+$0x110] =	vst v17  }
0xab: {  	v16 =	vld.idx.msk [tilespmem:v18+s14+$0x0], $0xffff  }
0xac: {  	v17 =	vld.idx.msk [tilespmem:v19+s14+$0x0], $0xffff;
	_ =	sdelay $0x3  }
0xad: {  	[tilespmem:s28+$0x180] =	vst v16  }
0xae: {  	[tilespmem:s28+$0x190] =	vst v17  }
0xaf: {  	_ =	swait.ge [sflag:s22], $0x1000  }
0xb0: {  	[sflag:s22] =	ssyncset.done $0x0  }
0xb1: {  	[sflag:s22] =	ssyncadd.s32 $0xFFFFF000  }
0xb2: {  	_ =	swait.ge [sflag:s22], $0x1000  }
0xb3: {  	[sflag:s22] =	ssyncset.done $0x0  }
0xb4: {  	[sflag:s22] =	ssyncadd.s32 $0xFFFFF000  }
0xb5: {  	s23 =	sand.u32 $0x7F, s4;
	_ =	swait.ge [sflag:s22], $0x1000  }
0xb6: {  	v16 =	vor.u32 s23, v8;
	[sflag:s22] =	ssyncset.done $0x0  }
0xb7: {  	v17 =	vor.u32 s23, v9;
	[sflag:s22] =	ssyncadd.s32 $0xFFFFF000  }
0xb8: {  	_ =	swait.ge [sflag:s22], $0x1000  }
0xb9: {  	[sflag:s22] =	ssyncset.done $0x0  }
0xba: {  	[sflag:s22] =	ssyncadd.s32 $0xFFFFF000  }
0xbb: {  	v16 =	vld.idx.msk [tilespmem:v16+s14+$0x0], $0xffff  }
0xbc: {  	s25 =	sand.u32 $0x7F, s3;
	v17 =	vld.idx.msk [tilespmem:v17+s14+$0x0], $0xffff  }
0xbd: {  	v18 =	vor.u32 s25, v10;
	_ =	sdelay $0x2  }
0xbe: {  	[tilespmem:s28+$0x200] =	vst v16  }
0xbf: {  	s30 =	simm.s32 $0x40;
	[tilespmem:s28+$0x210] =	vst v17  }
0xc0: {  	s29 =	simm.s32 $0x8580;
	s0 =	sand.u32 $0x7F, s0;
	s31 =	sand.u32 $0x7F, s9;
	v17 =	vor.u32 s25, v11;
	v16 =	vld.idx.msk [tilespmem:v18+s14+$0x0], $0xffff  }
.LBB2_2:
0xc1: {  	_ =	sdelay $0x3  }
0xc2: {  	v17 =	vld.idx.msk [tilespmem:v17+s14+$0x0], $0xffff  }
0xc3: {  	v18 =	vor.u32 s0, v12  }
0xc4: {  	v19 =	vor.u32 s0, v13;
	_ =	sdelay $0x1  }
0xc5: {  	[tilespmem:s29+$0x280] =	vst v16  }
0xc6: {  	[tilespmem:s29+$0x290] =	vst v17  }
0xc7: {  	v16 =	vld.idx.msk [tilespmem:v18+s14+$0x0], $0xffff  }
0xc8: {  	v17 =	vld.idx.msk [tilespmem:v19+s14+$0x0], $0xffff  }
0xc9: {  	v18 =	vor.u32 s31, v14  }
0xca: {  	v19 =	vor.u32 s31, v15;
	_ =	sdelay $0x1  }
0xcb: {  	[tilespmem:s29+$0x300] =	vst v16  }
0xcc: {  	[tilespmem:s29+$0x310] =	vst v17  }
0xcd: {  	v16 =	vld.idx.msk [tilespmem:v18+s14+$0x0], $0xffff  }
0xce: {  	v17 =	vld.idx.msk [tilespmem:v19+s14+$0x0], $0xffff;
	_ =	sdelay $0x3  }
0xcf: {  	s1 =	smov.u32 s30;
	[tilespmem:s29+$0x380] =	vst v16  }
0xd0: {  	s6 =	sshra.s32 s1, $0x2;
	[tilespmem:s29+$0x390] =	vst v17  }
0xd1: {  	v16 =	vld [tilespmem:s6+$0x100];
	_ =	sdelay $0x4  }
0xd2: {  	(v2sf) =	vpush v16, $0x0  }
0xd3: {  	(v2sf) =	vpush v16, $0x1  }
0xd4: {  	(v2sf) =	vpush v16, $0x2;
	_ =	sdelay $0x1  }
0xd5: {  	(v2sf) =	vpush v16, $0x3;
	_ =	sdelay $0x1  }
0xd6: {  	(v2sf) =	vpush v16, $0x4;
	_ =	sdelay $0x1  }
0xd7: {  	(v2sf) =	vpush v16, $0x5;
	_ =	sdelay $0x1  }
0xd8: {  	(v2sf) =	vpush v16, $0x6;
	_ =	sdelay $0x1  }
0xd9: {  	(v2sf) =	vpush v16, $0x7;
	_ =	sdelay $0x2  }
0xda: {  	s7 =	spop (v2sf)  }
0xdb: {  	s8 =	sand.u32 $0xFFFFF80, s7;
	s0 =	sand.u32 $0x7F, s7;
	s2 =	spop (v2sf)  }
0xdc: {  	s1 =	sadd.s32 s13, s8;
	s3 =	sand.u32 $0xFFFFF80, s2;
	s4 =	spop (v2sf)  }
0xdd: {  	[tilespmem:s14], [sflag:$0x1] =	stream.strided.gather [hbm4b:s1+s12], $0x1000, s17, s12, $0x38;
	[tilespmem:$0x14180] =	vst v63  }
0xde: {  	(v2sf) =	vpush v16, $0x8;
	s9 =	sadd.s32 s13, s3;
	s10 =	sand.u32 $0xFFFFF80, s4;
	s5 =	spop (v2sf)  }
0xdf: {  	(v2sf) =	vpush v16, $0x9;
	[tilespmem:s18], [sflag:$0x1] =	stream.strided.gather [hbm4b:s9+s12], $0x1000, s17, s12, $0x38;
	[tilespmem:$0x14180] =	vst v63  }
0xe0: {  	(v2sf) =	vpush v16, $0xA;
	s11 =	sadd.s32 s13, s10;
	s15 =	sand.u32 $0xFFFFF80, s5;
	s6 =	spop (v2sf)  }
0xe1: {  	[tilespmem:s19], [sflag:$0x1] =	stream.strided.gather [hbm4b:s11+s12], $0x1000, s17, s12, $0x38;
	[tilespmem:$0x14180] =	vst v63  }
0xe2: {  	s16 =	sadd.s32 s13, s15;
	s18 =	sand.u32 $0xFFFFF80, s6;
	s7 =	spop (v2sf)  }
0xe3: {  	(v2sf) =	vpush v16, $0xB;
	[tilespmem:s20], [sflag:$0x1] =	stream.strided.gather [hbm4b:s16+s12], $0x1000, s17, s12, $0x38;
	[tilespmem:$0x14180] =	vst v63  }
0xe4: {  	s8 =	spop (v2sf);
	s19 =	sadd.s32 s13, s18;
	s20 =	sand.u32 $0xFFFFF80, s7  }
0xe5: {  	(v2sf) =	vpush v16, $0xC;
	[tilespmem:s21], [sflag:$0x1] =	stream.strided.gather [hbm4b:s19+s12], $0x1000, s17, s12, $0x38;
	[tilespmem:$0x14180] =	vst v63  }
0xe6: {  	(v2sf) =	vpush v16, $0xD;
	s23 =	sand.u32 $0xFFFFF80, s8;
	s9 =	spop (v2sf);
	s21 =	sadd.s32 s13, s20  }
0xe7: {  	(v2sf) =	vpush v16, $0xE;
	[tilespmem:s26], [sflag:$0x1] =	stream.strided.gather [hbm4b:s21+s12], $0x1000, s17, s12, $0x38;
	[tilespmem:$0x14180] =	vst v63  }
0xe8: {  	s10 =	simm.s32 $0x12180;
	s25 =	sadd.s32 s13, s23;
	s26 =	sand.u32 $0xFFFFF80, s9  }
0xe9: {  	[tilespmem:s10], [sflag:$0x1] =	stream.strided.gather [hbm4b:s25+s12], $0x1000, s17, s12, $0x38;
	[tilespmem:$0x14180] =	vst v63  }
0xea: {  	s11 =	simm.s32 $0x13180;
	s3 =	sadd.s32 s13, s26  }
0xeb: {  	(v2sf) =	vpush v16, $0xF;
	[tilespmem:s11], [sflag:$0x1] =	stream.strided.gather [hbm4b:s3+s12], $0x1000, s17, s12, $0x38;
	[tilespmem:$0x14180] =	vst v63  }
0xec: {  	_ =	swait.ge [sflag:s22], $0x1000  }
0xed: {  	s13 =	spop (v2sf)  }
0xee: {  	[sflag:s22] =	ssyncset.done $0x0;
	s25 =	spop (v2sf)  }
0xef: {  	[sflag:s22] =	ssyncadd.s32 $0xFFFFF000;
	s11 =	spop (v2sf)  }
0xf0: {  	_ =	swait.ge [sflag:s22], $0x1000  }
0xf1: {  	[sflag:s22] =	ssyncset.done $0x0  }
0xf2: {  	s23 =	spop (v2sf);
	[sflag:s22] =	ssyncadd.s32 $0xFFFFF000  }
0xf3: {  	_ =	swait.ge [sflag:s22], $0x1000  }
0xf4: {  	s3 =	spop (v2sf)  }
0xf5: {  	v16 =	vor.u32 s0, v0;
	[sflag:s22] =	ssyncset.done $0x0;
	s31 =	spop (v2sf)  }
0xf6: {  	v17 =	vor.u32 s0, v1;
	[sflag:s22] =	ssyncadd.s32 $0xFFFFF000;
	s0 =	spop (v2sf)  }
0xf7: {  	_ =	swait.ge [sflag:s22], $0x1000  }
0xf8: {  	[sflag:s22] =	ssyncset.done $0x0  }
0xf9: {  	[sflag:s22] =	ssyncadd.s32 $0xFFFFF000  }
0xfa: {  	v16 =	vld.idx.msk [tilespmem:v16+s14+$0x0], $0xffff  }
0xfb: {  	s2 =	sand.u32 $0x7F, s2;
	v17 =	vld.idx.msk [tilespmem:v17+s14+$0x0], $0xffff  }
0xfc: {  	v18 =	vor.u32 s2, v3  }
0xfd: {  	v19 =	vor.u32 s2, v2  }
0xfe: {  	s28 =	sadd.s32 $0x800, s28  }
0xff: {  	[tilespmem:s28+$0xFFFFFC00] =	vst v16  }
0x100: {  	[tilespmem:s28+$0xFFFFFC10] =	vst v17  }
0x101: {  	v16 =	vld.idx.msk [tilespmem:v18+s14+$0x0], $0xffff  }
0x102: {  	s1 =	sand.u32 $0x7F, s4;
	v17 =	vld.idx.msk [tilespmem:v19+s14+$0x0], $0xffff  }
0x103: {  	v18 =	vor.u32 s1, v4  }
0x104: {  	v19 =	vor.u32 s1, v5;
	_ =	sdelay $0x1  }
0x105: {  	[tilespmem:s28+$0xFFFFFC90] =	vst v16  }
0x106: {  	[tilespmem:s28+$0xFFFFFC80] =	vst v17  }
0x107: {  	v16 =	vld.idx.msk [tilespmem:v18+s14+$0x0], $0xffff  }
0x108: {  	s21 =	sand.u32 $0x7F, s5;
	v17 =	vld.idx.msk [tilespmem:v19+s14+$0x0], $0xffff  }
0x109: {  	v18 =	vor.u32 s21, v6  }
0x10a: {  	v19 =	vor.u32 s21, v7;
	_ =	sdelay $0x1  }
0x10b: {  	[tilespmem:s28+$0xFFFFFD00] =	vst v16  }
0x10c: {  	[tilespmem:s28+$0xFFFFFD10] =	vst v17  }
0x10d: {  	s15 =	sand.u32 $0x7F, s6;
	s16 =	sand.u32 $0x7F, s7;
	v16 =	vld.idx.msk [tilespmem:v18+s14+$0x0], $0xffff  }
0x10e: {  	s26 =	sand.u32 $0x7F, s8;
	s17 =	sand.u32 $0xFFFFF80, s13;
	s5 =	sand.u32 $0x7F, s13;
	v17 =	vld.idx.msk [tilespmem:v19+s14+$0x0], $0xffff  }
0x10f: {  	s18 =	sand.u32 $0xFFFFF80, s25;
	s6 =	sand.u32 $0x7F, s25;
	s19 =	sand.u32 $0xFFFFF80, s11  }
0x110: {  	s25 =	sand.u32 $0x7F, s11;
	s7 =	sand.u32 $0xFFFFF80, s3;
	s11 =	sand.u32 $0x7F, s3  }
0x111: {  	s8 =	sand.u32 $0xFFFFF80, s31;
	s3 =	sand.u32 $0x7F, s31;
	s13 =	spop (v2sf)  }
0x112: {  	s4 =	sand.u32 $0xFFFFF80, s13;
	s31 =	sand.u32 $0x7F, s13;
	s13 =	rddreg [dreg:$0x3];
	[tilespmem:s28+$0xFFFFFD80] =	vst v16  }
0x113: {  	s2 =	sadd.s32 s13, s17;
	s17 =	simm.s32 $0xC3800;
	[tilespmem:s28+$0xFFFFFD90] =	vst v17  }
0x114: {  	[tilespmem:s14], [sflag:$0x1] =	stream.strided.gather [hbm4b:s2+s12], $0x1000, s17, s12, $0x38;
	[tilespmem:$0x14180] =	vst v63  }
0x115: {  	s2 =	sadd.s32 s13, s18;
	s18 =	simm.s32 $0xD180  }
0x116: {  	[tilespmem:s18], [sflag:$0x1] =	stream.strided.gather [hbm4b:s2+s12], $0x1000, s17, s12, $0x38;
	[tilespmem:$0x14180] =	vst v63  }
0x117: {  	s20 =	sand.u32 $0xFFFFF80, s23;
	s2 =	sadd.s32 s13, s19;
	s19 =	simm.s32 $0xE180  }
0x118: {  	[tilespmem:s19], [sflag:$0x1] =	stream.strided.gather [hbm4b:s2+s12], $0x1000, s17, s12, $0x38;
	[tilespmem:$0x14180] =	vst v63  }
0x119: {  	s2 =	sadd.s32 s13, s20;
	s20 =	simm.s32 $0xF180  }
0x11a: {  	[tilespmem:s20], [sflag:$0x1] =	stream.strided.gather [hbm4b:s2+s12], $0x1000, s17, s12, $0x38;
	[tilespmem:$0x14180] =	vst v63  }
0x11b: {  	_ =	swait.ge [sflag:s22], $0x1000  }
0x11c: {  	[sflag:s22] =	ssyncset.done $0x0  }
0x11d: {  	[sflag:s22] =	ssyncadd.s32 $0xFFFFF000  }
0x11e: {  	_ =	swait.ge [sflag:s22], $0x1000  }
0x11f: {  	[sflag:s22] =	ssyncset.done $0x0  }
0x120: {  	[sflag:s22] =	ssyncadd.s32 $0xFFFFF000  }
0x121: {  	_ =	swait.ge [sflag:s22], $0x1000  }
0x122: {  	v16 =	vor.u32 s15, v8;
	[sflag:s22] =	ssyncset.done $0x0  }
0x123: {  	v17 =	vor.u32 s15, v9;
	[sflag:s22] =	ssyncadd.s32 $0xFFFFF000  }
0x124: {  	_ =	swait.ge [sflag:s22], $0x1000  }
0x125: {  	[sflag:s22] =	ssyncset.done $0x0  }
0x126: {  	[sflag:s22] =	ssyncadd.s32 $0xFFFFF000  }
0x127: {  	v16 =	vld.idx.msk [tilespmem:v16+s14+$0x0], $0xffff  }
0x128: {  	v17 =	vld.idx.msk [tilespmem:v17+s14+$0x0], $0xffff  }
0x129: {  	v18 =	vor.u32 s16, v10  }
0x12a: {  	v19 =	vor.u32 s16, v11;
	_ =	sdelay $0x1  }
0x12b: {  	[tilespmem:s28+$0xFFFFFE00] =	vst v16  }
0x12c: {  	[tilespmem:s28+$0xFFFFFE10] =	vst v17  }
0x12d: {  	v16 =	vld.idx.msk [tilespmem:v18+s14+$0x0], $0xffff  }
0x12e: {  	v17 =	vld.idx.msk [tilespmem:v19+s14+$0x0], $0xffff  }
0x12f: {  	v18 =	vor.u32 s26, v12  }
0x130: {  	v19 =	vor.u32 s26, v13;
	_ =	sdelay $0x1  }
0x131: {  	[tilespmem:s28+$0xFFFFFE80] =	vst v16  }
0x132: {  	[tilespmem:s28+$0xFFFFFE90] =	vst v17  }
0x133: {  	v16 =	vld.idx.msk [tilespmem:v18+s14+$0x0], $0xffff  }
0x134: {  	s10 =	sand.u32 $0x7F, s9;
	v17 =	vld.idx.msk [tilespmem:v19+s14+$0x0], $0xffff  }
0x135: {  	v18 =	vor.u32 s10, v14  }
0x136: {  	v19 =	vor.u32 s10, v15;
	_ =	sdelay $0x1  }
0x137: {  	[tilespmem:s28+$0xFFFFFF00] =	vst v16  }
0x138: {  	[tilespmem:s28+$0xFFFFFF10] =	vst v17  }
0x139: {  	v16 =	vld.idx.msk [tilespmem:v18+s14+$0x0], $0xffff  }
0x13a: {  	v17 =	vld.idx.msk [tilespmem:v19+s14+$0x0], $0xffff;
	_ =	sdelay $0x3  }
0x13b: {  	[tilespmem:s28+$0xFFFFFF80] =	vst v16  }
0x13c: {  	s7 =	sadd.s32 s13, s7;
	s21 =	simm.s32 $0x10180;
	[tilespmem:s28+$0xFFFFFF90] =	vst v17  }
0x13d: {  	[tilespmem:s21], [sflag:$0x1] =	stream.strided.gather [hbm4b:s7+s12], $0x1000, s17, s12, $0x38;
	[tilespmem:$0x14180] =	vst v63  }
0x13e: {  	s9 =	sand.u32 $0xFFFFF80, s0;
	s8 =	sadd.s32 s13, s8;
	s26 =	simm.s32 $0x11180  }
0x13f: {  	[tilespmem:s26], [sflag:$0x1] =	stream.strided.gather [hbm4b:s8+s12], $0x1000, s17, s12, $0x38;
	[tilespmem:$0x14180] =	vst v63  }
0x140: {  	s9 =	sadd.s32 s13, s9;
	s10 =	simm.s32 $0x12180  }
0x141: {  	[tilespmem:s10], [sflag:$0x1] =	stream.strided.gather [hbm4b:s9+s12], $0x1000, s17, s12, $0x38;
	[tilespmem:$0x14180] =	vst v63  }
0x142: {  	s16 =	simm.s32 $0x13180;
	s15 =	sadd.s32 s13, s4  }
0x143: {  	[tilespmem:s16], [sflag:$0x1] =	stream.strided.gather [hbm4b:s15+s12], $0x1000, s17, s12, $0x38;
	[tilespmem:$0x14180] =	vst v63  }
0x144: {  	_ =	swait.ge [sflag:s22], $0x1000  }
0x145: {  	[sflag:s22] =	ssyncset.done $0x0  }
0x146: {  	[sflag:s22] =	ssyncadd.s32 $0xFFFFF000  }
0x147: {  	_ =	swait.ge [sflag:s22], $0x1000  }
0x148: {  	[sflag:s22] =	ssyncset.done $0x0  }
0x149: {  	[sflag:s22] =	ssyncadd.s32 $0xFFFFF000  }
0x14a: {  	_ =	swait.ge [sflag:s22], $0x1000  }
0x14b: {  	v16 =	vor.u32 s5, v0;
	[sflag:s22] =	ssyncset.done $0x0  }
0x14c: {  	v17 =	vor.u32 s5, v1;
	[sflag:s22] =	ssyncadd.s32 $0xFFFFF000  }
0x14d: {  	_ =	swait.ge [sflag:s22], $0x1000  }
0x14e: {  	[sflag:s22] =	ssyncset.done $0x0  }
0x14f: {  	[sflag:s22] =	ssyncadd.s32 $0xFFFFF000  }
0x150: {  	v16 =	vld.idx.msk [tilespmem:v16+s14+$0x0], $0xffff  }
0x151: {  	v17 =	vld.idx.msk [tilespmem:v17+s14+$0x0], $0xffff  }
0x152: {  	v18 =	vor.u32 s6, v2  }
0x153: {  	v19 =	vor.u32 s6, v3;
	_ =	sdelay $0x1  }
0x154: {  	[tilespmem:s28+$0x0] =	vst v16  }
0x155: {  	[tilespmem:s28+$0x10] =	vst v17  }
0x156: {  	v16 =	vld.idx.msk [tilespmem:v18+s14+$0x0], $0xffff  }
0x157: {  	v17 =	vld.idx.msk [tilespmem:v19+s14+$0x0], $0xffff  }
0x158: {  	v18 =	vor.u32 s25, v4  }
0x159: {  	v19 =	vor.u32 s25, v5;
	_ =	sdelay $0x1  }
0x15a: {  	[tilespmem:s28+$0x80] =	vst v16  }
0x15b: {  	[tilespmem:s28+$0x90] =	vst v17  }
0x15c: {  	v16 =	vld.idx.msk [tilespmem:v18+s14+$0x0], $0xffff  }
0x15d: {  	s23 =	sand.u32 $0x7F, s23;
	v17 =	vld.idx.msk [tilespmem:v19+s14+$0x0], $0xffff  }
0x15e: {  	v18 =	vor.u32 s23, v6  }
0x15f: {  	v19 =	vor.u32 s23, v7;
	_ =	sdelay $0x1  }
0x160: {  	[tilespmem:s28+$0x100] =	vst v16  }
0x161: {  	[tilespmem:s28+$0x110] =	vst v17  }
0x162: {  	v16 =	vld.idx.msk [tilespmem:v18+s14+$0x0], $0xffff  }
0x163: {  	v17 =	vld.idx.msk [tilespmem:v19+s14+$0x0], $0xffff;
	_ =	sdelay $0x3  }
0x164: {  	[tilespmem:s28+$0x180] =	vst v16  }
0x165: {  	[tilespmem:s28+$0x190] =	vst v17  }
0x166: {  	_ =	swait.ge [sflag:s22], $0x1000  }
0x167: {  	[sflag:s22] =	ssyncset.done $0x0  }
0x168: {  	[sflag:s22] =	ssyncadd.s32 $0xFFFFF000  }
0x169: {  	_ =	swait.ge [sflag:s22], $0x1000  }
0x16a: {  	[sflag:s22] =	ssyncset.done $0x0  }
0x16b: {  	[sflag:s22] =	ssyncadd.s32 $0xFFFFF000  }
0x16c: {  	_ =	swait.ge [sflag:s22], $0x1000  }
0x16d: {  	v16 =	vor.u32 s11, v8;
	[sflag:s22] =	ssyncset.done $0x0  }
0x16e: {  	v17 =	vor.u32 s11, v9;
	[sflag:s22] =	ssyncadd.s32 $0xFFFFF000  }
0x16f: {  	_ =	swait.ge [sflag:s22], $0x1000  }
0x170: {  	[sflag:s22] =	ssyncset.done $0x0  }
0x171: {  	[sflag:s22] =	ssyncadd.s32 $0xFFFFF000  }
0x172: {  	v16 =	vld.idx.msk [tilespmem:v16+s14+$0x0], $0xffff  }
0x173: {  	v18 =	vld.idx.msk [tilespmem:v17+s14+$0x0], $0xffff  }
0x174: {  	p0 =	sne.s32 s30, $0x1C0;
	v19 =	vor.u32 s3, v10  }
.Ltmp0:
0x175: {  	_ = 	snop;
	(pc) =	sbr.rel @p0 .LBB2_2-.Ltmp0, $4  }
0x176: {  	_ = 	snop  }
0x177: {  	[tilespmem:s28+$0x200] =	vst v16  }
0x178: {  	[tilespmem:s28+$0x210] =	vst v18  }
0x179: {  	s30 =	sadd.s32 $0x40, s30;
	s29 =	smov.u32 s28;
	s0 =	sand.u32 $0x7F, s0;
	v17 =	vor.u32 s3, v11;
	v16 =	vld.idx.msk [tilespmem:v19+s14+$0x0], $0xffff  }
0x17a: {  	_ =	sdelay $0x3  }
0x17b: {  	v17 =	vld.idx.msk [tilespmem:v17+s14+$0x0], $0xffff  }
0x17c: {  	v18 =	vor.u32 s0, v12  }
0x17d: {  	v19 =	vor.u32 s0, v13;
	_ =	sdelay $0x1  }
0x17e: {  	[tilespmem:s29+$0x280] =	vst v16  }
0x17f: {  	[tilespmem:s29+$0x290] =	vst v17  }
0x180: {  	v16 =	vld.idx.msk [tilespmem:v18+s14+$0x0], $0xffff  }
0x181: {  	v17 =	vld.idx.msk [tilespmem:v19+s14+$0x0], $0xffff  }
0x182: {  	v18 =	vor.u32 s31, v14  }
0x183: {  	v19 =	vor.u32 s31, v15;
	_ =	sdelay $0x1  }
0x184: {  	[tilespmem:s29+$0x300] =	vst v16  }
0x185: {  	[tilespmem:s29+$0x310] =	vst v17  }
0x186: {  	v16 =	vld.idx.msk [tilespmem:v18+s14+$0x0], $0xffff  }
0x187: {  	v17 =	vld.idx.msk [tilespmem:v19+s14+$0x0], $0xffff;
	_ =	sdelay $0x3  }
0x188: {  	s4 =	simm.s32 $0x0;
	[tilespmem:s29+$0x380] =	vst v16  }
0x189: {  	s1 =	rddreg [dreg:$0x8];
	s2 =	simm.s32 $0x8180;
	s5 =	simm.s32 $0x2;
	[tilespmem:s29+$0x390] =	vst v17  }
0x18a: {  	[hbm4b:s1+s4] =	stream.linear.scatter [tilespmem:s2], [sflag:$0x2], $0x4000, $0x38;
	[tilespmem:$0x14180] =	vst v63  }
0x18b: {  	_ =	swait.ge [sflag:s5], $0x4000  }
0x18c: {  	[sflag:s5] =	ssyncset.done $0x0  }
0x18d: {  	s6 =	simm.s32 $0x0;
	[sflag:s5] =	ssyncadd.s32 $0xFFFFC000  }
0x18e: {  	v16 =	vld [tilespmem:s6+$0x0];
	_ =	sdelay $0x4  }
0x18f: {  	(v2sf) =	vpush v16, $0x0  }
0x190: {  	(v2sf) =	vpush v16, $0x1  }
0x191: {  	(v2sf) =	vpush v16, $0x2;
	_ =	sdelay $0x1  }
0x192: {  	(v2sf) =	vpush v16, $0x3;
	_ =	sdelay $0x1  }
0x193: {  	(v2sf) =	vpush v16, $0x4;
	_ =	sdelay $0x1  }
0x194: {  	(v2sf) =	vpush v16, $0x5;
	_ =	sdelay $0x1  }
0x195: {  	(v2sf) =	vpush v16, $0x6;
	_ =	sdelay $0x1  }
0x196: {  	(v2sf) =	vpush v16, $0x7;
	_ =	sdelay $0x2  }
0x197: {  	s0 =	spop (v2sf)  }
0x198: {  	s17 =	simm.s32 $0x7A1400;
	s7 =	sand.u32 $0xFFFFF80, s0;
	s9 =	spop (v2sf)  }
0x199: {  	s1 =	sadd.s32 s24, s7;
	s3 =	sand.u32 $0xFFFFF80, s9;
	s2 =	spop (v2sf)  }
0x19a: {  	[tilespmem:s14], [sflag:$0x1] =	stream.strided.gather [hbm4b:s1+s12], $0x1000, s17, s12, $0x38;
	[tilespmem:$0x14180] =	vst v63  }
0x19b: {  	(v2sf) =	vpush v16, $0x8;
	s3 =	sadd.s32 s24, s3;
	s4 =	sand.u32 $0xFFFFF80, s2;
	s1 =	spop (v2sf)  }
0x19c: {  	(v2sf) =	vpush v16, $0x9;
	[tilespmem:s18], [sflag:$0x1] =	stream.strided.gather [hbm4b:s3+s12], $0x1000, s17, s12, $0x38;
	[tilespmem:$0x14180] =	vst v63  }
0x19d: {  	(v2sf) =	vpush v16, $0xA;
	s8 =	sadd.s32 s24, s4;
	s10 =	sand.u32 $0xFFFFF80, s1;
	s16 =	spop (v2sf)  }
0x19e: {  	[tilespmem:s19], [sflag:$0x1] =	stream.strided.gather [hbm4b:s8+s12], $0x1000, s17, s12, $0x38;
	[tilespmem:$0x14180] =	vst v63  }
0x19f: {  	s11 =	sadd.s32 s24, s10;
	s13 =	sand.u32 $0xFFFFF80, s16;
	s15 =	spop (v2sf)  }
0x1a0: {  	(v2sf) =	vpush v16, $0xB;
	[tilespmem:s20], [sflag:$0x1] =	stream.strided.gather [hbm4b:s11+s12], $0x1000, s17, s12, $0x38;
	[tilespmem:$0x14180] =	vst v63  }
0x1a1: {  	s23 =	sadd.s32 s24, s13;
	s25 =	sand.u32 $0xFFFFF80, s15;
	s11 =	spop (v2sf)  }
0x1a2: {  	(v2sf) =	vpush v16, $0xC;
	[tilespmem:s21], [sflag:$0x1] =	stream.strided.gather [hbm4b:s23+s12], $0x1000, s17, s12, $0x38;
	[tilespmem:$0x14180] =	vst v63  }
0x1a3: {  	(v2sf) =	vpush v16, $0xD;
	s4 =	sadd.s32 s24, s25;
	s5 =	sand.u32 $0xFFFFF80, s11;
	s10 =	spop (v2sf)  }
0x1a4: {  	(v2sf) =	vpush v16, $0xE;
	[tilespmem:s26], [sflag:$0x1] =	stream.strided.gather [hbm4b:s4+s12], $0x1000, s17, s12, $0x38;
	[tilespmem:$0x14180] =	vst v63  }
0x1a5: {  	s13 =	simm.s32 $0x12180;
	s6 =	sadd.s32 s24, s5;
	s7 =	sand.u32 $0xFFFFF80, s10  }
0x1a6: {  	[tilespmem:s13], [sflag:$0x1] =	stream.strided.gather [hbm4b:s6+s12], $0x1000, s17, s12, $0x38;
	[tilespmem:$0x14180] =	vst v63  }
0x1a7: {  	s23 =	simm.s32 $0x13180;
	s8 =	sadd.s32 s24, s7  }
0x1a8: {  	(v2sf) =	vpush v16, $0xF;
	[tilespmem:s23], [sflag:$0x1] =	stream.strided.gather [hbm4b:s8+s12], $0x1000, s17, s12, $0x38;
	[tilespmem:$0x14180] =	vst v63  }
0x1a9: {  	_ =	swait.ge [sflag:s22], $0x1000  }
0x1aa: {  	s8 =	spop (v2sf)  }
0x1ab: {  	[sflag:s22] =	ssyncset.done $0x0;
	s7 =	spop (v2sf)  }
0x1ac: {  	[sflag:s22] =	ssyncadd.s32 $0xFFFFF000;
	s6 =	spop (v2sf)  }
0x1ad: {  	_ =	swait.ge [sflag:s22], $0x1000  }
0x1ae: {  	[sflag:s22] =	ssyncset.done $0x0  }
0x1af: {  	s5 =	spop (v2sf);
	[sflag:s22] =	ssyncadd.s32 $0xFFFFF000  }
0x1b0: {  	_ =	swait.ge [sflag:s22], $0x1000  }
0x1b1: {  	s0 =	sand.u32 $0x7F, s0;
	s4 =	spop (v2sf)  }
0x1b2: {  	v16 =	vor.u32 s0, v0;
	[sflag:s22] =	ssyncset.done $0x0;
	s3 =	spop (v2sf)  }
0x1b3: {  	v17 =	vor.u32 s0, v1;
	[sflag:s22] =	ssyncadd.s32 $0xFFFFF000;
	s0 =	spop (v2sf)  }
0x1b4: {  	_ =	swait.ge [sflag:s22], $0x1000  }
0x1b5: {  	[sflag:s22] =	ssyncset.done $0x0  }
0x1b6: {  	[sflag:s22] =	ssyncadd.s32 $0xFFFFF000  }
0x1b7: {  	v16 =	vld.idx.msk [tilespmem:v16+s14+$0x0], $0xffff  }
0x1b8: {  	s9 =	sand.u32 $0x7F, s9;
	v17 =	vld.idx.msk [tilespmem:v17+s14+$0x0], $0xffff  }
0x1b9: {  	v18 =	vor.u32 s9, v3  }
0x1ba: {  	v19 =	vor.u32 s9, v2  }
0x1bb: {  	s28 =	simm.s32 $0x580  }
0x1bc: {  	[tilespmem:s28+$0xFFFFFC00] =	vst v16  }
0x1bd: {  	[tilespmem:s28+$0xFFFFFC10] =	vst v17  }
0x1be: {  	v16 =	vld.idx.msk [tilespmem:v18+s14+$0x0], $0xffff  }
0x1bf: {  	s2 =	sand.u32 $0x7F, s2;
	v17 =	vld.idx.msk [tilespmem:v19+s14+$0x0], $0xffff  }
0x1c0: {  	v18 =	vor.u32 s2, v4  }
0x1c1: {  	v19 =	vor.u32 s2, v5;
	_ =	sdelay $0x1  }
0x1c2: {  	[tilespmem:s28+$0xFFFFFC90] =	vst v16  }
0x1c3: {  	[tilespmem:s28+$0xFFFFFC80] =	vst v17  }
0x1c4: {  	v16 =	vld.idx.msk [tilespmem:v18+s14+$0x0], $0xffff  }
0x1c5: {  	s1 =	sand.u32 $0x7F, s1;
	v17 =	vld.idx.msk [tilespmem:v19+s14+$0x0], $0xffff  }
0x1c6: {  	v18 =	vor.u32 s1, v6  }
0x1c7: {  	v19 =	vor.u32 s1, v7;
	_ =	sdelay $0x1  }
0x1c8: {  	[tilespmem:s28+$0xFFFFFD00] =	vst v16  }
0x1c9: {  	[tilespmem:s28+$0xFFFFFD10] =	vst v17  }
0x1ca: {  	v16 =	vld.idx.msk [tilespmem:v18+s14+$0x0], $0xffff  }
0x1cb: {  	v17 =	vld.idx.msk [tilespmem:v19+s14+$0x0], $0xffff;
	_ =	sdelay $0x3  }
0x1cc: {  	s9 =	sand.u32 $0xFFFFF80, s8;
	[tilespmem:s28+$0xFFFFFD80] =	vst v16  }
0x1cd: {  	s25 =	sand.u32 $0xFFFFF80, s7;
	s1 =	sadd.s32 s24, s9;
	[tilespmem:s28+$0xFFFFFD90] =	vst v17  }
0x1ce: {  	[tilespmem:s14], [sflag:$0x1] =	stream.strided.gather [hbm4b:s1+s12], $0x1000, s17, s12, $0x38;
	[tilespmem:$0x14180] =	vst v63  }
0x1cf: {  	s2 =	sand.u32 $0xFFFFF80, s6;
	s1 =	sadd.s32 s24, s25  }
0x1d0: {  	[tilespmem:s18], [sflag:$0x1] =	stream.strided.gather [hbm4b:s1+s12], $0x1000, s17, s12, $0x38;
	[tilespmem:$0x14180] =	vst v63  }
0x1d1: {  	s9 =	sand.u32 $0xFFFFF80, s5;
	s1 =	sadd.s32 s24, s2  }
0x1d2: {  	[tilespmem:s19], [sflag:$0x1] =	stream.strided.gather [hbm4b:s1+s12], $0x1000, s17, s12, $0x38;
	[tilespmem:$0x14180] =	vst v63  }
0x1d3: {  	s1 =	sadd.s32 s24, s9;
	s9 =	spop (v2sf)  }
0x1d4: {  	[tilespmem:s20], [sflag:$0x1] =	stream.strided.gather [hbm4b:s1+s12], $0x1000, s17, s12, $0x38;
	[tilespmem:$0x14180] =	vst v63  }
0x1d5: {  	_ =	swait.ge [sflag:s22], $0x1000  }
0x1d6: {  	[sflag:s22] =	ssyncset.done $0x0  }
0x1d7: {  	[sflag:s22] =	ssyncadd.s32 $0xFFFFF000  }
0x1d8: {  	_ =	swait.ge [sflag:s22], $0x1000  }
0x1d9: {  	[sflag:s22] =	ssyncset.done $0x0  }
0x1da: {  	[sflag:s22] =	ssyncadd.s32 $0xFFFFF000  }
0x1db: {  	s25 =	sand.u32 $0x7F, s16;
	_ =	swait.ge [sflag:s22], $0x1000  }
0x1dc: {  	v16 =	vor.u32 s25, v8;
	[sflag:s22] =	ssyncset.done $0x0  }
0x1dd: {  	v17 =	vor.u32 s25, v9;
	[sflag:s22] =	ssyncadd.s32 $0xFFFFF000  }
0x1de: {  	_ =	swait.ge [sflag:s22], $0x1000  }
0x1df: {  	[sflag:s22] =	ssyncset.done $0x0  }
0x1e0: {  	[sflag:s22] =	ssyncadd.s32 $0xFFFFF000  }
0x1e1: {  	v16 =	vld.idx.msk [tilespmem:v16+s14+$0x0], $0xffff  }
0x1e2: {  	s2 =	sand.u32 $0x7F, s15;
	v17 =	vld.idx.msk [tilespmem:v17+s14+$0x0], $0xffff  }
0x1e3: {  	v18 =	vor.u32 s2, v10  }
0x1e4: {  	v19 =	vor.u32 s2, v11;
	_ =	sdelay $0x1  }
0x1e5: {  	[tilespmem:s28+$0xFFFFFE00] =	vst v16  }
0x1e6: {  	[tilespmem:s28+$0xFFFFFE10] =	vst v17  }
0x1e7: {  	v16 =	vld.idx.msk [tilespmem:v18+s14+$0x0], $0xffff  }
0x1e8: {  	s11 =	sand.u32 $0x7F, s11;
	v17 =	vld.idx.msk [tilespmem:v19+s14+$0x0], $0xffff  }
0x1e9: {  	v18 =	vor.u32 s11, v12  }
0x1ea: {  	v19 =	vor.u32 s11, v13;
	_ =	sdelay $0x1  }
0x1eb: {  	[tilespmem:s28+$0xFFFFFE80] =	vst v16  }
0x1ec: {  	[tilespmem:s28+$0xFFFFFE90] =	vst v17  }
0x1ed: {  	v16 =	vld.idx.msk [tilespmem:v18+s14+$0x0], $0xffff  }
0x1ee: {  	s15 =	sand.u32 $0x7F, s10;
	v17 =	vld.idx.msk [tilespmem:v19+s14+$0x0], $0xffff  }
0x1ef: {  	v18 =	vor.u32 s15, v14  }
0x1f0: {  	v19 =	vor.u32 s15, v15;
	_ =	sdelay $0x1  }
0x1f1: {  	[tilespmem:s28+$0xFFFFFF00] =	vst v16  }
0x1f2: {  	[tilespmem:s28+$0xFFFFFF10] =	vst v17  }
0x1f3: {  	v16 =	vld.idx.msk [tilespmem:v18+s14+$0x0], $0xffff  }
0x1f4: {  	v17 =	vld.idx.msk [tilespmem:v19+s14+$0x0], $0xffff;
	_ =	sdelay $0x3  }
0x1f5: {  	s16 =	sand.u32 $0xFFFFF80, s4;
	[tilespmem:s28+$0xFFFFFF80] =	vst v16  }
0x1f6: {  	s25 =	sand.u32 $0xFFFFF80, s3;
	s1 =	sadd.s32 s24, s16;
	[tilespmem:s28+$0xFFFFFF90] =	vst v17  }
0x1f7: {  	[tilespmem:s21], [sflag:$0x1] =	stream.strided.gather [hbm4b:s1+s12], $0x1000, s17, s12, $0x38;
	[tilespmem:$0x14180] =	vst v63  }
0x1f8: {  	s2 =	sand.u32 $0xFFFFF80, s0;
	s1 =	sadd.s32 s24, s25  }
0x1f9: {  	[tilespmem:s26], [sflag:$0x1] =	stream.strided.gather [hbm4b:s1+s12], $0x1000, s17, s12, $0x38;
	[tilespmem:$0x14180] =	vst v63  }
0x1fa: {  	s10 =	sand.u32 $0xFFFFF80, s9;
	s1 =	sadd.s32 s24, s2  }
0x1fb: {  	[tilespmem:s13], [sflag:$0x1] =	stream.strided.gather [hbm4b:s1+s12], $0x1000, s17, s12, $0x38;
	[tilespmem:$0x14180] =	vst v63  }
0x1fc: {  	s1 =	sadd.s32 s24, s10  }
0x1fd: {  	[tilespmem:s23], [sflag:$0x1] =	stream.strided.gather [hbm4b:s1+s12], $0x1000, s17, s12, $0x38;
	[tilespmem:$0x14180] =	vst v63  }
0x1fe: {  	_ =	swait.ge [sflag:s22], $0x1000  }
0x1ff: {  	[sflag:s22] =	ssyncset.done $0x0  }
0x200: {  	[sflag:s22] =	ssyncadd.s32 $0xFFFFF000  }
0x201: {  	_ =	swait.ge [sflag:s22], $0x1000  }
0x202: {  	[sflag:s22] =	ssyncset.done $0x0  }
0x203: {  	[sflag:s22] =	ssyncadd.s32 $0xFFFFF000  }
0x204: {  	s11 =	sand.u32 $0x7F, s8;
	_ =	swait.ge [sflag:s22], $0x1000  }
0x205: {  	v16 =	vor.u32 s11, v0;
	[sflag:s22] =	ssyncset.done $0x0  }
0x206: {  	v17 =	vor.u32 s11, v1;
	[sflag:s22] =	ssyncadd.s32 $0xFFFFF000  }
0x207: {  	_ =	swait.ge [sflag:s22], $0x1000  }
0x208: {  	[sflag:s22] =	ssyncset.done $0x0  }
0x209: {  	[sflag:s22] =	ssyncadd.s32 $0xFFFFF000  }
0x20a: {  	v16 =	vld.idx.msk [tilespmem:v16+s14+$0x0], $0xffff  }
0x20b: {  	s13 =	sand.u32 $0x7F, s7;
	v17 =	vld.idx.msk [tilespmem:v17+s14+$0x0], $0xffff  }
0x20c: {  	v18 =	vor.u32 s13, v2  }
0x20d: {  	v19 =	vor.u32 s13, v3;
	_ =	sdelay $0x1  }
0x20e: {  	[tilespmem:s28+$0x0] =	vst v16  }
0x20f: {  	[tilespmem:s28+$0x10] =	vst v17  }
0x210: {  	v16 =	vld.idx.msk [tilespmem:v18+s14+$0x0], $0xffff  }
0x211: {  	s15 =	sand.u32 $0x7F, s6;
	v17 =	vld.idx.msk [tilespmem:v19+s14+$0x0], $0xffff  }
0x212: {  	v18 =	vor.u32 s15, v4  }
0x213: {  	v19 =	vor.u32 s15, v5;
	_ =	sdelay $0x1  }
0x214: {  	[tilespmem:s28+$0x80] =	vst v16  }
0x215: {  	[tilespmem:s28+$0x90] =	vst v17  }
0x216: {  	v16 =	vld.idx.msk [tilespmem:v18+s14+$0x0], $0xffff  }
0x217: {  	s16 =	sand.u32 $0x7F, s5;
	v17 =	vld.idx.msk [tilespmem:v19+s14+$0x0], $0xffff  }
0x218: {  	v18 =	vor.u32 s16, v6  }
0x219: {  	v19 =	vor.u32 s16, v7;
	_ =	sdelay $0x1  }
0x21a: {  	[tilespmem:s28+$0x100] =	vst v16  }
0x21b: {  	[tilespmem:s28+$0x110] =	vst v17  }
0x21c: {  	v16 =	vld.idx.msk [tilespmem:v18+s14+$0x0], $0xffff  }
0x21d: {  	v17 =	vld.idx.msk [tilespmem:v19+s14+$0x0], $0xffff;
	_ =	sdelay $0x3  }
0x21e: {  	[tilespmem:s28+$0x180] =	vst v16  }
0x21f: {  	[tilespmem:s28+$0x190] =	vst v17  }
0x220: {  	_ =	swait.ge [sflag:s22], $0x1000  }
0x221: {  	[sflag:s22] =	ssyncset.done $0x0  }
0x222: {  	[sflag:s22] =	ssyncadd.s32 $0xFFFFF000  }
0x223: {  	_ =	swait.ge [sflag:s22], $0x1000  }
0x224: {  	[sflag:s22] =	ssyncset.done $0x0  }
0x225: {  	[sflag:s22] =	ssyncadd.s32 $0xFFFFF000  }
0x226: {  	s23 =	sand.u32 $0x7F, s4;
	_ =	swait.ge [sflag:s22], $0x1000  }
0x227: {  	v17 =	vor.u32 s23, v9;
	[sflag:s22] =	ssyncset.done $0x0  }
0x228: {  	[sflag:s22] =	ssyncadd.s32 $0xFFFFF000  }
0x229: {  	v16 =	vor.u32 s23, v8;
	_ =	swait.ge [sflag:s22], $0x1000  }
0x22a: {  	[sflag:s22] =	ssyncset.done $0x0  }
0x22b: {  	[sflag:s22] =	ssyncadd.s32 $0xFFFFF000  }
0x22c: {  	v17 =	vld.idx.msk [tilespmem:v17+s14+$0x0], $0xffff;
	_ =	sdelay $0x1  }
0x22d: {  	s25 =	sand.u32 $0x7F, s3;
	v16 =	vld.idx.msk [tilespmem:v16+s14+$0x0], $0xffff  }
0x22e: {  	v18 =	vor.u32 s25, v10;
	_ =	sdelay $0x1  }
0x22f: {  	[tilespmem:s28+$0x210] =	vst v17;
	v17 =	vor.u32 s25, v11;
	_ =	sdelay $0x1  }
0x230: {  	s30 =	simm.s32 $0x40;
	[tilespmem:s28+$0x200] =	vst v16  }
0x231: {  	s29 =	simm.s32 $0x580;
	s0 =	sand.u32 $0x7F, s0;
	s31 =	sand.u32 $0x7F, s9;
	v16 =	vld.idx.msk [tilespmem:v18+s14+$0x0], $0xffff  }
.LBB2_4:
0x232: {  	p0 =	sne.s32 s30, $0x3C0  }
0x233: {  	v17 =	vld.idx.msk [tilespmem:v17+s14+$0x0], $0xffff;
	s28 =	sadd.s32 $0x800, s28;
	s1 =	smov.u32 s30;
	s30 =	sadd.s32 $0x40, s30  }
0x234: {  	_ = 	snop  }
0x235: {  	v18 =	vor.u32 s0, v12;
	v19 =	vor.u32 s0, v13;
	_ =	sdelay $0x2  }
0x236: {  	[tilespmem:s29+$0x280] =	vst v16  }
0x237: {  	[tilespmem:s29+$0x290] =	vst v17  }
0x238: {  	v16 =	vld.idx.msk [tilespmem:v18+s14+$0x0], $0xffff  }
0x239: {  	v17 =	vld.idx.msk [tilespmem:v19+s14+$0x0], $0xffff;
	_ =	sdelay $0x1  }
0x23a: {  	v18 =	vor.u32 s31, v14;
	v19 =	vor.u32 s31, v15;
	_ =	sdelay $0x2  }
0x23b: {  	[tilespmem:s29+$0x300] =	vst v16  }
0x23c: {  	[tilespmem:s29+$0x310] =	vst v17  }
0x23d: {  	v16 =	vld.idx.msk [tilespmem:v18+s14+$0x0], $0xffff  }
0x23e: {  	s0 =	sshra.s32 s1, $0x2;
	v17 =	vld.idx.msk [tilespmem:v19+s14+$0x0], $0xffff;
	_ =	sdelay $0x4  }
0x23f: {  	[tilespmem:s29+$0x380] =	vst v16  }
0x240: {  	[tilespmem:s29+$0x390] =	vst v17;
	s29 =	smov.u32 s28  }
0x241: {  	v16 =	vld [tilespmem:s0+$0x0];
	_ =	sdelay $0x4  }
0x242: {  	(v2sf) =	vpush v16, $0x0  }
0x243: {  	(v2sf) =	vpush v16, $0x1  }
0x244: {  	(v2sf) =	vpush v16, $0x2;
	_ =	sdelay $0x1  }
0x245: {  	(v2sf) =	vpush v16, $0x3;
	_ =	sdelay $0x1  }
0x246: {  	(v2sf) =	vpush v16, $0x4;
	_ =	sdelay $0x1  }
0x247: {  	(v2sf) =	vpush v16, $0x5;
	_ =	sdelay $0x1  }
0x248: {  	(v2sf) =	vpush v16, $0x6;
	_ =	sdelay $0x1  }
0x249: {  	(v2sf) =	vpush v16, $0x7;
	_ =	sdelay $0x2  }
0x24a: {  	s0 =	spop (v2sf)  }
0x24b: {  	s10 =	simm.s32 $0x12180;
	s1 =	sand.u32 $0xFFFFF80, s0  }
0x24c: {  	s0 =	sand.u32 $0x7F, s0;
	s2 =	spop (v2sf);
	s1 =	sadd.s32 s24, s1  }
0x24d: {  	s3 =	sand.u32 $0xFFFFF80, s2;
	s4 =	spop (v2sf);
	s2 =	sand.u32 $0x7F, s2  }
0x24e: {  	[tilespmem:s14], [sflag:$0x1] =	stream.strided.gather [hbm4b:s1+s12], $0x1000, s17, s12, $0x38;
	(v2sf) =	vpush v16, $0x8;
	[tilespmem:$0x14180] =	vst v63  }
0x24f: {  	s1 =	sadd.s32 s24, s3;
	s3 =	sand.u32 $0xFFFFF80, s4;
	s5 =	spop (v2sf);
	(v2sf) =	vpush v16, $0x9  }
0x250: {  	[tilespmem:s18], [sflag:$0x1] =	stream.strided.gather [hbm4b:s1+s12], $0x1000, s17, s12, $0x38;
	(v2sf) =	vpush v16, $0xA;
	[tilespmem:$0x14180] =	vst v63  }
0x251: {  	s1 =	sadd.s32 s24, s3;
	s3 =	sand.u32 $0xFFFFF80, s5;
	s6 =	spop (v2sf);
	(v2sf) =	vpush v16, $0xB  }
0x252: {  	[tilespmem:s19], [sflag:$0x1] =	stream.strided.gather [hbm4b:s1+s12], $0x1000, s17, s12, $0x38;
	[tilespmem:$0x14180] =	vst v63  }
0x253: {  	s1 =	sadd.s32 s24, s3;
	s3 =	sand.u32 $0xFFFFF80, s6;
	s7 =	spop (v2sf)  }
0x254: {  	[tilespmem:s20], [sflag:$0x1] =	stream.strided.gather [hbm4b:s1+s12], $0x1000, s17, s12, $0x38;
	(v2sf) =	vpush v16, $0xC;
	[tilespmem:$0x14180] =	vst v63  }
0x255: {  	s1 =	sadd.s32 s24, s3;
	s3 =	sand.u32 $0xFFFFF80, s7;
	s8 =	spop (v2sf);
	(v2sf) =	vpush v16, $0xD  }
0x256: {  	[tilespmem:s21], [sflag:$0x1] =	stream.strided.gather [hbm4b:s1+s12], $0x1000, s17, s12, $0x38;
	(v2sf) =	vpush v16, $0xE;
	[tilespmem:$0x14180] =	vst v63  }
0x257: {  	s1 =	sadd.s32 s24, s3;
	s3 =	sand.u32 $0xFFFFF80, s8;
	s9 =	spop (v2sf)  }
0x258: {  	[tilespmem:s26], [sflag:$0x1] =	stream.strided.gather [hbm4b:s1+s12], $0x1000, s17, s12, $0x38;
	(v2sf) =	vpush v16, $0xF;
	[tilespmem:$0x14180] =	vst v63  }
0x259: {  	s21 =	sand.u32 $0x7F, s5;
	s1 =	sadd.s32 s24, s3;
	s3 =	sand.u32 $0xFFFFF80, s9  }
0x25a: {  	[tilespmem:s10], [sflag:$0x1] =	stream.strided.gather [hbm4b:s1+s12], $0x1000, s17, s12, $0x38;
	[tilespmem:$0x14180] =	vst v63  }
0x25b: {  	s3 =	sadd.s32 s24, s3;
	s1 =	sand.u32 $0x7F, s4;
	s4 =	simm.s32 $0x13180  }
0x25c: {  	[tilespmem:s4], [sflag:$0x1] =	stream.strided.gather [hbm4b:s3+s12], $0x1000, s17, s12, $0x38;
	[tilespmem:$0x14180] =	vst v63  }
0x25d: {  	_ =	swait.ge [sflag:s22], $0x1000  }
0x25e: {  	s15 =	sand.u32 $0x7F, s6;
	s3 =	spop (v2sf)  }
0x25f: {  	[sflag:s22] =	ssyncset.done $0x0;
	s17 =	sand.u32 $0xFFFFF80, s3;
	s4 =	spop (v2sf)  }
0x260: {  	[sflag:s22] =	ssyncadd.s32 $0xFFFFF000;
	s18 =	sand.u32 $0xFFFFF80, s4;
	s11 =	spop (v2sf)  }
0x261: {  	_ =	swait.ge [sflag:s22], $0x1000  }
0x262: {  	s19 =	sand.u32 $0xFFFFF80, s11;
	s13 =	spop (v2sf)  }
0x263: {  	s16 =	sand.u32 $0x7F, s7;
	[sflag:s22] =	ssyncset.done $0x0;
	s20 =	sand.u32 $0xFFFFF80, s13  }
0x264: {  	s26 =	sand.u32 $0x7F, s8;
	s10 =	sand.u32 $0x7F, s9;
	[sflag:s22] =	ssyncadd.s32 $0xFFFFF000  }
0x265: {  	_ =	swait.ge [sflag:s22], $0x1000  }
0x266: {  	s5 =	sand.u32 $0x7F, s3;
	s6 =	sand.u32 $0x7F, s4;
	s3 =	spop (v2sf)  }
0x267: {  	v16 =	vor.u32 s0, v0;
	[sflag:s22] =	ssyncset.done $0x0;
	s7 =	sand.u32 $0xFFFFF80, s3;
	s31 =	spop (v2sf)  }
0x268: {  	v17 =	vor.u32 s0, v1;
	[sflag:s22] =	ssyncadd.s32 $0xFFFFF000;
	s8 =	sand.u32 $0xFFFFF80, s31;
	s0 =	spop (v2sf)  }
0x269: {  	s25 =	sand.u32 $0x7F, s11;
	_ =	swait.ge [sflag:s22], $0x1000;
	s9 =	sand.u32 $0xFFFFF80, s0  }
0x26a: {  	s11 =	smov.u32 s24;
	[sflag:s22] =	ssyncset.done $0x0;
	s24 =	spop (v2sf)  }
0x26b: {  	s23 =	sand.u32 $0x7F, s13;
	[sflag:s22] =	ssyncadd.s32 $0xFFFFF000;
	s4 =	sand.u32 $0xFFFFF80, s24  }
0x26c: {  	s13 =	sand.u32 $0x7F, s3;
	s3 =	sand.u32 $0x7F, s31;
	s0 =	sand.u32 $0x7F, s0;
	v16 =	vld.idx.msk [tilespmem:v16+s14+$0x0], $0xffff  }
0x26d: {  	s31 =	sand.u32 $0x7F, s24;
	s24 =	smov.u32 s11;
	v17 =	vld.idx.msk [tilespmem:v17+s14+$0x0], $0xffff;
	_ =	sdelay $0x1  }
0x26e: {  	v18 =	vor.u32 s2, v3  }
0x26f: {  	v19 =	vor.u32 s2, v2;
	_ =	sdelay $0x1  }
0x270: {  	[tilespmem:s28+$0xFFFFFC00] =	vst v16  }
0x271: {  	[tilespmem:s28+$0xFFFFFC10] =	vst v17  }
0x272: {  	v16 =	vld.idx.msk [tilespmem:v18+s14+$0x0], $0xffff  }
0x273: {  	v17 =	vld.idx.msk [tilespmem:v19+s14+$0x0], $0xffff;
	_ =	sdelay $0x1  }
0x274: {  	v18 =	vor.u32 s1, v4  }
0x275: {  	v19 =	vor.u32 s1, v5;
	_ =	sdelay $0x1  }
0x276: {  	[tilespmem:s28+$0xFFFFFC90] =	vst v16  }
0x277: {  	[tilespmem:s28+$0xFFFFFC80] =	vst v17  }
0x278: {  	v16 =	vld.idx.msk [tilespmem:v18+s14+$0x0], $0xffff  }
0x279: {  	v17 =	vld.idx.msk [tilespmem:v19+s14+$0x0], $0xffff;
	_ =	sdelay $0x1  }
0x27a: {  	v18 =	vor.u32 s21, v6  }
0x27b: {  	v19 =	vor.u32 s21, v7;
	s21 =	simm.s32 $0x10180;
	_ =	sdelay $0x1  }
0x27c: {  	[tilespmem:s28+$0xFFFFFD00] =	vst v16  }
0x27d: {  	[tilespmem:s28+$0xFFFFFD10] =	vst v17  }
0x27e: {  	v16 =	vld.idx.msk [tilespmem:v18+s14+$0x0], $0xffff  }
0x27f: {  	v17 =	vld.idx.msk [tilespmem:v19+s14+$0x0], $0xffff;
	_ =	sdelay $0x4  }
0x280: {  	[tilespmem:s28+$0xFFFFFD80] =	vst v16  }
0x281: {  	s1 =	sadd.s32 s11, s17;
	s17 =	simm.s32 $0x7A1400;
	[tilespmem:s28+$0xFFFFFD90] =	vst v17  }
0x282: {  	[tilespmem:s14], [sflag:$0x1] =	stream.strided.gather [hbm4b:s1+s12], $0x1000, s17, s12, $0x38;
	[tilespmem:$0x14180] =	vst v63  }
0x283: {  	s1 =	sadd.s32 s11, s18;
	s18 =	simm.s32 $0xD180  }
0x284: {  	[tilespmem:s18], [sflag:$0x1] =	stream.strided.gather [hbm4b:s1+s12], $0x1000, s17, s12, $0x38;
	[tilespmem:$0x14180] =	vst v63  }
0x285: {  	s1 =	sadd.s32 s11, s19;
	s19 =	simm.s32 $0xE180  }
0x286: {  	[tilespmem:s19], [sflag:$0x1] =	stream.strided.gather [hbm4b:s1+s12], $0x1000, s17, s12, $0x38;
	[tilespmem:$0x14180] =	vst v63  }
0x287: {  	s1 =	sadd.s32 s11, s20;
	s20 =	simm.s32 $0xF180  }
0x288: {  	[tilespmem:s20], [sflag:$0x1] =	stream.strided.gather [hbm4b:s1+s12], $0x1000, s17, s12, $0x38;
	[tilespmem:$0x14180] =	vst v63  }
0x289: {  	_ =	swait.ge [sflag:s22], $0x1000  }
0x28a: {  	[sflag:s22] =	ssyncset.done $0x0  }
0x28b: {  	[sflag:s22] =	ssyncadd.s32 $0xFFFFF000  }
0x28c: {  	_ =	swait.ge [sflag:s22], $0x1000  }
0x28d: {  	[sflag:s22] =	ssyncset.done $0x0  }
0x28e: {  	[sflag:s22] =	ssyncadd.s32 $0xFFFFF000  }
0x28f: {  	_ =	swait.ge [sflag:s22], $0x1000  }
0x290: {  	v16 =	vor.u32 s15, v8;
	[sflag:s22] =	ssyncset.done $0x0  }
0x291: {  	v17 =	vor.u32 s15, v9;
	[sflag:s22] =	ssyncadd.s32 $0xFFFFF000  }
0x292: {  	_ =	swait.ge [sflag:s22], $0x1000  }
0x293: {  	[sflag:s22] =	ssyncset.done $0x0  }
0x294: {  	[sflag:s22] =	ssyncadd.s32 $0xFFFFF000  }
0x295: {  	v16 =	vld.idx.msk [tilespmem:v16+s14+$0x0], $0xffff  }
0x296: {  	v17 =	vld.idx.msk [tilespmem:v17+s14+$0x0], $0xffff;
	_ =	sdelay $0x1  }
0x297: {  	v18 =	vor.u32 s16, v10  }
0x298: {  	v19 =	vor.u32 s16, v11;
	_ =	sdelay $0x1  }
0x299: {  	[tilespmem:s28+$0xFFFFFE00] =	vst v16  }
0x29a: {  	[tilespmem:s28+$0xFFFFFE10] =	vst v17  }
0x29b: {  	v16 =	vld.idx.msk [tilespmem:v18+s14+$0x0], $0xffff  }
0x29c: {  	v17 =	vld.idx.msk [tilespmem:v19+s14+$0x0], $0xffff;
	_ =	sdelay $0x1  }
0x29d: {  	v18 =	vor.u32 s26, v12  }
0x29e: {  	v19 =	vor.u32 s26, v13;
	s26 =	simm.s32 $0x11180;
	_ =	sdelay $0x1  }
0x29f: {  	[tilespmem:s28+$0xFFFFFE80] =	vst v16  }
0x2a0: {  	[tilespmem:s28+$0xFFFFFE90] =	vst v17  }
0x2a1: {  	v16 =	vld.idx.msk [tilespmem:v18+s14+$0x0], $0xffff  }
0x2a2: {  	v17 =	vld.idx.msk [tilespmem:v19+s14+$0x0], $0xffff;
	_ =	sdelay $0x1  }
0x2a3: {  	v18 =	vor.u32 s10, v14  }
0x2a4: {  	v19 =	vor.u32 s10, v15;
	_ =	sdelay $0x1  }
0x2a5: {  	[tilespmem:s28+$0xFFFFFF00] =	vst v16  }
0x2a6: {  	[tilespmem:s28+$0xFFFFFF10] =	vst v17  }
0x2a7: {  	v16 =	vld.idx.msk [tilespmem:v18+s14+$0x0], $0xffff  }
0x2a8: {  	v17 =	vld.idx.msk [tilespmem:v19+s14+$0x0], $0xffff;
	_ =	sdelay $0x4  }
0x2a9: {  	[tilespmem:s28+$0xFFFFFF80] =	vst v16  }
0x2aa: {  	s1 =	sadd.s32 s11, s7;
	[tilespmem:s28+$0xFFFFFF90] =	vst v17  }
0x2ab: {  	[tilespmem:s21], [sflag:$0x1] =	stream.strided.gather [hbm4b:s1+s12], $0x1000, s17, s12, $0x38;
	[tilespmem:$0x14180] =	vst v63  }
0x2ac: {  	s1 =	sadd.s32 s11, s8  }
0x2ad: {  	[tilespmem:s26], [sflag:$0x1] =	stream.strided.gather [hbm4b:s1+s12], $0x1000, s17, s12, $0x38;
	[tilespmem:$0x14180] =	vst v63  }
0x2ae: {  	s2 =	simm.s32 $0x12180;
	s1 =	sadd.s32 s11, s9  }
0x2af: {  	[tilespmem:s2], [sflag:$0x1] =	stream.strided.gather [hbm4b:s1+s12], $0x1000, s17, s12, $0x38;
	[tilespmem:$0x14180] =	vst v63  }
0x2b0: {  	s1 =	sadd.s32 s11, s4;
	s2 =	simm.s32 $0x13180  }
0x2b1: {  	[tilespmem:s2], [sflag:$0x1] =	stream.strided.gather [hbm4b:s1+s12], $0x1000, s17, s12, $0x38;
	[tilespmem:$0x14180] =	vst v63  }
0x2b2: {  	_ =	swait.ge [sflag:s22], $0x1000  }
0x2b3: {  	[sflag:s22] =	ssyncset.done $0x0  }
0x2b4: {  	[sflag:s22] =	ssyncadd.s32 $0xFFFFF000  }
0x2b5: {  	_ =	swait.ge [sflag:s22], $0x1000  }
0x2b6: {  	[sflag:s22] =	ssyncset.done $0x0  }
0x2b7: {  	[sflag:s22] =	ssyncadd.s32 $0xFFFFF000  }
0x2b8: {  	_ =	swait.ge [sflag:s22], $0x1000  }
0x2b9: {  	v16 =	vor.u32 s5, v0;
	[sflag:s22] =	ssyncset.done $0x0  }
0x2ba: {  	v17 =	vor.u32 s5, v1;
	[sflag:s22] =	ssyncadd.s32 $0xFFFFF000  }
0x2bb: {  	_ =	swait.ge [sflag:s22], $0x1000  }
0x2bc: {  	[sflag:s22] =	ssyncset.done $0x0  }
0x2bd: {  	[sflag:s22] =	ssyncadd.s32 $0xFFFFF000  }
0x2be: {  	v16 =	vld.idx.msk [tilespmem:v16+s14+$0x0], $0xffff  }
0x2bf: {  	v17 =	vld.idx.msk [tilespmem:v17+s14+$0x0], $0xffff;
	_ =	sdelay $0x1  }
0x2c0: {  	v18 =	vor.u32 s6, v2  }
0x2c1: {  	v19 =	vor.u32 s6, v3;
	_ =	sdelay $0x1  }
0x2c2: {  	[tilespmem:s28+$0x0] =	vst v16  }
0x2c3: {  	[tilespmem:s28+$0x10] =	vst v17  }
0x2c4: {  	v16 =	vld.idx.msk [tilespmem:v18+s14+$0x0], $0xffff  }
0x2c5: {  	v17 =	vld.idx.msk [tilespmem:v19+s14+$0x0], $0xffff;
	_ =	sdelay $0x1  }
0x2c6: {  	v18 =	vor.u32 s25, v4  }
0x2c7: {  	v19 =	vor.u32 s25, v5;
	_ =	sdelay $0x1  }
0x2c8: {  	[tilespmem:s28+$0x80] =	vst v16  }
0x2c9: {  	[tilespmem:s28+$0x90] =	vst v17  }
0x2ca: {  	v16 =	vld.idx.msk [tilespmem:v18+s14+$0x0], $0xffff  }
0x2cb: {  	v17 =	vld.idx.msk [tilespmem:v19+s14+$0x0], $0xffff;
	_ =	sdelay $0x1  }
0x2cc: {  	v18 =	vor.u32 s23, v6  }
0x2cd: {  	v19 =	vor.u32 s23, v7;
	_ =	sdelay $0x1  }
0x2ce: {  	[tilespmem:s28+$0x100] =	vst v16  }
0x2cf: {  	[tilespmem:s28+$0x110] =	vst v17  }
0x2d0: {  	v16 =	vld.idx.msk [tilespmem:v18+s14+$0x0], $0xffff  }
0x2d1: {  	v17 =	vld.idx.msk [tilespmem:v19+s14+$0x0], $0xffff;
	_ =	sdelay $0x4  }
0x2d2: {  	[tilespmem:s28+$0x180] =	vst v16  }
0x2d3: {  	[tilespmem:s28+$0x190] =	vst v17  }
0x2d4: {  	_ =	swait.ge [sflag:s22], $0x1000  }
0x2d5: {  	[sflag:s22] =	ssyncset.done $0x0  }
0x2d6: {  	[sflag:s22] =	ssyncadd.s32 $0xFFFFF000  }
0x2d7: {  	_ =	swait.ge [sflag:s22], $0x1000  }
0x2d8: {  	[sflag:s22] =	ssyncset.done $0x0  }
0x2d9: {  	[sflag:s22] =	ssyncadd.s32 $0xFFFFF000  }
0x2da: {  	_ =	swait.ge [sflag:s22], $0x1000  }
0x2db: {  	v16 =	vor.u32 s13, v8;
	[sflag:s22] =	ssyncset.done $0x0  }
0x2dc: {  	v17 =	vor.u32 s13, v9;
	[sflag:s22] =	ssyncadd.s32 $0xFFFFF000  }
0x2dd: {  	_ =	swait.ge [sflag:s22], $0x1000  }
0x2de: {  	[sflag:s22] =	ssyncset.done $0x0  }
0x2df: {  	[sflag:s22] =	ssyncadd.s32 $0xFFFFF000  }
0x2e0: {  	v16 =	vld.idx.msk [tilespmem:v16+s14+$0x0], $0xffff  }
0x2e1: {  	v18 =	vld.idx.msk [tilespmem:v17+s14+$0x0], $0xffff;
	_ =	sdelay $0x1  }
0x2e2: {  	v19 =	vor.u32 s3, v10  }
.Ltmp1:
0x2e3: {  	v17 =	vor.u32 s3, v11;
	(pc) =	sbr.rel @p0 .LBB2_4-.Ltmp1, $4  }
0x2e4: {  	_ = 	snop  }
0x2e5: {  	[tilespmem:s28+$0x200] =	vst v16  }
0x2e6: {  	[tilespmem:s28+$0x210] =	vst v18  }
0x2e7: {  	v16 =	vld.idx.msk [tilespmem:v19+s14+$0x0], $0xffff  }
0x2e8: {  	_ =	sdelay $0x3  }
0x2e9: {  	v17 =	vld.idx.msk [tilespmem:v17+s14+$0x0], $0xffff  }
0x2ea: {  	v18 =	vor.u32 s0, v12  }
0x2eb: {  	v19 =	vor.u32 s0, v13;
	_ =	sdelay $0x1  }
0x2ec: {  	[tilespmem:s29+$0x280] =	vst v16  }
0x2ed: {  	[tilespmem:s29+$0x290] =	vst v17  }
0x2ee: {  	v16 =	vld.idx.msk [tilespmem:v18+s14+$0x0], $0xffff  }
0x2ef: {  	v17 =	vld.idx.msk [tilespmem:v19+s14+$0x0], $0xffff  }
0x2f0: {  	v62 =	vor.u32 s31, v14  }
0x2f1: {  	v63 =	vor.u32 s31, v15;
	_ =	sdelay $0x1  }
0x2f2: {  	[tilespmem:s29+$0x300] =	vst v16  }
0x2f3: {  	[tilespmem:s29+$0x310] =	vst v17  }
0x2f4: {  	v16 =	vld.idx.msk [tilespmem:v62+s14+$0x0], $0xffff  }
0x2f5: {  	v17 =	vld.idx.msk [tilespmem:v63+s14+$0x0], $0xffff;
	_ =	sdelay $0x3  }
0x2f6: {  	[tilespmem:s29+$0x380] =	vst v16  }
0x2f7: {  	s8 =	simm.s32 $0x0;
	s30 =	rddreg [dreg:$0x9];
	s1 =	simm.s32 $0x180;
	[tilespmem:s29+$0x390] =	vst v17  }
0x2f8: {  	[hbm4b:s30+s8] =	stream.linear.scatter [tilespmem:s1], [sflag:$0x2], $0x8000, $0x38;
	[tilespmem:$0x14180] =	vst v63  }
0x2f9: {  	s1 =	simm.s32 $0x2  }
0x2fa: {  	_ =	swait.ge [sflag:s1], $0x8000  }
0x2fb: {  	s2 =	rddreg [dreg:$0xb]  }
0x2fc: {  	s31 =	rddreg [dreg:$0xa];
	s2 =	sadd.s32 $0x1, s2  }
0x2fd: {  	p0 =	sne.s32 s2, s31  }
.Ltmp2:
0x2fe: {  	_ = 	snop;
	(pc) =	sbr.rel @p0 .LBB2_1-.Ltmp2, $4  }
0x2ff: {  	_ = 	snop  }
0x300: {  	[sflag:s1] =	ssyncset.done $0x0  }
0x301: {  	s17 =	simm.s32 $0xC3800;
	[sflag:s1] =	ssyncadd.s32 $0xFFFF8000  }
0x302: {  	s23 =	simm.s32 $0x12180;
	s25 =	simm.s32 $0x13180;
	s13 =	rddreg [dreg:$0x3]  }
0x303: {  	_ =	sfence.sel $0x180000  }
0x304: {  	[bflag:$0x0] =	sbarrier.arrive $0xFFFF  }
0x305: {  	_ =	strace $0x90000047  }
0x306: {  	s0 =	stileid.u32;
	[bflag:$0x2] =	sbarrier.arrive $0xFFFF  }
0x307: {  	p0 =	sne.s32 s0, $0x0;
	s0 =	rddreg [dreg:$0x5]  }
0x308: {  	s0 =	sadd.s32 @!p0 $0x100000, s0  }
0x309: {  	[sflag:s0] =	ssyncadd.tile.s32 @!p0 $0x1;
	_ =	shalt  }
.Lfunc_end2:
_tile_overlayer_lowered:
.L_overlay_start_2:
0x30a: {  	(tag) =	ssettag $0x2  }
0x30b: {  	s0 =	rddreg [dreg:$0x0];
	s2 =	stileid.u32  }
0x30c: {  	s1 =	rddreg [dreg:$0x1];
	p0 =	sne.s32 s2, $0x0  }
0x30d: {  	s3 =	rddreg [dreg:$0x2];
	[bflag:$0x3] =	sbarrier.arrive $0xFFFF;
	s2 =	simm.s32 @!p0 $0x1C02  }
0x30e: {  	[timem:s3], [sflag:s2] =	dma.local @!p0 [hbm:s0], s1  }
0x30f: {  	s0 =	simm.s32 @!p0 $0x2  }
0x310: {  	_ =	swait.ge @!p0 [sflag:s0], s1  }
0x311: {  	s1 =	ssub.s32 @!p0 $0x0, s1;
	[sflag:s0] =	ssyncset.done @!p0 $0x0  }
0x312: {  	[sflag:s0] =	ssyncadd.s32 @!p0 s1  }
0x313: {  	[bflag:$0x3] =	sbarrier.arrive $0xFFFF  }
0x314: {  	_ =	shalt  }

// kernel: kernel.9.cloned.1.call-start
scs
__scs_entry_jumppad:
0x0: {  	(pc) =	sbr.rel $0x88, $3  }
0x1: {  	(tag) =	ssettag $0x0;
	lr =	simm.s32 $0x1  }
0x2: {  	[smem:$0x3F9D] =	sst lr;
	_ =	strace $0xD0000000  }
0x3: {  	_ = 	snop  }
0x4: {  	_ = 	snop  }
0x5: {  	_ = 	snop  }
0x6: {  	_ = 	snop  }
0x7: {  	_ = 	snop  }
__scs_overlays_trampoline_lowered:
0x8: {  	[smem:$0x3FAC] =	sst s0  }
0x9: {  	[smem:$0x3FAD] =	sst s1  }
0xa: {  	[smem:$0x3FAE] =	sst s2  }
0xb: {  	[smem:$0x3FAF] =	sst s3  }
0xc: {  	[smem:$0x3FB0] =	sst s4  }
0xd: {  	[smem:$0x3FB1] =	sst s5  }
0xe: {  	[smem:$0x3FB2] =	sst s6  }
0xf: {  	[smem:$0x3FB3] =	sst s7  }
0x10: {  	[smem:$0x3FB4] =	sst s8  }
0x11: {  	[smem:$0x3FB5] =	sst s9;
	s0 =	simm.s32 @!p0 $0x0  }
0x12: {  	s1 =	sld [smem:$0x3F9B];
	s0 =	simm.s32 @p0 $0x1  }
0x13: {  	[smem:$0x3FB6] =	sst s0;
	s0 =	simm.s32 @!p1 $0x0  }
0x14: {  	s2 =	sld [smem:$0x3F9A];
	s0 =	simm.s32 @p1 $0x1  }
0x15: {  	[smem:$0x3FB7] =	sst s0;
	s0 =	simm.s32 @!p2 $0x0  }
0x16: {  	s3 =	sld [smem:$0x3FDB];
	s0 =	simm.s32 @p2 $0x1  }
0x17: {  	s4 =	simm.s32 $0x1BF5;
	[smem:$0x3FB9] =	sst s0  }
0x18: {  	s0 =	sld [smem:$0x3F9C];
	_ =	swait.ge [sflag:s4], $0x0  }
0x19: {  	s7 =	sld [smem:$0x3F9D]  }
0x1a: {  	s8 =	sadd.s32 $0xFFFFE003, lr  }
0x1b: {  	s9 =	sadd.s32 $0xFFFFFEF7, lr;
	s5 =	simm.s32 $0xFFFFFFFF;
	p2 =	slt.u32 s8, $0xFFFFF086  }
0x1c: {  	p1 =	slt.u32 s9, $0xF7A;
	s5 =	simm.s32 @!p2 $0x0  }
0x1d: {  	s5 =	simm.s32 @p1 $0x1;
	p0 =	seq.s32 s7, s2  }
0x1e: {  	s7 =	smul.u32 @!p0 $0xF7A, s2;
	p2 =	seq.s32 @!p0 s5, $0x0  }
0x1f: {  	s9 =	smul.u32 $0xF7A, s1;
	s8 =	simm.s32 @!p0 $0x1BF5;
	p2 =	por !p2, p0  }
0x20: {  	[sflag:s8] =	ssyncset.s32 @!p0 $0xFFFFF086;
	s6 =	sadd.s32 @!p0 s3, s7;
	s7 =	simm.s32 @!p0 $0x108  }
0x21: {  	s3 =	sadd.s32 s3, s9;
	s6 =	sadd.s32 @!p0 $0x88, s6;
	s7 =	simm.s32 @p2 $0x1082  }
0x22: {  	[simem:s7], [sflag:s8] =	dma.local @!p0 [hbm:s6], $0xF7A  }
0x23: {  	s9 =	sor.u32 $0xD0000000, s2;
	s6 =	simm.s32 $0x108;
	_ =	swait.ge @!p0 [sflag:s8], $0x0  }
0x24: {  	s3 =	sadd.s32 $0x88, s3;
	s6 =	simm.s32 @!p1 $0x1082;
	[sflag:s4] =	ssyncset.s32 $0xFFFFF086  }
0x25: {  	[simem:s6], [sflag:s4] =	dma.local [hbm:s3], $0xF7A  }
0x26: {  	[smem:$0x3F9D] =	sst s1;
	(tag) =	ssettag s2;
	_ =	strace s9  }
0x27: {  	s1 =	sld [smem:$0x3FAD]  }
0x28: {  	s2 =	sld [smem:$0x3FAE]  }
0x29: {  	s4 =	sld [smem:$0x3FB0]  }
0x2a: {  	p0 =	seq.s32 s5, $0x0;
	s5 =	sld [smem:$0x3FB1]  }
0x2b: {  	s6 =	sld [smem:$0x3FB2]  }
0x2c: {  	s7 =	sld [smem:$0x3FB3]  }
0x2d: {  	s3 =	simm.s32 $0x108;
	s8 =	sld [smem:$0x3FB4]  }
0x2e: {  	s3 =	simm.s32 @!p0 $0x1082;
	s9 =	sld [smem:$0x3FB5]  }
0x2f: {  	lr =	sadd.s32 s0, s3;
	s0 =	sld [smem:$0x3FAC]  }
0x30: {  	s3 =	sld [smem:$0x3FAF]  }
0x31: {  	[smem:$0x3FB8] =	sst s10  }
0x32: {  	s10 =	sld [smem:$0x3FB6];
	_ =	sdelay $0x3  }
0x33: {  	p0 =	seq.s32 s10, $0x1;
	s10 =	sld [smem:$0x3FB8];
	_ =	sdelay $0x3  }
0x34: {  	[smem:$0x3FB8] =	sst s10  }
0x35: {  	s10 =	sld [smem:$0x3FB7];
	_ =	sdelay $0x3  }
0x36: {  	p1 =	seq.s32 s10, $0x1;
	s10 =	sld [smem:$0x3FB8];
	_ =	sdelay $0x3  }
0x37: {  	[smem:$0x3FB8] =	sst s10  }
0x38: {  	s10 =	sld [smem:$0x3FB9]  }
0x39: {  	_ = 	snop;
	(pc) =	sbr.ind lr, $3  }
0x3a: {  	_ = 	snop  }
0x3b: {  	_ = 	snop  }
0x3c: {  	p2 =	seq.s32 s10, $0x1;
	s10 =	sld [smem:$0x3FB8]  }
0x3d: {  	_ =	shalt  }
0x3e: {  	_ =	shalt  }
0x3f: {  	_ =	shalt  }
0x40: {  	_ =	shalt  }
0x41: {  	_ =	shalt  }
0x42: {  	_ =	shalt  }
0x43: {  	_ =	shalt  }
0x44: {  	_ =	shalt  }
0x45: {  	_ =	shalt  }
0x46: {  	_ =	shalt  }
0x47: {  	_ =	shalt  }
0x48: {  	_ =	shalt  }
0x49: {  	_ =	shalt  }
0x4a: {  	_ =	shalt  }
0x4b: {  	_ =	shalt  }
0x4c: {  	_ =	shalt  }
0x4d: {  	_ =	shalt  }
0x4e: {  	_ =	shalt  }
0x4f: {  	_ =	shalt  }
0x50: {  	_ =	shalt  }
0x51: {  	_ =	shalt  }
0x52: {  	_ =	shalt  }
0x53: {  	_ =	shalt  }
0x54: {  	_ =	shalt  }
0x55: {  	_ =	shalt  }
0x56: {  	_ =	shalt  }
0x57: {  	_ =	shalt  }
0x58: {  	_ =	shalt  }
0x59: {  	_ =	shalt  }
0x5a: {  	_ =	shalt  }
0x5b: {  	_ =	shalt  }
0x5c: {  	_ =	shalt  }
0x5d: {  	_ =	shalt  }
0x5e: {  	_ =	shalt  }
0x5f: {  	_ =	shalt  }
0x60: {  	_ =	shalt  }
0x61: {  	_ =	shalt  }
0x62: {  	_ =	shalt  }
0x63: {  	_ =	shalt  }
0x64: {  	_ =	shalt  }
0x65: {  	_ =	shalt  }
0x66: {  	_ =	shalt  }
0x67: {  	_ =	shalt  }
0x68: {  	_ =	shalt  }
0x69: {  	_ =	shalt  }
0x6a: {  	_ =	shalt  }
0x6b: {  	_ =	shalt  }
0x6c: {  	_ =	shalt  }
0x6d: {  	_ =	shalt  }
0x6e: {  	_ =	shalt  }
0x6f: {  	_ =	shalt  }
0x70: {  	_ =	shalt  }
0x71: {  	_ =	shalt  }
0x72: {  	_ =	shalt  }
0x73: {  	_ =	shalt  }
0x74: {  	_ =	shalt  }
0x75: {  	_ =	shalt  }
0x76: {  	_ =	shalt  }
0x77: {  	_ =	shalt  }
0x78: {  	_ =	shalt  }
0x79: {  	_ =	shalt  }
0x7a: {  	_ =	shalt  }
0x7b: {  	_ =	shalt  }
0x7c: {  	_ =	shalt  }
0x7d: {  	_ =	shalt  }
0x7e: {  	_ =	shalt  }
0x7f: {  	_ =	shalt  }
0x80: {  	_ =	shalt  }
0x81: {  	_ =	shalt  }
0x82: {  	_ =	shalt  }
0x83: {  	_ =	shalt  }
0x84: {  	_ =	shalt  }
0x85: {  	_ =	shalt  }
0x86: {  	_ =	shalt  }
0x87: {  	_ =	shalt  }
.Lfunc_end0:
.L_simem_size_0:
called_computation.1_lowered:
.L_overlay_start_0:
0x88: {  	s2 =	sld [smem:$0x3FD9]  }
0x89: {  	s3 =	sld [smem:$0x3FFE];
	_ =	sdelay $0x1  }
0x8a: {  	s1 =	srdreg.scid  }
0x8b: {  	s0 =	sand.u32 $0x1, s1  }
0x8c: {  	s17 =	sshll.u32 s0, $0xA;
	s2 =	sadd.s32 s3, s2  }
0x8d: {  	s2 =	sadd.s32 s2, s17  }
0x8e: {  	[smem:$0x3FC4] =	sst s2  }
0x8f: {  	_ = 	snop  }
0x90: {  	s18 =	sld [smem:$0x3FC7];
	(tm) =	ssettm $0x1  }
0x91: {  	s19 =	sld [smem:$0x3FFB];
	_ =	sdelay $0x3  }
0x92: {  	_ =	strace s19  }
0x93: {  	s2 =	sld [smem:$0x3FFC];
	_ =	sdelay $0x3  }
0x94: {  	_ =	strace s2  }
0x95: {  	s2 =	sld [smem:$0x3FFD];
	_ =	sdelay $0x3  }
0x96: {  	_ =	strace s2  }
0x97: {  	_ =	strace $0x8FFFFFFF  }
0x98: {  	s20 =	sld [smem:$0x3FDB];
	_ =	sdelay $0x1  }
0x99: {  	s4 =	simm.s32 $_scs_section_size  }
0x9a: {  	s5 =	simm.s32 $_size__tile_overlayer_lowered;
	s6 =	simm.s32 $_tile_overlayer_lowered  }
0x9b: {  	s7 =	simm.s32 $0x1BFF;
	s21 =	sshll.u32 s6, $0x1;
	s4 =	sadd.s32 s4, s20  }
0x9c: {  	s22 =	simm.s32 $0x0;
	s5 =	sshll.u32 s5, $0x1;
	s6 =	sadd.s32 s21, s4  }
0x9d: {  	[timem:s22], [sflag:s7] =	dma.local [hbm:s6], s5  }
0x9e: {  	_ =	swait.ge [sflag:s7], s5  }
0x9f: {  	s5 =	ssub.s32 $0x0, s5;
	[sflag:s7] =	ssyncset.done $0x0  }
0xa0: {  	[sflag:s7] =	ssyncadd.s32 s5;
	_ =	sdelay $0x1  }
0xa1: {  	s23 =	simm.s32 $0x1B8B  }
0xa2: {  	_ =	swait.ge [sflag:s23], $0x1  }
0xa3: {  	[sflag:s23] =	ssyncset.done $0x0  }
0xa4: {  	[sflag:s23] =	ssyncadd.s32 $0xFFFFFFFF  }
0xa5: {  	s5 =	sld [smem:$0x0]  }
0xa6: {  	s6 =	sand.u32 $0xFFFFFFFE, s1  }
0xa7: {  	p0 =	sne.s32 s1, s6  }
0xa8: {  	s6 =	sshll.u32 @p0 s6, $0xE  }
0xa9: {  	s6 =	sadd.s32 @p0 $0x11B8D, s6;
	s7 =	sshll.u32 @p0 s5, $0x11  }
0xaa: {  	s6 =	sor.u32 @p0 s7, s6  }
0xab: {  	[sflag:s6] =	ssyncadd.remote.s32 @p0 $0x1;
	_ =	sdelay $0x1  }
0xac: {  	s6 =	simm.s32 @p0 $0x1B8D  }
0xad: {  	_ =	swait.eq @p0 [sflag:s6], $0x1  }
0xae: {  	[sflag:s6] =	ssyncadd.s32 @p0 $0xFFFFFFFF  }
0xaf: {  	s7 =	sshll.u32 @!p0 s1, $0xE  }
0xb0: {  	s7 =	sor.u32 @!p0 $0x4000, s7;
	s6 =	simm.s32 @!p0 $0x1B8D  }
0xb1: {  	s5 =	sshll.u32 @!p0 s5, $0x11;
	s7 =	sadd.s32 @!p0 $0x11B8D, s7;
	_ =	swait.eq @!p0 [sflag:s6], $0x1  }
0xb2: {  	s5 =	sor.u32 @!p0 s5, s7;
	[sflag:s6] =	ssyncadd.s32 @!p0 $0xFFFFFFFF  }
0xb3: {  	s25 =	simm.s32 $0x1B8E;
	s24 =	sld [smem:$0x3FFE];
	[sflag:s5] =	ssyncadd.remote.s32 @!p0 $0x1  }
0xb4: {  	s26 =	simm.s32 $execute0_lowered;
	[smem:$0x3FD2] =	sst s25  }
0xb5: {  	s6 =	sshll.u32 s26, $0x1;
	_ =	strace $0x80000049;
	[dreg:$0x1] =	wrdreg $0xFFFFFFFF  }
0xb6: {  	s28 =	simm.s32 $_size_execute0_lowered;
	s4 =	sadd.s32 s4, s6;
	[dreg:$0x0] =	wrdreg $0x0  }
0xb7: {  	s6 =	sshll.u32 s28, $0x1;
	[dreg:$0x2] =	wrdreg s4  }
0xb8: {  	[dreg:$0x3] =	wrdreg s6  }
0xb9: {  	[dreg:$0x4] =	wrdreg $0xC0  }
0xba: {  	_ =	task [dreg:s22], $0x5FFFF  }
0xbb: {  	[dreg:$0x1] =	wrdreg $0xFFFFFFFF  }
0xbc: {  	[dreg:$0x0] =	wrdreg $0x60  }
0xbd: {  	[dreg:$0x2] =	wrdreg s24  }
0xbe: {  	[dreg:$0x3] =	wrdreg s18  }
0xbf: {  	[dreg:$0x4] =	wrdreg $0xA  }
0xc0: {  	_ =	task.clear_ibuf [dreg:s22], $0x5FFFF;
	_ =	strace $0x90000049  }
0xc1: {  	s29 =	simm.s32 $0xA;
	_ =	strace $0x8000004B  }
0xc2: {  	_ =	swait.ge [sflag:s29], $0x1  }
0xc3: {  	[sflag:s29] =	ssyncadd.s32 $0xFFFFFFFF  }
0xc4: {  	_ =	strace $0x9000004B  }
0xc5: {  	_ =	sfence  }
0xc6: {  	s30 =	sld [smem:$0x0];
	_ =	sdelay $0x2  }
0xc7: {  	s31 =	sshll.u32 s1, $0xD;
	s1 =	sshrl.u32 s1, $0x2  }
0xc8: {  	s4 =	sand.u32 $0x4000, s31;
	s1 =	sadd.s32 s1, s30  }
0xc9: {  	s0 =	sor.u32 s4, s0;
	s1 =	sshll.u32 s1, $0x11  }
0xca: {  	s0 =	sor.u32 s1, s0  }
0xcb: {  	s0 =	sadd.s32 $0x8F2B, s0  }
0xcc: {  	[sflag:s0] =	ssyncadd.remote.s32 $0x1  }
0xcd: {  	_ =	sfence.sel $0xFFFF  }
0xce: {  	[dreg:$0x0] =	wrdreg $0xFFFFFFFF;
	(pc) =	sbr.abs _section_cstart, $3  }
0xcf: {  	[dreg:$0x1] =	wrdreg $0xFFFFFFFF  }
0xd0: {  	_ =	task.clear_ibuf [dreg:s22], $0x2FFFF;
	_ =	strace $0x9FFFFFFF  }
0xd1: {  	(tm) =	ssettm $0x7FFFFFFF  }
tec
execute0_lowered:
.L_overlay_start_1:
0x0: {  	(tag) =	ssettag $0x1  }
0x1: {  	s0 =	rddreg [dreg:$0x0]  }
0x2: {  	s8 =	rddreg [dreg:$0x1];
	s1 =	srdreg.scid  }
0x3: {  	s5 =	simm.s32 $0x0;
	s2 =	stileid.u32;
	s9 =	simm.s32 $0x400  }
0x4: {  	s10 =	simm.s32 $0x8100;
	s19 =	simm.s32 $0x9100;
	s20 =	simm.s32 $0xA100  }
0x5: {  	s22 =	simm.s32 $0xB100;
	s23 =	simm.s32 $0xC100;
	s24 =	simm.s32 $0xD100  }
0x6: {  	v0 =	vlaneseq.u32;
	s25 =	simm.s32 $0xE100;
	s18 =	simm.s32 $0x1;
	s1 =	sand.u32 $0x1, s1  }
0x7: {  	s3 =	sshll.u32 s2, $0x9;
	v0 =	vmul.u32 $0x80, v0;
	s4 =	sshll.u32 s1, $0x8;
	s1 =	ssub.s32 $0x2, s1  }
0x8: {  	[smem:$0x7FF] =	sst s5;
	s3 =	sor.u32 s4, s3;
	s29 =	sshrl.u32 s1, $0x1  }
0x9: {  	_ =	strace $0x8000004A;
	v1 =	vor.u32 $0x800, v0;
	v2 =	vor.u32 $0x1000, v0;
	v3 =	vor.u32 $0x1800, v0;
	s4 =	sshrl.u32 s3, $0x3;
	s1 =	ssub.s32 s1, s29  }
0xa: {  	v4 =	vor.u32 $0x2000, v0;
	v5 =	vor.u32 $0x2800, v0;
	v6 =	vor.u32 $0x3000, v0;
	s3 =	sshll.u32 s3, $0x4;
	s4 =	sadd.s32 s4, s0;
	s31 =	smax.u32 s1, $0x1  }
0xb: {  	v7 =	vor.u32 $0x3800, v0;
	v8 =	vor.u32 $0x4000, v0;
	v9 =	vor.u32 $0x4800, v0;
	s0 =	sadd.s32 s3, s0;
	s30 =	sadd.s32 $0x1C00, s4;
	[dreg:$0x6] =	wrdreg s31  }
0xc: {  	s2 =	simm.s32 $0x7A1400;
	v10 =	vor.u32 $0x5000, v0;
	v11 =	vor.u32 $0x5800, v0;
	v12 =	vor.u32 $0x6000, v0;
	s0 =	sadd.s32 $0x12000, s0;
	[dreg:$0x4] =	wrdreg s30  }
0xd: {  	v13 =	vor.u32 $0x6800, v0;
	v14 =	vor.u32 $0x7000, v0;
	v15 =	vor.u32 $0x7800, v0;
	s1 =	simm.s32 $0x2;
	s3 =	simm.s32 $0x0;
	[dreg:$0x5] =	wrdreg s0  }
.LBB2_1:
0xe: {  	[dreg:$0x7] =	wrdreg s3  }
0xf: {  	s0 =	rddreg [dreg:$0x4]  }
0x10: {  	[tilespmem:s5], [sflag:$0x2] =	stream.linear.gather [hbm4b:s0+s5], $0x100, $0x38;
	[tilespmem:$0x10100] =	vst v63  }
0x11: {  	_ =	swait.ge [sflag:s1], $0x100  }
0x12: {  	[sflag:s1] =	ssyncset.done $0x0  }
0x13: {  	s7 =	simm.s32 $0x0;
	[sflag:s1] =	ssyncadd.s32 $0xFFFFFF00  }
0x14: {  	v16 =	vld [tilespmem:s7+$0x0];
	_ =	sdelay $0x4  }
0x15: {  	(v2sf) =	vpush v16, $0x0  }
0x16: {  	(v2sf) =	vpush v16, $0x1  }
0x17: {  	(v2sf) =	vpush v16, $0x2;
	_ =	sdelay $0x1  }
0x18: {  	(v2sf) =	vpush v16, $0x3;
	_ =	sdelay $0x1  }
0x19: {  	(v2sf) =	vpush v16, $0x4;
	_ =	sdelay $0x1  }
0x1a: {  	(v2sf) =	vpush v16, $0x5;
	_ =	sdelay $0x1  }
0x1b: {  	(v2sf) =	vpush v16, $0x6;
	_ =	sdelay $0x1  }
0x1c: {  	(v2sf) =	vpush v16, $0x7;
	_ =	sdelay $0x2  }
0x1d: {  	s0 =	spop (v2sf)  }
0x1e: {  	s11 =	sand.u32 $0xFFFFF80, s0;
	s17 =	spop (v2sf)  }
0x1f: {  	s1 =	sadd.s32 s8, s11;
	s12 =	sand.u32 $0xFFFFF80, s17;
	s16 =	spop (v2sf)  }
0x20: {  	[tilespmem:s10], [sflag:$0x1] =	stream.strided.gather [hbm4b:s1+s9], $0x1000, s2, s9, $0x38;
	[tilespmem:$0x10100] =	vst v63  }
0x21: {  	(v2sf) =	vpush v16, $0x8;
	s13 =	sadd.s32 s8, s12;
	s14 =	sand.u32 $0xFFFFF80, s16;
	s15 =	spop (v2sf)  }
0x22: {  	(v2sf) =	vpush v16, $0x9;
	[tilespmem:s19], [sflag:$0x1] =	stream.strided.gather [hbm4b:s13+s9], $0x1000, s2, s9, $0x38;
	[tilespmem:$0x10100] =	vst v63  }
0x23: {  	(v2sf) =	vpush v16, $0xA;
	s21 =	sadd.s32 s8, s14;
	s26 =	sand.u32 $0xFFFFF80, s15;
	s14 =	spop (v2sf)  }
0x24: {  	[tilespmem:s20], [sflag:$0x1] =	stream.strided.gather [hbm4b:s21+s9], $0x1000, s2, s9, $0x38;
	[tilespmem:$0x10100] =	vst v63  }
0x25: {  	s28 =	sadd.s32 s8, s26;
	s29 =	sand.u32 $0xFFFFF80, s14;
	s13 =	spop (v2sf)  }
0x26: {  	(v2sf) =	vpush v16, $0xB;
	[tilespmem:s22], [sflag:$0x1] =	stream.strided.gather [hbm4b:s28+s9], $0x1000, s2, s9, $0x38;
	[tilespmem:$0x10100] =	vst v63  }
0x27: {  	s30 =	sadd.s32 s8, s29;
	s31 =	sand.u32 $0xFFFFF80, s13;
	s12 =	spop (v2sf)  }
0x28: {  	(v2sf) =	vpush v16, $0xC;
	[tilespmem:s23], [sflag:$0x1] =	stream.strided.gather [hbm4b:s30+s9], $0x1000, s2, s9, $0x38;
	[tilespmem:$0x10100] =	vst v63  }
0x29: {  	(v2sf) =	vpush v16, $0xD;
	s3 =	sadd.s32 s8, s31;
	s4 =	sand.u32 $0xFFFFF80, s12;
	s11 =	spop (v2sf)  }
0x2a: {  	(v2sf) =	vpush v16, $0xE;
	[tilespmem:s24], [sflag:$0x1] =	stream.strided.gather [hbm4b:s3+s9], $0x1000, s2, s9, $0x38;
	[tilespmem:$0x10100] =	vst v63  }
0x2b: {  	s5 =	sadd.s32 s8, s4;
	s6 =	sand.u32 $0xFFFFF80, s11  }
0x2c: {  	[tilespmem:s25], [sflag:$0x1] =	stream.strided.gather [hbm4b:s5+s9], $0x1000, s2, s9, $0x38;
	[tilespmem:$0x10100] =	vst v63  }
0x2d: {  	s26 =	simm.s32 $0xF100;
	s7 =	sadd.s32 s8, s6  }
0x2e: {  	(v2sf) =	vpush v16, $0xF;
	[tilespmem:s26], [sflag:$0x1] =	stream.strided.gather [hbm4b:s7+s9], $0x1000, s2, s9, $0x38;
	[tilespmem:$0x10100] =	vst v63  }
0x2f: {  	_ =	swait.ge [sflag:s18], $0x1000  }
0x30: {  	s7 =	spop (v2sf)  }
0x31: {  	[sflag:s18] =	ssyncset.done $0x0;
	s6 =	spop (v2sf)  }
0x32: {  	[sflag:s18] =	ssyncadd.s32 $0xFFFFF000;
	s5 =	spop (v2sf)  }
0x33: {  	_ =	swait.ge [sflag:s18], $0x1000  }
0x34: {  	[sflag:s18] =	ssyncset.done $0x0  }
0x35: {  	s4 =	spop (v2sf);
	[sflag:s18] =	ssyncadd.s32 $0xFFFFF000  }
0x36: {  	_ =	swait.ge [sflag:s18], $0x1000  }
0x37: {  	s0 =	sand.u32 $0x7F, s0;
	s3 =	spop (v2sf)  }
0x38: {  	v16 =	vor.u32 s0, v0;
	[sflag:s18] =	ssyncset.done $0x0;
	s1 =	spop (v2sf)  }
0x39: {  	v17 =	vor.u32 s0, v1;
	[sflag:s18] =	ssyncadd.s32 $0xFFFFF000;
	s0 =	spop (v2sf)  }
0x3a: {  	_ =	swait.ge [sflag:s18], $0x1000  }
0x3b: {  	[sflag:s18] =	ssyncset.done $0x0  }
0x3c: {  	[sflag:s18] =	ssyncadd.s32 $0xFFFFF000  }
0x3d: {  	v16 =	vld.idx.msk [tilespmem:v16+s10+$0x0], $0xffff  }
0x3e: {  	s17 =	sand.u32 $0x7F, s17;
	v17 =	vld.idx.msk [tilespmem:v17+s10+$0x0], $0xffff  }
0x3f: {  	v18 =	vor.u32 s17, v3  }
0x40: {  	v19 =	vor.u32 s17, v2  }
0x41: {  	s21 =	simm.s32 $0x500  }
0x42: {  	[tilespmem:s21+$0xFFFFFC00] =	vst v16  }
0x43: {  	[tilespmem:s21+$0xFFFFFC10] =	vst v17  }
0x44: {  	v16 =	vld.idx.msk [tilespmem:v18+s10+$0x0], $0xffff  }
0x45: {  	s16 =	sand.u32 $0x7F, s16;
	v17 =	vld.idx.msk [tilespmem:v19+s10+$0x0], $0xffff  }
0x46: {  	v18 =	vor.u32 s16, v4  }
0x47: {  	v19 =	vor.u32 s16, v5;
	_ =	sdelay $0x1  }
0x48: {  	[tilespmem:s21+$0xFFFFFC90] =	vst v16  }
0x49: {  	[tilespmem:s21+$0xFFFFFC80] =	vst v17  }
0x4a: {  	v16 =	vld.idx.msk [tilespmem:v18+s10+$0x0], $0xffff  }
0x4b: {  	s15 =	sand.u32 $0x7F, s15;
	v17 =	vld.idx.msk [tilespmem:v19+s10+$0x0], $0xffff  }
0x4c: {  	v18 =	vor.u32 s15, v6  }
0x4d: {  	v19 =	vor.u32 s15, v7;
	_ =	sdelay $0x1  }
0x4e: {  	[tilespmem:s21+$0xFFFFFD00] =	vst v16  }
0x4f: {  	[tilespmem:s21+$0xFFFFFD10] =	vst v17  }
0x50: {  	v16 =	vld.idx.msk [tilespmem:v18+s10+$0x0], $0xffff  }
0x51: {  	v17 =	vld.idx.msk [tilespmem:v19+s10+$0x0], $0xffff;
	_ =	sdelay $0x3  }
0x52: {  	s16 =	sand.u32 $0xFFFFF80, s7;
	[tilespmem:s21+$0xFFFFFD80] =	vst v16  }
0x53: {  	s17 =	sand.u32 $0xFFFFF80, s6;
	s15 =	sadd.s32 s8, s16;
	[tilespmem:s21+$0xFFFFFD90] =	vst v17  }
0x54: {  	[tilespmem:s10], [sflag:$0x1] =	stream.strided.gather [hbm4b:s15+s9], $0x1000, s2, s9, $0x38;
	[tilespmem:$0x10100] =	vst v63  }
0x55: {  	s15 =	sadd.s32 s8, s17  }
0x56: {  	[tilespmem:s19], [sflag:$0x1] =	stream.strided.gather [hbm4b:s15+s9], $0x1000, s2, s9, $0x38;
	[tilespmem:$0x10100] =	vst v63  }
0x57: {  	s19 =	sand.u32 $0xFFFFF80, s5  }
0x58: {  	s15 =	sadd.s32 s8, s19  }
0x59: {  	[tilespmem:s20], [sflag:$0x1] =	stream.strided.gather [hbm4b:s15+s9], $0x1000, s2, s9, $0x38;
	[tilespmem:$0x10100] =	vst v63  }
0x5a: {  	s20 =	sand.u32 $0xFFFFF80, s4  }
0x5b: {  	s15 =	sadd.s32 s8, s20  }
0x5c: {  	[tilespmem:s22], [sflag:$0x1] =	stream.strided.gather [hbm4b:s15+s9], $0x1000, s2, s9, $0x38;
	[tilespmem:$0x10100] =	vst v63  }
0x5d: {  	s22 =	spop (v2sf)  }
0x5e: {  	_ =	swait.ge [sflag:s18], $0x1000  }
0x5f: {  	[sflag:s18] =	ssyncset.done $0x0  }
0x60: {  	[sflag:s18] =	ssyncadd.s32 $0xFFFFF000  }
0x61: {  	_ =	swait.ge [sflag:s18], $0x1000  }
0x62: {  	[sflag:s18] =	ssyncset.done $0x0  }
0x63: {  	[sflag:s18] =	ssyncadd.s32 $0xFFFFF000  }
0x64: {  	s14 =	sand.u32 $0x7F, s14;
	_ =	swait.ge [sflag:s18], $0x1000  }
0x65: {  	v16 =	vor.u32 s14, v8;
	[sflag:s18] =	ssyncset.done $0x0  }
0x66: {  	v17 =	vor.u32 s14, v9;
	[sflag:s18] =	ssyncadd.s32 $0xFFFFF000  }
0x67: {  	_ =	swait.ge [sflag:s18], $0x1000  }
0x68: {  	[sflag:s18] =	ssyncset.done $0x0  }
0x69: {  	[sflag:s18] =	ssyncadd.s32 $0xFFFFF000  }
0x6a: {  	v16 =	vld.idx.msk [tilespmem:v16+s10+$0x0], $0xffff  }
0x6b: {  	s13 =	sand.u32 $0x7F, s13;
	v17 =	vld.idx.msk [tilespmem:v17+s10+$0x0], $0xffff  }
0x6c: {  	v18 =	vor.u32 s13, v10  }
0x6d: {  	v19 =	vor.u32 s13, v11;
	_ =	sdelay $0x1  }
0x6e: {  	[tilespmem:s21+$0xFFFFFE00] =	vst v16  }
0x6f: {  	[tilespmem:s21+$0xFFFFFE10] =	vst v17  }
0x70: {  	v16 =	vld.idx.msk [tilespmem:v18+s10+$0x0], $0xffff  }
0x71: {  	s12 =	sand.u32 $0x7F, s12;
	v17 =	vld.idx.msk [tilespmem:v19+s10+$0x0], $0xffff  }
0x72: {  	v18 =	vor.u32 s12, v12  }
0x73: {  	v19 =	vor.u32 s12, v13;
	_ =	sdelay $0x1  }
0x74: {  	[tilespmem:s21+$0xFFFFFE80] =	vst v16  }
0x75: {  	[tilespmem:s21+$0xFFFFFE90] =	vst v17  }
0x76: {  	v16 =	vld.idx.msk [tilespmem:v18+s10+$0x0], $0xffff  }
0x77: {  	s11 =	sand.u32 $0x7F, s11;
	v17 =	vld.idx.msk [tilespmem:v19+s10+$0x0], $0xffff  }
0x78: {  	v18 =	vor.u32 s11, v14  }
0x79: {  	v19 =	vor.u32 s11, v15;
	_ =	sdelay $0x1  }
0x7a: {  	[tilespmem:s21+$0xFFFFFF00] =	vst v16  }
0x7b: {  	[tilespmem:s21+$0xFFFFFF10] =	vst v17  }
0x7c: {  	v16 =	vld.idx.msk [tilespmem:v18+s10+$0x0], $0xffff  }
0x7d: {  	v17 =	vld.idx.msk [tilespmem:v19+s10+$0x0], $0xffff;
	_ =	sdelay $0x3  }
0x7e: {  	s28 =	sand.u32 $0xFFFFF80, s3;
	[tilespmem:s21+$0xFFFFFF80] =	vst v16  }
0x7f: {  	s29 =	sand.u32 $0xFFFFF80, s1;
	s11 =	sadd.s32 s8, s28;
	[tilespmem:s21+$0xFFFFFF90] =	vst v17  }
0x80: {  	[tilespmem:s23], [sflag:$0x1] =	stream.strided.gather [hbm4b:s11+s9], $0x1000, s2, s9, $0x38;
	[tilespmem:$0x10100] =	vst v63  }
0x81: {  	s30 =	sand.u32 $0xFFFFF80, s0;
	s11 =	sadd.s32 s8, s29  }
0x82: {  	[tilespmem:s24], [sflag:$0x1] =	stream.strided.gather [hbm4b:s11+s9], $0x1000, s2, s9, $0x38;
	[tilespmem:$0x10100] =	vst v63  }
0x83: {  	s31 =	sand.u32 $0xFFFFF80, s22;
	s11 =	sadd.s32 s8, s30  }
0x84: {  	[tilespmem:s25], [sflag:$0x1] =	stream.strided.gather [hbm4b:s11+s9], $0x1000, s2, s9, $0x38;
	[tilespmem:$0x10100] =	vst v63  }
0x85: {  	s11 =	sadd.s32 s8, s31  }
0x86: {  	[tilespmem:s26], [sflag:$0x1] =	stream.strided.gather [hbm4b:s11+s9], $0x1000, s2, s9, $0x38;
	[tilespmem:$0x10100] =	vst v63  }
0x87: {  	_ =	swait.ge [sflag:s18], $0x1000  }
0x88: {  	[sflag:s18] =	ssyncset.done $0x0  }
0x89: {  	[sflag:s18] =	ssyncadd.s32 $0xFFFFF000  }
0x8a: {  	_ =	swait.ge [sflag:s18], $0x1000  }
0x8b: {  	[sflag:s18] =	ssyncset.done $0x0  }
0x8c: {  	[sflag:s18] =	ssyncadd.s32 $0xFFFFF000  }
0x8d: {  	s7 =	sand.u32 $0x7F, s7;
	_ =	swait.ge [sflag:s18], $0x1000  }
0x8e: {  	v16 =	vor.u32 s7, v0;
	[sflag:s18] =	ssyncset.done $0x0  }
0x8f: {  	v17 =	vor.u32 s7, v1;
	[sflag:s18] =	ssyncadd.s32 $0xFFFFF000  }
0x90: {  	_ =	swait.ge [sflag:s18], $0x1000  }
0x91: {  	[sflag:s18] =	ssyncset.done $0x0  }
0x92: {  	[sflag:s18] =	ssyncadd.s32 $0xFFFFF000  }
0x93: {  	v16 =	vld.idx.msk [tilespmem:v16+s10+$0x0], $0xffff  }
0x94: {  	s6 =	sand.u32 $0x7F, s6;
	v17 =	vld.idx.msk [tilespmem:v17+s10+$0x0], $0xffff  }
0x95: {  	v18 =	vor.u32 s6, v2  }
0x96: {  	v19 =	vor.u32 s6, v3;
	_ =	sdelay $0x1  }
0x97: {  	[tilespmem:s21+$0x0] =	vst v16  }
0x98: {  	[tilespmem:s21+$0x10] =	vst v17  }
0x99: {  	v16 =	vld.idx.msk [tilespmem:v18+s10+$0x0], $0xffff  }
0x9a: {  	s5 =	sand.u32 $0x7F, s5;
	v17 =	vld.idx.msk [tilespmem:v19+s10+$0x0], $0xffff  }
0x9b: {  	v18 =	vor.u32 s5, v4  }
0x9c: {  	v19 =	vor.u32 s5, v5;
	_ =	sdelay $0x1  }
0x9d: {  	[tilespmem:s21+$0x80] =	vst v16  }
0x9e: {  	[tilespmem:s21+$0x90] =	vst v17  }
0x9f: {  	v16 =	vld.idx.msk [tilespmem:v18+s10+$0x0], $0xffff  }
0xa0: {  	s4 =	sand.u32 $0x7F, s4;
	v17 =	vld.idx.msk [tilespmem:v19+s10+$0x0], $0xffff  }
0xa1: {  	v18 =	vor.u32 s4, v6  }
0xa2: {  	v19 =	vor.u32 s4, v7;
	_ =	sdelay $0x1  }
0xa3: {  	[tilespmem:s21+$0x100] =	vst v16  }
0xa4: {  	[tilespmem:s21+$0x110] =	vst v17  }
0xa5: {  	v16 =	vld.idx.msk [tilespmem:v18+s10+$0x0], $0xffff  }
0xa6: {  	v17 =	vld.idx.msk [tilespmem:v19+s10+$0x0], $0xffff;
	_ =	sdelay $0x3  }
0xa7: {  	[tilespmem:s21+$0x180] =	vst v16  }
0xa8: {  	[tilespmem:s21+$0x190] =	vst v17  }
0xa9: {  	_ =	swait.ge [sflag:s18], $0x1000  }
0xaa: {  	[sflag:s18] =	ssyncset.done $0x0  }
0xab: {  	[sflag:s18] =	ssyncadd.s32 $0xFFFFF000  }
0xac: {  	_ =	swait.ge [sflag:s18], $0x1000  }
0xad: {  	[sflag:s18] =	ssyncset.done $0x0  }
0xae: {  	[sflag:s18] =	ssyncadd.s32 $0xFFFFF000  }
0xaf: {  	s3 =	sand.u32 $0x7F, s3;
	_ =	swait.ge [sflag:s18], $0x1000  }
0xb0: {  	v16 =	vor.u32 s3, v8;
	[sflag:s18] =	ssyncset.done $0x0  }
0xb1: {  	v17 =	vor.u32 s3, v9;
	[sflag:s18] =	ssyncadd.s32 $0xFFFFF000  }
0xb2: {  	_ =	swait.ge [sflag:s18], $0x1000  }
0xb3: {  	[sflag:s18] =	ssyncset.done $0x0  }
0xb4: {  	[sflag:s18] =	ssyncadd.s32 $0xFFFFF000  }
0xb5: {  	v16 =	vld.idx.msk [tilespmem:v16+s10+$0x0], $0xffff  }
0xb6: {  	s1 =	sand.u32 $0x7F, s1;
	v17 =	vld.idx.msk [tilespmem:v17+s10+$0x0], $0xffff  }
0xb7: {  	v18 =	vor.u32 s1, v10;
	_ =	sdelay $0x2  }
0xb8: {  	[tilespmem:s21+$0x200] =	vst v16  }
0xb9: {  	s23 =	simm.s32 $0x40;
	s24 =	sand.u32 $0x7F, s22;
	[tilespmem:s21+$0x210] =	vst v17  }
0xba: {  	s22 =	simm.s32 $0x500;
	s25 =	sand.u32 $0x7F, s0;
	s11 =	simm.s32 $0xF100;
	v17 =	vor.u32 s1, v11;
	v16 =	vld.idx.msk [tilespmem:v18+s10+$0x0], $0xffff  }
.LBB2_2:
0xbb: {  	_ =	sdelay $0x3  }
0xbc: {  	v17 =	vld.idx.msk [tilespmem:v17+s10+$0x0], $0xffff  }
0xbd: {  	v18 =	vor.u32 s25, v12  }
0xbe: {  	v19 =	vor.u32 s25, v13;
	_ =	sdelay $0x1  }
0xbf: {  	[tilespmem:s22+$0x280] =	vst v16  }
0xc0: {  	[tilespmem:s22+$0x290] =	vst v17  }
0xc1: {  	v16 =	vld.idx.msk [tilespmem:v18+s10+$0x0], $0xffff  }
0xc2: {  	v17 =	vld.idx.msk [tilespmem:v19+s10+$0x0], $0xffff  }
0xc3: {  	v18 =	vor.u32 s24, v14  }
0xc4: {  	v19 =	vor.u32 s24, v15;
	_ =	sdelay $0x1  }
0xc5: {  	[tilespmem:s22+$0x300] =	vst v16  }
0xc6: {  	[tilespmem:s22+$0x310] =	vst v17  }
0xc7: {  	v16 =	vld.idx.msk [tilespmem:v18+s10+$0x0], $0xffff  }
0xc8: {  	v17 =	vld.idx.msk [tilespmem:v19+s10+$0x0], $0xffff;
	_ =	sdelay $0x3  }
0xc9: {  	s0 =	smov.u32 s23;
	[tilespmem:s22+$0x380] =	vst v16  }
0xca: {  	s0 =	sshra.s32 s0, $0x2;
	[tilespmem:s22+$0x390] =	vst v17  }
0xcb: {  	v16 =	vld [tilespmem:s0+$0x0];
	_ =	sdelay $0x4  }
0xcc: {  	(v2sf) =	vpush v16, $0x0  }
0xcd: {  	(v2sf) =	vpush v16, $0x1  }
0xce: {  	(v2sf) =	vpush v16, $0x2;
	_ =	sdelay $0x1  }
0xcf: {  	(v2sf) =	vpush v16, $0x3  }
0xd0: {  	(v2sf) =	vpush v16, $0x4;
	_ =	sdelay $0x1  }
0xd1: {  	(v2sf) =	vpush v16, $0x5;
	_ =	sdelay $0x3  }
0xd2: {  	(v2sf) =	vpush v16, $0x6;
	_ =	sdelay $0x1  }
0xd3: {  	(v2sf) =	vpush v16, $0x7;
	_ =	sdelay $0x1  }
0xd4: {  	s7 =	simm.s32 $0x9100;
	s12 =	simm.s32 $0xA100;
	s29 =	spop (v2sf)  }
0xd5: {  	s17 =	simm.s32 $0xB100;
	s1 =	sand.u32 $0xFFFFF80, s29;
	s3 =	spop (v2sf)  }
0xd6: {  	s28 =	simm.s32 $0xC100;
	s1 =	sadd.s32 s8, s1;
	s5 =	spop (v2sf)  }
0xd7: {  	[tilespmem:s10], [sflag:$0x1] =	stream.strided.gather [hbm4b:s1+s9], $0x1000, s2, s9, $0x38;
	[tilespmem:$0x10100] =	vst v63  }
0xd8: {  	s0 =	sand.u32 $0x7F, s29;
	s4 =	sand.u32 $0xFFFFF80, s3;
	s6 =	spop (v2sf)  }
0xd9: {  	(v2sf) =	vpush v16, $0x8;
	s30 =	sadd.s32 s8, s4;
	s31 =	sand.u32 $0xFFFFF80, s5;
	s14 =	spop (v2sf)  }
0xda: {  	(v2sf) =	vpush v16, $0x9;
	[tilespmem:s7], [sflag:$0x1] =	stream.strided.gather [hbm4b:s30+s9], $0x1000, s2, s9, $0x38;
	[tilespmem:$0x10100] =	vst v63  }
0xdb: {  	(v2sf) =	vpush v16, $0xA;
	s13 =	sand.u32 $0xFFFFF80, s6;
	s7 =	sadd.s32 s8, s31;
	s19 =	spop (v2sf)  }
0xdc: {  	[tilespmem:s12], [sflag:$0x1] =	stream.strided.gather [hbm4b:s7+s9], $0x1000, s2, s9, $0x38;
	[tilespmem:$0x10100] =	vst v63  }
0xdd: {  	s15 =	sadd.s32 s8, s13;
	s16 =	sand.u32 $0xFFFFF80, s14;
	s24 =	sand.u32 $0xFFFFF80, s19  }
0xde: {  	(v2sf) =	vpush v16, $0xB;
	[tilespmem:s17], [sflag:$0x1] =	stream.strided.gather [hbm4b:s15+s9], $0x1000, s2, s9, $0x38;
	[tilespmem:$0x10100] =	vst v63  }
0xdf: {  	s20 =	sadd.s32 s8, s16;
	s25 =	spop (v2sf);
	s29 =	sadd.s32 s8, s24  }
0xe0: {  	(v2sf) =	vpush v16, $0xC;
	[tilespmem:s28], [sflag:$0x1] =	stream.strided.gather [hbm4b:s20+s9], $0x1000, s2, s9, $0x38;
	[tilespmem:$0x10100] =	vst v63  }
0xe1: {  	(v2sf) =	vpush v16, $0xD;
	s30 =	sand.u32 $0xFFFFF80, s25;
	s31 =	spop (v2sf);
	s15 =	simm.s32 $0xD100  }
0xe2: {  	(v2sf) =	vpush v16, $0xE;
	[tilespmem:s15], [sflag:$0x1] =	stream.strided.gather [hbm4b:s29+s9], $0x1000, s2, s9, $0x38;
	[tilespmem:$0x10100] =	vst v63  }
0xe3: {  	s26 =	simm.s32 $0xE100;
	s16 =	sadd.s32 s8, s30;
	s20 =	sand.u32 $0xFFFFF80, s31  }
0xe4: {  	[tilespmem:s26], [sflag:$0x1] =	stream.strided.gather [hbm4b:s16+s9], $0x1000, s2, s9, $0x38;
	[tilespmem:$0x10100] =	vst v63  }
0xe5: {  	s28 =	sadd.s32 s8, s20  }
0xe6: {  	(v2sf) =	vpush v16, $0xF;
	[tilespmem:s11], [sflag:$0x1] =	stream.strided.gather [hbm4b:s28+s9], $0x1000, s2, s9, $0x38;
	[tilespmem:$0x10100] =	vst v63  }
0xe7: {  	_ =	swait.ge [sflag:s18], $0x1000  }
0xe8: {  	s29 =	spop (v2sf)  }
0xe9: {  	[sflag:s18] =	ssyncset.done $0x0;
	s30 =	spop (v2sf)  }
0xea: {  	[sflag:s18] =	ssyncadd.s32 $0xFFFFF000;
	s26 =	spop (v2sf)  }
0xeb: {  	_ =	swait.ge [sflag:s18], $0x1000  }
0xec: {  	[sflag:s18] =	ssyncset.done $0x0  }
0xed: {  	s28 =	spop (v2sf);
	[sflag:s18] =	ssyncadd.s32 $0xFFFFF000  }
0xee: {  	_ =	swait.ge [sflag:s18], $0x1000  }
0xef: {  	s15 =	sand.u32 $0x7F, s6;
	s24 =	spop (v2sf)  }
0xf0: {  	v16 =	vor.u32 s0, v0;
	s6 =	sand.u32 $0x7F, s25;
	[sflag:s18] =	ssyncset.done $0x0;
	s25 =	spop (v2sf)  }
0xf1: {  	v17 =	vor.u32 s0, v1;
	[sflag:s18] =	ssyncadd.s32 $0xFFFFF000;
	s2 =	spop (v2sf)  }
0xf2: {  	_ =	swait.ge [sflag:s18], $0x1000  }
0xf3: {  	[sflag:s18] =	ssyncset.done $0x0  }
0xf4: {  	[sflag:s18] =	ssyncadd.s32 $0xFFFFF000  }
0xf5: {  	v16 =	vld.idx.msk [tilespmem:v16+s10+$0x0], $0xffff  }
0xf6: {  	s17 =	sand.u32 $0x7F, s3;
	v17 =	vld.idx.msk [tilespmem:v17+s10+$0x0], $0xffff  }
0xf7: {  	v18 =	vor.u32 s17, v3  }
0xf8: {  	v19 =	vor.u32 s17, v2  }
0xf9: {  	s21 =	sadd.s32 $0x800, s21  }
0xfa: {  	[tilespmem:s21+$0xFFFFFC00] =	vst v16  }
0xfb: {  	[tilespmem:s21+$0xFFFFFC10] =	vst v17  }
0xfc: {  	v16 =	vld.idx.msk [tilespmem:v18+s10+$0x0], $0xffff  }
0xfd: {  	s16 =	sand.u32 $0x7F, s5;
	v17 =	vld.idx.msk [tilespmem:v19+s10+$0x0], $0xffff  }
0xfe: {  	v18 =	vor.u32 s16, v4  }
0xff: {  	v19 =	vor.u32 s16, v5;
	_ =	sdelay $0x1  }
0x100: {  	[tilespmem:s21+$0xFFFFFC90] =	vst v16  }
0x101: {  	[tilespmem:s21+$0xFFFFFC80] =	vst v17  }
0x102: {  	v16 =	vld.idx.msk [tilespmem:v18+s10+$0x0], $0xffff  }
0x103: {  	v17 =	vld.idx.msk [tilespmem:v19+s10+$0x0], $0xffff  }
0x104: {  	v18 =	vor.u32 s15, v6  }
0x105: {  	v19 =	vor.u32 s15, v7;
	_ =	sdelay $0x1  }
0x106: {  	[tilespmem:s21+$0xFFFFFD00] =	vst v16  }
0x107: {  	[tilespmem:s21+$0xFFFFFD10] =	vst v17  }
0x108: {  	s0 =	simm.s32 $0x7A1400;
	v16 =	vld.idx.msk [tilespmem:v18+s10+$0x0], $0xffff  }
0x109: {  	s7 =	sand.u32 $0x7F, s14;
	s5 =	sand.u32 $0x7F, s31;
	s11 =	sand.u32 $0xFFFFF80, s29;
	v17 =	vld.idx.msk [tilespmem:v19+s10+$0x0], $0xffff  }
0x10a: {  	s31 =	sand.u32 $0x7F, s29;
	s14 =	sand.u32 $0xFFFFF80, s28;
	s29 =	sand.u32 $0x7F, s28  }
0x10b: {  	s1 =	sand.u32 $0xFFFFF80, s24;
	s28 =	sand.u32 $0x7F, s24;
	s9 =	sand.u32 $0xFFFFF80, s2  }
0x10c: {  	[dreg:$0x3] =	wrdreg s9;
	s9 =	smov.u32 s8;
	s8 =	spop (v2sf)  }
0x10d: {  	s4 =	sand.u32 $0xFFFFF80, s8;
	s24 =	sand.u32 $0x7F, s8;
	s8 =	smov.u32 s9;
	[tilespmem:s21+$0xFFFFFD80] =	vst v16  }
0x10e: {  	s12 =	sand.u32 $0xFFFFF80, s30;
	s9 =	simm.s32 $0x400;
	s15 =	sadd.s32 s8, s11;
	[tilespmem:s21+$0xFFFFFD90] =	vst v17  }
0x10f: {  	[tilespmem:s10], [sflag:$0x1] =	stream.strided.gather [hbm4b:s15+s9], $0x1000, s0, s9, $0x38;
	[tilespmem:$0x10100] =	vst v63  }
0x110: {  	s17 =	simm.s32 $0x9100;
	s13 =	sand.u32 $0xFFFFF80, s26;
	s16 =	sadd.s32 s8, s12  }
0x111: {  	[tilespmem:s17], [sflag:$0x1] =	stream.strided.gather [hbm4b:s16+s9], $0x1000, s0, s9, $0x38;
	[tilespmem:$0x10100] =	vst v63  }
0x112: {  	s13 =	sadd.s32 s8, s13;
	s15 =	simm.s32 $0xA100  }
0x113: {  	[tilespmem:s15], [sflag:$0x1] =	stream.strided.gather [hbm4b:s13+s9], $0x1000, s0, s9, $0x38;
	[tilespmem:$0x10100] =	vst v63  }
0x114: {  	s16 =	sadd.s32 s8, s14;
	s17 =	simm.s32 $0xB100  }
0x115: {  	[tilespmem:s17], [sflag:$0x1] =	stream.strided.gather [hbm4b:s16+s9], $0x1000, s0, s9, $0x38;
	[tilespmem:$0x10100] =	vst v63  }
0x116: {  	_ =	swait.ge [sflag:s18], $0x1000  }
0x117: {  	[sflag:s18] =	ssyncset.done $0x0  }
0x118: {  	[sflag:s18] =	ssyncadd.s32 $0xFFFFF000  }
0x119: {  	_ =	swait.ge [sflag:s18], $0x1000  }
0x11a: {  	[sflag:s18] =	ssyncset.done $0x0  }
0x11b: {  	[sflag:s18] =	ssyncadd.s32 $0xFFFFF000  }
0x11c: {  	_ =	swait.ge [sflag:s18], $0x1000  }
0x11d: {  	v16 =	vor.u32 s7, v8;
	[sflag:s18] =	ssyncset.done $0x0  }
0x11e: {  	v17 =	vor.u32 s7, v9;
	[sflag:s18] =	ssyncadd.s32 $0xFFFFF000  }
0x11f: {  	_ =	swait.ge [sflag:s18], $0x1000  }
0x120: {  	[sflag:s18] =	ssyncset.done $0x0  }
0x121: {  	[sflag:s18] =	ssyncadd.s32 $0xFFFFF000  }
0x122: {  	v16 =	vld.idx.msk [tilespmem:v16+s10+$0x0], $0xffff  }
0x123: {  	s20 =	sand.u32 $0x7F, s19;
	v17 =	vld.idx.msk [tilespmem:v17+s10+$0x0], $0xffff  }
0x124: {  	v18 =	vor.u32 s20, v10  }
0x125: {  	v19 =	vor.u32 s20, v11;
	_ =	sdelay $0x1  }
0x126: {  	[tilespmem:s21+$0xFFFFFE00] =	vst v16  }
0x127: {  	[tilespmem:s21+$0xFFFFFE10] =	vst v17  }
0x128: {  	v16 =	vld.idx.msk [tilespmem:v18+s10+$0x0], $0xffff  }
0x129: {  	v17 =	vld.idx.msk [tilespmem:v19+s10+$0x0], $0xffff  }
0x12a: {  	v18 =	vor.u32 s6, v12  }
0x12b: {  	v19 =	vor.u32 s6, v13;
	_ =	sdelay $0x1  }
0x12c: {  	[tilespmem:s21+$0xFFFFFE80] =	vst v16  }
0x12d: {  	[tilespmem:s21+$0xFFFFFE90] =	vst v17  }
0x12e: {  	v16 =	vld.idx.msk [tilespmem:v18+s10+$0x0], $0xffff  }
0x12f: {  	v17 =	vld.idx.msk [tilespmem:v19+s10+$0x0], $0xffff  }
0x130: {  	v18 =	vor.u32 s5, v14  }
0x131: {  	v19 =	vor.u32 s5, v15;
	_ =	sdelay $0x1  }
0x132: {  	[tilespmem:s21+$0xFFFFFF00] =	vst v16  }
0x133: {  	[tilespmem:s21+$0xFFFFFF10] =	vst v17  }
0x134: {  	v16 =	vld.idx.msk [tilespmem:v18+s10+$0x0], $0xffff  }
0x135: {  	v17 =	vld.idx.msk [tilespmem:v19+s10+$0x0], $0xffff;
	_ =	sdelay $0x2  }
0x136: {  	s3 =	sand.u32 $0x7F, s30;
	s30 =	sand.u32 $0x7F, s26  }
0x137: {  	s19 =	sand.u32 $0xFFFFF80, s25;
	s26 =	sand.u32 $0x7F, s25;
	s25 =	sand.u32 $0x7F, s2;
	[tilespmem:s21+$0xFFFFFF80] =	vst v16  }
0x138: {  	s2 =	simm.s32 $0x7A1400;
	s1 =	sadd.s32 s8, s1;
	s13 =	simm.s32 $0xC100;
	[tilespmem:s21+$0xFFFFFF90] =	vst v17  }
0x139: {  	[tilespmem:s13], [sflag:$0x1] =	stream.strided.gather [hbm4b:s1+s9], $0x1000, s2, s9, $0x38;
	[tilespmem:$0x10100] =	vst v63  }
0x13a: {  	s14 =	sadd.s32 s8, s19;
	s15 =	simm.s32 $0xD100;
	s16 =	rddreg [dreg:$0x3]  }
0x13b: {  	[tilespmem:s15], [sflag:$0x1] =	stream.strided.gather [hbm4b:s14+s9], $0x1000, s2, s9, $0x38;
	[tilespmem:$0x10100] =	vst v63  }
0x13c: {  	s19 =	simm.s32 $0xE100;
	s17 =	sadd.s32 s8, s16  }
0x13d: {  	[tilespmem:s19], [sflag:$0x1] =	stream.strided.gather [hbm4b:s17+s9], $0x1000, s2, s9, $0x38;
	[tilespmem:$0x10100] =	vst v63  }
0x13e: {  	s11 =	simm.s32 $0xF100;
	s20 =	sadd.s32 s8, s4  }
0x13f: {  	[tilespmem:s11], [sflag:$0x1] =	stream.strided.gather [hbm4b:s20+s9], $0x1000, s2, s9, $0x38;
	[tilespmem:$0x10100] =	vst v63  }
0x140: {  	_ =	swait.ge [sflag:s18], $0x1000  }
0x141: {  	[sflag:s18] =	ssyncset.done $0x0  }
0x142: {  	[sflag:s18] =	ssyncadd.s32 $0xFFFFF000  }
0x143: {  	_ =	swait.ge [sflag:s18], $0x1000  }
0x144: {  	[sflag:s18] =	ssyncset.done $0x0  }
0x145: {  	[sflag:s18] =	ssyncadd.s32 $0xFFFFF000  }
0x146: {  	_ =	swait.ge [sflag:s18], $0x1000  }
0x147: {  	v16 =	vor.u32 s31, v0;
	[sflag:s18] =	ssyncset.done $0x0  }
0x148: {  	v17 =	vor.u32 s31, v1;
	[sflag:s18] =	ssyncadd.s32 $0xFFFFF000  }
0x149: {  	_ =	swait.ge [sflag:s18], $0x1000  }
0x14a: {  	[sflag:s18] =	ssyncset.done $0x0  }
0x14b: {  	[sflag:s18] =	ssyncadd.s32 $0xFFFFF000  }
0x14c: {  	v16 =	vld.idx.msk [tilespmem:v16+s10+$0x0], $0xffff  }
0x14d: {  	v17 =	vld.idx.msk [tilespmem:v17+s10+$0x0], $0xffff  }
0x14e: {  	v18 =	vor.u32 s3, v2  }
0x14f: {  	v19 =	vor.u32 s3, v3;
	_ =	sdelay $0x1  }
0x150: {  	[tilespmem:s21+$0x0] =	vst v16  }
0x151: {  	[tilespmem:s21+$0x10] =	vst v17  }
0x152: {  	v16 =	vld.idx.msk [tilespmem:v18+s10+$0x0], $0xffff  }
0x153: {  	v17 =	vld.idx.msk [tilespmem:v19+s10+$0x0], $0xffff  }
0x154: {  	v18 =	vor.u32 s30, v4  }
0x155: {  	v19 =	vor.u32 s30, v5;
	_ =	sdelay $0x1  }
0x156: {  	[tilespmem:s21+$0x80] =	vst v16  }
0x157: {  	[tilespmem:s21+$0x90] =	vst v17  }
0x158: {  	v16 =	vld.idx.msk [tilespmem:v18+s10+$0x0], $0xffff  }
0x159: {  	v17 =	vld.idx.msk [tilespmem:v19+s10+$0x0], $0xffff  }
0x15a: {  	v18 =	vor.u32 s29, v6  }
0x15b: {  	v19 =	vor.u32 s29, v7;
	_ =	sdelay $0x1  }
0x15c: {  	[tilespmem:s21+$0x100] =	vst v16  }
0x15d: {  	[tilespmem:s21+$0x110] =	vst v17  }
0x15e: {  	v16 =	vld.idx.msk [tilespmem:v18+s10+$0x0], $0xffff  }
0x15f: {  	v17 =	vld.idx.msk [tilespmem:v19+s10+$0x0], $0xffff;
	_ =	sdelay $0x3  }
0x160: {  	[tilespmem:s21+$0x180] =	vst v16  }
0x161: {  	[tilespmem:s21+$0x190] =	vst v17  }
0x162: {  	_ =	swait.ge [sflag:s18], $0x1000  }
0x163: {  	[sflag:s18] =	ssyncset.done $0x0  }
0x164: {  	[sflag:s18] =	ssyncadd.s32 $0xFFFFF000  }
0x165: {  	_ =	swait.ge [sflag:s18], $0x1000  }
0x166: {  	[sflag:s18] =	ssyncset.done $0x0  }
0x167: {  	[sflag:s18] =	ssyncadd.s32 $0xFFFFF000  }
0x168: {  	_ =	swait.ge [sflag:s18], $0x1000  }
0x169: {  	v16 =	vor.u32 s28, v8;
	[sflag:s18] =	ssyncset.done $0x0  }
0x16a: {  	v17 =	vor.u32 s28, v9;
	[sflag:s18] =	ssyncadd.s32 $0xFFFFF000  }
0x16b: {  	_ =	swait.ge [sflag:s18], $0x1000  }
0x16c: {  	[sflag:s18] =	ssyncset.done $0x0  }
0x16d: {  	[sflag:s18] =	ssyncadd.s32 $0xFFFFF000  }
0x16e: {  	v16 =	vld.idx.msk [tilespmem:v16+s10+$0x0], $0xffff  }
0x16f: {  	v18 =	vld.idx.msk [tilespmem:v17+s10+$0x0], $0xffff  }
0x170: {  	p0 =	sne.s32 s23, $0x3C0;
	v19 =	vor.u32 s26, v10  }
.Ltmp0:
0x171: {  	_ = 	snop;
	(pc) =	sbr.rel @p0 .LBB2_2-.Ltmp0, $4  }
0x172: {  	_ = 	snop  }
0x173: {  	[tilespmem:s21+$0x200] =	vst v16  }
0x174: {  	[tilespmem:s21+$0x210] =	vst v18  }
0x175: {  	s23 =	sadd.s32 $0x40, s23;
	s22 =	smov.u32 s21;
	v17 =	vor.u32 s26, v11;
	v16 =	vld.idx.msk [tilespmem:v19+s10+$0x0], $0xffff  }
0x176: {  	_ =	sdelay $0x3  }
0x177: {  	v17 =	vld.idx.msk [tilespmem:v17+s10+$0x0], $0xffff  }
0x178: {  	v18 =	vor.u32 s25, v12  }
0x179: {  	v19 =	vor.u32 s25, v13;
	_ =	sdelay $0x1  }
0x17a: {  	[tilespmem:s22+$0x280] =	vst v16  }
0x17b: {  	[tilespmem:s22+$0x290] =	vst v17  }
0x17c: {  	v16 =	vld.idx.msk [tilespmem:v18+s10+$0x0], $0xffff  }
0x17d: {  	v17 =	vld.idx.msk [tilespmem:v19+s10+$0x0], $0xffff  }
0x17e: {  	v62 =	vor.u32 s24, v14  }
0x17f: {  	v63 =	vor.u32 s24, v15;
	_ =	sdelay $0x1  }
0x180: {  	[tilespmem:s22+$0x300] =	vst v16  }
0x181: {  	[tilespmem:s22+$0x310] =	vst v17  }
0x182: {  	v16 =	vld.idx.msk [tilespmem:v62+s10+$0x0], $0xffff  }
0x183: {  	v17 =	vld.idx.msk [tilespmem:v63+s10+$0x0], $0xffff;
	_ =	sdelay $0x3  }
0x184: {  	[tilespmem:s22+$0x380] =	vst v16  }
0x185: {  	s5 =	simm.s32 $0x0;
	s0 =	rddreg [dreg:$0x5];
	s1 =	simm.s32 $0x100;
	[tilespmem:s22+$0x390] =	vst v17  }
0x186: {  	[hbm4b:s0+s5] =	stream.linear.scatter [tilespmem:s1], [sflag:$0x2], $0x8000, $0x38;
	[tilespmem:$0x10100] =	vst v63  }
0x187: {  	s1 =	simm.s32 $0x2  }
0x188: {  	_ =	swait.ge [sflag:s1], $0x8000  }
0x189: {  	s3 =	rddreg [dreg:$0x7]  }
0x18a: {  	s31 =	rddreg [dreg:$0x6];
	s3 =	sadd.s32 $0x1, s3  }
0x18b: {  	p0 =	sne.s32 s3, s31  }
.Ltmp1:
0x18c: {  	_ = 	snop;
	(pc) =	sbr.rel @p0 .LBB2_1-.Ltmp1, $4  }
0x18d: {  	_ = 	snop  }
0x18e: {  	s19 =	simm.s32 $0x9100;
	s20 =	simm.s32 $0xA100  }
0x18f: {  	s23 =	simm.s32 $0xC100;
	s24 =	simm.s32 $0xD100;
	[sflag:s1] =	ssyncset.done $0x0  }
0x190: {  	s25 =	simm.s32 $0xE100;
	s22 =	simm.s32 $0xB100;
	[sflag:s1] =	ssyncadd.s32 $0xFFFF8000  }
0x191: {  	_ =	sfence.sel $0x180000  }
0x192: {  	[bflag:$0x0] =	sbarrier.arrive $0xFFFF  }
0x193: {  	_ =	strace $0x9000004A  }
0x194: {  	s0 =	stileid.u32;
	[bflag:$0x2] =	sbarrier.arrive $0xFFFF  }
0x195: {  	p0 =	sne.s32 s0, $0x0;
	s0 =	rddreg [dreg:$0x2]  }
0x196: {  	s0 =	sadd.s32 @!p0 $0x100000, s0  }
0x197: {  	[sflag:s0] =	ssyncadd.tile.s32 @!p0 $0x1;
	_ =	shalt  }
.Lfunc_end2:
_tile_overlayer_lowered:
.L_overlay_start_2:
0x198: {  	(tag) =	ssettag $0x2  }
0x199: {  	s0 =	rddreg [dreg:$0x0];
	s2 =	stileid.u32  }
0x19a: {  	s1 =	rddreg [dreg:$0x1];
	p0 =	sne.s32 s2, $0x0  }
0x19b: {  	s3 =	rddreg [dreg:$0x2];
	[bflag:$0x3] =	sbarrier.arrive $0xFFFF;
	s2 =	simm.s32 @!p0 $0x1C02  }
0x19c: {  	[timem:s3], [sflag:s2] =	dma.local @!p0 [hbm:s0], s1  }
0x19d: {  	s0 =	simm.s32 @!p0 $0x2  }
0x19e: {  	_ =	swait.ge @!p0 [sflag:s0], s1  }
0x19f: {  	s1 =	ssub.s32 @!p0 $0x0, s1;
	[sflag:s0] =	ssyncset.done @!p0 $0x0  }
0x1a0: {  	[sflag:s0] =	ssyncadd.s32 @!p0 s1  }
0x1a1: {  	[bflag:$0x3] =	sbarrier.arrive $0xFFFF  }
0x1a2: {  	_ =	shalt  }

</sc_bundles>
